<compile_context>
chip_gen: v7x
topology: tpu7x:2x2x1
jax: 0.10.2.dev20260603
libtpu: 0.0.44.dev20260713+nightly
codegen_flags: <defaults>
</compile_context>

<pallas_src>
import functools

import jax
import jax.numpy as jnp
from jax import lax
from jax.experimental import pallas as pl
from jax.experimental.pallas import tpu as pltpu
from jax.experimental.pallas import tpu_sc as plsc

B = 16384
K = 32
KH = K // 2
N_ROWS = 1000000
NC = 2
NS = 16
NW = NC * NS
BPW = B // NW
C = 16
NCH = BPW // C
L = 16


_mesh = plsc.VectorSubcoreMesh(core_axis_name="c", subcore_axis_name="s")


@functools.partial(
    pl.kernel,
    mesh=_mesh,
    compiler_params=pltpu.CompilerParams(needs_layout_passes=False),
    out_type=jax.ShapeDtypeStruct((B,), jnp.float32),
    scratch_types=[
        pltpu.VMEM((BPW,), jnp.int32),
        pltpu.VMEM((BPW,), jnp.int32),
        pltpu.VMEM((C, KH, 128), jnp.float32),
        pltpu.VMEM((C, KH, 128), jnp.float32),
        pltpu.VMEM((BPW,), jnp.float32),
        pltpu.SemaphoreType.DMA,
    ],
)
def _pmf_sc(user_hbm, item_hbm, wu_t_hbm, wi_t_hbm, out_hbm,
            uvec, ivec, ublk, iblk, oacc, sem):
    wid = lax.axis_index("s") * NC + lax.axis_index("c")
    base = wid * BPW

    pltpu.sync_copy(user_hbm.at[pl.ds(base, BPW)], uvec)
    pltpu.sync_copy(item_hbm.at[pl.ds(base, BPW)], ivec)

    def chunk(c, carry):
        ulane = jnp.bitwise_and(uvec[pl.ds(c * C, L)], 127)
        ilane = jnp.bitwise_and(ivec[pl.ds(c * C, L)], 127)
        ubase = lax.shift_left(
            lax.shift_right_logical(uvec[pl.ds(c * C, L)], 7), 7)
        ibase = lax.shift_left(
            lax.shift_right_logical(ivec[pl.ds(c * C, L)], 7), 7)
        sel = lax.iota(jnp.int32, L)
        zero = jnp.zeros((L,), jnp.int32)
        acc = jnp.zeros((L,), jnp.float32)

        ubs = [pl.multiple_of(jnp.sum(jnp.where(sel == i, ubase, zero)), 128)
               for i in range(C)]
        ibs = [pl.multiple_of(jnp.sum(jnp.where(sel == i, ibase, zero)), 128)
               for i in range(C)]

        for kh in range(K // KH):
            copies = []
            for i in range(C):
                copies.append(pltpu.async_copy(
                    wu_t_hbm.at[pl.ds(kh * KH, KH), pl.ds(ubs[i], 128)],
                    ublk.at[i], sem))
                copies.append(pltpu.async_copy(
                    wi_t_hbm.at[pl.ds(kh * KH, KH), pl.ds(ibs[i], 128)],
                    iblk.at[i], sem))
            for cp in copies:
                cp.wait()

            for kk in range(KH):
                kvec = jnp.full((L,), kk, jnp.int32)
                u = plsc.load_gather(ublk, [sel, kvec, ulane])
                v = plsc.load_gather(iblk, [sel, kvec, ilane])
                acc = acc + u * v

        oacc[pl.ds(c * C, L)] = acc
        return carry

    lax.fori_loop(0, NCH, chunk, 0)

    pltpu.sync_copy(oacc, out_hbm.at[pl.ds(base, BPW)])


def kernel(user, item, W_user, W_item):
    return _pmf_sc(user, item, W_user.T, W_item.T)

# --- scband reference (transcript-rebuilt; emitter-appended) ---
"""Pipeline reference for scband-pmf-51814485459054 (READ-ONLY COPY).

The authoritative reference and input builder live on the scoring server;
editing this copy changes nothing except your own understanding.
"""

import jax, jax.numpy as jnp
import numpy as np

N_USER = 1000000
N_ITEM = 1000000
K_DIM = 32
BATCH = 16384

def setup_inputs(seed: int = 0) -> dict:
    key = jax.random.key(seed)
    k_u, k_i, k_wu, k_wi = jax.random.split(key, 4)
    user = jax.random.randint(k_u, (BATCH,), 0, N_USER, dtype=jnp.int64 if jax.config.jax_enable_x64 else jnp.int32).astype(jnp.int32)
    item = jax.random.randint(k_i, (BATCH,), 0, N_ITEM, dtype=jnp.int64 if jax.config.jax_enable_x64 else jnp.int32).astype(jnp.int32)
    # Learned parameters: embedding tables initialized N(0, std=1) per PMF __init__
    W_user = jax.random.normal(k_wu, (N_USER, K_DIM), dtype=jnp.float32) * 1.0
    W_item = jax.random.normal(k_wi, (N_ITEM, K_DIM), dtype=jnp.float32) * 1.0
    return {"user": user, "item": item, "W_user": W_user, "W_item": W_item}

def reference(user, item, W_user, W_item):
    # PMF.forward: (embedding_user(user) * embedding_item(item)).sum(1)
    user_emb = jnp.take(W_user, user, axis=0)
    item_emb = jnp.take(W_item, item, axis=0)
    return (user_emb * item_emb).sum(axis=1)

if __name__ == "__main__":
    import jax
    _d = setup_inputs()
    print(jax.jit(kernel)(*tuple(_d.values())))

</pallas_src>

<mosaic_0001>
#map = affine_map<(d0, d1) -> (0)>
#map1 = affine_map<(d0, d1) -> (0, 0)>
module attributes {stable_mosaic.version = 14 : i64} {
  func.func @_pmf_sc(%arg0: i32, %arg1: i32, %arg2: memref<16384xi32, #tpu.memory_space<hbm>>, %arg3: memref<16384xi32, #tpu.memory_space<hbm>>, %arg4: memref<32x1000000xf32, #tpu.memory_space<hbm>>, %arg5: memref<32x1000000xf32, #tpu.memory_space<hbm>>, %arg6: memref<16384xf32, #tpu.memory_space<hbm>>, %arg7: memref<512xi32, #tpu.memory_space<vmem>>, %arg8: memref<512xi32, #tpu.memory_space<vmem>>, %arg9: memref<16x16x128xf32, #tpu.memory_space<vmem>>, %arg10: memref<16x16x128xf32, #tpu.memory_space<vmem>>, %arg11: memref<512xf32, #tpu.memory_space<vmem>>, %arg12: memref<!tpu.dma_semaphore, #tpu.memory_space<semaphore_mem>>) attributes {dimension_semantics = [#tpu.dimension_semantics<core_parallel>, #tpu.dimension_semantics<subcore_parallel>], iteration_bounds = array<i64: 2, 16>, scalar_prefetch = 0 : i64, scratch_operands = 6 : i64, tpu.core_type = #tpu.core_type<sc_vector_subcore>, window_params = [{transform_indices = #map}, {transform_indices = #map}, {transform_indices = #map1}, {transform_indices = #map1}, {transform_indices = #map}]} {
    %mul3A = arith.constant 2 : i32
    %mul3A_0 = arith.muli %arg1, %mul3A : i32
    %add3A = arith.addi %mul3A_0, %arg0 : i32
    %mul3A_1 = arith.constant 512 : i32
    %mul3A_2 = arith.muli %add3A, %mul3A_1 : i32
    "tpu.region"() ({
      %run_scoped3A = tpu.sem_alloc : memref<!tpu.dma_semaphore, #tpu.memory_space<semaphore_mem>>
      %dma_start3A = tpu.memref_slice %arg2[%mul3A_2] : memref<16384xi32, #tpu.memory_space<hbm>> -> memref<512xi32, #tpu.memory_space<hbm>>
      %dma_start3A_8 = tpu.memref_slice %arg2[%mul3A_2] : memref<16384xi32, #tpu.memory_space<hbm>> -> memref<512xi32, #tpu.memory_space<hbm>>
      tpu.enqueue_dma source(%dma_start3A_8 : memref<512xi32, #tpu.memory_space<hbm>>) target(%arg7 : memref<512xi32, #tpu.memory_space<vmem>>) target_semaphore(%run_scoped3A : memref<!tpu.dma_semaphore, #tpu.memory_space<semaphore_mem>>)
      %dma_wait3A = tpu.memref_slice %arg2[%mul3A_2] : memref<16384xi32, #tpu.memory_space<hbm>> -> memref<512xi32, #tpu.memory_space<hbm>>
      %dma_wait3A_9 = tpu.memref_slice %arg2[%mul3A_2] : memref<16384xi32, #tpu.memory_space<hbm>> -> memref<512xi32, #tpu.memory_space<hbm>>
      tpu.wait_dma2 semaphore(%run_scoped3A : memref<!tpu.dma_semaphore, #tpu.memory_space<semaphore_mem>>) src(%dma_wait3A_9 : memref<512xi32, #tpu.memory_space<hbm>>) dst(%arg7 : memref<512xi32, #tpu.memory_space<vmem>>)
      tpu.yield
    }) : () -> ()
    "tpu.region"() ({
      %run_scoped3A = tpu.sem_alloc : memref<!tpu.dma_semaphore, #tpu.memory_space<semaphore_mem>>
      %dma_start3A = tpu.memref_slice %arg3[%mul3A_2] : memref<16384xi32, #tpu.memory_space<hbm>> -> memref<512xi32, #tpu.memory_space<hbm>>
      %dma_start3A_8 = tpu.memref_slice %arg3[%mul3A_2] : memref<16384xi32, #tpu.memory_space<hbm>> -> memref<512xi32, #tpu.memory_space<hbm>>
      tpu.enqueue_dma source(%dma_start3A_8 : memref<512xi32, #tpu.memory_space<hbm>>) target(%arg8 : memref<512xi32, #tpu.memory_space<vmem>>) target_semaphore(%run_scoped3A : memref<!tpu.dma_semaphore, #tpu.memory_space<semaphore_mem>>)
      %dma_wait3A = tpu.memref_slice %arg3[%mul3A_2] : memref<16384xi32, #tpu.memory_space<hbm>> -> memref<512xi32, #tpu.memory_space<hbm>>
      %dma_wait3A_9 = tpu.memref_slice %arg3[%mul3A_2] : memref<16384xi32, #tpu.memory_space<hbm>> -> memref<512xi32, #tpu.memory_space<hbm>>
      tpu.wait_dma2 semaphore(%run_scoped3A : memref<!tpu.dma_semaphore, #tpu.memory_space<semaphore_mem>>) src(%dma_wait3A_9 : memref<512xi32, #tpu.memory_space<hbm>>) dst(%arg8 : memref<512xi32, #tpu.memory_space<vmem>>)
      tpu.yield
    }) : () -> ()
    %scan3A = arith.constant 0 : i32
    %scan3A_3 = arith.constant 0 : i32
    %scan3A_4 = arith.constant 32 : i32
    %scan3A_5 = arith.addi %scan3A_3, %scan3A_4 : i32
    %scan3A_6 = arith.constant 1 : i32
    scf.for %scan3A_8 = %scan3A_3 to %scan3A_5 step %scan3A_6  : i32 {
      %mul3A_9 = arith.constant 16 : i32
      %mul3A_10 = arith.muli %scan3A_8, %mul3A_9 : i32
      %get3A = arith.index_cast %mul3A_10 : i32 to index
      %get3A_11 = tpu.vector_load %arg7[%get3A] {strides = array<i32>} : memref<512xi32, #tpu.memory_space<vmem>>, vector<16xi32>,
      %and3A = arith.constant 127 : i32
      %and3A_12 = vector.broadcast %and3A : i32 to vector<16xi32>
      %and3A_13 = arith.andi %get3A_11, %and3A_12 : vector<16xi32>
      %mul3A_14 = arith.constant 16 : i32
      %mul3A_15 = arith.muli %scan3A_8, %mul3A_14 : i32
      %get3A_16 = arith.index_cast %mul3A_15 : i32 to index
      %get3A_17 = tpu.vector_load %arg8[%get3A_16] {strides = array<i32>} : memref<512xi32, #tpu.memory_space<vmem>>, vector<16xi32>,
      %and3A_18 = arith.constant 127 : i32
      %and3A_19 = vector.broadcast %and3A_18 : i32 to vector<16xi32>
      %and3A_20 = arith.andi %get3A_17, %and3A_19 : vector<16xi32>
      %mul3A_21 = arith.constant 16 : i32
      %mul3A_22 = arith.muli %scan3A_8, %mul3A_21 : i32
      %get3A_23 = arith.index_cast %mul3A_22 : i32 to index
      %get3A_24 = tpu.vector_load %arg7[%get3A_23] {strides = array<i32>} : memref<512xi32, #tpu.memory_space<vmem>>, vector<16xi32>,
      %shift_right_logical3A = arith.constant 7 : i32
      %shift_right_logical3A_25 = vector.broadcast %shift_right_logical3A : i32 to vector<16xi32>
      %shift_right_logical3A_26 = arith.shrui %get3A_24, %shift_right_logical3A_25 : vector<16xi32>
      %shift_left3A = arith.constant 7 : i32
      %shift_left3A_27 = vector.broadcast %shift_left3A : i32 to vector<16xi32>
      %shift_left3A_28 = arith.shli %shift_right_logical3A_26, %shift_left3A_27 : vector<16xi32>
      %mul3A_29 = arith.constant 16 : i32
      %mul3A_30 = arith.muli %scan3A_8, %mul3A_29 : i32
      %get3A_31 = arith.index_cast %mul3A_30 : i32 to index
      %get3A_32 = tpu.vector_load %arg8[%get3A_31] {strides = array<i32>} : memref<512xi32, #tpu.memory_space<vmem>>, vector<16xi32>,
      %shift_right_logical3A_33 = arith.constant 7 : i32
      %shift_right_logical3A_34 = vector.broadcast %shift_right_logical3A_33 : i32 to vector<16xi32>
      %shift_right_logical3A_35 = arith.shrui %get3A_32, %shift_right_logical3A_34 : vector<16xi32>
      %shift_left3A_36 = arith.constant 7 : i32
      %shift_left3A_37 = vector.broadcast %shift_left3A_36 : i32 to vector<16xi32>
      %shift_left3A_38 = arith.shli %shift_right_logical3A_35, %shift_left3A_37 : vector<16xi32>
      %iota3A = tpu.iota {dimensions = array<i32: 0>} : vector<16xi32>
      %broadcast_in_dim3A = arith.constant 0 : i32
      %broadcast_in_dim3A_39 = vector.broadcast %broadcast_in_dim3A : i32 to vector<16xi32>
      %broadcast_in_dim3A_40 = arith.constant 0.000000e+00 : f32
      %broadcast_in_dim3A_41 = vector.broadcast %broadcast_in_dim3A_40 : f32 to vector<16xf32>
      %eq3A = arith.constant 0 : i32
      %eq3A_42 = vector.broadcast %eq3A : i32 to vector<16xi32>
      %eq3A_43 = arith.cmpi eq, %iota3A, %eq3A_42 : vector<16xi32>
      %select_n3A = arith.select %eq3A_43, %shift_left3A_28, %broadcast_in_dim3A_39 : vector<16xi1>, vector<16xi32>
      %reduce_sum3A = arith.constant true
      %reduce_sum3A_44 = vector.broadcast %reduce_sum3A : i1 to vector<16xi1>
      %reduce_sum3A_45 = tpu.scan <sum>, %select_n3A masked %reduce_sum3A_44 : vector<16xi32>, vector<16xi1> -> vector<16xi32>
      %reduce_sum3A_46 = vector.extract %reduce_sum3A_45[15] : i32 from vector<16xi32>
      %multiple_of3A = tpu.assume_multiple %reduce_sum3A_46, 128 : i32
      %eq3A_47 = arith.constant 1 : i32
      %eq3A_48 = vector.broadcast %eq3A_47 : i32 to vector<16xi32>
      %eq3A_49 = arith.cmpi eq, %iota3A, %eq3A_48 : vector<16xi32>
      %select_n3A_50 = arith.select %eq3A_49, %shift_left3A_28, %broadcast_in_dim3A_39 : vector<16xi1>, vector<16xi32>
      %reduce_sum3A_51 = arith.constant true
      %reduce_sum3A_52 = vector.broadcast %reduce_sum3A_51 : i1 to vector<16xi1>
      %reduce_sum3A_53 = tpu.scan <sum>, %select_n3A_50 masked %reduce_sum3A_52 : vector<16xi32>, vector<16xi1> -> vector<16xi32>
      %reduce_sum3A_54 = vector.extract %reduce_sum3A_53[15] : i32 from vector<16xi32>
      %multiple_of3A_55 = tpu.assume_multiple %reduce_sum3A_54, 128 : i32
      %eq3A_56 = arith.constant 2 : i32
      %eq3A_57 = vector.broadcast %eq3A_56 : i32 to vector<16xi32>
      %eq3A_58 = arith.cmpi eq, %iota3A, %eq3A_57 : vector<16xi32>
      %select_n3A_59 = arith.select %eq3A_58, %shift_left3A_28, %broadcast_in_dim3A_39 : vector<16xi1>, vector<16xi32>
      %reduce_sum3A_60 = arith.constant true
      %reduce_sum3A_61 = vector.broadcast %reduce_sum3A_60 : i1 to vector<16xi1>
      %reduce_sum3A_62 = tpu.scan <sum>, %select_n3A_59 masked %reduce_sum3A_61 : vector<16xi32>, vector<16xi1> -> vector<16xi32>
      %reduce_sum3A_63 = vector.extract %reduce_sum3A_62[15] : i32 from vector<16xi32>
      %multiple_of3A_64 = tpu.assume_multiple %reduce_sum3A_63, 128 : i32
      %eq3A_65 = arith.constant 3 : i32
      %eq3A_66 = vector.broadcast %eq3A_65 : i32 to vector<16xi32>
      %eq3A_67 = arith.cmpi eq, %iota3A, %eq3A_66 : vector<16xi32>
      %select_n3A_68 = arith.select %eq3A_67, %shift_left3A_28, %broadcast_in_dim3A_39 : vector<16xi1>, vector<16xi32>
      %reduce_sum3A_69 = arith.constant true
      %reduce_sum3A_70 = vector.broadcast %reduce_sum3A_69 : i1 to vector<16xi1>
      %reduce_sum3A_71 = tpu.scan <sum>, %select_n3A_68 masked %reduce_sum3A_70 : vector<16xi32>, vector<16xi1> -> vector<16xi32>
      %reduce_sum3A_72 = vector.extract %reduce_sum3A_71[15] : i32 from vector<16xi32>
      %multiple_of3A_73 = tpu.assume_multiple %reduce_sum3A_72, 128 : i32
      %eq3A_74 = arith.constant 4 : i32
      %eq3A_75 = vector.broadcast %eq3A_74 : i32 to vector<16xi32>
      %eq3A_76 = arith.cmpi eq, %iota3A, %eq3A_75 : vector<16xi32>
      %select_n3A_77 = arith.select %eq3A_76, %shift_left3A_28, %broadcast_in_dim3A_39 : vector<16xi1>, vector<16xi32>
      %reduce_sum3A_78 = arith.constant true
      %reduce_sum3A_79 = vector.broadcast %reduce_sum3A_78 : i1 to vector<16xi1>
      %reduce_sum3A_80 = tpu.scan <sum>, %select_n3A_77 masked %reduce_sum3A_79 : vector<16xi32>, vector<16xi1> -> vector<16xi32>
      %reduce_sum3A_81 = vector.extract %reduce_sum3A_80[15] : i32 from vector<16xi32>
      %multiple_of3A_82 = tpu.assume_multiple %reduce_sum3A_81, 128 : i32
      %eq3A_83 = arith.constant 5 : i32
      %eq3A_84 = vector.broadcast %eq3A_83 : i32 to vector<16xi32>
      %eq3A_85 = arith.cmpi eq, %iota3A, %eq3A_84 : vector<16xi32>
      %select_n3A_86 = arith.select %eq3A_85, %shift_left3A_28, %broadcast_in_dim3A_39 : vector<16xi1>, vector<16xi32>
      %reduce_sum3A_87 = arith.constant true
      %reduce_sum3A_88 = vector.broadcast %reduce_sum3A_87 : i1 to vector<16xi1>
      %reduce_sum3A_89 = tpu.scan <sum>, %select_n3A_86 masked %reduce_sum3A_88 : vector<16xi32>, vector<16xi1> -> vector<16xi32>
      %reduce_sum3A_90 = vector.extract %reduce_sum3A_89[15] : i32 from vector<16xi32>
      %multiple_of3A_91 = tpu.assume_multiple %reduce_sum3A_90, 128 : i32
      %eq3A_92 = arith.constant 6 : i32
      %eq3A_93 = vector.broadcast %eq3A_92 : i32 to vector<16xi32>
      %eq3A_94 = arith.cmpi eq, %iota3A, %eq3A_93 : vector<16xi32>
      %select_n3A_95 = arith.select %eq3A_94, %shift_left3A_28, %broadcast_in_dim3A_39 : vector<16xi1>, vector<16xi32>
      %reduce_sum3A_96 = arith.constant true
      %reduce_sum3A_97 = vector.broadcast %reduce_sum3A_96 : i1 to vector<16xi1>
      %reduce_sum3A_98 = tpu.scan <sum>, %select_n3A_95 masked %reduce_sum3A_97 : vector<16xi32>, vector<16xi1> -> vector<16xi32>
      %reduce_sum3A_99 = vector.extract %reduce_sum3A_98[15] : i32 from vector<16xi32>
      %multiple_of3A_100 = tpu.assume_multiple %reduce_sum3A_99, 128 : i32
      %eq3A_101 = arith.constant 7 : i32
      %eq3A_102 = vector.broadcast %eq3A_101 : i32 to vector<16xi32>
      %eq3A_103 = arith.cmpi eq, %iota3A, %eq3A_102 : vector<16xi32>
      %select_n3A_104 = arith.select %eq3A_103, %shift_left3A_28, %broadcast_in_dim3A_39 : vector<16xi1>, vector<16xi32>
      %reduce_sum3A_105 = arith.constant true
      %reduce_sum3A_106 = vector.broadcast %reduce_sum3A_105 : i1 to vector<16xi1>
      %reduce_sum3A_107 = tpu.scan <sum>, %select_n3A_104 masked %reduce_sum3A_106 : vector<16xi32>, vector<16xi1> -> vector<16xi32>
      %reduce_sum3A_108 = vector.extract %reduce_sum3A_107[15] : i32 from vector<16xi32>
      %multiple_of3A_109 = tpu.assume_multiple %reduce_sum3A_108, 128 : i32
      %eq3A_110 = arith.constant 8 : i32
      %eq3A_111 = vector.broadcast %eq3A_110 : i32 to vector<16xi32>
      %eq3A_112 = arith.cmpi eq, %iota3A, %eq3A_111 : vector<16xi32>
      %select_n3A_113 = arith.select %eq3A_112, %shift_left3A_28, %broadcast_in_dim3A_39 : vector<16xi1>, vector<16xi32>
      %reduce_sum3A_114 = arith.constant true
      %reduce_sum3A_115 = vector.broadcast %reduce_sum3A_114 : i1 to vector<16xi1>
      %reduce_sum3A_116 = tpu.scan <sum>, %select_n3A_113 masked %reduce_sum3A_115 : vector<16xi32>, vector<16xi1> -> vector<16xi32>
      %reduce_sum3A_117 = vector.extract %reduce_sum3A_116[15] : i32 from vector<16xi32>
      %multiple_of3A_118 = tpu.assume_multiple %reduce_sum3A_117, 128 : i32
      %eq3A_119 = arith.constant 9 : i32
      %eq3A_120 = vector.broadcast %eq3A_119 : i32 to vector<16xi32>
      %eq3A_121 = arith.cmpi eq, %iota3A, %eq3A_120 : vector<16xi32>
      %select_n3A_122 = arith.select %eq3A_121, %shift_left3A_28, %broadcast_in_dim3A_39 : vector<16xi1>, vector<16xi32>
      %reduce_sum3A_123 = arith.constant true
      %reduce_sum3A_124 = vector.broadcast %reduce_sum3A_123 : i1 to vector<16xi1>
      %reduce_sum3A_125 = tpu.scan <sum>, %select_n3A_122 masked %reduce_sum3A_124 : vector<16xi32>, vector<16xi1> -> vector<16xi32>
      %reduce_sum3A_126 = vector.extract %reduce_sum3A_125[15] : i32 from vector<16xi32>
      %multiple_of3A_127 = tpu.assume_multiple %reduce_sum3A_126, 128 : i32
      %eq3A_128 = arith.constant 10 : i32
      %eq3A_129 = vector.broadcast %eq3A_128 : i32 to vector<16xi32>
      %eq3A_130 = arith.cmpi eq, %iota3A, %eq3A_129 : vector<16xi32>
      %select_n3A_131 = arith.select %eq3A_130, %shift_left3A_28, %broadcast_in_dim3A_39 : vector<16xi1>, vector<16xi32>
      %reduce_sum3A_132 = arith.constant true
      %reduce_sum3A_133 = vector.broadcast %reduce_sum3A_132 : i1 to vector<16xi1>
      %reduce_sum3A_134 = tpu.scan <sum>, %select_n3A_131 masked %reduce_sum3A_133 : vector<16xi32>, vector<16xi1> -> vector<16xi32>
      %reduce_sum3A_135 = vector.extract %reduce_sum3A_134[15] : i32 from vector<16xi32>
      %multiple_of3A_136 = tpu.assume_multiple %reduce_sum3A_135, 128 : i32
      %eq3A_137 = arith.constant 11 : i32
      %eq3A_138 = vector.broadcast %eq3A_137 : i32 to vector<16xi32>
      %eq3A_139 = arith.cmpi eq, %iota3A, %eq3A_138 : vector<16xi32>
      %select_n3A_140 = arith.select %eq3A_139, %shift_left3A_28, %broadcast_in_dim3A_39 : vector<16xi1>, vector<16xi32>
      %reduce_sum3A_141 = arith.constant true
      %reduce_sum3A_142 = vector.broadcast %reduce_sum3A_141 : i1 to vector<16xi1>
      %reduce_sum3A_143 = tpu.scan <sum>, %select_n3A_140 masked %reduce_sum3A_142 : vector<16xi32>, vector<16xi1> -> vector<16xi32>
      %reduce_sum3A_144 = vector.extract %reduce_sum3A_143[15] : i32 from vector<16xi32>
      %multiple_of3A_145 = tpu.assume_multiple %reduce_sum3A_144, 128 : i32
      %eq3A_146 = arith.constant 12 : i32
      %eq3A_147 = vector.broadcast %eq3A_146 : i32 to vector<16xi32>
      %eq3A_148 = arith.cmpi eq, %iota3A, %eq3A_147 : vector<16xi32>
      %select_n3A_149 = arith.select %eq3A_148, %shift_left3A_28, %broadcast_in_dim3A_39 : vector<16xi1>, vector<16xi32>
      %reduce_sum3A_150 = arith.constant true
      %reduce_sum3A_151 = vector.broadcast %reduce_sum3A_150 : i1 to vector<16xi1>
      %reduce_sum3A_152 = tpu.scan <sum>, %select_n3A_149 masked %reduce_sum3A_151 : vector<16xi32>, vector<16xi1> -> vector<16xi32>
      %reduce_sum3A_153 = vector.extract %reduce_sum3A_152[15] : i32 from vector<16xi32>
      %multiple_of3A_154 = tpu.assume_multiple %reduce_sum3A_153, 128 : i32
      %eq3A_155 = arith.constant 13 : i32
      %eq3A_156 = vector.broadcast %eq3A_155 : i32 to vector<16xi32>
      %eq3A_157 = arith.cmpi eq, %iota3A, %eq3A_156 : vector<16xi32>
      %select_n3A_158 = arith.select %eq3A_157, %shift_left3A_28, %broadcast_in_dim3A_39 : vector<16xi1>, vector<16xi32>
      %reduce_sum3A_159 = arith.constant true
      %reduce_sum3A_160 = vector.broadcast %reduce_sum3A_159 : i1 to vector<16xi1>
      %reduce_sum3A_161 = tpu.scan <sum>, %select_n3A_158 masked %reduce_sum3A_160 : vector<16xi32>, vector<16xi1> -> vector<16xi32>
      %reduce_sum3A_162 = vector.extract %reduce_sum3A_161[15] : i32 from vector<16xi32>
      %multiple_of3A_163 = tpu.assume_multiple %reduce_sum3A_162, 128 : i32
      %eq3A_164 = arith.constant 14 : i32
      %eq3A_165 = vector.broadcast %eq3A_164 : i32 to vector<16xi32>
      %eq3A_166 = arith.cmpi eq, %iota3A, %eq3A_165 : vector<16xi32>
      %select_n3A_167 = arith.select %eq3A_166, %shift_left3A_28, %broadcast_in_dim3A_39 : vector<16xi1>, vector<16xi32>
      %reduce_sum3A_168 = arith.constant true
      %reduce_sum3A_169 = vector.broadcast %reduce_sum3A_168 : i1 to vector<16xi1>
      %reduce_sum3A_170 = tpu.scan <sum>, %select_n3A_167 masked %reduce_sum3A_169 : vector<16xi32>, vector<16xi1> -> vector<16xi32>
      %reduce_sum3A_171 = vector.extract %reduce_sum3A_170[15] : i32 from vector<16xi32>
      %multiple_of3A_172 = tpu.assume_multiple %reduce_sum3A_171, 128 : i32
      %eq3A_173 = arith.constant 15 : i32
      %eq3A_174 = vector.broadcast %eq3A_173 : i32 to vector<16xi32>
      %eq3A_175 = arith.cmpi eq, %iota3A, %eq3A_174 : vector<16xi32>
      %select_n3A_176 = arith.select %eq3A_175, %shift_left3A_28, %broadcast_in_dim3A_39 : vector<16xi1>, vector<16xi32>
      %reduce_sum3A_177 = arith.constant true
      %reduce_sum3A_178 = vector.broadcast %reduce_sum3A_177 : i1 to vector<16xi1>
      %reduce_sum3A_179 = tpu.scan <sum>, %select_n3A_176 masked %reduce_sum3A_178 : vector<16xi32>, vector<16xi1> -> vector<16xi32>
      %reduce_sum3A_180 = vector.extract %reduce_sum3A_179[15] : i32 from vector<16xi32>
      %multiple_of3A_181 = tpu.assume_multiple %reduce_sum3A_180, 128 : i32
      %eq3A_182 = arith.constant 0 : i32
      %eq3A_183 = vector.broadcast %eq3A_182 : i32 to vector<16xi32>
      %eq3A_184 = arith.cmpi eq, %iota3A, %eq3A_183 : vector<16xi32>
      %select_n3A_185 = arith.select %eq3A_184, %shift_left3A_38, %broadcast_in_dim3A_39 : vector<16xi1>, vector<16xi32>
      %reduce_sum3A_186 = arith.constant true
      %reduce_sum3A_187 = vector.broadcast %reduce_sum3A_186 : i1 to vector<16xi1>
      %reduce_sum3A_188 = tpu.scan <sum>, %select_n3A_185 masked %reduce_sum3A_187 : vector<16xi32>, vector<16xi1> -> vector<16xi32>
      %reduce_sum3A_189 = vector.extract %reduce_sum3A_188[15] : i32 from vector<16xi32>
      %multiple_of3A_190 = tpu.assume_multiple %reduce_sum3A_189, 128 : i32
      %eq3A_191 = arith.constant 1 : i32
      %eq3A_192 = vector.broadcast %eq3A_191 : i32 to vector<16xi32>
      %eq3A_193 = arith.cmpi eq, %iota3A, %eq3A_192 : vector<16xi32>
      %select_n3A_194 = arith.select %eq3A_193, %shift_left3A_38, %broadcast_in_dim3A_39 : vector<16xi1>, vector<16xi32>
      %reduce_sum3A_195 = arith.constant true
      %reduce_sum3A_196 = vector.broadcast %reduce_sum3A_195 : i1 to vector<16xi1>
      %reduce_sum3A_197 = tpu.scan <sum>, %select_n3A_194 masked %reduce_sum3A_196 : vector<16xi32>, vector<16xi1> -> vector<16xi32>
      %reduce_sum3A_198 = vector.extract %reduce_sum3A_197[15] : i32 from vector<16xi32>
      %multiple_of3A_199 = tpu.assume_multiple %reduce_sum3A_198, 128 : i32
      %eq3A_200 = arith.constant 2 : i32
      %eq3A_201 = vector.broadcast %eq3A_200 : i32 to vector<16xi32>
      %eq3A_202 = arith.cmpi eq, %iota3A, %eq3A_201 : vector<16xi32>
      %select_n3A_203 = arith.select %eq3A_202, %shift_left3A_38, %broadcast_in_dim3A_39 : vector<16xi1>, vector<16xi32>
      %reduce_sum3A_204 = arith.constant true
      %reduce_sum3A_205 = vector.broadcast %reduce_sum3A_204 : i1 to vector<16xi1>
      %reduce_sum3A_206 = tpu.scan <sum>, %select_n3A_203 masked %reduce_sum3A_205 : vector<16xi32>, vector<16xi1> -> vector<16xi32>
      %reduce_sum3A_207 = vector.extract %reduce_sum3A_206[15] : i32 from vector<16xi32>
      %multiple_of3A_208 = tpu.assume_multiple %reduce_sum3A_207, 128 : i32
      %eq3A_209 = arith.constant 3 : i32
      %eq3A_210 = vector.broadcast %eq3A_209 : i32 to vector<16xi32>
      %eq3A_211 = arith.cmpi eq, %iota3A, %eq3A_210 : vector<16xi32>
      %select_n3A_212 = arith.select %eq3A_211, %shift_left3A_38, %broadcast_in_dim3A_39 : vector<16xi1>, vector<16xi32>
      %reduce_sum3A_213 = arith.constant true
      %reduce_sum3A_214 = vector.broadcast %reduce_sum3A_213 : i1 to vector<16xi1>
      %reduce_sum3A_215 = tpu.scan <sum>, %select_n3A_212 masked %reduce_sum3A_214 : vector<16xi32>, vector<16xi1> -> vector<16xi32>
      %reduce_sum3A_216 = vector.extract %reduce_sum3A_215[15] : i32 from vector<16xi32>
      %multiple_of3A_217 = tpu.assume_multiple %reduce_sum3A_216, 128 : i32
      %eq3A_218 = arith.constant 4 : i32
      %eq3A_219 = vector.broadcast %eq3A_218 : i32 to vector<16xi32>
      %eq3A_220 = arith.cmpi eq, %iota3A, %eq3A_219 : vector<16xi32>
      %select_n3A_221 = arith.select %eq3A_220, %shift_left3A_38, %broadcast_in_dim3A_39 : vector<16xi1>, vector<16xi32>
      %reduce_sum3A_222 = arith.constant true
      %reduce_sum3A_223 = vector.broadcast %reduce_sum3A_222 : i1 to vector<16xi1>
      %reduce_sum3A_224 = tpu.scan <sum>, %select_n3A_221 masked %reduce_sum3A_223 : vector<16xi32>, vector<16xi1> -> vector<16xi32>
      %reduce_sum3A_225 = vector.extract %reduce_sum3A_224[15] : i32 from vector<16xi32>
      %multiple_of3A_226 = tpu.assume_multiple %reduce_sum3A_225, 128 : i32
      %eq3A_227 = arith.constant 5 : i32
      %eq3A_228 = vector.broadcast %eq3A_227 : i32 to vector<16xi32>
      %eq3A_229 = arith.cmpi eq, %iota3A, %eq3A_228 : vector<16xi32>
      %select_n3A_230 = arith.select %eq3A_229, %shift_left3A_38, %broadcast_in_dim3A_39 : vector<16xi1>, vector<16xi32>
      %reduce_sum3A_231 = arith.constant true
      %reduce_sum3A_232 = vector.broadcast %reduce_sum3A_231 : i1 to vector<16xi1>
      %reduce_sum3A_233 = tpu.scan <sum>, %select_n3A_230 masked %reduce_sum3A_232 : vector<16xi32>, vector<16xi1> -> vector<16xi32>
      %reduce_sum3A_234 = vector.extract %reduce_sum3A_233[15] : i32 from vector<16xi32>
      %multiple_of3A_235 = tpu.assume_multiple %reduce_sum3A_234, 128 : i32
      %eq3A_236 = arith.constant 6 : i32
      %eq3A_237 = vector.broadcast %eq3A_236 : i32 to vector<16xi32>
      %eq3A_238 = arith.cmpi eq, %iota3A, %eq3A_237 : vector<16xi32>
      %select_n3A_239 = arith.select %eq3A_238, %shift_left3A_38, %broadcast_in_dim3A_39 : vector<16xi1>, vector<16xi32>
      %reduce_sum3A_240 = arith.constant true
      %reduce_sum3A_241 = vector.broadcast %reduce_sum3A_240 : i1 to vector<16xi1>
      %reduce_sum3A_242 = tpu.scan <sum>, %select_n3A_239 masked %reduce_sum3A_241 : vector<16xi32>, vector<16xi1> -> vector<16xi32>
      %reduce_sum3A_243 = vector.extract %reduce_sum3A_242[15] : i32 from vector<16xi32>
      %multiple_of3A_244 = tpu.assume_multiple %reduce_sum3A_243, 128 : i32
      %eq3A_245 = arith.constant 7 : i32
      %eq3A_246 = vector.broadcast %eq3A_245 : i32 to vector<16xi32>
      %eq3A_247 = arith.cmpi eq, %iota3A, %eq3A_246 : vector<16xi32>
      %select_n3A_248 = arith.select %eq3A_247, %shift_left3A_38, %broadcast_in_dim3A_39 : vector<16xi1>, vector<16xi32>
      %reduce_sum3A_249 = arith.constant true
      %reduce_sum3A_250 = vector.broadcast %reduce_sum3A_249 : i1 to vector<16xi1>
      %reduce_sum3A_251 = tpu.scan <sum>, %select_n3A_248 masked %reduce_sum3A_250 : vector<16xi32>, vector<16xi1> -> vector<16xi32>
      %reduce_sum3A_252 = vector.extract %reduce_sum3A_251[15] : i32 from vector<16xi32>
      %multiple_of3A_253 = tpu.assume_multiple %reduce_sum3A_252, 128 : i32
      %eq3A_254 = arith.constant 8 : i32
      %eq3A_255 = vector.broadcast %eq3A_254 : i32 to vector<16xi32>
      %eq3A_256 = arith.cmpi eq, %iota3A, %eq3A_255 : vector<16xi32>
      %select_n3A_257 = arith.select %eq3A_256, %shift_left3A_38, %broadcast_in_dim3A_39 : vector<16xi1>, vector<16xi32>
      %reduce_sum3A_258 = arith.constant true
      %reduce_sum3A_259 = vector.broadcast %reduce_sum3A_258 : i1 to vector<16xi1>
      %reduce_sum3A_260 = tpu.scan <sum>, %select_n3A_257 masked %reduce_sum3A_259 : vector<16xi32>, vector<16xi1> -> vector<16xi32>
      %reduce_sum3A_261 = vector.extract %reduce_sum3A_260[15] : i32 from vector<16xi32>
      %multiple_of3A_262 = tpu.assume_multiple %reduce_sum3A_261, 128 : i32
      %eq3A_263 = arith.constant 9 : i32
      %eq3A_264 = vector.broadcast %eq3A_263 : i32 to vector<16xi32>
      %eq3A_265 = arith.cmpi eq, %iota3A, %eq3A_264 : vector<16xi32>
      %select_n3A_266 = arith.select %eq3A_265, %shift_left3A_38, %broadcast_in_dim3A_39 : vector<16xi1>, vector<16xi32>
      %reduce_sum3A_267 = arith.constant true
      %reduce_sum3A_268 = vector.broadcast %reduce_sum3A_267 : i1 to vector<16xi1>
      %reduce_sum3A_269 = tpu.scan <sum>, %select_n3A_266 masked %reduce_sum3A_268 : vector<16xi32>, vector<16xi1> -> vector<16xi32>
      %reduce_sum3A_270 = vector.extract %reduce_sum3A_269[15] : i32 from vector<16xi32>
      %multiple_of3A_271 = tpu.assume_multiple %reduce_sum3A_270, 128 : i32
      %eq3A_272 = arith.constant 10 : i32
      %eq3A_273 = vector.broadcast %eq3A_272 : i32 to vector<16xi32>
      %eq3A_274 = arith.cmpi eq, %iota3A, %eq3A_273 : vector<16xi32>
      %select_n3A_275 = arith.select %eq3A_274, %shift_left3A_38, %broadcast_in_dim3A_39 : vector<16xi1>, vector<16xi32>
      %reduce_sum3A_276 = arith.constant true
      %reduce_sum3A_277 = vector.broadcast %reduce_sum3A_276 : i1 to vector<16xi1>
      %reduce_sum3A_278 = tpu.scan <sum>, %select_n3A_275 masked %reduce_sum3A_277 : vector<16xi32>, vector<16xi1> -> vector<16xi32>
      %reduce_sum3A_279 = vector.extract %reduce_sum3A_278[15] : i32 from vector<16xi32>
      %multiple_of3A_280 = tpu.assume_multiple %reduce_sum3A_279, 128 : i32
      %eq3A_281 = arith.constant 11 : i32
      %eq3A_282 = vector.broadcast %eq3A_281 : i32 to vector<16xi32>
      %eq3A_283 = arith.cmpi eq, %iota3A, %eq3A_282 : vector<16xi32>
      %select_n3A_284 = arith.select %eq3A_283, %shift_left3A_38, %broadcast_in_dim3A_39 : vector<16xi1>, vector<16xi32>
      %reduce_sum3A_285 = arith.constant true
      %reduce_sum3A_286 = vector.broadcast %reduce_sum3A_285 : i1 to vector<16xi1>
      %reduce_sum3A_287 = tpu.scan <sum>, %select_n3A_284 masked %reduce_sum3A_286 : vector<16xi32>, vector<16xi1> -> vector<16xi32>
      %reduce_sum3A_288 = vector.extract %reduce_sum3A_287[15] : i32 from vector<16xi32>
      %multiple_of3A_289 = tpu.assume_multiple %reduce_sum3A_288, 128 : i32
      %eq3A_290 = arith.constant 12 : i32
      %eq3A_291 = vector.broadcast %eq3A_290 : i32 to vector<16xi32>
      %eq3A_292 = arith.cmpi eq, %iota3A, %eq3A_291 : vector<16xi32>
      %select_n3A_293 = arith.select %eq3A_292, %shift_left3A_38, %broadcast_in_dim3A_39 : vector<16xi1>, vector<16xi32>
      %reduce_sum3A_294 = arith.constant true
      %reduce_sum3A_295 = vector.broadcast %reduce_sum3A_294 : i1 to vector<16xi1>
      %reduce_sum3A_296 = tpu.scan <sum>, %select_n3A_293 masked %reduce_sum3A_295 : vector<16xi32>, vector<16xi1> -> vector<16xi32>
      %reduce_sum3A_297 = vector.extract %reduce_sum3A_296[15] : i32 from vector<16xi32>
      %multiple_of3A_298 = tpu.assume_multiple %reduce_sum3A_297, 128 : i32
      %eq3A_299 = arith.constant 13 : i32
      %eq3A_300 = vector.broadcast %eq3A_299 : i32 to vector<16xi32>
      %eq3A_301 = arith.cmpi eq, %iota3A, %eq3A_300 : vector<16xi32>
      %select_n3A_302 = arith.select %eq3A_301, %shift_left3A_38, %broadcast_in_dim3A_39 : vector<16xi1>, vector<16xi32>
      %reduce_sum3A_303 = arith.constant true
      %reduce_sum3A_304 = vector.broadcast %reduce_sum3A_303 : i1 to vector<16xi1>
      %reduce_sum3A_305 = tpu.scan <sum>, %select_n3A_302 masked %reduce_sum3A_304 : vector<16xi32>, vector<16xi1> -> vector<16xi32>
      %reduce_sum3A_306 = vector.extract %reduce_sum3A_305[15] : i32 from vector<16xi32>
      %multiple_of3A_307 = tpu.assume_multiple %reduce_sum3A_306, 128 : i32
      %eq3A_308 = arith.constant 14 : i32
      %eq3A_309 = vector.broadcast %eq3A_308 : i32 to vector<16xi32>
      %eq3A_310 = arith.cmpi eq, %iota3A, %eq3A_309 : vector<16xi32>
      %select_n3A_311 = arith.select %eq3A_310, %shift_left3A_38, %broadcast_in_dim3A_39 : vector<16xi1>, vector<16xi32>
      %reduce_sum3A_312 = arith.constant true
      %reduce_sum3A_313 = vector.broadcast %reduce_sum3A_312 : i1 to vector<16xi1>
      %reduce_sum3A_314 = tpu.scan <sum>, %select_n3A_311 masked %reduce_sum3A_313 : vector<16xi32>, vector<16xi1> -> vector<16xi32>
      %reduce_sum3A_315 = vector.extract %reduce_sum3A_314[15] : i32 from vector<16xi32>
      %multiple_of3A_316 = tpu.assume_multiple %reduce_sum3A_315, 128 : i32
      %eq3A_317 = arith.constant 15 : i32
      %eq3A_318 = vector.broadcast %eq3A_317 : i32 to vector<16xi32>
      %eq3A_319 = arith.cmpi eq, %iota3A, %eq3A_318 : vector<16xi32>
      %select_n3A_320 = arith.select %eq3A_319, %shift_left3A_38, %broadcast_in_dim3A_39 : vector<16xi1>, vector<16xi32>
      %reduce_sum3A_321 = arith.constant true
      %reduce_sum3A_322 = vector.broadcast %reduce_sum3A_321 : i1 to vector<16xi1>
      %reduce_sum3A_323 = tpu.scan <sum>, %select_n3A_320 masked %reduce_sum3A_322 : vector<16xi32>, vector<16xi1> -> vector<16xi32>
      %reduce_sum3A_324 = vector.extract %reduce_sum3A_323[15] : i32 from vector<16xi32>
      %multiple_of3A_325 = tpu.assume_multiple %reduce_sum3A_324, 128 : i32
      %dma_start3A = arith.constant 0 : i32
      %dma_start3A_326 = arith.constant 0 : i32
      %dma_start3A_327 = arith.constant 0 : i32
      %dma_start3A_328 = tpu.memref_slice %arg9[%dma_start3A, %dma_start3A_326, %dma_start3A_327] : memref<16x16x128xf32, #tpu.memory_space<vmem>> -> memref<1x16x128xf32, #tpu.memory_space<vmem>>
      %dma_start3A_329 = tpu.memref_squeeze %dma_start3A_328 : memref<1x16x128xf32, #tpu.memory_space<vmem>> -> memref<16x128xf32, #tpu.memory_space<vmem>>
      %dma_start3A_330 = arith.constant 0 : i32
      %dma_start3A_331 = tpu.memref_slice %arg4[%dma_start3A_330, %multiple_of3A] : memref<32x1000000xf32, #tpu.memory_space<hbm>> -> memref<16x128xf32, #tpu.memory_space<hbm>>
      %dma_start3A_332 = arith.constant 0 : i32
      %dma_start3A_333 = arith.constant 0 : i32
      %dma_start3A_334 = tpu.memref_slice %arg9[%dma_start3A, %dma_start3A_332, %dma_start3A_333] : memref<16x16x128xf32, #tpu.memory_space<vmem>> -> memref<1x16x128xf32, #tpu.memory_space<vmem>>
      %dma_start3A_335 = tpu.memref_squeeze %dma_start3A_334 : memref<1x16x128xf32, #tpu.memory_space<vmem>> -> memref<16x128xf32, #tpu.memory_space<vmem>>
      %dma_start3A_336 = arith.constant 0 : i32
      %dma_start3A_337 = tpu.memref_slice %arg4[%dma_start3A_336, %multiple_of3A] : memref<32x1000000xf32, #tpu.memory_space<hbm>> -> memref<16x128xf32, #tpu.memory_space<hbm>>
      tpu.enqueue_dma source(%dma_start3A_337 : memref<16x128xf32, #tpu.memory_space<hbm>>) target(%dma_start3A_335 : memref<16x128xf32, #tpu.memory_space<vmem>>) target_semaphore(%arg12 : memref<!tpu.dma_semaphore, #tpu.memory_space<semaphore_mem>>)
      %dma_start3A_338 = arith.constant 0 : i32
      %dma_start3A_339 = arith.constant 0 : i32
      %dma_start3A_340 = arith.constant 0 : i32
      %dma_start3A_341 = tpu.memref_slice %arg10[%dma_start3A_338, %dma_start3A_339, %dma_start3A_340] : memref<16x16x128xf32, #tpu.memory_space<vmem>> -> memref<1x16x128xf32, #tpu.memory_space<vmem>>
      %dma_start3A_342 = tpu.memref_squeeze %dma_start3A_341 : memref<1x16x128xf32, #tpu.memory_space<vmem>> -> memref<16x128xf32, #tpu.memory_space<vmem>>
      %dma_start3A_343 = arith.constant 0 : i32
      %dma_start3A_344 = tpu.memref_slice %arg5[%dma_start3A_343, %multiple_of3A_190] : memref<32x1000000xf32, #tpu.memory_space<hbm>> -> memref<16x128xf32, #tpu.memory_space<hbm>>
      %dma_start3A_345 = arith.constant 0 : i32
      %dma_start3A_346 = arith.constant 0 : i32
      %dma_start3A_347 = tpu.memref_slice %arg10[%dma_start3A_338, %dma_start3A_345, %dma_start3A_346] : memref<16x16x128xf32, #tpu.memory_space<vmem>> -> memref<1x16x128xf32, #tpu.memory_space<vmem>>
      %dma_start3A_348 = tpu.memref_squeeze %dma_start3A_347 : memref<1x16x128xf32, #tpu.memory_space<vmem>> -> memref<16x128xf32, #tpu.memory_space<vmem>>
      %dma_start3A_349 = arith.constant 0 : i32
      %dma_start3A_350 = tpu.memref_slice %arg5[%dma_start3A_349, %multiple_of3A_190] : memref<32x1000000xf32, #tpu.memory_space<hbm>> -> memref<16x128xf32, #tpu.memory_space<hbm>>
      tpu.enqueue_dma source(%dma_start3A_350 : memref<16x128xf32, #tpu.memory_space<hbm>>) target(%dma_start3A_348 : memref<16x128xf32, #tpu.memory_space<vmem>>) target_semaphore(%arg12 : memref<!tpu.dma_semaphore, #tpu.memory_space<semaphore_mem>>)
      %dma_start3A_351 = arith.constant 1 : i32
      %dma_start3A_352 = arith.constant 0 : i32
      %dma_start3A_353 = arith.constant 0 : i32
      %dma_start3A_354 = tpu.memref_slice %arg9[%dma_start3A_351, %dma_start3A_352, %dma_start3A_353] : memref<16x16x128xf32, #tpu.memory_space<vmem>> -> memref<1x16x128xf32, #tpu.memory_space<vmem>>
      %dma_start3A_355 = tpu.memref_squeeze %dma_start3A_354 : memref<1x16x128xf32, #tpu.memory_space<vmem>> -> memref<16x128xf32, #tpu.memory_space<vmem>>
      %dma_start3A_356 = arith.constant 0 : i32
      %dma_start3A_357 = tpu.memref_slice %arg4[%dma_start3A_356, %multiple_of3A_55] : memref<32x1000000xf32, #tpu.memory_space<hbm>> -> memref<16x128xf32, #tpu.memory_space<hbm>>
      %dma_start3A_358 = arith.constant 0 : i32
      %dma_start3A_359 = arith.constant 0 : i32
      %dma_start3A_360 = tpu.memref_slice %arg9[%dma_start3A_351, %dma_start3A_358, %dma_start3A_359] : memref<16x16x128xf32, #tpu.memory_space<vmem>> -> memref<1x16x128xf32, #tpu.memory_space<vmem>>
      %dma_start3A_361 = tpu.memref_squeeze %dma_start3A_360 : memref<1x16x128xf32, #tpu.memory_space<vmem>> -> memref<16x128xf32, #tpu.memory_space<vmem>>
      %dma_start3A_362 = arith.constant 0 : i32
      %dma_start3A_363 = tpu.memref_slice %arg4[%dma_start3A_362, %multiple_of3A_55] : memref<32x1000000xf32, #tpu.memory_space<hbm>> -> memref<16x128xf32, #tpu.memory_space<hbm>>
      tpu.enqueue_dma source(%dma_start3A_363 : memref<16x128xf32, #tpu.memory_space<hbm>>) target(%dma_start3A_361 : memref<16x128xf32, #tpu.memory_space<vmem>>) target_semaphore(%arg12 : memref<!tpu.dma_semaphore, #tpu.memory_space<semaphore_mem>>)
      %dma_start3A_364 = arith.constant 1 : i32
      %dma_start3A_365 = arith.constant 0 : i32
      %dma_start3A_366 = arith.constant 0 : i32
      %dma_start3A_367 = tpu.memref_slice %arg10[%dma_start3A_364, %dma_start3A_365, %dma_start3A_366] : memref<16x16x128xf32, #tpu.memory_space<vmem>> -> memref<1x16x128xf32, #tpu.memory_space<vmem>>
      %dma_start3A_368 = tpu.memref_squeeze %dma_start3A_367 : memref<1x16x128xf32, #tpu.memory_space<vmem>> -> memref<16x128xf32, #tpu.memory_space<vmem>>
      %dma_start3A_369 = arith.constant 0 : i32
      %dma_start3A_370 = tpu.memref_slice %arg5[%dma_start3A_369, %multiple_of3A_199] : memref<32x1000000xf32, #tpu.memory_space<hbm>> -> memref<16x128xf32, #tpu.memory_space<hbm>>
      %dma_start3A_371 = arith.constant 0 : i32
      %dma_start3A_372 = arith.constant 0 : i32
      %dma_start3A_373 = tpu.memref_slice %arg10[%dma_start3A_364, %dma_start3A_371, %dma_start3A_372] : memref<16x16x128xf32, #tpu.memory_space<vmem>> -> memref<1x16x128xf32, #tpu.memory_space<vmem>>
      %dma_start3A_374 = tpu.memref_squeeze %dma_start3A_373 : memref<1x16x128xf32, #tpu.memory_space<vmem>> -> memref<16x128xf32, #tpu.memory_space<vmem>>
      %dma_start3A_375 = arith.constant 0 : i32
      %dma_start3A_376 = tpu.memref_slice %arg5[%dma_start3A_375, %multiple_of3A_199] : memref<32x1000000xf32, #tpu.memory_space<hbm>> -> memref<16x128xf32, #tpu.memory_space<hbm>>
      tpu.enqueue_dma source(%dma_start3A_376 : memref<16x128xf32, #tpu.memory_space<hbm>>) target(%dma_start3A_374 : memref<16x128xf32, #tpu.memory_space<vmem>>) target_semaphore(%arg12 : memref<!tpu.dma_semaphore, #tpu.memory_space<semaphore_mem>>)
      %dma_start3A_377 = arith.constant 2 : i32
      %dma_start3A_378 = arith.constant 0 : i32
      %dma_start3A_379 = arith.constant 0 : i32
      %dma_start3A_380 = tpu.memref_slice %arg9[%dma_start3A_377, %dma_start3A_378, %dma_start3A_379] : memref<16x16x128xf32, #tpu.memory_space<vmem>> -> memref<1x16x128xf32, #tpu.memory_space<vmem>>
      %dma_start3A_381 = tpu.memref_squeeze %dma_start3A_380 : memref<1x16x128xf32, #tpu.memory_space<vmem>> -> memref<16x128xf32, #tpu.memory_space<vmem>>
      %dma_start3A_382 = arith.constant 0 : i32
      %dma_start3A_383 = tpu.memref_slice %arg4[%dma_start3A_382, %multiple_of3A_64] : memref<32x1000000xf32, #tpu.memory_space<hbm>> -> memref<16x128xf32, #tpu.memory_space<hbm>>
      %dma_start3A_384 = arith.constant 0 : i32
      %dma_start3A_385 = arith.constant 0 : i32
      %dma_start3A_386 = tpu.memref_slice %arg9[%dma_start3A_377, %dma_start3A_384, %dma_start3A_385] : memref<16x16x128xf32, #tpu.memory_space<vmem>> -> memref<1x16x128xf32, #tpu.memory_space<vmem>>
      %dma_start3A_387 = tpu.memref_squeeze %dma_start3A_386 : memref<1x16x128xf32, #tpu.memory_space<vmem>> -> memref<16x128xf32, #tpu.memory_space<vmem>>
      %dma_start3A_388 = arith.constant 0 : i32
      %dma_start3A_389 = tpu.memref_slice %arg4[%dma_start3A_388, %multiple_of3A_64] : memref<32x1000000xf32, #tpu.memory_space<hbm>> -> memref<16x128xf32, #tpu.memory_space<hbm>>
      tpu.enqueue_dma source(%dma_start3A_389 : memref<16x128xf32, #tpu.memory_space<hbm>>) target(%dma_start3A_387 : memref<16x128xf32, #tpu.memory_space<vmem>>) target_semaphore(%arg12 : memref<!tpu.dma_semaphore, #tpu.memory_space<semaphore_mem>>)
      %dma_start3A_390 = arith.constant 2 : i32
      %dma_start3A_391 = arith.constant 0 : i32
      %dma_start3A_392 = arith.constant 0 : i32
      %dma_start3A_393 = tpu.memref_slice %arg10[%dma_start3A_390, %dma_start3A_391, %dma_start3A_392] : memref<16x16x128xf32, #tpu.memory_space<vmem>> -> memref<1x16x128xf32, #tpu.memory_space<vmem>>
      %dma_start3A_394 = tpu.memref_squeeze %dma_start3A_393 : memref<1x16x128xf32, #tpu.memory_space<vmem>> -> memref<16x128xf32, #tpu.memory_space<vmem>>
      %dma_start3A_395 = arith.constant 0 : i32
      %dma_start3A_396 = tpu.memref_slice %arg5[%dma_start3A_395, %multiple_of3A_208] : memref<32x1000000xf32, #tpu.memory_space<hbm>> -> memref<16x128xf32, #tpu.memory_space<hbm>>
      %dma_start3A_397 = arith.constant 0 : i32
      %dma_start3A_398 = arith.constant 0 : i32
      %dma_start3A_399 = tpu.memref_slice %arg10[%dma_start3A_390, %dma_start3A_397, %dma_start3A_398] : memref<16x16x128xf32, #tpu.memory_space<vmem>> -> memref<1x16x128xf32, #tpu.memory_space<vmem>>
      %dma_start3A_400 = tpu.memref_squeeze %dma_start3A_399 : memref<1x16x128xf32, #tpu.memory_space<vmem>> -> memref<16x128xf32, #tpu.memory_space<vmem>>
      %dma_start3A_401 = arith.constant 0 : i32
      %dma_start3A_402 = tpu.memref_slice %arg5[%dma_start3A_401, %multiple_of3A_208] : memref<32x1000000xf32, #tpu.memory_space<hbm>> -> memref<16x128xf32, #tpu.memory_space<hbm>>
      tpu.enqueue_dma source(%dma_start3A_402 : memref<16x128xf32, #tpu.memory_space<hbm>>) target(%dma_start3A_400 : memref<16x128xf32, #tpu.memory_space<vmem>>) target_semaphore(%arg12 : memref<!tpu.dma_semaphore, #tpu.memory_space<semaphore_mem>>)
      %dma_start3A_403 = arith.constant 3 : i32
      %dma_start3A_404 = arith.constant 0 : i32
      %dma_start3A_405 = arith.constant 0 : i32
      %dma_start3A_406 = tpu.memref_slice %arg9[%dma_start3A_403, %dma_start3A_404, %dma_start3A_405] : memref<16x16x128xf32, #tpu.memory_space<vmem>> -> memref<1x16x128xf32, #tpu.memory_space<vmem>>
      %dma_start3A_407 = tpu.memref_squeeze %dma_start3A_406 : memref<1x16x128xf32, #tpu.memory_space<vmem>> -> memref<16x128xf32, #tpu.memory_space<vmem>>
      %dma_start3A_408 = arith.constant 0 : i32
      %dma_start3A_409 = tpu.memref_slice %arg4[%dma_start3A_408, %multiple_of3A_73] : memref<32x1000000xf32, #tpu.memory_space<hbm>> -> memref<16x128xf32, #tpu.memory_space<hbm>>
      %dma_start3A_410 = arith.constant 0 : i32
      %dma_start3A_411 = arith.constant 0 : i32
      %dma_start3A_412 = tpu.memref_slice %arg9[%dma_start3A_403, %dma_start3A_410, %dma_start3A_411] : memref<16x16x128xf32, #tpu.memory_space<vmem>> -> memref<1x16x128xf32, #tpu.memory_space<vmem>>
      %dma_start3A_413 = tpu.memref_squeeze %dma_start3A_412 : memref<1x16x128xf32, #tpu.memory_space<vmem>> -> memref<16x128xf32, #tpu.memory_space<vmem>>
      %dma_start3A_414 = arith.constant 0 : i32
      %dma_start3A_415 = tpu.memref_slice %arg4[%dma_start3A_414, %multiple_of3A_73] : memref<32x1000000xf32, #tpu.memory_space<hbm>> -> memref<16x128xf32, #tpu.memory_space<hbm>>
      tpu.enqueue_dma source(%dma_start3A_415 : memref<16x128xf32, #tpu.memory_space<hbm>>) target(%dma_start3A_413 : memref<16x128xf32, #tpu.memory_space<vmem>>) target_semaphore(%arg12 : memref<!tpu.dma_semaphore, #tpu.memory_space<semaphore_mem>>)
      %dma_start3A_416 = arith.constant 3 : i32
      %dma_start3A_417 = arith.constant 0 : i32
      %dma_start3A_418 = arith.constant 0 : i32
      %dma_start3A_419 = tpu.memref_slice %arg10[%dma_start3A_416, %dma_start3A_417, %dma_start3A_418] : memref<16x16x128xf32, #tpu.memory_space<vmem>> -> memref<1x16x128xf32, #tpu.memory_space<vmem>>
      %dma_start3A_420 = tpu.memref_squeeze %dma_start3A_419 : memref<1x16x128xf32, #tpu.memory_space<vmem>> -> memref<16x128xf32, #tpu.memory_space<vmem>>
      %dma_start3A_421 = arith.constant 0 : i32
      %dma_start3A_422 = tpu.memref_slice %arg5[%dma_start3A_421, %multiple_of3A_217] : memref<32x1000000xf32, #tpu.memory_space<hbm>> -> memref<16x128xf32, #tpu.memory_space<hbm>>
      %dma_start3A_423 = arith.constant 0 : i32
      %dma_start3A_424 = arith.constant 0 : i32
      %dma_start3A_425 = tpu.memref_slice %arg10[%dma_start3A_416, %dma_start3A_423, %dma_start3A_424] : memref<16x16x128xf32, #tpu.memory_space<vmem>> -> memref<1x16x128xf32, #tpu.memory_space<vmem>>
      %dma_start3A_426 = tpu.memref_squeeze %dma_start3A_425 : memref<1x16x128xf32, #tpu.memory_space<vmem>> -> memref<16x128xf32, #tpu.memory_space<vmem>>
      %dma_start3A_427 = arith.constant 0 : i32
      %dma_start3A_428 = tpu.memref_slice %arg5[%dma_start3A_427, %multiple_of3A_217] : memref<32x1000000xf32, #tpu.memory_space<hbm>> -> memref<16x128xf32, #tpu.memory_space<hbm>>
      tpu.enqueue_dma source(%dma_start3A_428 : memref<16x128xf32, #tpu.memory_space<hbm>>) target(%dma_start3A_426 : memref<16x128xf32, #tpu.memory_space<vmem>>) target_semaphore(%arg12 : memref<!tpu.dma_semaphore, #tpu.memory_space<semaphore_mem>>)
      %dma_start3A_429 = arith.constant 4 : i32
      %dma_start3A_430 = arith.constant 0 : i32
      %dma_start3A_431 = arith.constant 0 : i32
      %dma_start3A_432 = tpu.memref_slice %arg9[%dma_start3A_429, %dma_start3A_430, %dma_start3A_431] : memref<16x16x128xf32, #tpu.memory_space<vmem>> -> memref<1x16x128xf32, #tpu.memory_space<vmem>>
      %dma_start3A_433 = tpu.memref_squeeze %dma_start3A_432 : memref<1x16x128xf32, #tpu.memory_space<vmem>> -> memref<16x128xf32, #tpu.memory_space<vmem>>
      %dma_start3A_434 = arith.constant 0 : i32
      %dma_start3A_435 = tpu.memref_slice %arg4[%dma_start3A_434, %multiple_of3A_82] : memref<32x1000000xf32, #tpu.memory_space<hbm>> -> memref<16x128xf32, #tpu.memory_space<hbm>>
      %dma_start3A_436 = arith.constant 0 : i32
      %dma_start3A_437 = arith.constant 0 : i32
      %dma_start3A_438 = tpu.memref_slice %arg9[%dma_start3A_429, %dma_start3A_436, %dma_start3A_437] : memref<16x16x128xf32, #tpu.memory_space<vmem>> -> memref<1x16x128xf32, #tpu.memory_space<vmem>>
      %dma_start3A_439 = tpu.memref_squeeze %dma_start3A_438 : memref<1x16x128xf32, #tpu.memory_space<vmem>> -> memref<16x128xf32, #tpu.memory_space<vmem>>
      %dma_start3A_440 = arith.constant 0 : i32
      %dma_start3A_441 = tpu.memref_slice %arg4[%dma_start3A_440, %multiple_of3A_82] : memref<32x1000000xf32, #tpu.memory_space<hbm>> -> memref<16x128xf32, #tpu.memory_space<hbm>>
      tpu.enqueue_dma source(%dma_start3A_441 : memref<16x128xf32, #tpu.memory_space<hbm>>) target(%dma_start3A_439 : memref<16x128xf32, #tpu.memory_space<vmem>>) target_semaphore(%arg12 : memref<!tpu.dma_semaphore, #tpu.memory_space<semaphore_mem>>)
      %dma_start3A_442 = arith.constant 4 : i32
      %dma_start3A_443 = arith.constant 0 : i32
      %dma_start3A_444 = arith.constant 0 : i32
      %dma_start3A_445 = tpu.memref_slice %arg10[%dma_start3A_442, %dma_start3A_443, %dma_start3A_444] : memref<16x16x128xf32, #tpu.memory_space<vmem>> -> memref<1x16x128xf32, #tpu.memory_space<vmem>>
      %dma_start3A_446 = tpu.memref_squeeze %dma_start3A_445 : memref<1x16x128xf32, #tpu.memory_space<vmem>> -> memref<16x128xf32, #tpu.memory_space<vmem>>
      %dma_start3A_447 = arith.constant 0 : i32
      %dma_start3A_448 = tpu.memref_slice %arg5[%dma_start3A_447, %multiple_of3A_226] : memref<32x1000000xf32, #tpu.memory_space<hbm>> -> memref<16x128xf32, #tpu.memory_space<hbm>>
      %dma_start3A_449 = arith.constant 0 : i32
      %dma_start3A_450 = arith.constant 0 : i32
      %dma_start3A_451 = tpu.memref_slice %arg10[%dma_start3A_442, %dma_start3A_449, %dma_start3A_450] : memref<16x16x128xf32, #tpu.memory_space<vmem>> -> memref<1x16x128xf32, #tpu.memory_space<vmem>>
      %dma_start3A_452 = tpu.memref_squeeze %dma_start3A_451 : memref<1x16x128xf32, #tpu.memory_space<vmem>> -> memref<16x128xf32, #tpu.memory_space<vmem>>
      %dma_start3A_453 = arith.constant 0 : i32
      %dma_start3A_454 = tpu.memref_slice %arg5[%dma_start3A_453, %multiple_of3A_226] : memref<32x1000000xf32, #tpu.memory_space<hbm>> -> memref<16x128xf32, #tpu.memory_space<hbm>>
      tpu.enqueue_dma source(%dma_start3A_454 : memref<16x128xf32, #tpu.memory_space<hbm>>) target(%dma_start3A_452 : memref<16x128xf32, #tpu.memory_space<vmem>>) target_semaphore(%arg12 : memref<!tpu.dma_semaphore, #tpu.memory_space<semaphore_mem>>)
      %dma_start3A_455 = arith.constant 5 : i32
      %dma_start3A_456 = arith.constant 0 : i32
      %dma_start3A_457 = arith.constant 0 : i32
      %dma_start3A_458 = tpu.memref_slice %arg9[%dma_start3A_455, %dma_start3A_456, %dma_start3A_457] : memref<16x16x128xf32, #tpu.memory_space<vmem>> -> memref<1x16x128xf32, #tpu.memory_space<vmem>>
      %dma_start3A_459 = tpu.memref_squeeze %dma_start3A_458 : memref<1x16x128xf32, #tpu.memory_space<vmem>> -> memref<16x128xf32, #tpu.memory_space<vmem>>
      %dma_start3A_460 = arith.constant 0 : i32
      %dma_start3A_461 = tpu.memref_slice %arg4[%dma_start3A_460, %multiple_of3A_91] : memref<32x1000000xf32, #tpu.memory_space<hbm>> -> memref<16x128xf32, #tpu.memory_space<hbm>>
      %dma_start3A_462 = arith.constant 0 : i32
      %dma_start3A_463 = arith.constant 0 : i32
      %dma_start3A_464 = tpu.memref_slice %arg9[%dma_start3A_455, %dma_start3A_462, %dma_start3A_463] : memref<16x16x128xf32, #tpu.memory_space<vmem>> -> memref<1x16x128xf32, #tpu.memory_space<vmem>>
      %dma_start3A_465 = tpu.memref_squeeze %dma_start3A_464 : memref<1x16x128xf32, #tpu.memory_space<vmem>> -> memref<16x128xf32, #tpu.memory_space<vmem>>
      %dma_start3A_466 = arith.constant 0 : i32
      %dma_start3A_467 = tpu.memref_slice %arg4[%dma_start3A_466, %multiple_of3A_91] : memref<32x1000000xf32, #tpu.memory_space<hbm>> -> memref<16x128xf32, #tpu.memory_space<hbm>>
      tpu.enqueue_dma source(%dma_start3A_467 : memref<16x128xf32, #tpu.memory_space<hbm>>) target(%dma_start3A_465 : memref<16x128xf32, #tpu.memory_space<vmem>>) target_semaphore(%arg12 : memref<!tpu.dma_semaphore, #tpu.memory_space<semaphore_mem>>)
      %dma_start3A_468 = arith.constant 5 : i32
      %dma_start3A_469 = arith.constant 0 : i32
      %dma_start3A_470 = arith.constant 0 : i32
      %dma_start3A_471 = tpu.memref_slice %arg10[%dma_start3A_468, %dma_start3A_469, %dma_start3A_470] : memref<16x16x128xf32, #tpu.memory_space<vmem>> -> memref<1x16x128xf32, #tpu.memory_space<vmem>>
      %dma_start3A_472 = tpu.memref_squeeze %dma_start3A_471 : memref<1x16x128xf32, #tpu.memory_space<vmem>> -> memref<16x128xf32, #tpu.memory_space<vmem>>
      %dma_start3A_473 = arith.constant 0 : i32
      %dma_start3A_474 = tpu.memref_slice %arg5[%dma_start3A_473, %multiple_of3A_235] : memref<32x1000000xf32, #tpu.memory_space<hbm>> -> memref<16x128xf32, #tpu.memory_space<hbm>>
      %dma_start3A_475 = arith.constant 0 : i32
      %dma_start3A_476 = arith.constant 0 : i32
      %dma_start3A_477 = tpu.memref_slice %arg10[%dma_start3A_468, %dma_start3A_475, %dma_start3A_476] : memref<16x16x128xf32, #tpu.memory_space<vmem>> -> memref<1x16x128xf32, #tpu.memory_space<vmem>>
      %dma_start3A_478 = tpu.memref_squeeze %dma_start3A_477 : memref<1x16x128xf32, #tpu.memory_space<vmem>> -> memref<16x128xf32, #tpu.memory_space<vmem>>
      %dma_start3A_479 = arith.constant 0 : i32
      %dma_start3A_480 = tpu.memref_slice %arg5[%dma_start3A_479, %multiple_of3A_235] : memref<32x1000000xf32, #tpu.memory_space<hbm>> -> memref<16x128xf32, #tpu.memory_space<hbm>>
      tpu.enqueue_dma source(%dma_start3A_480 : memref<16x128xf32, #tpu.memory_space<hbm>>) target(%dma_start3A_478 : memref<16x128xf32, #tpu.memory_space<vmem>>) target_semaphore(%arg12 : memref<!tpu.dma_semaphore, #tpu.memory_space<semaphore_mem>>)
      %dma_start3A_481 = arith.constant 6 : i32
      %dma_start3A_482 = arith.constant 0 : i32
      %dma_start3A_483 = arith.constant 0 : i32
      %dma_start3A_484 = tpu.memref_slice %arg9[%dma_start3A_481, %dma_start3A_482, %dma_start3A_483] : memref<16x16x128xf32, #tpu.memory_space<vmem>> -> memref<1x16x128xf32, #tpu.memory_space<vmem>>
      %dma_start3A_485 = tpu.memref_squeeze %dma_start3A_484 : memref<1x16x128xf32, #tpu.memory_space<vmem>> -> memref<16x128xf32, #tpu.memory_space<vmem>>
      %dma_start3A_486 = arith.constant 0 : i32
      %dma_start3A_487 = tpu.memref_slice %arg4[%dma_start3A_486, %multiple_of3A_100] : memref<32x1000000xf32, #tpu.memory_space<hbm>> -> memref<16x128xf32, #tpu.memory_space<hbm>>
      %dma_start3A_488 = arith.constant 0 : i32
      %dma_start3A_489 = arith.constant 0 : i32
      %dma_start3A_490 = tpu.memref_slice %arg9[%dma_start3A_481, %dma_start3A_488, %dma_start3A_489] : memref<16x16x128xf32, #tpu.memory_space<vmem>> -> memref<1x16x128xf32, #tpu.memory_space<vmem>>
      %dma_start3A_491 = tpu.memref_squeeze %dma_start3A_490 : memref<1x16x128xf32, #tpu.memory_space<vmem>> -> memref<16x128xf32, #tpu.memory_space<vmem>>
      %dma_start3A_492 = arith.constant 0 : i32
      %dma_start3A_493 = tpu.memref_slice %arg4[%dma_start3A_492, %multiple_of3A_100] : memref<32x1000000xf32, #tpu.memory_space<hbm>> -> memref<16x128xf32, #tpu.memory_space<hbm>>
      tpu.enqueue_dma source(%dma_start3A_493 : memref<16x128xf32, #tpu.memory_space<hbm>>) target(%dma_start3A_491 : memref<16x128xf32, #tpu.memory_space<vmem>>) target_semaphore(%arg12 : memref<!tpu.dma_semaphore, #tpu.memory_space<semaphore_mem>>)
      %dma_start3A_494 = arith.constant 6 : i32
      %dma_start3A_495 = arith.constant 0 : i32
      %dma_start3A_496 = arith.constant 0 : i32
      %dma_start3A_497 = tpu.memref_slice %arg10[%dma_start3A_494, %dma_start3A_495, %dma_start3A_496] : memref<16x16x128xf32, #tpu.memory_space<vmem>> -> memref<1x16x128xf32, #tpu.memory_space<vmem>>
      %dma_start3A_498 = tpu.memref_squeeze %dma_start3A_497 : memref<1x16x128xf32, #tpu.memory_space<vmem>> -> memref<16x128xf32, #tpu.memory_space<vmem>>
      %dma_start3A_499 = arith.constant 0 : i32
      %dma_start3A_500 = tpu.memref_slice %arg5[%dma_start3A_499, %multiple_of3A_244] : memref<32x1000000xf32, #tpu.memory_space<hbm>> -> memref<16x128xf32, #tpu.memory_space<hbm>>
      %dma_start3A_501 = arith.constant 0 : i32
      %dma_start3A_502 = arith.constant 0 : i32
      %dma_start3A_503 = tpu.memref_slice %arg10[%dma_start3A_494, %dma_start3A_501, %dma_start3A_502] : memref<16x16x128xf32, #tpu.memory_space<vmem>> -> memref<1x16x128xf32, #tpu.memory_space<vmem>>
      %dma_start3A_504 = tpu.memref_squeeze %dma_start3A_503 : memref<1x16x128xf32, #tpu.memory_space<vmem>> -> memref<16x128xf32, #tpu.memory_space<vmem>>
      %dma_start3A_505 = arith.constant 0 : i32
      %dma_start3A_506 = tpu.memref_slice %arg5[%dma_start3A_505, %multiple_of3A_244] : memref<32x1000000xf32, #tpu.memory_space<hbm>> -> memref<16x128xf32, #tpu.memory_space<hbm>>
      tpu.enqueue_dma source(%dma_start3A_506 : memref<16x128xf32, #tpu.memory_space<hbm>>) target(%dma_start3A_504 : memref<16x128xf32, #tpu.memory_space<vmem>>) target_semaphore(%arg12 : memref<!tpu.dma_semaphore, #tpu.memory_space<semaphore_mem>>)
      %dma_start3A_507 = arith.constant 7 : i32
      %dma_start3A_508 = arith.constant 0 : i32
      %dma_start3A_509 = arith.constant 0 : i32
      %dma_start3A_510 = tpu.memref_slice %arg9[%dma_start3A_507, %dma_start3A_508, %dma_start3A_509] : memref<16x16x128xf32, #tpu.memory_space<vmem>> -> memref<1x16x128xf32, #tpu.memory_space<vmem>>
      %dma_start3A_511 = tpu.memref_squeeze %dma_start3A_510 : memref<1x16x128xf32, #tpu.memory_space<vmem>> -> memref<16x128xf32, #tpu.memory_space<vmem>>
      %dma_start3A_512 = arith.constant 0 : i32
      %dma_start3A_513 = tpu.memref_slice %arg4[%dma_start3A_512, %multiple_of3A_109] : memref<32x1000000xf32, #tpu.memory_space<hbm>> -> memref<16x128xf32, #tpu.memory_space<hbm>>
      %dma_start3A_514 = arith.constant 0 : i32
      %dma_start3A_515 = arith.constant 0 : i32
      %dma_start3A_516 = tpu.memref_slice %arg9[%dma_start3A_507, %dma_start3A_514, %dma_start3A_515] : memref<16x16x128xf32, #tpu.memory_space<vmem>> -> memref<1x16x128xf32, #tpu.memory_space<vmem>>
      %dma_start3A_517 = tpu.memref_squeeze %dma_start3A_516 : memref<1x16x128xf32, #tpu.memory_space<vmem>> -> memref<16x128xf32, #tpu.memory_space<vmem>>
      %dma_start3A_518 = arith.constant 0 : i32
      %dma_start3A_519 = tpu.memref_slice %arg4[%dma_start3A_518, %multiple_of3A_109] : memref<32x1000000xf32, #tpu.memory_space<hbm>> -> memref<16x128xf32, #tpu.memory_space<hbm>>
      tpu.enqueue_dma source(%dma_start3A_519 : memref<16x128xf32, #tpu.memory_space<hbm>>) target(%dma_start3A_517 : memref<16x128xf32, #tpu.memory_space<vmem>>) target_semaphore(%arg12 : memref<!tpu.dma_semaphore, #tpu.memory_space<semaphore_mem>>)
      %dma_start3A_520 = arith.constant 7 : i32
      %dma_start3A_521 = arith.constant 0 : i32
      %dma_start3A_522 = arith.constant 0 : i32
      %dma_start3A_523 = tpu.memref_slice %arg10[%dma_start3A_520, %dma_start3A_521, %dma_start3A_522] : memref<16x16x128xf32, #tpu.memory_space<vmem>> -> memref<1x16x128xf32, #tpu.memory_space<vmem>>
      %dma_start3A_524 = tpu.memref_squeeze %dma_start3A_523 : memref<1x16x128xf32, #tpu.memory_space<vmem>> -> memref<16x128xf32, #tpu.memory_space<vmem>>
      %dma_start3A_525 = arith.constant 0 : i32
      %dma_start3A_526 = tpu.memref_slice %arg5[%dma_start3A_525, %multiple_of3A_253] : memref<32x1000000xf32, #tpu.memory_space<hbm>> -> memref<16x128xf32, #tpu.memory_space<hbm>>
      %dma_start3A_527 = arith.constant 0 : i32
      %dma_start3A_528 = arith.constant 0 : i32
      %dma_start3A_529 = tpu.memref_slice %arg10[%dma_start3A_520, %dma_start3A_527, %dma_start3A_528] : memref<16x16x128xf32, #tpu.memory_space<vmem>> -> memref<1x16x128xf32, #tpu.memory_space<vmem>>
      %dma_start3A_530 = tpu.memref_squeeze %dma_start3A_529 : memref<1x16x128xf32, #tpu.memory_space<vmem>> -> memref<16x128xf32, #tpu.memory_space<vmem>>
      %dma_start3A_531 = arith.constant 0 : i32
      %dma_start3A_532 = tpu.memref_slice %arg5[%dma_start3A_531, %multiple_of3A_253] : memref<32x1000000xf32, #tpu.memory_space<hbm>> -> memref<16x128xf32, #tpu.memory_space<hbm>>
      tpu.enqueue_dma source(%dma_start3A_532 : memref<16x128xf32, #tpu.memory_space<hbm>>) target(%dma_start3A_530 : memref<16x128xf32, #tpu.memory_space<vmem>>) target_semaphore(%arg12 : memref<!tpu.dma_semaphore, #tpu.memory_space<semaphore_mem>>)
      %dma_start3A_533 = arith.constant 8 : i32
      %dma_start3A_534 = arith.constant 0 : i32
      %dma_start3A_535 = arith.constant 0 : i32
      %dma_start3A_536 = tpu.memref_slice %arg9[%dma_start3A_533, %dma_start3A_534, %dma_start3A_535] : memref<16x16x128xf32, #tpu.memory_space<vmem>> -> memref<1x16x128xf32, #tpu.memory_space<vmem>>
      %dma_start3A_537 = tpu.memref_squeeze %dma_start3A_536 : memref<1x16x128xf32, #tpu.memory_space<vmem>> -> memref<16x128xf32, #tpu.memory_space<vmem>>
      %dma_start3A_538 = arith.constant 0 : i32
      %dma_start3A_539 = tpu.memref_slice %arg4[%dma_start3A_538, %multiple_of3A_118] : memref<32x1000000xf32, #tpu.memory_space<hbm>> -> memref<16x128xf32, #tpu.memory_space<hbm>>
      %dma_start3A_540 = arith.constant 0 : i32
      %dma_start3A_541 = arith.constant 0 : i32
      %dma_start3A_542 = tpu.memref_slice %arg9[%dma_start3A_533, %dma_start3A_540, %dma_start3A_541] : memref<16x16x128xf32, #tpu.memory_space<vmem>> -> memref<1x16x128xf32, #tpu.memory_space<vmem>>
      %dma_start3A_543 = tpu.memref_squeeze %dma_start3A_542 : memref<1x16x128xf32, #tpu.memory_space<vmem>> -> memref<16x128xf32, #tpu.memory_space<vmem>>
      %dma_start3A_544 = arith.constant 0 : i32
      %dma_start3A_545 = tpu.memref_slice %arg4[%dma_start3A_544, %multiple_of3A_118] : memref<32x1000000xf32, #tpu.memory_space<hbm>> -> memref<16x128xf32, #tpu.memory_space<hbm>>
      tpu.enqueue_dma source(%dma_start3A_545 : memref<16x128xf32, #tpu.memory_space<hbm>>) target(%dma_start3A_543 : memref<16x128xf32, #tpu.memory_space<vmem>>) target_semaphore(%arg12 : memref<!tpu.dma_semaphore, #tpu.memory_space<semaphore_mem>>)
      %dma_start3A_546 = arith.constant 8 : i32
      %dma_start3A_547 = arith.constant 0 : i32
      %dma_start3A_548 = arith.constant 0 : i32
      %dma_start3A_549 = tpu.memref_slice %arg10[%dma_start3A_546, %dma_start3A_547, %dma_start3A_548] : memref<16x16x128xf32, #tpu.memory_space<vmem>> -> memref<1x16x128xf32, #tpu.memory_space<vmem>>
      %dma_start3A_550 = tpu.memref_squeeze %dma_start3A_549 : memref<1x16x128xf32, #tpu.memory_space<vmem>> -> memref<16x128xf32, #tpu.memory_space<vmem>>
      %dma_start3A_551 = arith.constant 0 : i32
      %dma_start3A_552 = tpu.memref_slice %arg5[%dma_start3A_551, %multiple_of3A_262] : memref<32x1000000xf32, #tpu.memory_space<hbm>> -> memref<16x128xf32, #tpu.memory_space<hbm>>
      %dma_start3A_553 = arith.constant 0 : i32
      %dma_start3A_554 = arith.constant 0 : i32
      %dma_start3A_555 = tpu.memref_slice %arg10[%dma_start3A_546, %dma_start3A_553, %dma_start3A_554] : memref<16x16x128xf32, #tpu.memory_space<vmem>> -> memref<1x16x128xf32, #tpu.memory_space<vmem>>
      %dma_start3A_556 = tpu.memref_squeeze %dma_start3A_555 : memref<1x16x128xf32, #tpu.memory_space<vmem>> -> memref<16x128xf32, #tpu.memory_space<vmem>>
      %dma_start3A_557 = arith.constant 0 : i32
      %dma_start3A_558 = tpu.memref_slice %arg5[%dma_start3A_557, %multiple_of3A_262] : memref<32x1000000xf32, #tpu.memory_space<hbm>> -> memref<16x128xf32, #tpu.memory_space<hbm>>
      tpu.enqueue_dma source(%dma_start3A_558 : memref<16x128xf32, #tpu.memory_space<hbm>>) target(%dma_start3A_556 : memref<16x128xf32, #tpu.memory_space<vmem>>) target_semaphore(%arg12 : memref<!tpu.dma_semaphore, #tpu.memory_space<semaphore_mem>>)
      %dma_start3A_559 = arith.constant 9 : i32
      %dma_start3A_560 = arith.constant 0 : i32
      %dma_start3A_561 = arith.constant 0 : i32
      %dma_start3A_562 = tpu.memref_slice %arg9[%dma_start3A_559, %dma_start3A_560, %dma_start3A_561] : memref<16x16x128xf32, #tpu.memory_space<vmem>> -> memref<1x16x128xf32, #tpu.memory_space<vmem>>
      %dma_start3A_563 = tpu.memref_squeeze %dma_start3A_562 : memref<1x16x128xf32, #tpu.memory_space<vmem>> -> memref<16x128xf32, #tpu.memory_space<vmem>>
      %dma_start3A_564 = arith.constant 0 : i32
      %dma_start3A_565 = tpu.memref_slice %arg4[%dma_start3A_564, %multiple_of3A_127] : memref<32x1000000xf32, #tpu.memory_space<hbm>> -> memref<16x128xf32, #tpu.memory_space<hbm>>
      %dma_start3A_566 = arith.constant 0 : i32
      %dma_start3A_567 = arith.constant 0 : i32
      %dma_start3A_568 = tpu.memref_slice %arg9[%dma_start3A_559, %dma_start3A_566, %dma_start3A_567] : memref<16x16x128xf32, #tpu.memory_space<vmem>> -> memref<1x16x128xf32, #tpu.memory_space<vmem>>
      %dma_start3A_569 = tpu.memref_squeeze %dma_start3A_568 : memref<1x16x128xf32, #tpu.memory_space<vmem>> -> memref<16x128xf32, #tpu.memory_space<vmem>>
      %dma_start3A_570 = arith.constant 0 : i32
      %dma_start3A_571 = tpu.memref_slice %arg4[%dma_start3A_570, %multiple_of3A_127] : memref<32x1000000xf32, #tpu.memory_space<hbm>> -> memref<16x128xf32, #tpu.memory_space<hbm>>
      tpu.enqueue_dma source(%dma_start3A_571 : memref<16x128xf32, #tpu.memory_space<hbm>>) target(%dma_start3A_569 : memref<16x128xf32, #tpu.memory_space<vmem>>) target_semaphore(%arg12 : memref<!tpu.dma_semaphore, #tpu.memory_space<semaphore_mem>>)
      %dma_start3A_572 = arith.constant 9 : i32
      %dma_start3A_573 = arith.constant 0 : i32
      %dma_start3A_574 = arith.constant 0 : i32
      %dma_start3A_575 = tpu.memref_slice %arg10[%dma_start3A_572, %dma_start3A_573, %dma_start3A_574] : memref<16x16x128xf32, #tpu.memory_space<vmem>> -> memref<1x16x128xf32, #tpu.memory_space<vmem>>
      %dma_start3A_576 = tpu.memref_squeeze %dma_start3A_575 : memref<1x16x128xf32, #tpu.memory_space<vmem>> -> memref<16x128xf32, #tpu.memory_space<vmem>>
      %dma_start3A_577 = arith.constant 0 : i32
      %dma_start3A_578 = tpu.memref_slice %arg5[%dma_start3A_577, %multiple_of3A_271] : memref<32x1000000xf32, #tpu.memory_space<hbm>> -> memref<16x128xf32, #tpu.memory_space<hbm>>
      %dma_start3A_579 = arith.constant 0 : i32
      %dma_start3A_580 = arith.constant 0 : i32
      %dma_start3A_581 = tpu.memref_slice %arg10[%dma_start3A_572, %dma_start3A_579, %dma_start3A_580] : memref<16x16x128xf32, #tpu.memory_space<vmem>> -> memref<1x16x128xf32, #tpu.memory_space<vmem>>
      %dma_start3A_582 = tpu.memref_squeeze %dma_start3A_581 : memref<1x16x128xf32, #tpu.memory_space<vmem>> -> memref<16x128xf32, #tpu.memory_space<vmem>>
      %dma_start3A_583 = arith.constant 0 : i32
      %dma_start3A_584 = tpu.memref_slice %arg5[%dma_start3A_583, %multiple_of3A_271] : memref<32x1000000xf32, #tpu.memory_space<hbm>> -> memref<16x128xf32, #tpu.memory_space<hbm>>
      tpu.enqueue_dma source(%dma_start3A_584 : memref<16x128xf32, #tpu.memory_space<hbm>>) target(%dma_start3A_582 : memref<16x128xf32, #tpu.memory_space<vmem>>) target_semaphore(%arg12 : memref<!tpu.dma_semaphore, #tpu.memory_space<semaphore_mem>>)
      %dma_start3A_585 = arith.constant 10 : i32
      %dma_start3A_586 = arith.constant 0 : i32
      %dma_start3A_587 = arith.constant 0 : i32
      %dma_start3A_588 = tpu.memref_slice %arg9[%dma_start3A_585, %dma_start3A_586, %dma_start3A_587] : memref<16x16x128xf32, #tpu.memory_space<vmem>> -> memref<1x16x128xf32, #tpu.memory_space<vmem>>
      %dma_start3A_589 = tpu.memref_squeeze %dma_start3A_588 : memref<1x16x128xf32, #tpu.memory_space<vmem>> -> memref<16x128xf32, #tpu.memory_space<vmem>>
      %dma_start3A_590 = arith.constant 0 : i32
      %dma_start3A_591 = tpu.memref_slice %arg4[%dma_start3A_590, %multiple_of3A_136] : memref<32x1000000xf32, #tpu.memory_space<hbm>> -> memref<16x128xf32, #tpu.memory_space<hbm>>
      %dma_start3A_592 = arith.constant 0 : i32
      %dma_start3A_593 = arith.constant 0 : i32
      %dma_start3A_594 = tpu.memref_slice %arg9[%dma_start3A_585, %dma_start3A_592, %dma_start3A_593] : memref<16x16x128xf32, #tpu.memory_space<vmem>> -> memref<1x16x128xf32, #tpu.memory_space<vmem>>
      %dma_start3A_595 = tpu.memref_squeeze %dma_start3A_594 : memref<1x16x128xf32, #tpu.memory_space<vmem>> -> memref<16x128xf32, #tpu.memory_space<vmem>>
      %dma_start3A_596 = arith.constant 0 : i32
      %dma_start3A_597 = tpu.memref_slice %arg4[%dma_start3A_596, %multiple_of3A_136] : memref<32x1000000xf32, #tpu.memory_space<hbm>> -> memref<16x128xf32, #tpu.memory_space<hbm>>
      tpu.enqueue_dma source(%dma_start3A_597 : memref<16x128xf32, #tpu.memory_space<hbm>>) target(%dma_start3A_595 : memref<16x128xf32, #tpu.memory_space<vmem>>) target_semaphore(%arg12 : memref<!tpu.dma_semaphore, #tpu.memory_space<semaphore_mem>>)
      %dma_start3A_598 = arith.constant 10 : i32
      %dma_start3A_599 = arith.constant 0 : i32
      %dma_start3A_600 = arith.constant 0 : i32
      %dma_start3A_601 = tpu.memref_slice %arg10[%dma_start3A_598, %dma_start3A_599, %dma_start3A_600] : memref<16x16x128xf32, #tpu.memory_space<vmem>> -> memref<1x16x128xf32, #tpu.memory_space<vmem>>
      %dma_start3A_602 = tpu.memref_squeeze %dma_start3A_601 : memref<1x16x128xf32, #tpu.memory_space<vmem>> -> memref<16x128xf32, #tpu.memory_space<vmem>>
      %dma_start3A_603 = arith.constant 0 : i32
      %dma_start3A_604 = tpu.memref_slice %arg5[%dma_start3A_603, %multiple_of3A_280] : memref<32x1000000xf32, #tpu.memory_space<hbm>> -> memref<16x128xf32, #tpu.memory_space<hbm>>
      %dma_start3A_605 = arith.constant 0 : i32
      %dma_start3A_606 = arith.constant 0 : i32
      %dma_start3A_607 = tpu.memref_slice %arg10[%dma_start3A_598, %dma_start3A_605, %dma_start3A_606] : memref<16x16x128xf32, #tpu.memory_space<vmem>> -> memref<1x16x128xf32, #tpu.memory_space<vmem>>
      %dma_start3A_608 = tpu.memref_squeeze %dma_start3A_607 : memref<1x16x128xf32, #tpu.memory_space<vmem>> -> memref<16x128xf32, #tpu.memory_space<vmem>>
      %dma_start3A_609 = arith.constant 0 : i32
      %dma_start3A_610 = tpu.memref_slice %arg5[%dma_start3A_609, %multiple_of3A_280] : memref<32x1000000xf32, #tpu.memory_space<hbm>> -> memref<16x128xf32, #tpu.memory_space<hbm>>
      tpu.enqueue_dma source(%dma_start3A_610 : memref<16x128xf32, #tpu.memory_space<hbm>>) target(%dma_start3A_608 : memref<16x128xf32, #tpu.memory_space<vmem>>) target_semaphore(%arg12 : memref<!tpu.dma_semaphore, #tpu.memory_space<semaphore_mem>>)
      %dma_start3A_611 = arith.constant 11 : i32
      %dma_start3A_612 = arith.constant 0 : i32
      %dma_start3A_613 = arith.constant 0 : i32
      %dma_start3A_614 = tpu.memref_slice %arg9[%dma_start3A_611, %dma_start3A_612, %dma_start3A_613] : memref<16x16x128xf32, #tpu.memory_space<vmem>> -> memref<1x16x128xf32, #tpu.memory_space<vmem>>
      %dma_start3A_615 = tpu.memref_squeeze %dma_start3A_614 : memref<1x16x128xf32, #tpu.memory_space<vmem>> -> memref<16x128xf32, #tpu.memory_space<vmem>>
      %dma_start3A_616 = arith.constant 0 : i32
      %dma_start3A_617 = tpu.memref_slice %arg4[%dma_start3A_616, %multiple_of3A_145] : memref<32x1000000xf32, #tpu.memory_space<hbm>> -> memref<16x128xf32, #tpu.memory_space<hbm>>
      %dma_start3A_618 = arith.constant 0 : i32
      %dma_start3A_619 = arith.constant 0 : i32
      %dma_start3A_620 = tpu.memref_slice %arg9[%dma_start3A_611, %dma_start3A_618, %dma_start3A_619] : memref<16x16x128xf32, #tpu.memory_space<vmem>> -> memref<1x16x128xf32, #tpu.memory_space<vmem>>
      %dma_start3A_621 = tpu.memref_squeeze %dma_start3A_620 : memref<1x16x128xf32, #tpu.memory_space<vmem>> -> memref<16x128xf32, #tpu.memory_space<vmem>>
      %dma_start3A_622 = arith.constant 0 : i32
      %dma_start3A_623 = tpu.memref_slice %arg4[%dma_start3A_622, %multiple_of3A_145] : memref<32x1000000xf32, #tpu.memory_space<hbm>> -> memref<16x128xf32, #tpu.memory_space<hbm>>
      tpu.enqueue_dma source(%dma_start3A_623 : memref<16x128xf32, #tpu.memory_space<hbm>>) target(%dma_start3A_621 : memref<16x128xf32, #tpu.memory_space<vmem>>) target_semaphore(%arg12 : memref<!tpu.dma_semaphore, #tpu.memory_space<semaphore_mem>>)
      %dma_start3A_624 = arith.constant 11 : i32
      %dma_start3A_625 = arith.constant 0 : i32
      %dma_start3A_626 = arith.constant 0 : i32
      %dma_start3A_627 = tpu.memref_slice %arg10[%dma_start3A_624, %dma_start3A_625, %dma_start3A_626] : memref<16x16x128xf32, #tpu.memory_space<vmem>> -> memref<1x16x128xf32, #tpu.memory_space<vmem>>
      %dma_start3A_628 = tpu.memref_squeeze %dma_start3A_627 : memref<1x16x128xf32, #tpu.memory_space<vmem>> -> memref<16x128xf32, #tpu.memory_space<vmem>>
      %dma_start3A_629 = arith.constant 0 : i32
      %dma_start3A_630 = tpu.memref_slice %arg5[%dma_start3A_629, %multiple_of3A_289] : memref<32x1000000xf32, #tpu.memory_space<hbm>> -> memref<16x128xf32, #tpu.memory_space<hbm>>
      %dma_start3A_631 = arith.constant 0 : i32
      %dma_start3A_632 = arith.constant 0 : i32
      %dma_start3A_633 = tpu.memref_slice %arg10[%dma_start3A_624, %dma_start3A_631, %dma_start3A_632] : memref<16x16x128xf32, #tpu.memory_space<vmem>> -> memref<1x16x128xf32, #tpu.memory_space<vmem>>
      %dma_start3A_634 = tpu.memref_squeeze %dma_start3A_633 : memref<1x16x128xf32, #tpu.memory_space<vmem>> -> memref<16x128xf32, #tpu.memory_space<vmem>>
      %dma_start3A_635 = arith.constant 0 : i32
      %dma_start3A_636 = tpu.memref_slice %arg5[%dma_start3A_635, %multiple_of3A_289] : memref<32x1000000xf32, #tpu.memory_space<hbm>> -> memref<16x128xf32, #tpu.memory_space<hbm>>
      tpu.enqueue_dma source(%dma_start3A_636 : memref<16x128xf32, #tpu.memory_space<hbm>>) target(%dma_start3A_634 : memref<16x128xf32, #tpu.memory_space<vmem>>) target_semaphore(%arg12 : memref<!tpu.dma_semaphore, #tpu.memory_space<semaphore_mem>>)
      %dma_start3A_637 = arith.constant 12 : i32
      %dma_start3A_638 = arith.constant 0 : i32
      %dma_start3A_639 = arith.constant 0 : i32
      %dma_start3A_640 = tpu.memref_slice %arg9[%dma_start3A_637, %dma_start3A_638, %dma_start3A_639] : memref<16x16x128xf32, #tpu.memory_space<vmem>> -> memref<1x16x128xf32, #tpu.memory_space<vmem>>
      %dma_start3A_641 = tpu.memref_squeeze %dma_start3A_640 : memref<1x16x128xf32, #tpu.memory_space<vmem>> -> memref<16x128xf32, #tpu.memory_space<vmem>>
      %dma_start3A_642 = arith.constant 0 : i32
      %dma_start3A_643 = tpu.memref_slice %arg4[%dma_start3A_642, %multiple_of3A_154] : memref<32x1000000xf32, #tpu.memory_space<hbm>> -> memref<16x128xf32, #tpu.memory_space<hbm>>
      %dma_start3A_644 = arith.constant 0 : i32
      %dma_start3A_645 = arith.constant 0 : i32
      %dma_start3A_646 = tpu.memref_slice %arg9[%dma_start3A_637, %dma_start3A_644, %dma_start3A_645] : memref<16x16x128xf32, #tpu.memory_space<vmem>> -> memref<1x16x128xf32, #tpu.memory_space<vmem>>
      %dma_start3A_647 = tpu.memref_squeeze %dma_start3A_646 : memref<1x16x128xf32, #tpu.memory_space<vmem>> -> memref<16x128xf32, #tpu.memory_space<vmem>>
      %dma_start3A_648 = arith.constant 0 : i32
      %dma_start3A_649 = tpu.memref_slice %arg4[%dma_start3A_648, %multiple_of3A_154] : memref<32x1000000xf32, #tpu.memory_space<hbm>> -> memref<16x128xf32, #tpu.memory_space<hbm>>
      tpu.enqueue_dma source(%dma_start3A_649 : memref<16x128xf32, #tpu.memory_space<hbm>>) target(%dma_start3A_647 : memref<16x128xf32, #tpu.memory_space<vmem>>) target_semaphore(%arg12 : memref<!tpu.dma_semaphore, #tpu.memory_space<semaphore_mem>>)
      %dma_start3A_650 = arith.constant 12 : i32
      %dma_start3A_651 = arith.constant 0 : i32
      %dma_start3A_652 = arith.constant 0 : i32
      %dma_start3A_653 = tpu.memref_slice %arg10[%dma_start3A_650, %dma_start3A_651, %dma_start3A_652] : memref<16x16x128xf32, #tpu.memory_space<vmem>> -> memref<1x16x128xf32, #tpu.memory_space<vmem>>
      %dma_start3A_654 = tpu.memref_squeeze %dma_start3A_653 : memref<1x16x128xf32, #tpu.memory_space<vmem>> -> memref<16x128xf32, #tpu.memory_space<vmem>>
      %dma_start3A_655 = arith.constant 0 : i32
      %dma_start3A_656 = tpu.memref_slice %arg5[%dma_start3A_655, %multiple_of3A_298] : memref<32x1000000xf32, #tpu.memory_space<hbm>> -> memref<16x128xf32, #tpu.memory_space<hbm>>
      %dma_start3A_657 = arith.constant 0 : i32
      %dma_start3A_658 = arith.constant 0 : i32
      %dma_start3A_659 = tpu.memref_slice %arg10[%dma_start3A_650, %dma_start3A_657, %dma_start3A_658] : memref<16x16x128xf32, #tpu.memory_space<vmem>> -> memref<1x16x128xf32, #tpu.memory_space<vmem>>
      %dma_start3A_660 = tpu.memref_squeeze %dma_start3A_659 : memref<1x16x128xf32, #tpu.memory_space<vmem>> -> memref<16x128xf32, #tpu.memory_space<vmem>>
      %dma_start3A_661 = arith.constant 0 : i32
      %dma_start3A_662 = tpu.memref_slice %arg5[%dma_start3A_661, %multiple_of3A_298] : memref<32x1000000xf32, #tpu.memory_space<hbm>> -> memref<16x128xf32, #tpu.memory_space<hbm>>
      tpu.enqueue_dma source(%dma_start3A_662 : memref<16x128xf32, #tpu.memory_space<hbm>>) target(%dma_start3A_660 : memref<16x128xf32, #tpu.memory_space<vmem>>) target_semaphore(%arg12 : memref<!tpu.dma_semaphore, #tpu.memory_space<semaphore_mem>>)
      %dma_start3A_663 = arith.constant 13 : i32
      %dma_start3A_664 = arith.constant 0 : i32
      %dma_start3A_665 = arith.constant 0 : i32
      %dma_start3A_666 = tpu.memref_slice %arg9[%dma_start3A_663, %dma_start3A_664, %dma_start3A_665] : memref<16x16x128xf32, #tpu.memory_space<vmem>> -> memref<1x16x128xf32, #tpu.memory_space<vmem>>
      %dma_start3A_667 = tpu.memref_squeeze %dma_start3A_666 : memref<1x16x128xf32, #tpu.memory_space<vmem>> -> memref<16x128xf32, #tpu.memory_space<vmem>>
      %dma_start3A_668 = arith.constant 0 : i32
      %dma_start3A_669 = tpu.memref_slice %arg4[%dma_start3A_668, %multiple_of3A_163] : memref<32x1000000xf32, #tpu.memory_space<hbm>> -> memref<16x128xf32, #tpu.memory_space<hbm>>
      %dma_start3A_670 = arith.constant 0 : i32
      %dma_start3A_671 = arith.constant 0 : i32
      %dma_start3A_672 = tpu.memref_slice %arg9[%dma_start3A_663, %dma_start3A_670, %dma_start3A_671] : memref<16x16x128xf32, #tpu.memory_space<vmem>> -> memref<1x16x128xf32, #tpu.memory_space<vmem>>
      %dma_start3A_673 = tpu.memref_squeeze %dma_start3A_672 : memref<1x16x128xf32, #tpu.memory_space<vmem>> -> memref<16x128xf32, #tpu.memory_space<vmem>>
      %dma_start3A_674 = arith.constant 0 : i32
      %dma_start3A_675 = tpu.memref_slice %arg4[%dma_start3A_674, %multiple_of3A_163] : memref<32x1000000xf32, #tpu.memory_space<hbm>> -> memref<16x128xf32, #tpu.memory_space<hbm>>
      tpu.enqueue_dma source(%dma_start3A_675 : memref<16x128xf32, #tpu.memory_space<hbm>>) target(%dma_start3A_673 : memref<16x128xf32, #tpu.memory_space<vmem>>) target_semaphore(%arg12 : memref<!tpu.dma_semaphore, #tpu.memory_space<semaphore_mem>>)
      %dma_start3A_676 = arith.constant 13 : i32
      %dma_start3A_677 = arith.constant 0 : i32
      %dma_start3A_678 = arith.constant 0 : i32
      %dma_start3A_679 = tpu.memref_slice %arg10[%dma_start3A_676, %dma_start3A_677, %dma_start3A_678] : memref<16x16x128xf32, #tpu.memory_space<vmem>> -> memref<1x16x128xf32, #tpu.memory_space<vmem>>
      %dma_start3A_680 = tpu.memref_squeeze %dma_start3A_679 : memref<1x16x128xf32, #tpu.memory_space<vmem>> -> memref<16x128xf32, #tpu.memory_space<vmem>>
      %dma_start3A_681 = arith.constant 0 : i32
      %dma_start3A_682 = tpu.memref_slice %arg5[%dma_start3A_681, %multiple_of3A_307] : memref<32x1000000xf32, #tpu.memory_space<hbm>> -> memref<16x128xf32, #tpu.memory_space<hbm>>
      %dma_start3A_683 = arith.constant 0 : i32
      %dma_start3A_684 = arith.constant 0 : i32
      %dma_start3A_685 = tpu.memref_slice %arg10[%dma_start3A_676, %dma_start3A_683, %dma_start3A_684] : memref<16x16x128xf32, #tpu.memory_space<vmem>> -> memref<1x16x128xf32, #tpu.memory_space<vmem>>
      %dma_start3A_686 = tpu.memref_squeeze %dma_start3A_685 : memref<1x16x128xf32, #tpu.memory_space<vmem>> -> memref<16x128xf32, #tpu.memory_space<vmem>>
      %dma_start3A_687 = arith.constant 0 : i32
      %dma_start3A_688 = tpu.memref_slice %arg5[%dma_start3A_687, %multiple_of3A_307] : memref<32x1000000xf32, #tpu.memory_space<hbm>> -> memref<16x128xf32, #tpu.memory_space<hbm>>
      tpu.enqueue_dma source(%dma_start3A_688 : memref<16x128xf32, #tpu.memory_space<hbm>>) target(%dma_start3A_686 : memref<16x128xf32, #tpu.memory_space<vmem>>) target_semaphore(%arg12 : memref<!tpu.dma_semaphore, #tpu.memory_space<semaphore_mem>>)
      %dma_start3A_689 = arith.constant 14 : i32
      %dma_start3A_690 = arith.constant 0 : i32
      %dma_start3A_691 = arith.constant 0 : i32
      %dma_start3A_692 = tpu.memref_slice %arg9[%dma_start3A_689, %dma_start3A_690, %dma_start3A_691] : memref<16x16x128xf32, #tpu.memory_space<vmem>> -> memref<1x16x128xf32, #tpu.memory_space<vmem>>
      %dma_start3A_693 = tpu.memref_squeeze %dma_start3A_692 : memref<1x16x128xf32, #tpu.memory_space<vmem>> -> memref<16x128xf32, #tpu.memory_space<vmem>>
      %dma_start3A_694 = arith.constant 0 : i32
      %dma_start3A_695 = tpu.memref_slice %arg4[%dma_start3A_694, %multiple_of3A_172] : memref<32x1000000xf32, #tpu.memory_space<hbm>> -> memref<16x128xf32, #tpu.memory_space<hbm>>
      %dma_start3A_696 = arith.constant 0 : i32
      %dma_start3A_697 = arith.constant 0 : i32
      %dma_start3A_698 = tpu.memref_slice %arg9[%dma_start3A_689, %dma_start3A_696, %dma_start3A_697] : memref<16x16x128xf32, #tpu.memory_space<vmem>> -> memref<1x16x128xf32, #tpu.memory_space<vmem>>
      %dma_start3A_699 = tpu.memref_squeeze %dma_start3A_698 : memref<1x16x128xf32, #tpu.memory_space<vmem>> -> memref<16x128xf32, #tpu.memory_space<vmem>>
      %dma_start3A_700 = arith.constant 0 : i32
      %dma_start3A_701 = tpu.memref_slice %arg4[%dma_start3A_700, %multiple_of3A_172] : memref<32x1000000xf32, #tpu.memory_space<hbm>> -> memref<16x128xf32, #tpu.memory_space<hbm>>
      tpu.enqueue_dma source(%dma_start3A_701 : memref<16x128xf32, #tpu.memory_space<hbm>>) target(%dma_start3A_699 : memref<16x128xf32, #tpu.memory_space<vmem>>) target_semaphore(%arg12 : memref<!tpu.dma_semaphore, #tpu.memory_space<semaphore_mem>>)
      %dma_start3A_702 = arith.constant 14 : i32
      %dma_start3A_703 = arith.constant 0 : i32
      %dma_start3A_704 = arith.constant 0 : i32
      %dma_start3A_705 = tpu.memref_slice %arg10[%dma_start3A_702, %dma_start3A_703, %dma_start3A_704] : memref<16x16x128xf32, #tpu.memory_space<vmem>> -> memref<1x16x128xf32, #tpu.memory_space<vmem>>
      %dma_start3A_706 = tpu.memref_squeeze %dma_start3A_705 : memref<1x16x128xf32, #tpu.memory_space<vmem>> -> memref<16x128xf32, #tpu.memory_space<vmem>>
      %dma_start3A_707 = arith.constant 0 : i32
      %dma_start3A_708 = tpu.memref_slice %arg5[%dma_start3A_707, %multiple_of3A_316] : memref<32x1000000xf32, #tpu.memory_space<hbm>> -> memref<16x128xf32, #tpu.memory_space<hbm>>
      %dma_start3A_709 = arith.constant 0 : i32
      %dma_start3A_710 = arith.constant 0 : i32
      %dma_start3A_711 = tpu.memref_slice %arg10[%dma_start3A_702, %dma_start3A_709, %dma_start3A_710] : memref<16x16x128xf32, #tpu.memory_space<vmem>> -> memref<1x16x128xf32, #tpu.memory_space<vmem>>
      %dma_start3A_712 = tpu.memref_squeeze %dma_start3A_711 : memref<1x16x128xf32, #tpu.memory_space<vmem>> -> memref<16x128xf32, #tpu.memory_space<vmem>>
      %dma_start3A_713 = arith.constant 0 : i32
      %dma_start3A_714 = tpu.memref_slice %arg5[%dma_start3A_713, %multiple_of3A_316] : memref<32x1000000xf32, #tpu.memory_space<hbm>> -> memref<16x128xf32, #tpu.memory_space<hbm>>
      tpu.enqueue_dma source(%dma_start3A_714 : memref<16x128xf32, #tpu.memory_space<hbm>>) target(%dma_start3A_712 : memref<16x128xf32, #tpu.memory_space<vmem>>) target_semaphore(%arg12 : memref<!tpu.dma_semaphore, #tpu.memory_space<semaphore_mem>>)
      %dma_start3A_715 = arith.constant 15 : i32
      %dma_start3A_716 = arith.constant 0 : i32
      %dma_start3A_717 = arith.constant 0 : i32
      %dma_start3A_718 = tpu.memref_slice %arg9[%dma_start3A_715, %dma_start3A_716, %dma_start3A_717] : memref<16x16x128xf32, #tpu.memory_space<vmem>> -> memref<1x16x128xf32, #tpu.memory_space<vmem>>
      %dma_start3A_719 = tpu.memref_squeeze %dma_start3A_718 : memref<1x16x128xf32, #tpu.memory_space<vmem>> -> memref<16x128xf32, #tpu.memory_space<vmem>>
      %dma_start3A_720 = arith.constant 0 : i32
      %dma_start3A_721 = tpu.memref_slice %arg4[%dma_start3A_720, %multiple_of3A_181] : memref<32x1000000xf32, #tpu.memory_space<hbm>> -> memref<16x128xf32, #tpu.memory_space<hbm>>
      %dma_start3A_722 = arith.constant 0 : i32
      %dma_start3A_723 = arith.constant 0 : i32
      %dma_start3A_724 = tpu.memref_slice %arg9[%dma_start3A_715, %dma_start3A_722, %dma_start3A_723] : memref<16x16x128xf32, #tpu.memory_space<vmem>> -> memref<1x16x128xf32, #tpu.memory_space<vmem>>
      %dma_start3A_725 = tpu.memref_squeeze %dma_start3A_724 : memref<1x16x128xf32, #tpu.memory_space<vmem>> -> memref<16x128xf32, #tpu.memory_space<vmem>>
      %dma_start3A_726 = arith.constant 0 : i32
      %dma_start3A_727 = tpu.memref_slice %arg4[%dma_start3A_726, %multiple_of3A_181] : memref<32x1000000xf32, #tpu.memory_space<hbm>> -> memref<16x128xf32, #tpu.memory_space<hbm>>
      tpu.enqueue_dma source(%dma_start3A_727 : memref<16x128xf32, #tpu.memory_space<hbm>>) target(%dma_start3A_725 : memref<16x128xf32, #tpu.memory_space<vmem>>) target_semaphore(%arg12 : memref<!tpu.dma_semaphore, #tpu.memory_space<semaphore_mem>>)
      %dma_start3A_728 = arith.constant 15 : i32
      %dma_start3A_729 = arith.constant 0 : i32
      %dma_start3A_730 = arith.constant 0 : i32
      %dma_start3A_731 = tpu.memref_slice %arg10[%dma_start3A_728, %dma_start3A_729, %dma_start3A_730] : memref<16x16x128xf32, #tpu.memory_space<vmem>> -> memref<1x16x128xf32, #tpu.memory_space<vmem>>
      %dma_start3A_732 = tpu.memref_squeeze %dma_start3A_731 : memref<1x16x128xf32, #tpu.memory_space<vmem>> -> memref<16x128xf32, #tpu.memory_space<vmem>>
      %dma_start3A_733 = arith.constant 0 : i32
      %dma_start3A_734 = tpu.memref_slice %arg5[%dma_start3A_733, %multiple_of3A_325] : memref<32x1000000xf32, #tpu.memory_space<hbm>> -> memref<16x128xf32, #tpu.memory_space<hbm>>
      %dma_start3A_735 = arith.constant 0 : i32
      %dma_start3A_736 = arith.constant 0 : i32
      %dma_start3A_737 = tpu.memref_slice %arg10[%dma_start3A_728, %dma_start3A_735, %dma_start3A_736] : memref<16x16x128xf32, #tpu.memory_space<vmem>> -> memref<1x16x128xf32, #tpu.memory_space<vmem>>
      %dma_start3A_738 = tpu.memref_squeeze %dma_start3A_737 : memref<1x16x128xf32, #tpu.memory_space<vmem>> -> memref<16x128xf32, #tpu.memory_space<vmem>>
      %dma_start3A_739 = arith.constant 0 : i32
      %dma_start3A_740 = tpu.memref_slice %arg5[%dma_start3A_739, %multiple_of3A_325] : memref<32x1000000xf32, #tpu.memory_space<hbm>> -> memref<16x128xf32, #tpu.memory_space<hbm>>
      tpu.enqueue_dma source(%dma_start3A_740 : memref<16x128xf32, #tpu.memory_space<hbm>>) target(%dma_start3A_738 : memref<16x128xf32, #tpu.memory_space<vmem>>) target_semaphore(%arg12 : memref<!tpu.dma_semaphore, #tpu.memory_space<semaphore_mem>>)
      %dma_wait3A = arith.constant 0 : i32
      %dma_wait3A_741 = arith.constant 0 : i32
      %dma_wait3A_742 = arith.constant 0 : i32
      %dma_wait3A_743 = tpu.memref_slice %arg9[%dma_wait3A, %dma_wait3A_741, %dma_wait3A_742] : memref<16x16x128xf32, #tpu.memory_space<vmem>> -> memref<1x16x128xf32, #tpu.memory_space<vmem>>
      %dma_wait3A_744 = tpu.memref_squeeze %dma_wait3A_743 : memref<1x16x128xf32, #tpu.memory_space<vmem>> -> memref<16x128xf32, #tpu.memory_space<vmem>>
      %dma_wait3A_745 = arith.constant 0 : i32
      %dma_wait3A_746 = tpu.memref_slice %arg4[%dma_wait3A_745, %multiple_of3A] : memref<32x1000000xf32, #tpu.memory_space<hbm>> -> memref<16x128xf32, #tpu.memory_space<hbm>>
      %dma_wait3A_747 = arith.constant 0 : i32
      %dma_wait3A_748 = arith.constant 0 : i32
      %dma_wait3A_749 = tpu.memref_slice %arg9[%dma_wait3A, %dma_wait3A_747, %dma_wait3A_748] : memref<16x16x128xf32, #tpu.memory_space<vmem>> -> memref<1x16x128xf32, #tpu.memory_space<vmem>>
      %dma_wait3A_750 = tpu.memref_squeeze %dma_wait3A_749 : memref<1x16x128xf32, #tpu.memory_space<vmem>> -> memref<16x128xf32, #tpu.memory_space<vmem>>
      %dma_wait3A_751 = arith.constant 0 : i32
      %dma_wait3A_752 = tpu.memref_slice %arg4[%dma_wait3A_751, %multiple_of3A] : memref<32x1000000xf32, #tpu.memory_space<hbm>> -> memref<16x128xf32, #tpu.memory_space<hbm>>
      tpu.wait_dma2 semaphore(%arg12 : memref<!tpu.dma_semaphore, #tpu.memory_space<semaphore_mem>>) src(%dma_wait3A_752 : memref<16x128xf32, #tpu.memory_space<hbm>>) dst(%dma_wait3A_750 : memref<16x128xf32, #tpu.memory_space<vmem>>)
      %dma_wait3A_753 = arith.constant 0 : i32
      %dma_wait3A_754 = arith.constant 0 : i32
      %dma_wait3A_755 = arith.constant 0 : i32
      %dma_wait3A_756 = tpu.memref_slice %arg10[%dma_wait3A_753, %dma_wait3A_754, %dma_wait3A_755] : memref<16x16x128xf32, #tpu.memory_space<vmem>> -> memref<1x16x128xf32, #tpu.memory_space<vmem>>
      %dma_wait3A_757 = tpu.memref_squeeze %dma_wait3A_756 : memref<1x16x128xf32, #tpu.memory_space<vmem>> -> memref<16x128xf32, #tpu.memory_space<vmem>>
      %dma_wait3A_758 = arith.constant 0 : i32
      %dma_wait3A_759 = tpu.memref_slice %arg5[%dma_wait3A_758, %multiple_of3A_190] : memref<32x1000000xf32, #tpu.memory_space<hbm>> -> memref<16x128xf32, #tpu.memory_space<hbm>>
      %dma_wait3A_760 = arith.constant 0 : i32
      %dma_wait3A_761 = arith.constant 0 : i32
      %dma_wait3A_762 = tpu.memref_slice %arg10[%dma_wait3A_753, %dma_wait3A_760, %dma_wait3A_761] : memref<16x16x128xf32, #tpu.memory_space<vmem>> -> memref<1x16x128xf32, #tpu.memory_space<vmem>>
      %dma_wait3A_763 = tpu.memref_squeeze %dma_wait3A_762 : memref<1x16x128xf32, #tpu.memory_space<vmem>> -> memref<16x128xf32, #tpu.memory_space<vmem>>
      %dma_wait3A_764 = arith.constant 0 : i32
      %dma_wait3A_765 = tpu.memref_slice %arg5[%dma_wait3A_764, %multiple_of3A_190] : memref<32x1000000xf32, #tpu.memory_space<hbm>> -> memref<16x128xf32, #tpu.memory_space<hbm>>
      tpu.wait_dma2 semaphore(%arg12 : memref<!tpu.dma_semaphore, #tpu.memory_space<semaphore_mem>>) src(%dma_wait3A_765 : memref<16x128xf32, #tpu.memory_space<hbm>>) dst(%dma_wait3A_763 : memref<16x128xf32, #tpu.memory_space<vmem>>)
      %dma_wait3A_766 = arith.constant 1 : i32
      %dma_wait3A_767 = arith.constant 0 : i32
      %dma_wait3A_768 = arith.constant 0 : i32
      %dma_wait3A_769 = tpu.memref_slice %arg9[%dma_wait3A_766, %dma_wait3A_767, %dma_wait3A_768] : memref<16x16x128xf32, #tpu.memory_space<vmem>> -> memref<1x16x128xf32, #tpu.memory_space<vmem>>
      %dma_wait3A_770 = tpu.memref_squeeze %dma_wait3A_769 : memref<1x16x128xf32, #tpu.memory_space<vmem>> -> memref<16x128xf32, #tpu.memory_space<vmem>>
      %dma_wait3A_771 = arith.constant 0 : i32
      %dma_wait3A_772 = tpu.memref_slice %arg4[%dma_wait3A_771, %multiple_of3A_55] : memref<32x1000000xf32, #tpu.memory_space<hbm>> -> memref<16x128xf32, #tpu.memory_space<hbm>>
      %dma_wait3A_773 = arith.constant 0 : i32
      %dma_wait3A_774 = arith.constant 0 : i32
      %dma_wait3A_775 = tpu.memref_slice %arg9[%dma_wait3A_766, %dma_wait3A_773, %dma_wait3A_774] : memref<16x16x128xf32, #tpu.memory_space<vmem>> -> memref<1x16x128xf32, #tpu.memory_space<vmem>>
      %dma_wait3A_776 = tpu.memref_squeeze %dma_wait3A_775 : memref<1x16x128xf32, #tpu.memory_space<vmem>> -> memref<16x128xf32, #tpu.memory_space<vmem>>
      %dma_wait3A_777 = arith.constant 0 : i32
      %dma_wait3A_778 = tpu.memref_slice %arg4[%dma_wait3A_777, %multiple_of3A_55] : memref<32x1000000xf32, #tpu.memory_space<hbm>> -> memref<16x128xf32, #tpu.memory_space<hbm>>
      tpu.wait_dma2 semaphore(%arg12 : memref<!tpu.dma_semaphore, #tpu.memory_space<semaphore_mem>>) src(%dma_wait3A_778 : memref<16x128xf32, #tpu.memory_space<hbm>>) dst(%dma_wait3A_776 : memref<16x128xf32, #tpu.memory_space<vmem>>)
      %dma_wait3A_779 = arith.constant 1 : i32
      %dma_wait3A_780 = arith.constant 0 : i32
      %dma_wait3A_781 = arith.constant 0 : i32
      %dma_wait3A_782 = tpu.memref_slice %arg10[%dma_wait3A_779, %dma_wait3A_780, %dma_wait3A_781] : memref<16x16x128xf32, #tpu.memory_space<vmem>> -> memref<1x16x128xf32, #tpu.memory_space<vmem>>
      %dma_wait3A_783 = tpu.memref_squeeze %dma_wait3A_782 : memref<1x16x128xf32, #tpu.memory_space<vmem>> -> memref<16x128xf32, #tpu.memory_space<vmem>>
      %dma_wait3A_784 = arith.constant 0 : i32
      %dma_wait3A_785 = tpu.memref_slice %arg5[%dma_wait3A_784, %multiple_of3A_199] : memref<32x1000000xf32, #tpu.memory_space<hbm>> -> memref<16x128xf32, #tpu.memory_space<hbm>>
      %dma_wait3A_786 = arith.constant 0 : i32
      %dma_wait3A_787 = arith.constant 0 : i32
      %dma_wait3A_788 = tpu.memref_slice %arg10[%dma_wait3A_779, %dma_wait3A_786, %dma_wait3A_787] : memref<16x16x128xf32, #tpu.memory_space<vmem>> -> memref<1x16x128xf32, #tpu.memory_space<vmem>>
      %dma_wait3A_789 = tpu.memref_squeeze %dma_wait3A_788 : memref<1x16x128xf32, #tpu.memory_space<vmem>> -> memref<16x128xf32, #tpu.memory_space<vmem>>
      %dma_wait3A_790 = arith.constant 0 : i32
      %dma_wait3A_791 = tpu.memref_slice %arg5[%dma_wait3A_790, %multiple_of3A_199] : memref<32x1000000xf32, #tpu.memory_space<hbm>> -> memref<16x128xf32, #tpu.memory_space<hbm>>
      tpu.wait_dma2 semaphore(%arg12 : memref<!tpu.dma_semaphore, #tpu.memory_space<semaphore_mem>>) src(%dma_wait3A_791 : memref<16x128xf32, #tpu.memory_space<hbm>>) dst(%dma_wait3A_789 : memref<16x128xf32, #tpu.memory_space<vmem>>)
      %dma_wait3A_792 = arith.constant 2 : i32
      %dma_wait3A_793 = arith.constant 0 : i32
      %dma_wait3A_794 = arith.constant 0 : i32
      %dma_wait3A_795 = tpu.memref_slice %arg9[%dma_wait3A_792, %dma_wait3A_793, %dma_wait3A_794] : memref<16x16x128xf32, #tpu.memory_space<vmem>> -> memref<1x16x128xf32, #tpu.memory_space<vmem>>
      %dma_wait3A_796 = tpu.memref_squeeze %dma_wait3A_795 : memref<1x16x128xf32, #tpu.memory_space<vmem>> -> memref<16x128xf32, #tpu.memory_space<vmem>>
      %dma_wait3A_797 = arith.constant 0 : i32
      %dma_wait3A_798 = tpu.memref_slice %arg4[%dma_wait3A_797, %multiple_of3A_64] : memref<32x1000000xf32, #tpu.memory_space<hbm>> -> memref<16x128xf32, #tpu.memory_space<hbm>>
      %dma_wait3A_799 = arith.constant 0 : i32
      %dma_wait3A_800 = arith.constant 0 : i32
      %dma_wait3A_801 = tpu.memref_slice %arg9[%dma_wait3A_792, %dma_wait3A_799, %dma_wait3A_800] : memref<16x16x128xf32, #tpu.memory_space<vmem>> -> memref<1x16x128xf32, #tpu.memory_space<vmem>>
      %dma_wait3A_802 = tpu.memref_squeeze %dma_wait3A_801 : memref<1x16x128xf32, #tpu.memory_space<vmem>> -> memref<16x128xf32, #tpu.memory_space<vmem>>
      %dma_wait3A_803 = arith.constant 0 : i32
      %dma_wait3A_804 = tpu.memref_slice %arg4[%dma_wait3A_803, %multiple_of3A_64] : memref<32x1000000xf32, #tpu.memory_space<hbm>> -> memref<16x128xf32, #tpu.memory_space<hbm>>
      tpu.wait_dma2 semaphore(%arg12 : memref<!tpu.dma_semaphore, #tpu.memory_space<semaphore_mem>>) src(%dma_wait3A_804 : memref<16x128xf32, #tpu.memory_space<hbm>>) dst(%dma_wait3A_802 : memref<16x128xf32, #tpu.memory_space<vmem>>)
      %dma_wait3A_805 = arith.constant 2 : i32
      %dma_wait3A_806 = arith.constant 0 : i32
      %dma_wait3A_807 = arith.constant 0 : i32
      %dma_wait3A_808 = tpu.memref_slice %arg10[%dma_wait3A_805, %dma_wait3A_806, %dma_wait3A_807] : memref<16x16x128xf32, #tpu.memory_space<vmem>> -> memref<1x16x128xf32, #tpu.memory_space<vmem>>
      %dma_wait3A_809 = tpu.memref_squeeze %dma_wait3A_808 : memref<1x16x128xf32, #tpu.memory_space<vmem>> -> memref<16x128xf32, #tpu.memory_space<vmem>>
      %dma_wait3A_810 = arith.constant 0 : i32
      %dma_wait3A_811 = tpu.memref_slice %arg5[%dma_wait3A_810, %multiple_of3A_208] : memref<32x1000000xf32, #tpu.memory_space<hbm>> -> memref<16x128xf32, #tpu.memory_space<hbm>>
      %dma_wait3A_812 = arith.constant 0 : i32
      %dma_wait3A_813 = arith.constant 0 : i32
      %dma_wait3A_814 = tpu.memref_slice %arg10[%dma_wait3A_805, %dma_wait3A_812, %dma_wait3A_813] : memref<16x16x128xf32, #tpu.memory_space<vmem>> -> memref<1x16x128xf32, #tpu.memory_space<vmem>>
      %dma_wait3A_815 = tpu.memref_squeeze %dma_wait3A_814 : memref<1x16x128xf32, #tpu.memory_space<vmem>> -> memref<16x128xf32, #tpu.memory_space<vmem>>
      %dma_wait3A_816 = arith.constant 0 : i32
      %dma_wait3A_817 = tpu.memref_slice %arg5[%dma_wait3A_816, %multiple_of3A_208] : memref<32x1000000xf32, #tpu.memory_space<hbm>> -> memref<16x128xf32, #tpu.memory_space<hbm>>
      tpu.wait_dma2 semaphore(%arg12 : memref<!tpu.dma_semaphore, #tpu.memory_space<semaphore_mem>>) src(%dma_wait3A_817 : memref<16x128xf32, #tpu.memory_space<hbm>>) dst(%dma_wait3A_815 : memref<16x128xf32, #tpu.memory_space<vmem>>)
      %dma_wait3A_818 = arith.constant 3 : i32
      %dma_wait3A_819 = arith.constant 0 : i32
      %dma_wait3A_820 = arith.constant 0 : i32
      %dma_wait3A_821 = tpu.memref_slice %arg9[%dma_wait3A_818, %dma_wait3A_819, %dma_wait3A_820] : memref<16x16x128xf32, #tpu.memory_space<vmem>> -> memref<1x16x128xf32, #tpu.memory_space<vmem>>
      %dma_wait3A_822 = tpu.memref_squeeze %dma_wait3A_821 : memref<1x16x128xf32, #tpu.memory_space<vmem>> -> memref<16x128xf32, #tpu.memory_space<vmem>>
      %dma_wait3A_823 = arith.constant 0 : i32
      %dma_wait3A_824 = tpu.memref_slice %arg4[%dma_wait3A_823, %multiple_of3A_73] : memref<32x1000000xf32, #tpu.memory_space<hbm>> -> memref<16x128xf32, #tpu.memory_space<hbm>>
      %dma_wait3A_825 = arith.constant 0 : i32
      %dma_wait3A_826 = arith.constant 0 : i32
      %dma_wait3A_827 = tpu.memref_slice %arg9[%dma_wait3A_818, %dma_wait3A_825, %dma_wait3A_826] : memref<16x16x128xf32, #tpu.memory_space<vmem>> -> memref<1x16x128xf32, #tpu.memory_space<vmem>>
      %dma_wait3A_828 = tpu.memref_squeeze %dma_wait3A_827 : memref<1x16x128xf32, #tpu.memory_space<vmem>> -> memref<16x128xf32, #tpu.memory_space<vmem>>
      %dma_wait3A_829 = arith.constant 0 : i32
      %dma_wait3A_830 = tpu.memref_slice %arg4[%dma_wait3A_829, %multiple_of3A_73] : memref<32x1000000xf32, #tpu.memory_space<hbm>> -> memref<16x128xf32, #tpu.memory_space<hbm>>
      tpu.wait_dma2 semaphore(%arg12 : memref<!tpu.dma_semaphore, #tpu.memory_space<semaphore_mem>>) src(%dma_wait3A_830 : memref<16x128xf32, #tpu.memory_space<hbm>>) dst(%dma_wait3A_828 : memref<16x128xf32, #tpu.memory_space<vmem>>)
      %dma_wait3A_831 = arith.constant 3 : i32
      %dma_wait3A_832 = arith.constant 0 : i32
      %dma_wait3A_833 = arith.constant 0 : i32
      %dma_wait3A_834 = tpu.memref_slice %arg10[%dma_wait3A_831, %dma_wait3A_832, %dma_wait3A_833] : memref<16x16x128xf32, #tpu.memory_space<vmem>> -> memref<1x16x128xf32, #tpu.memory_space<vmem>>
      %dma_wait3A_835 = tpu.memref_squeeze %dma_wait3A_834 : memref<1x16x128xf32, #tpu.memory_space<vmem>> -> memref<16x128xf32, #tpu.memory_space<vmem>>
      %dma_wait3A_836 = arith.constant 0 : i32
      %dma_wait3A_837 = tpu.memref_slice %arg5[%dma_wait3A_836, %multiple_of3A_217] : memref<32x1000000xf32, #tpu.memory_space<hbm>> -> memref<16x128xf32, #tpu.memory_space<hbm>>
      %dma_wait3A_838 = arith.constant 0 : i32
      %dma_wait3A_839 = arith.constant 0 : i32
      %dma_wait3A_840 = tpu.memref_slice %arg10[%dma_wait3A_831, %dma_wait3A_838, %dma_wait3A_839] : memref<16x16x128xf32, #tpu.memory_space<vmem>> -> memref<1x16x128xf32, #tpu.memory_space<vmem>>
      %dma_wait3A_841 = tpu.memref_squeeze %dma_wait3A_840 : memref<1x16x128xf32, #tpu.memory_space<vmem>> -> memref<16x128xf32, #tpu.memory_space<vmem>>
      %dma_wait3A_842 = arith.constant 0 : i32
      %dma_wait3A_843 = tpu.memref_slice %arg5[%dma_wait3A_842, %multiple_of3A_217] : memref<32x1000000xf32, #tpu.memory_space<hbm>> -> memref<16x128xf32, #tpu.memory_space<hbm>>
      tpu.wait_dma2 semaphore(%arg12 : memref<!tpu.dma_semaphore, #tpu.memory_space<semaphore_mem>>) src(%dma_wait3A_843 : memref<16x128xf32, #tpu.memory_space<hbm>>) dst(%dma_wait3A_841 : memref<16x128xf32, #tpu.memory_space<vmem>>)
      %dma_wait3A_844 = arith.constant 4 : i32
      %dma_wait3A_845 = arith.constant 0 : i32
      %dma_wait3A_846 = arith.constant 0 : i32
      %dma_wait3A_847 = tpu.memref_slice %arg9[%dma_wait3A_844, %dma_wait3A_845, %dma_wait3A_846] : memref<16x16x128xf32, #tpu.memory_space<vmem>> -> memref<1x16x128xf32, #tpu.memory_space<vmem>>
      %dma_wait3A_848 = tpu.memref_squeeze %dma_wait3A_847 : memref<1x16x128xf32, #tpu.memory_space<vmem>> -> memref<16x128xf32, #tpu.memory_space<vmem>>
      %dma_wait3A_849 = arith.constant 0 : i32
      %dma_wait3A_850 = tpu.memref_slice %arg4[%dma_wait3A_849, %multiple_of3A_82] : memref<32x1000000xf32, #tpu.memory_space<hbm>> -> memref<16x128xf32, #tpu.memory_space<hbm>>
      %dma_wait3A_851 = arith.constant 0 : i32
      %dma_wait3A_852 = arith.constant 0 : i32
      %dma_wait3A_853 = tpu.memref_slice %arg9[%dma_wait3A_844, %dma_wait3A_851, %dma_wait3A_852] : memref<16x16x128xf32, #tpu.memory_space<vmem>> -> memref<1x16x128xf32, #tpu.memory_space<vmem>>
      %dma_wait3A_854 = tpu.memref_squeeze %dma_wait3A_853 : memref<1x16x128xf32, #tpu.memory_space<vmem>> -> memref<16x128xf32, #tpu.memory_space<vmem>>
      %dma_wait3A_855 = arith.constant 0 : i32
      %dma_wait3A_856 = tpu.memref_slice %arg4[%dma_wait3A_855, %multiple_of3A_82] : memref<32x1000000xf32, #tpu.memory_space<hbm>> -> memref<16x128xf32, #tpu.memory_space<hbm>>
      tpu.wait_dma2 semaphore(%arg12 : memref<!tpu.dma_semaphore, #tpu.memory_space<semaphore_mem>>) src(%dma_wait3A_856 : memref<16x128xf32, #tpu.memory_space<hbm>>) dst(%dma_wait3A_854 : memref<16x128xf32, #tpu.memory_space<vmem>>)
      %dma_wait3A_857 = arith.constant 4 : i32
      %dma_wait3A_858 = arith.constant 0 : i32
      %dma_wait3A_859 = arith.constant 0 : i32
      %dma_wait3A_860 = tpu.memref_slice %arg10[%dma_wait3A_857, %dma_wait3A_858, %dma_wait3A_859] : memref<16x16x128xf32, #tpu.memory_space<vmem>> -> memref<1x16x128xf32, #tpu.memory_space<vmem>>
      %dma_wait3A_861 = tpu.memref_squeeze %dma_wait3A_860 : memref<1x16x128xf32, #tpu.memory_space<vmem>> -> memref<16x128xf32, #tpu.memory_space<vmem>>
      %dma_wait3A_862 = arith.constant 0 : i32
      %dma_wait3A_863 = tpu.memref_slice %arg5[%dma_wait3A_862, %multiple_of3A_226] : memref<32x1000000xf32, #tpu.memory_space<hbm>> -> memref<16x128xf32, #tpu.memory_space<hbm>>
      %dma_wait3A_864 = arith.constant 0 : i32
      %dma_wait3A_865 = arith.constant 0 : i32
      %dma_wait3A_866 = tpu.memref_slice %arg10[%dma_wait3A_857, %dma_wait3A_864, %dma_wait3A_865] : memref<16x16x128xf32, #tpu.memory_space<vmem>> -> memref<1x16x128xf32, #tpu.memory_space<vmem>>
      %dma_wait3A_867 = tpu.memref_squeeze %dma_wait3A_866 : memref<1x16x128xf32, #tpu.memory_space<vmem>> -> memref<16x128xf32, #tpu.memory_space<vmem>>
      %dma_wait3A_868 = arith.constant 0 : i32
      %dma_wait3A_869 = tpu.memref_slice %arg5[%dma_wait3A_868, %multiple_of3A_226] : memref<32x1000000xf32, #tpu.memory_space<hbm>> -> memref<16x128xf32, #tpu.memory_space<hbm>>
      tpu.wait_dma2 semaphore(%arg12 : memref<!tpu.dma_semaphore, #tpu.memory_space<semaphore_mem>>) src(%dma_wait3A_869 : memref<16x128xf32, #tpu.memory_space<hbm>>) dst(%dma_wait3A_867 : memref<16x128xf32, #tpu.memory_space<vmem>>)
      %dma_wait3A_870 = arith.constant 5 : i32
      %dma_wait3A_871 = arith.constant 0 : i32
      %dma_wait3A_872 = arith.constant 0 : i32
      %dma_wait3A_873 = tpu.memref_slice %arg9[%dma_wait3A_870, %dma_wait3A_871, %dma_wait3A_872] : memref<16x16x128xf32, #tpu.memory_space<vmem>> -> memref<1x16x128xf32, #tpu.memory_space<vmem>>
      %dma_wait3A_874 = tpu.memref_squeeze %dma_wait3A_873 : memref<1x16x128xf32, #tpu.memory_space<vmem>> -> memref<16x128xf32, #tpu.memory_space<vmem>>
      %dma_wait3A_875 = arith.constant 0 : i32
      %dma_wait3A_876 = tpu.memref_slice %arg4[%dma_wait3A_875, %multiple_of3A_91] : memref<32x1000000xf32, #tpu.memory_space<hbm>> -> memref<16x128xf32, #tpu.memory_space<hbm>>
      %dma_wait3A_877 = arith.constant 0 : i32
      %dma_wait3A_878 = arith.constant 0 : i32
      %dma_wait3A_879 = tpu.memref_slice %arg9[%dma_wait3A_870, %dma_wait3A_877, %dma_wait3A_878] : memref<16x16x128xf32, #tpu.memory_space<vmem>> -> memref<1x16x128xf32, #tpu.memory_space<vmem>>
      %dma_wait3A_880 = tpu.memref_squeeze %dma_wait3A_879 : memref<1x16x128xf32, #tpu.memory_space<vmem>> -> memref<16x128xf32, #tpu.memory_space<vmem>>
      %dma_wait3A_881 = arith.constant 0 : i32
      %dma_wait3A_882 = tpu.memref_slice %arg4[%dma_wait3A_881, %multiple_of3A_91] : memref<32x1000000xf32, #tpu.memory_space<hbm>> -> memref<16x128xf32, #tpu.memory_space<hbm>>
      tpu.wait_dma2 semaphore(%arg12 : memref<!tpu.dma_semaphore, #tpu.memory_space<semaphore_mem>>) src(%dma_wait3A_882 : memref<16x128xf32, #tpu.memory_space<hbm>>) dst(%dma_wait3A_880 : memref<16x128xf32, #tpu.memory_space<vmem>>)
      %dma_wait3A_883 = arith.constant 5 : i32
      %dma_wait3A_884 = arith.constant 0 : i32
      %dma_wait3A_885 = arith.constant 0 : i32
      %dma_wait3A_886 = tpu.memref_slice %arg10[%dma_wait3A_883, %dma_wait3A_884, %dma_wait3A_885] : memref<16x16x128xf32, #tpu.memory_space<vmem>> -> memref<1x16x128xf32, #tpu.memory_space<vmem>>
      %dma_wait3A_887 = tpu.memref_squeeze %dma_wait3A_886 : memref<1x16x128xf32, #tpu.memory_space<vmem>> -> memref<16x128xf32, #tpu.memory_space<vmem>>
      %dma_wait3A_888 = arith.constant 0 : i32
      %dma_wait3A_889 = tpu.memref_slice %arg5[%dma_wait3A_888, %multiple_of3A_235] : memref<32x1000000xf32, #tpu.memory_space<hbm>> -> memref<16x128xf32, #tpu.memory_space<hbm>>
      %dma_wait3A_890 = arith.constant 0 : i32
      %dma_wait3A_891 = arith.constant 0 : i32
      %dma_wait3A_892 = tpu.memref_slice %arg10[%dma_wait3A_883, %dma_wait3A_890, %dma_wait3A_891] : memref<16x16x128xf32, #tpu.memory_space<vmem>> -> memref<1x16x128xf32, #tpu.memory_space<vmem>>
      %dma_wait3A_893 = tpu.memref_squeeze %dma_wait3A_892 : memref<1x16x128xf32, #tpu.memory_space<vmem>> -> memref<16x128xf32, #tpu.memory_space<vmem>>
      %dma_wait3A_894 = arith.constant 0 : i32
      %dma_wait3A_895 = tpu.memref_slice %arg5[%dma_wait3A_894, %multiple_of3A_235] : memref<32x1000000xf32, #tpu.memory_space<hbm>> -> memref<16x128xf32, #tpu.memory_space<hbm>>
      tpu.wait_dma2 semaphore(%arg12 : memref<!tpu.dma_semaphore, #tpu.memory_space<semaphore_mem>>) src(%dma_wait3A_895 : memref<16x128xf32, #tpu.memory_space<hbm>>) dst(%dma_wait3A_893 : memref<16x128xf32, #tpu.memory_space<vmem>>)
      %dma_wait3A_896 = arith.constant 6 : i32
      %dma_wait3A_897 = arith.constant 0 : i32
      %dma_wait3A_898 = arith.constant 0 : i32
      %dma_wait3A_899 = tpu.memref_slice %arg9[%dma_wait3A_896, %dma_wait3A_897, %dma_wait3A_898] : memref<16x16x128xf32, #tpu.memory_space<vmem>> -> memref<1x16x128xf32, #tpu.memory_space<vmem>>
      %dma_wait3A_900 = tpu.memref_squeeze %dma_wait3A_899 : memref<1x16x128xf32, #tpu.memory_space<vmem>> -> memref<16x128xf32, #tpu.memory_space<vmem>>
      %dma_wait3A_901 = arith.constant 0 : i32
      %dma_wait3A_902 = tpu.memref_slice %arg4[%dma_wait3A_901, %multiple_of3A_100] : memref<32x1000000xf32, #tpu.memory_space<hbm>> -> memref<16x128xf32, #tpu.memory_space<hbm>>
      %dma_wait3A_903 = arith.constant 0 : i32
      %dma_wait3A_904 = arith.constant 0 : i32
      %dma_wait3A_905 = tpu.memref_slice %arg9[%dma_wait3A_896, %dma_wait3A_903, %dma_wait3A_904] : memref<16x16x128xf32, #tpu.memory_space<vmem>> -> memref<1x16x128xf32, #tpu.memory_space<vmem>>
      %dma_wait3A_906 = tpu.memref_squeeze %dma_wait3A_905 : memref<1x16x128xf32, #tpu.memory_space<vmem>> -> memref<16x128xf32, #tpu.memory_space<vmem>>
      %dma_wait3A_907 = arith.constant 0 : i32
      %dma_wait3A_908 = tpu.memref_slice %arg4[%dma_wait3A_907, %multiple_of3A_100] : memref<32x1000000xf32, #tpu.memory_space<hbm>> -> memref<16x128xf32, #tpu.memory_space<hbm>>
      tpu.wait_dma2 semaphore(%arg12 : memref<!tpu.dma_semaphore, #tpu.memory_space<semaphore_mem>>) src(%dma_wait3A_908 : memref<16x128xf32, #tpu.memory_space<hbm>>) dst(%dma_wait3A_906 : memref<16x128xf32, #tpu.memory_space<vmem>>)
      %dma_wait3A_909 = arith.constant 6 : i32
      %dma_wait3A_910 = arith.constant 0 : i32
      %dma_wait3A_911 = arith.constant 0 : i32
      %dma_wait3A_912 = tpu.memref_slice %arg10[%dma_wait3A_909, %dma_wait3A_910, %dma_wait3A_911] : memref<16x16x128xf32, #tpu.memory_space<vmem>> -> memref<1x16x128xf32, #tpu.memory_space<vmem>>
      %dma_wait3A_913 = tpu.memref_squeeze %dma_wait3A_912 : memref<1x16x128xf32, #tpu.memory_space<vmem>> -> memref<16x128xf32, #tpu.memory_space<vmem>>
      %dma_wait3A_914 = arith.constant 0 : i32
      %dma_wait3A_915 = tpu.memref_slice %arg5[%dma_wait3A_914, %multiple_of3A_244] : memref<32x1000000xf32, #tpu.memory_space<hbm>> -> memref<16x128xf32, #tpu.memory_space<hbm>>
      %dma_wait3A_916 = arith.constant 0 : i32
      %dma_wait3A_917 = arith.constant 0 : i32
      %dma_wait3A_918 = tpu.memref_slice %arg10[%dma_wait3A_909, %dma_wait3A_916, %dma_wait3A_917] : memref<16x16x128xf32, #tpu.memory_space<vmem>> -> memref<1x16x128xf32, #tpu.memory_space<vmem>>
      %dma_wait3A_919 = tpu.memref_squeeze %dma_wait3A_918 : memref<1x16x128xf32, #tpu.memory_space<vmem>> -> memref<16x128xf32, #tpu.memory_space<vmem>>
      %dma_wait3A_920 = arith.constant 0 : i32
      %dma_wait3A_921 = tpu.memref_slice %arg5[%dma_wait3A_920, %multiple_of3A_244] : memref<32x1000000xf32, #tpu.memory_space<hbm>> -> memref<16x128xf32, #tpu.memory_space<hbm>>
      tpu.wait_dma2 semaphore(%arg12 : memref<!tpu.dma_semaphore, #tpu.memory_space<semaphore_mem>>) src(%dma_wait3A_921 : memref<16x128xf32, #tpu.memory_space<hbm>>) dst(%dma_wait3A_919 : memref<16x128xf32, #tpu.memory_space<vmem>>)
      %dma_wait3A_922 = arith.constant 7 : i32
      %dma_wait3A_923 = arith.constant 0 : i32
      %dma_wait3A_924 = arith.constant 0 : i32
      %dma_wait3A_925 = tpu.memref_slice %arg9[%dma_wait3A_922, %dma_wait3A_923, %dma_wait3A_924] : memref<16x16x128xf32, #tpu.memory_space<vmem>> -> memref<1x16x128xf32, #tpu.memory_space<vmem>>
      %dma_wait3A_926 = tpu.memref_squeeze %dma_wait3A_925 : memref<1x16x128xf32, #tpu.memory_space<vmem>> -> memref<16x128xf32, #tpu.memory_space<vmem>>
      %dma_wait3A_927 = arith.constant 0 : i32
      %dma_wait3A_928 = tpu.memref_slice %arg4[%dma_wait3A_927, %multiple_of3A_109] : memref<32x1000000xf32, #tpu.memory_space<hbm>> -> memref<16x128xf32, #tpu.memory_space<hbm>>
      %dma_wait3A_929 = arith.constant 0 : i32
      %dma_wait3A_930 = arith.constant 0 : i32
      %dma_wait3A_931 = tpu.memref_slice %arg9[%dma_wait3A_922, %dma_wait3A_929, %dma_wait3A_930] : memref<16x16x128xf32, #tpu.memory_space<vmem>> -> memref<1x16x128xf32, #tpu.memory_space<vmem>>
      %dma_wait3A_932 = tpu.memref_squeeze %dma_wait3A_931 : memref<1x16x128xf32, #tpu.memory_space<vmem>> -> memref<16x128xf32, #tpu.memory_space<vmem>>
      %dma_wait3A_933 = arith.constant 0 : i32
      %dma_wait3A_934 = tpu.memref_slice %arg4[%dma_wait3A_933, %multiple_of3A_109] : memref<32x1000000xf32, #tpu.memory_space<hbm>> -> memref<16x128xf32, #tpu.memory_space<hbm>>
      tpu.wait_dma2 semaphore(%arg12 : memref<!tpu.dma_semaphore, #tpu.memory_space<semaphore_mem>>) src(%dma_wait3A_934 : memref<16x128xf32, #tpu.memory_space<hbm>>) dst(%dma_wait3A_932 : memref<16x128xf32, #tpu.memory_space<vmem>>)
      %dma_wait3A_935 = arith.constant 7 : i32
      %dma_wait3A_936 = arith.constant 0 : i32
      %dma_wait3A_937 = arith.constant 0 : i32
      %dma_wait3A_938 = tpu.memref_slice %arg10[%dma_wait3A_935, %dma_wait3A_936, %dma_wait3A_937] : memref<16x16x128xf32, #tpu.memory_space<vmem>> -> memref<1x16x128xf32, #tpu.memory_space<vmem>>
      %dma_wait3A_939 = tpu.memref_squeeze %dma_wait3A_938 : memref<1x16x128xf32, #tpu.memory_space<vmem>> -> memref<16x128xf32, #tpu.memory_space<vmem>>
      %dma_wait3A_940 = arith.constant 0 : i32
      %dma_wait3A_941 = tpu.memref_slice %arg5[%dma_wait3A_940, %multiple_of3A_253] : memref<32x1000000xf32, #tpu.memory_space<hbm>> -> memref<16x128xf32, #tpu.memory_space<hbm>>
      %dma_wait3A_942 = arith.constant 0 : i32
      %dma_wait3A_943 = arith.constant 0 : i32
      %dma_wait3A_944 = tpu.memref_slice %arg10[%dma_wait3A_935, %dma_wait3A_942, %dma_wait3A_943] : memref<16x16x128xf32, #tpu.memory_space<vmem>> -> memref<1x16x128xf32, #tpu.memory_space<vmem>>
      %dma_wait3A_945 = tpu.memref_squeeze %dma_wait3A_944 : memref<1x16x128xf32, #tpu.memory_space<vmem>> -> memref<16x128xf32, #tpu.memory_space<vmem>>
      %dma_wait3A_946 = arith.constant 0 : i32
      %dma_wait3A_947 = tpu.memref_slice %arg5[%dma_wait3A_946, %multiple_of3A_253] : memref<32x1000000xf32, #tpu.memory_space<hbm>> -> memref<16x128xf32, #tpu.memory_space<hbm>>
      tpu.wait_dma2 semaphore(%arg12 : memref<!tpu.dma_semaphore, #tpu.memory_space<semaphore_mem>>) src(%dma_wait3A_947 : memref<16x128xf32, #tpu.memory_space<hbm>>) dst(%dma_wait3A_945 : memref<16x128xf32, #tpu.memory_space<vmem>>)
      %dma_wait3A_948 = arith.constant 8 : i32
      %dma_wait3A_949 = arith.constant 0 : i32
      %dma_wait3A_950 = arith.constant 0 : i32
      %dma_wait3A_951 = tpu.memref_slice %arg9[%dma_wait3A_948, %dma_wait3A_949, %dma_wait3A_950] : memref<16x16x128xf32, #tpu.memory_space<vmem>> -> memref<1x16x128xf32, #tpu.memory_space<vmem>>
      %dma_wait3A_952 = tpu.memref_squeeze %dma_wait3A_951 : memref<1x16x128xf32, #tpu.memory_space<vmem>> -> memref<16x128xf32, #tpu.memory_space<vmem>>
      %dma_wait3A_953 = arith.constant 0 : i32
      %dma_wait3A_954 = tpu.memref_slice %arg4[%dma_wait3A_953, %multiple_of3A_118] : memref<32x1000000xf32, #tpu.memory_space<hbm>> -> memref<16x128xf32, #tpu.memory_space<hbm>>
      %dma_wait3A_955 = arith.constant 0 : i32
      %dma_wait3A_956 = arith.constant 0 : i32
      %dma_wait3A_957 = tpu.memref_slice %arg9[%dma_wait3A_948, %dma_wait3A_955, %dma_wait3A_956] : memref<16x16x128xf32, #tpu.memory_space<vmem>> -> memref<1x16x128xf32, #tpu.memory_space<vmem>>
      %dma_wait3A_958 = tpu.memref_squeeze %dma_wait3A_957 : memref<1x16x128xf32, #tpu.memory_space<vmem>> -> memref<16x128xf32, #tpu.memory_space<vmem>>
      %dma_wait3A_959 = arith.constant 0 : i32
      %dma_wait3A_960 = tpu.memref_slice %arg4[%dma_wait3A_959, %multiple_of3A_118] : memref<32x1000000xf32, #tpu.memory_space<hbm>> -> memref<16x128xf32, #tpu.memory_space<hbm>>
      tpu.wait_dma2 semaphore(%arg12 : memref<!tpu.dma_semaphore, #tpu.memory_space<semaphore_mem>>) src(%dma_wait3A_960 : memref<16x128xf32, #tpu.memory_space<hbm>>) dst(%dma_wait3A_958 : memref<16x128xf32, #tpu.memory_space<vmem>>)
      %dma_wait3A_961 = arith.constant 8 : i32
      %dma_wait3A_962 = arith.constant 0 : i32
      %dma_wait3A_963 = arith.constant 0 : i32
      %dma_wait3A_964 = tpu.memref_slice %arg10[%dma_wait3A_961, %dma_wait3A_962, %dma_wait3A_963] : memref<16x16x128xf32, #tpu.memory_space<vmem>> -> memref<1x16x128xf32, #tpu.memory_space<vmem>>
      %dma_wait3A_965 = tpu.memref_squeeze %dma_wait3A_964 : memref<1x16x128xf32, #tpu.memory_space<vmem>> -> memref<16x128xf32, #tpu.memory_space<vmem>>
      %dma_wait3A_966 = arith.constant 0 : i32
      %dma_wait3A_967 = tpu.memref_slice %arg5[%dma_wait3A_966, %multiple_of3A_262] : memref<32x1000000xf32, #tpu.memory_space<hbm>> -> memref<16x128xf32, #tpu.memory_space<hbm>>
      %dma_wait3A_968 = arith.constant 0 : i32
      %dma_wait3A_969 = arith.constant 0 : i32
      %dma_wait3A_970 = tpu.memref_slice %arg10[%dma_wait3A_961, %dma_wait3A_968, %dma_wait3A_969] : memref<16x16x128xf32, #tpu.memory_space<vmem>> -> memref<1x16x128xf32, #tpu.memory_space<vmem>>
      %dma_wait3A_971 = tpu.memref_squeeze %dma_wait3A_970 : memref<1x16x128xf32, #tpu.memory_space<vmem>> -> memref<16x128xf32, #tpu.memory_space<vmem>>
      %dma_wait3A_972 = arith.constant 0 : i32
      %dma_wait3A_973 = tpu.memref_slice %arg5[%dma_wait3A_972, %multiple_of3A_262] : memref<32x1000000xf32, #tpu.memory_space<hbm>> -> memref<16x128xf32, #tpu.memory_space<hbm>>
      tpu.wait_dma2 semaphore(%arg12 : memref<!tpu.dma_semaphore, #tpu.memory_space<semaphore_mem>>) src(%dma_wait3A_973 : memref<16x128xf32, #tpu.memory_space<hbm>>) dst(%dma_wait3A_971 : memref<16x128xf32, #tpu.memory_space<vmem>>)
      %dma_wait3A_974 = arith.constant 9 : i32
      %dma_wait3A_975 = arith.constant 0 : i32
      %dma_wait3A_976 = arith.constant 0 : i32
      %dma_wait3A_977 = tpu.memref_slice %arg9[%dma_wait3A_974, %dma_wait3A_975, %dma_wait3A_976] : memref<16x16x128xf32, #tpu.memory_space<vmem>> -> memref<1x16x128xf32, #tpu.memory_space<vmem>>
      %dma_wait3A_978 = tpu.memref_squeeze %dma_wait3A_977 : memref<1x16x128xf32, #tpu.memory_space<vmem>> -> memref<16x128xf32, #tpu.memory_space<vmem>>
      %dma_wait3A_979 = arith.constant 0 : i32
      %dma_wait3A_980 = tpu.memref_slice %arg4[%dma_wait3A_979, %multiple_of3A_127] : memref<32x1000000xf32, #tpu.memory_space<hbm>> -> memref<16x128xf32, #tpu.memory_space<hbm>>
      %dma_wait3A_981 = arith.constant 0 : i32
      %dma_wait3A_982 = arith.constant 0 : i32
      %dma_wait3A_983 = tpu.memref_slice %arg9[%dma_wait3A_974, %dma_wait3A_981, %dma_wait3A_982] : memref<16x16x128xf32, #tpu.memory_space<vmem>> -> memref<1x16x128xf32, #tpu.memory_space<vmem>>
      %dma_wait3A_984 = tpu.memref_squeeze %dma_wait3A_983 : memref<1x16x128xf32, #tpu.memory_space<vmem>> -> memref<16x128xf32, #tpu.memory_space<vmem>>
      %dma_wait3A_985 = arith.constant 0 : i32
      %dma_wait3A_986 = tpu.memref_slice %arg4[%dma_wait3A_985, %multiple_of3A_127] : memref<32x1000000xf32, #tpu.memory_space<hbm>> -> memref<16x128xf32, #tpu.memory_space<hbm>>
      tpu.wait_dma2 semaphore(%arg12 : memref<!tpu.dma_semaphore, #tpu.memory_space<semaphore_mem>>) src(%dma_wait3A_986 : memref<16x128xf32, #tpu.memory_space<hbm>>) dst(%dma_wait3A_984 : memref<16x128xf32, #tpu.memory_space<vmem>>)
      %dma_wait3A_987 = arith.constant 9 : i32
      %dma_wait3A_988 = arith.constant 0 : i32
      %dma_wait3A_989 = arith.constant 0 : i32
      %dma_wait3A_990 = tpu.memref_slice %arg10[%dma_wait3A_987, %dma_wait3A_988, %dma_wait3A_989] : memref<16x16x128xf32, #tpu.memory_space<vmem>> -> memref<1x16x128xf32, #tpu.memory_space<vmem>>
      %dma_wait3A_991 = tpu.memref_squeeze %dma_wait3A_990 : memref<1x16x128xf32, #tpu.memory_space<vmem>> -> memref<16x128xf32, #tpu.memory_space<vmem>>
      %dma_wait3A_992 = arith.constant 0 : i32
      %dma_wait3A_993 = tpu.memref_slice %arg5[%dma_wait3A_992, %multiple_of3A_271] : memref<32x1000000xf32, #tpu.memory_space<hbm>> -> memref<16x128xf32, #tpu.memory_space<hbm>>
      %dma_wait3A_994 = arith.constant 0 : i32
      %dma_wait3A_995 = arith.constant 0 : i32
      %dma_wait3A_996 = tpu.memref_slice %arg10[%dma_wait3A_987, %dma_wait3A_994, %dma_wait3A_995] : memref<16x16x128xf32, #tpu.memory_space<vmem>> -> memref<1x16x128xf32, #tpu.memory_space<vmem>>
      %dma_wait3A_997 = tpu.memref_squeeze %dma_wait3A_996 : memref<1x16x128xf32, #tpu.memory_space<vmem>> -> memref<16x128xf32, #tpu.memory_space<vmem>>
      %dma_wait3A_998 = arith.constant 0 : i32
      %dma_wait3A_999 = tpu.memref_slice %arg5[%dma_wait3A_998, %multiple_of3A_271] : memref<32x1000000xf32, #tpu.memory_space<hbm>> -> memref<16x128xf32, #tpu.memory_space<hbm>>
      tpu.wait_dma2 semaphore(%arg12 : memref<!tpu.dma_semaphore, #tpu.memory_space<semaphore_mem>>) src(%dma_wait3A_999 : memref<16x128xf32, #tpu.memory_space<hbm>>) dst(%dma_wait3A_997 : memref<16x128xf32, #tpu.memory_space<vmem>>)
      %dma_wait3A_1000 = arith.constant 10 : i32
      %dma_wait3A_1001 = arith.constant 0 : i32
      %dma_wait3A_1002 = arith.constant 0 : i32
      %dma_wait3A_1003 = tpu.memref_slice %arg9[%dma_wait3A_1000, %dma_wait3A_1001, %dma_wait3A_1002] : memref<16x16x128xf32, #tpu.memory_space<vmem>> -> memref<1x16x128xf32, #tpu.memory_space<vmem>>
      %dma_wait3A_1004 = tpu.memref_squeeze %dma_wait3A_1003 : memref<1x16x128xf32, #tpu.memory_space<vmem>> -> memref<16x128xf32, #tpu.memory_space<vmem>>
      %dma_wait3A_1005 = arith.constant 0 : i32
      %dma_wait3A_1006 = tpu.memref_slice %arg4[%dma_wait3A_1005, %multiple_of3A_136] : memref<32x1000000xf32, #tpu.memory_space<hbm>> -> memref<16x128xf32, #tpu.memory_space<hbm>>
      %dma_wait3A_1007 = arith.constant 0 : i32
      %dma_wait3A_1008 = arith.constant 0 : i32
      %dma_wait3A_1009 = tpu.memref_slice %arg9[%dma_wait3A_1000, %dma_wait3A_1007, %dma_wait3A_1008] : memref<16x16x128xf32, #tpu.memory_space<vmem>> -> memref<1x16x128xf32, #tpu.memory_space<vmem>>
      %dma_wait3A_1010 = tpu.memref_squeeze %dma_wait3A_1009 : memref<1x16x128xf32, #tpu.memory_space<vmem>> -> memref<16x128xf32, #tpu.memory_space<vmem>>
      %dma_wait3A_1011 = arith.constant 0 : i32
      %dma_wait3A_1012 = tpu.memref_slice %arg4[%dma_wait3A_1011, %multiple_of3A_136] : memref<32x1000000xf32, #tpu.memory_space<hbm>> -> memref<16x128xf32, #tpu.memory_space<hbm>>
      tpu.wait_dma2 semaphore(%arg12 : memref<!tpu.dma_semaphore, #tpu.memory_space<semaphore_mem>>) src(%dma_wait3A_1012 : memref<16x128xf32, #tpu.memory_space<hbm>>) dst(%dma_wait3A_1010 : memref<16x128xf32, #tpu.memory_space<vmem>>)
      %dma_wait3A_1013 = arith.constant 10 : i32
      %dma_wait3A_1014 = arith.constant 0 : i32
      %dma_wait3A_1015 = arith.constant 0 : i32
      %dma_wait3A_1016 = tpu.memref_slice %arg10[%dma_wait3A_1013, %dma_wait3A_1014, %dma_wait3A_1015] : memref<16x16x128xf32, #tpu.memory_space<vmem>> -> memref<1x16x128xf32, #tpu.memory_space<vmem>>
      %dma_wait3A_1017 = tpu.memref_squeeze %dma_wait3A_1016 : memref<1x16x128xf32, #tpu.memory_space<vmem>> -> memref<16x128xf32, #tpu.memory_space<vmem>>
      %dma_wait3A_1018 = arith.constant 0 : i32
      %dma_wait3A_1019 = tpu.memref_slice %arg5[%dma_wait3A_1018, %multiple_of3A_280] : memref<32x1000000xf32, #tpu.memory_space<hbm>> -> memref<16x128xf32, #tpu.memory_space<hbm>>
      %dma_wait3A_1020 = arith.constant 0 : i32
      %dma_wait3A_1021 = arith.constant 0 : i32
      %dma_wait3A_1022 = tpu.memref_slice %arg10[%dma_wait3A_1013, %dma_wait3A_1020, %dma_wait3A_1021] : memref<16x16x128xf32, #tpu.memory_space<vmem>> -> memref<1x16x128xf32, #tpu.memory_space<vmem>>
      %dma_wait3A_1023 = tpu.memref_squeeze %dma_wait3A_1022 : memref<1x16x128xf32, #tpu.memory_space<vmem>> -> memref<16x128xf32, #tpu.memory_space<vmem>>
      %dma_wait3A_1024 = arith.constant 0 : i32
      %dma_wait3A_1025 = tpu.memref_slice %arg5[%dma_wait3A_1024, %multiple_of3A_280] : memref<32x1000000xf32, #tpu.memory_space<hbm>> -> memref<16x128xf32, #tpu.memory_space<hbm>>
      tpu.wait_dma2 semaphore(%arg12 : memref<!tpu.dma_semaphore, #tpu.memory_space<semaphore_mem>>) src(%dma_wait3A_1025 : memref<16x128xf32, #tpu.memory_space<hbm>>) dst(%dma_wait3A_1023 : memref<16x128xf32, #tpu.memory_space<vmem>>)
      %dma_wait3A_1026 = arith.constant 11 : i32
      %dma_wait3A_1027 = arith.constant 0 : i32
      %dma_wait3A_1028 = arith.constant 0 : i32
      %dma_wait3A_1029 = tpu.memref_slice %arg9[%dma_wait3A_1026, %dma_wait3A_1027, %dma_wait3A_1028] : memref<16x16x128xf32, #tpu.memory_space<vmem>> -> memref<1x16x128xf32, #tpu.memory_space<vmem>>
      %dma_wait3A_1030 = tpu.memref_squeeze %dma_wait3A_1029 : memref<1x16x128xf32, #tpu.memory_space<vmem>> -> memref<16x128xf32, #tpu.memory_space<vmem>>
      %dma_wait3A_1031 = arith.constant 0 : i32
      %dma_wait3A_1032 = tpu.memref_slice %arg4[%dma_wait3A_1031, %multiple_of3A_145] : memref<32x1000000xf32, #tpu.memory_space<hbm>> -> memref<16x128xf32, #tpu.memory_space<hbm>>
      %dma_wait3A_1033 = arith.constant 0 : i32
      %dma_wait3A_1034 = arith.constant 0 : i32
      %dma_wait3A_1035 = tpu.memref_slice %arg9[%dma_wait3A_1026, %dma_wait3A_1033, %dma_wait3A_1034] : memref<16x16x128xf32, #tpu.memory_space<vmem>> -> memref<1x16x128xf32, #tpu.memory_space<vmem>>
      %dma_wait3A_1036 = tpu.memref_squeeze %dma_wait3A_1035 : memref<1x16x128xf32, #tpu.memory_space<vmem>> -> memref<16x128xf32, #tpu.memory_space<vmem>>
      %dma_wait3A_1037 = arith.constant 0 : i32
      %dma_wait3A_1038 = tpu.memref_slice %arg4[%dma_wait3A_1037, %multiple_of3A_145] : memref<32x1000000xf32, #tpu.memory_space<hbm>> -> memref<16x128xf32, #tpu.memory_space<hbm>>
      tpu.wait_dma2 semaphore(%arg12 : memref<!tpu.dma_semaphore, #tpu.memory_space<semaphore_mem>>) src(%dma_wait3A_1038 : memref<16x128xf32, #tpu.memory_space<hbm>>) dst(%dma_wait3A_1036 : memref<16x128xf32, #tpu.memory_space<vmem>>)
      %dma_wait3A_1039 = arith.constant 11 : i32
      %dma_wait3A_1040 = arith.constant 0 : i32
      %dma_wait3A_1041 = arith.constant 0 : i32
      %dma_wait3A_1042 = tpu.memref_slice %arg10[%dma_wait3A_1039, %dma_wait3A_1040, %dma_wait3A_1041] : memref<16x16x128xf32, #tpu.memory_space<vmem>> -> memref<1x16x128xf32, #tpu.memory_space<vmem>>
      %dma_wait3A_1043 = tpu.memref_squeeze %dma_wait3A_1042 : memref<1x16x128xf32, #tpu.memory_space<vmem>> -> memref<16x128xf32, #tpu.memory_space<vmem>>
      %dma_wait3A_1044 = arith.constant 0 : i32
      %dma_wait3A_1045 = tpu.memref_slice %arg5[%dma_wait3A_1044, %multiple_of3A_289] : memref<32x1000000xf32, #tpu.memory_space<hbm>> -> memref<16x128xf32, #tpu.memory_space<hbm>>
      %dma_wait3A_1046 = arith.constant 0 : i32
      %dma_wait3A_1047 = arith.constant 0 : i32
      %dma_wait3A_1048 = tpu.memref_slice %arg10[%dma_wait3A_1039, %dma_wait3A_1046, %dma_wait3A_1047] : memref<16x16x128xf32, #tpu.memory_space<vmem>> -> memref<1x16x128xf32, #tpu.memory_space<vmem>>
      %dma_wait3A_1049 = tpu.memref_squeeze %dma_wait3A_1048 : memref<1x16x128xf32, #tpu.memory_space<vmem>> -> memref<16x128xf32, #tpu.memory_space<vmem>>
      %dma_wait3A_1050 = arith.constant 0 : i32
      %dma_wait3A_1051 = tpu.memref_slice %arg5[%dma_wait3A_1050, %multiple_of3A_289] : memref<32x1000000xf32, #tpu.memory_space<hbm>> -> memref<16x128xf32, #tpu.memory_space<hbm>>
      tpu.wait_dma2 semaphore(%arg12 : memref<!tpu.dma_semaphore, #tpu.memory_space<semaphore_mem>>) src(%dma_wait3A_1051 : memref<16x128xf32, #tpu.memory_space<hbm>>) dst(%dma_wait3A_1049 : memref<16x128xf32, #tpu.memory_space<vmem>>)
      %dma_wait3A_1052 = arith.constant 12 : i32
      %dma_wait3A_1053 = arith.constant 0 : i32
      %dma_wait3A_1054 = arith.constant 0 : i32
      %dma_wait3A_1055 = tpu.memref_slice %arg9[%dma_wait3A_1052, %dma_wait3A_1053, %dma_wait3A_1054] : memref<16x16x128xf32, #tpu.memory_space<vmem>> -> memref<1x16x128xf32, #tpu.memory_space<vmem>>
      %dma_wait3A_1056 = tpu.memref_squeeze %dma_wait3A_1055 : memref<1x16x128xf32, #tpu.memory_space<vmem>> -> memref<16x128xf32, #tpu.memory_space<vmem>>
      %dma_wait3A_1057 = arith.constant 0 : i32
      %dma_wait3A_1058 = tpu.memref_slice %arg4[%dma_wait3A_1057, %multiple_of3A_154] : memref<32x1000000xf32, #tpu.memory_space<hbm>> -> memref<16x128xf32, #tpu.memory_space<hbm>>
      %dma_wait3A_1059 = arith.constant 0 : i32
      %dma_wait3A_1060 = arith.constant 0 : i32
      %dma_wait3A_1061 = tpu.memref_slice %arg9[%dma_wait3A_1052, %dma_wait3A_1059, %dma_wait3A_1060] : memref<16x16x128xf32, #tpu.memory_space<vmem>> -> memref<1x16x128xf32, #tpu.memory_space<vmem>>
      %dma_wait3A_1062 = tpu.memref_squeeze %dma_wait3A_1061 : memref<1x16x128xf32, #tpu.memory_space<vmem>> -> memref<16x128xf32, #tpu.memory_space<vmem>>
      %dma_wait3A_1063 = arith.constant 0 : i32
      %dma_wait3A_1064 = tpu.memref_slice %arg4[%dma_wait3A_1063, %multiple_of3A_154] : memref<32x1000000xf32, #tpu.memory_space<hbm>> -> memref<16x128xf32, #tpu.memory_space<hbm>>
      tpu.wait_dma2 semaphore(%arg12 : memref<!tpu.dma_semaphore, #tpu.memory_space<semaphore_mem>>) src(%dma_wait3A_1064 : memref<16x128xf32, #tpu.memory_space<hbm>>) dst(%dma_wait3A_1062 : memref<16x128xf32, #tpu.memory_space<vmem>>)
      %dma_wait3A_1065 = arith.constant 12 : i32
      %dma_wait3A_1066 = arith.constant 0 : i32
      %dma_wait3A_1067 = arith.constant 0 : i32
      %dma_wait3A_1068 = tpu.memref_slice %arg10[%dma_wait3A_1065, %dma_wait3A_1066, %dma_wait3A_1067] : memref<16x16x128xf32, #tpu.memory_space<vmem>> -> memref<1x16x128xf32, #tpu.memory_space<vmem>>
      %dma_wait3A_1069 = tpu.memref_squeeze %dma_wait3A_1068 : memref<1x16x128xf32, #tpu.memory_space<vmem>> -> memref<16x128xf32, #tpu.memory_space<vmem>>
      %dma_wait3A_1070 = arith.constant 0 : i32
      %dma_wait3A_1071 = tpu.memref_slice %arg5[%dma_wait3A_1070, %multiple_of3A_298] : memref<32x1000000xf32, #tpu.memory_space<hbm>> -> memref<16x128xf32, #tpu.memory_space<hbm>>
      %dma_wait3A_1072 = arith.constant 0 : i32
      %dma_wait3A_1073 = arith.constant 0 : i32
      %dma_wait3A_1074 = tpu.memref_slice %arg10[%dma_wait3A_1065, %dma_wait3A_1072, %dma_wait3A_1073] : memref<16x16x128xf32, #tpu.memory_space<vmem>> -> memref<1x16x128xf32, #tpu.memory_space<vmem>>
      %dma_wait3A_1075 = tpu.memref_squeeze %dma_wait3A_1074 : memref<1x16x128xf32, #tpu.memory_space<vmem>> -> memref<16x128xf32, #tpu.memory_space<vmem>>
      %dma_wait3A_1076 = arith.constant 0 : i32
      %dma_wait3A_1077 = tpu.memref_slice %arg5[%dma_wait3A_1076, %multiple_of3A_298] : memref<32x1000000xf32, #tpu.memory_space<hbm>> -> memref<16x128xf32, #tpu.memory_space<hbm>>
      tpu.wait_dma2 semaphore(%arg12 : memref<!tpu.dma_semaphore, #tpu.memory_space<semaphore_mem>>) src(%dma_wait3A_1077 : memref<16x128xf32, #tpu.memory_space<hbm>>) dst(%dma_wait3A_1075 : memref<16x128xf32, #tpu.memory_space<vmem>>)
      %dma_wait3A_1078 = arith.constant 13 : i32
      %dma_wait3A_1079 = arith.constant 0 : i32
      %dma_wait3A_1080 = arith.constant 0 : i32
      %dma_wait3A_1081 = tpu.memref_slice %arg9[%dma_wait3A_1078, %dma_wait3A_1079, %dma_wait3A_1080] : memref<16x16x128xf32, #tpu.memory_space<vmem>> -> memref<1x16x128xf32, #tpu.memory_space<vmem>>
      %dma_wait3A_1082 = tpu.memref_squeeze %dma_wait3A_1081 : memref<1x16x128xf32, #tpu.memory_space<vmem>> -> memref<16x128xf32, #tpu.memory_space<vmem>>
      %dma_wait3A_1083 = arith.constant 0 : i32
      %dma_wait3A_1084 = tpu.memref_slice %arg4[%dma_wait3A_1083, %multiple_of3A_163] : memref<32x1000000xf32, #tpu.memory_space<hbm>> -> memref<16x128xf32, #tpu.memory_space<hbm>>
      %dma_wait3A_1085 = arith.constant 0 : i32
      %dma_wait3A_1086 = arith.constant 0 : i32
      %dma_wait3A_1087 = tpu.memref_slice %arg9[%dma_wait3A_1078, %dma_wait3A_1085, %dma_wait3A_1086] : memref<16x16x128xf32, #tpu.memory_space<vmem>> -> memref<1x16x128xf32, #tpu.memory_space<vmem>>
      %dma_wait3A_1088 = tpu.memref_squeeze %dma_wait3A_1087 : memref<1x16x128xf32, #tpu.memory_space<vmem>> -> memref<16x128xf32, #tpu.memory_space<vmem>>
      %dma_wait3A_1089 = arith.constant 0 : i32
      %dma_wait3A_1090 = tpu.memref_slice %arg4[%dma_wait3A_1089, %multiple_of3A_163] : memref<32x1000000xf32, #tpu.memory_space<hbm>> -> memref<16x128xf32, #tpu.memory_space<hbm>>
      tpu.wait_dma2 semaphore(%arg12 : memref<!tpu.dma_semaphore, #tpu.memory_space<semaphore_mem>>) src(%dma_wait3A_1090 : memref<16x128xf32, #tpu.memory_space<hbm>>) dst(%dma_wait3A_1088 : memref<16x128xf32, #tpu.memory_space<vmem>>)
      %dma_wait3A_1091 = arith.constant 13 : i32
      %dma_wait3A_1092 = arith.constant 0 : i32
      %dma_wait3A_1093 = arith.constant 0 : i32
      %dma_wait3A_1094 = tpu.memref_slice %arg10[%dma_wait3A_1091, %dma_wait3A_1092, %dma_wait3A_1093] : memref<16x16x128xf32, #tpu.memory_space<vmem>> -> memref<1x16x128xf32, #tpu.memory_space<vmem>>
      %dma_wait3A_1095 = tpu.memref_squeeze %dma_wait3A_1094 : memref<1x16x128xf32, #tpu.memory_space<vmem>> -> memref<16x128xf32, #tpu.memory_space<vmem>>
      %dma_wait3A_1096 = arith.constant 0 : i32
      %dma_wait3A_1097 = tpu.memref_slice %arg5[%dma_wait3A_1096, %multiple_of3A_307] : memref<32x1000000xf32, #tpu.memory_space<hbm>> -> memref<16x128xf32, #tpu.memory_space<hbm>>
      %dma_wait3A_1098 = arith.constant 0 : i32
      %dma_wait3A_1099 = arith.constant 0 : i32
      %dma_wait3A_1100 = tpu.memref_slice %arg10[%dma_wait3A_1091, %dma_wait3A_1098, %dma_wait3A_1099] : memref<16x16x128xf32, #tpu.memory_space<vmem>> -> memref<1x16x128xf32, #tpu.memory_space<vmem>>
      %dma_wait3A_1101 = tpu.memref_squeeze %dma_wait3A_1100 : memref<1x16x128xf32, #tpu.memory_space<vmem>> -> memref<16x128xf32, #tpu.memory_space<vmem>>
      %dma_wait3A_1102 = arith.constant 0 : i32
      %dma_wait3A_1103 = tpu.memref_slice %arg5[%dma_wait3A_1102, %multiple_of3A_307] : memref<32x1000000xf32, #tpu.memory_space<hbm>> -> memref<16x128xf32, #tpu.memory_space<hbm>>
      tpu.wait_dma2 semaphore(%arg12 : memref<!tpu.dma_semaphore, #tpu.memory_space<semaphore_mem>>) src(%dma_wait3A_1103 : memref<16x128xf32, #tpu.memory_space<hbm>>) dst(%dma_wait3A_1101 : memref<16x128xf32, #tpu.memory_space<vmem>>)
      %dma_wait3A_1104 = arith.constant 14 : i32
      %dma_wait3A_1105 = arith.constant 0 : i32
      %dma_wait3A_1106 = arith.constant 0 : i32
      %dma_wait3A_1107 = tpu.memref_slice %arg9[%dma_wait3A_1104, %dma_wait3A_1105, %dma_wait3A_1106] : memref<16x16x128xf32, #tpu.memory_space<vmem>> -> memref<1x16x128xf32, #tpu.memory_space<vmem>>
      %dma_wait3A_1108 = tpu.memref_squeeze %dma_wait3A_1107 : memref<1x16x128xf32, #tpu.memory_space<vmem>> -> memref<16x128xf32, #tpu.memory_space<vmem>>
      %dma_wait3A_1109 = arith.constant 0 : i32
      %dma_wait3A_1110 = tpu.memref_slice %arg4[%dma_wait3A_1109, %multiple_of3A_172] : memref<32x1000000xf32, #tpu.memory_space<hbm>> -> memref<16x128xf32, #tpu.memory_space<hbm>>
      %dma_wait3A_1111 = arith.constant 0 : i32
      %dma_wait3A_1112 = arith.constant 0 : i32
      %dma_wait3A_1113 = tpu.memref_slice %arg9[%dma_wait3A_1104, %dma_wait3A_1111, %dma_wait3A_1112] : memref<16x16x128xf32, #tpu.memory_space<vmem>> -> memref<1x16x128xf32, #tpu.memory_space<vmem>>
      %dma_wait3A_1114 = tpu.memref_squeeze %dma_wait3A_1113 : memref<1x16x128xf32, #tpu.memory_space<vmem>> -> memref<16x128xf32, #tpu.memory_space<vmem>>
      %dma_wait3A_1115 = arith.constant 0 : i32
      %dma_wait3A_1116 = tpu.memref_slice %arg4[%dma_wait3A_1115, %multiple_of3A_172] : memref<32x1000000xf32, #tpu.memory_space<hbm>> -> memref<16x128xf32, #tpu.memory_space<hbm>>
      tpu.wait_dma2 semaphore(%arg12 : memref<!tpu.dma_semaphore, #tpu.memory_space<semaphore_mem>>) src(%dma_wait3A_1116 : memref<16x128xf32, #tpu.memory_space<hbm>>) dst(%dma_wait3A_1114 : memref<16x128xf32, #tpu.memory_space<vmem>>)
      %dma_wait3A_1117 = arith.constant 14 : i32
      %dma_wait3A_1118 = arith.constant 0 : i32
      %dma_wait3A_1119 = arith.constant 0 : i32
      %dma_wait3A_1120 = tpu.memref_slice %arg10[%dma_wait3A_1117, %dma_wait3A_1118, %dma_wait3A_1119] : memref<16x16x128xf32, #tpu.memory_space<vmem>> -> memref<1x16x128xf32, #tpu.memory_space<vmem>>
      %dma_wait3A_1121 = tpu.memref_squeeze %dma_wait3A_1120 : memref<1x16x128xf32, #tpu.memory_space<vmem>> -> memref<16x128xf32, #tpu.memory_space<vmem>>
      %dma_wait3A_1122 = arith.constant 0 : i32
      %dma_wait3A_1123 = tpu.memref_slice %arg5[%dma_wait3A_1122, %multiple_of3A_316] : memref<32x1000000xf32, #tpu.memory_space<hbm>> -> memref<16x128xf32, #tpu.memory_space<hbm>>
      %dma_wait3A_1124 = arith.constant 0 : i32
      %dma_wait3A_1125 = arith.constant 0 : i32
      %dma_wait3A_1126 = tpu.memref_slice %arg10[%dma_wait3A_1117, %dma_wait3A_1124, %dma_wait3A_1125] : memref<16x16x128xf32, #tpu.memory_space<vmem>> -> memref<1x16x128xf32, #tpu.memory_space<vmem>>
      %dma_wait3A_1127 = tpu.memref_squeeze %dma_wait3A_1126 : memref<1x16x128xf32, #tpu.memory_space<vmem>> -> memref<16x128xf32, #tpu.memory_space<vmem>>
      %dma_wait3A_1128 = arith.constant 0 : i32
      %dma_wait3A_1129 = tpu.memref_slice %arg5[%dma_wait3A_1128, %multiple_of3A_316] : memref<32x1000000xf32, #tpu.memory_space<hbm>> -> memref<16x128xf32, #tpu.memory_space<hbm>>
      tpu.wait_dma2 semaphore(%arg12 : memref<!tpu.dma_semaphore, #tpu.memory_space<semaphore_mem>>) src(%dma_wait3A_1129 : memref<16x128xf32, #tpu.memory_space<hbm>>) dst(%dma_wait3A_1127 : memref<16x128xf32, #tpu.memory_space<vmem>>)
      %dma_wait3A_1130 = arith.constant 15 : i32
      %dma_wait3A_1131 = arith.constant 0 : i32
      %dma_wait3A_1132 = arith.constant 0 : i32
      %dma_wait3A_1133 = tpu.memref_slice %arg9[%dma_wait3A_1130, %dma_wait3A_1131, %dma_wait3A_1132] : memref<16x16x128xf32, #tpu.memory_space<vmem>> -> memref<1x16x128xf32, #tpu.memory_space<vmem>>
      %dma_wait3A_1134 = tpu.memref_squeeze %dma_wait3A_1133 : memref<1x16x128xf32, #tpu.memory_space<vmem>> -> memref<16x128xf32, #tpu.memory_space<vmem>>
      %dma_wait3A_1135 = arith.constant 0 : i32
      %dma_wait3A_1136 = tpu.memref_slice %arg4[%dma_wait3A_1135, %multiple_of3A_181] : memref<32x1000000xf32, #tpu.memory_space<hbm>> -> memref<16x128xf32, #tpu.memory_space<hbm>>
      %dma_wait3A_1137 = arith.constant 0 : i32
      %dma_wait3A_1138 = arith.constant 0 : i32
      %dma_wait3A_1139 = tpu.memref_slice %arg9[%dma_wait3A_1130, %dma_wait3A_1137, %dma_wait3A_1138] : memref<16x16x128xf32, #tpu.memory_space<vmem>> -> memref<1x16x128xf32, #tpu.memory_space<vmem>>
      %dma_wait3A_1140 = tpu.memref_squeeze %dma_wait3A_1139 : memref<1x16x128xf32, #tpu.memory_space<vmem>> -> memref<16x128xf32, #tpu.memory_space<vmem>>
      %dma_wait3A_1141 = arith.constant 0 : i32
      %dma_wait3A_1142 = tpu.memref_slice %arg4[%dma_wait3A_1141, %multiple_of3A_181] : memref<32x1000000xf32, #tpu.memory_space<hbm>> -> memref<16x128xf32, #tpu.memory_space<hbm>>
      tpu.wait_dma2 semaphore(%arg12 : memref<!tpu.dma_semaphore, #tpu.memory_space<semaphore_mem>>) src(%dma_wait3A_1142 : memref<16x128xf32, #tpu.memory_space<hbm>>) dst(%dma_wait3A_1140 : memref<16x128xf32, #tpu.memory_space<vmem>>)
      %dma_wait3A_1143 = arith.constant 15 : i32
      %dma_wait3A_1144 = arith.constant 0 : i32
      %dma_wait3A_1145 = arith.constant 0 : i32
      %dma_wait3A_1146 = tpu.memref_slice %arg10[%dma_wait3A_1143, %dma_wait3A_1144, %dma_wait3A_1145] : memref<16x16x128xf32, #tpu.memory_space<vmem>> -> memref<1x16x128xf32, #tpu.memory_space<vmem>>
      %dma_wait3A_1147 = tpu.memref_squeeze %dma_wait3A_1146 : memref<1x16x128xf32, #tpu.memory_space<vmem>> -> memref<16x128xf32, #tpu.memory_space<vmem>>
      %dma_wait3A_1148 = arith.constant 0 : i32
      %dma_wait3A_1149 = tpu.memref_slice %arg5[%dma_wait3A_1148, %multiple_of3A_325] : memref<32x1000000xf32, #tpu.memory_space<hbm>> -> memref<16x128xf32, #tpu.memory_space<hbm>>
      %dma_wait3A_1150 = arith.constant 0 : i32
      %dma_wait3A_1151 = arith.constant 0 : i32
      %dma_wait3A_1152 = tpu.memref_slice %arg10[%dma_wait3A_1143, %dma_wait3A_1150, %dma_wait3A_1151] : memref<16x16x128xf32, #tpu.memory_space<vmem>> -> memref<1x16x128xf32, #tpu.memory_space<vmem>>
      %dma_wait3A_1153 = tpu.memref_squeeze %dma_wait3A_1152 : memref<1x16x128xf32, #tpu.memory_space<vmem>> -> memref<16x128xf32, #tpu.memory_space<vmem>>
      %dma_wait3A_1154 = arith.constant 0 : i32
      %dma_wait3A_1155 = tpu.memref_slice %arg5[%dma_wait3A_1154, %multiple_of3A_325] : memref<32x1000000xf32, #tpu.memory_space<hbm>> -> memref<16x128xf32, #tpu.memory_space<hbm>>
      tpu.wait_dma2 semaphore(%arg12 : memref<!tpu.dma_semaphore, #tpu.memory_space<semaphore_mem>>) src(%dma_wait3A_1155 : memref<16x128xf32, #tpu.memory_space<hbm>>) dst(%dma_wait3A_1153 : memref<16x128xf32, #tpu.memory_space<vmem>>)
      %broadcast_in_dim3A_1156 = arith.constant 0 : i32
      %broadcast_in_dim3A_1157 = vector.broadcast %broadcast_in_dim3A_1156 : i32 to vector<16xi32>
      %gather3A = tpu.vector_load_idx %arg9[%iota3A, %broadcast_in_dim3A_1157, %and3A_13] : memref<16x16x128xf32, #tpu.memory_space<vmem>>[vector<16xi32>, vector<16xi32>, vector<16xi32>], vector<16xf32>,
      %gather3A_1158 = tpu.vector_load_idx %arg10[%iota3A, %broadcast_in_dim3A_1157, %and3A_20] : memref<16x16x128xf32, #tpu.memory_space<vmem>>[vector<16xi32>, vector<16xi32>, vector<16xi32>], vector<16xf32>,
      %mul3A_1159 = arith.mulf %gather3A, %gather3A_1158 : vector<16xf32>
      %add3A_1160 = arith.addf %broadcast_in_dim3A_41, %mul3A_1159 : vector<16xf32>
      %broadcast_in_dim3A_1161 = arith.constant 1 : i32
      %broadcast_in_dim3A_1162 = vector.broadcast %broadcast_in_dim3A_1161 : i32 to vector<16xi32>
      %gather3A_1163 = tpu.vector_load_idx %arg9[%iota3A, %broadcast_in_dim3A_1162, %and3A_13] : memref<16x16x128xf32, #tpu.memory_space<vmem>>[vector<16xi32>, vector<16xi32>, vector<16xi32>], vector<16xf32>,
      %gather3A_1164 = tpu.vector_load_idx %arg10[%iota3A, %broadcast_in_dim3A_1162, %and3A_20] : memref<16x16x128xf32, #tpu.memory_space<vmem>>[vector<16xi32>, vector<16xi32>, vector<16xi32>], vector<16xf32>,
      %mul3A_1165 = arith.mulf %gather3A_1163, %gather3A_1164 : vector<16xf32>
      %add3A_1166 = arith.addf %add3A_1160, %mul3A_1165 : vector<16xf32>
      %broadcast_in_dim3A_1167 = arith.constant 2 : i32
      %broadcast_in_dim3A_1168 = vector.broadcast %broadcast_in_dim3A_1167 : i32 to vector<16xi32>
      %gather3A_1169 = tpu.vector_load_idx %arg9[%iota3A, %broadcast_in_dim3A_1168, %and3A_13] : memref<16x16x128xf32, #tpu.memory_space<vmem>>[vector<16xi32>, vector<16xi32>, vector<16xi32>], vector<16xf32>,
      %gather3A_1170 = tpu.vector_load_idx %arg10[%iota3A, %broadcast_in_dim3A_1168, %and3A_20] : memref<16x16x128xf32, #tpu.memory_space<vmem>>[vector<16xi32>, vector<16xi32>, vector<16xi32>], vector<16xf32>,
      %mul3A_1171 = arith.mulf %gather3A_1169, %gather3A_1170 : vector<16xf32>
      %add3A_1172 = arith.addf %add3A_1166, %mul3A_1171 : vector<16xf32>
      %broadcast_in_dim3A_1173 = arith.constant 3 : i32
      %broadcast_in_dim3A_1174 = vector.broadcast %broadcast_in_dim3A_1173 : i32 to vector<16xi32>
      %gather3A_1175 = tpu.vector_load_idx %arg9[%iota3A, %broadcast_in_dim3A_1174, %and3A_13] : memref<16x16x128xf32, #tpu.memory_space<vmem>>[vector<16xi32>, vector<16xi32>, vector<16xi32>], vector<16xf32>,
      %gather3A_1176 = tpu.vector_load_idx %arg10[%iota3A, %broadcast_in_dim3A_1174, %and3A_20] : memref<16x16x128xf32, #tpu.memory_space<vmem>>[vector<16xi32>, vector<16xi32>, vector<16xi32>], vector<16xf32>,
      %mul3A_1177 = arith.mulf %gather3A_1175, %gather3A_1176 : vector<16xf32>
      %add3A_1178 = arith.addf %add3A_1172, %mul3A_1177 : vector<16xf32>
      %broadcast_in_dim3A_1179 = arith.constant 4 : i32
      %broadcast_in_dim3A_1180 = vector.broadcast %broadcast_in_dim3A_1179 : i32 to vector<16xi32>
      %gather3A_1181 = tpu.vector_load_idx %arg9[%iota3A, %broadcast_in_dim3A_1180, %and3A_13] : memref<16x16x128xf32, #tpu.memory_space<vmem>>[vector<16xi32>, vector<16xi32>, vector<16xi32>], vector<16xf32>,
      %gather3A_1182 = tpu.vector_load_idx %arg10[%iota3A, %broadcast_in_dim3A_1180, %and3A_20] : memref<16x16x128xf32, #tpu.memory_space<vmem>>[vector<16xi32>, vector<16xi32>, vector<16xi32>], vector<16xf32>,
      %mul3A_1183 = arith.mulf %gather3A_1181, %gather3A_1182 : vector<16xf32>
      %add3A_1184 = arith.addf %add3A_1178, %mul3A_1183 : vector<16xf32>
      %broadcast_in_dim3A_1185 = arith.constant 5 : i32
      %broadcast_in_dim3A_1186 = vector.broadcast %broadcast_in_dim3A_1185 : i32 to vector<16xi32>
      %gather3A_1187 = tpu.vector_load_idx %arg9[%iota3A, %broadcast_in_dim3A_1186, %and3A_13] : memref<16x16x128xf32, #tpu.memory_space<vmem>>[vector<16xi32>, vector<16xi32>, vector<16xi32>], vector<16xf32>,
      %gather3A_1188 = tpu.vector_load_idx %arg10[%iota3A, %broadcast_in_dim3A_1186, %and3A_20] : memref<16x16x128xf32, #tpu.memory_space<vmem>>[vector<16xi32>, vector<16xi32>, vector<16xi32>], vector<16xf32>,
      %mul3A_1189 = arith.mulf %gather3A_1187, %gather3A_1188 : vector<16xf32>
      %add3A_1190 = arith.addf %add3A_1184, %mul3A_1189 : vector<16xf32>
      %broadcast_in_dim3A_1191 = arith.constant 6 : i32
      %broadcast_in_dim3A_1192 = vector.broadcast %broadcast_in_dim3A_1191 : i32 to vector<16xi32>
      %gather3A_1193 = tpu.vector_load_idx %arg9[%iota3A, %broadcast_in_dim3A_1192, %and3A_13] : memref<16x16x128xf32, #tpu.memory_space<vmem>>[vector<16xi32>, vector<16xi32>, vector<16xi32>], vector<16xf32>,
      %gather3A_1194 = tpu.vector_load_idx %arg10[%iota3A, %broadcast_in_dim3A_1192, %and3A_20] : memref<16x16x128xf32, #tpu.memory_space<vmem>>[vector<16xi32>, vector<16xi32>, vector<16xi32>], vector<16xf32>,
      %mul3A_1195 = arith.mulf %gather3A_1193, %gather3A_1194 : vector<16xf32>
      %add3A_1196 = arith.addf %add3A_1190, %mul3A_1195 : vector<16xf32>
      %broadcast_in_dim3A_1197 = arith.constant 7 : i32
      %broadcast_in_dim3A_1198 = vector.broadcast %broadcast_in_dim3A_1197 : i32 to vector<16xi32>
      %gather3A_1199 = tpu.vector_load_idx %arg9[%iota3A, %broadcast_in_dim3A_1198, %and3A_13] : memref<16x16x128xf32, #tpu.memory_space<vmem>>[vector<16xi32>, vector<16xi32>, vector<16xi32>], vector<16xf32>,
      %gather3A_1200 = tpu.vector_load_idx %arg10[%iota3A, %broadcast_in_dim3A_1198, %and3A_20] : memref<16x16x128xf32, #tpu.memory_space<vmem>>[vector<16xi32>, vector<16xi32>, vector<16xi32>], vector<16xf32>,
      %mul3A_1201 = arith.mulf %gather3A_1199, %gather3A_1200 : vector<16xf32>
      %add3A_1202 = arith.addf %add3A_1196, %mul3A_1201 : vector<16xf32>
      %broadcast_in_dim3A_1203 = arith.constant 8 : i32
      %broadcast_in_dim3A_1204 = vector.broadcast %broadcast_in_dim3A_1203 : i32 to vector<16xi32>
      %gather3A_1205 = tpu.vector_load_idx %arg9[%iota3A, %broadcast_in_dim3A_1204, %and3A_13] : memref<16x16x128xf32, #tpu.memory_space<vmem>>[vector<16xi32>, vector<16xi32>, vector<16xi32>], vector<16xf32>,
      %gather3A_1206 = tpu.vector_load_idx %arg10[%iota3A, %broadcast_in_dim3A_1204, %and3A_20] : memref<16x16x128xf32, #tpu.memory_space<vmem>>[vector<16xi32>, vector<16xi32>, vector<16xi32>], vector<16xf32>,
      %mul3A_1207 = arith.mulf %gather3A_1205, %gather3A_1206 : vector<16xf32>
      %add3A_1208 = arith.addf %add3A_1202, %mul3A_1207 : vector<16xf32>
      %broadcast_in_dim3A_1209 = arith.constant 9 : i32
      %broadcast_in_dim3A_1210 = vector.broadcast %broadcast_in_dim3A_1209 : i32 to vector<16xi32>
      %gather3A_1211 = tpu.vector_load_idx %arg9[%iota3A, %broadcast_in_dim3A_1210, %and3A_13] : memref<16x16x128xf32, #tpu.memory_space<vmem>>[vector<16xi32>, vector<16xi32>, vector<16xi32>], vector<16xf32>,
      %gather3A_1212 = tpu.vector_load_idx %arg10[%iota3A, %broadcast_in_dim3A_1210, %and3A_20] : memref<16x16x128xf32, #tpu.memory_space<vmem>>[vector<16xi32>, vector<16xi32>, vector<16xi32>], vector<16xf32>,
      %mul3A_1213 = arith.mulf %gather3A_1211, %gather3A_1212 : vector<16xf32>
      %add3A_1214 = arith.addf %add3A_1208, %mul3A_1213 : vector<16xf32>
      %broadcast_in_dim3A_1215 = arith.constant 10 : i32
      %broadcast_in_dim3A_1216 = vector.broadcast %broadcast_in_dim3A_1215 : i32 to vector<16xi32>
      %gather3A_1217 = tpu.vector_load_idx %arg9[%iota3A, %broadcast_in_dim3A_1216, %and3A_13] : memref<16x16x128xf32, #tpu.memory_space<vmem>>[vector<16xi32>, vector<16xi32>, vector<16xi32>], vector<16xf32>,
      %gather3A_1218 = tpu.vector_load_idx %arg10[%iota3A, %broadcast_in_dim3A_1216, %and3A_20] : memref<16x16x128xf32, #tpu.memory_space<vmem>>[vector<16xi32>, vector<16xi32>, vector<16xi32>], vector<16xf32>,
      %mul3A_1219 = arith.mulf %gather3A_1217, %gather3A_1218 : vector<16xf32>
      %add3A_1220 = arith.addf %add3A_1214, %mul3A_1219 : vector<16xf32>
      %broadcast_in_dim3A_1221 = arith.constant 11 : i32
      %broadcast_in_dim3A_1222 = vector.broadcast %broadcast_in_dim3A_1221 : i32 to vector<16xi32>
      %gather3A_1223 = tpu.vector_load_idx %arg9[%iota3A, %broadcast_in_dim3A_1222, %and3A_13] : memref<16x16x128xf32, #tpu.memory_space<vmem>>[vector<16xi32>, vector<16xi32>, vector<16xi32>], vector<16xf32>,
      %gather3A_1224 = tpu.vector_load_idx %arg10[%iota3A, %broadcast_in_dim3A_1222, %and3A_20] : memref<16x16x128xf32, #tpu.memory_space<vmem>>[vector<16xi32>, vector<16xi32>, vector<16xi32>], vector<16xf32>,
      %mul3A_1225 = arith.mulf %gather3A_1223, %gather3A_1224 : vector<16xf32>
      %add3A_1226 = arith.addf %add3A_1220, %mul3A_1225 : vector<16xf32>
      %broadcast_in_dim3A_1227 = arith.constant 12 : i32
      %broadcast_in_dim3A_1228 = vector.broadcast %broadcast_in_dim3A_1227 : i32 to vector<16xi32>
      %gather3A_1229 = tpu.vector_load_idx %arg9[%iota3A, %broadcast_in_dim3A_1228, %and3A_13] : memref<16x16x128xf32, #tpu.memory_space<vmem>>[vector<16xi32>, vector<16xi32>, vector<16xi32>], vector<16xf32>,
      %gather3A_1230 = tpu.vector_load_idx %arg10[%iota3A, %broadcast_in_dim3A_1228, %and3A_20] : memref<16x16x128xf32, #tpu.memory_space<vmem>>[vector<16xi32>, vector<16xi32>, vector<16xi32>], vector<16xf32>,
      %mul3A_1231 = arith.mulf %gather3A_1229, %gather3A_1230 : vector<16xf32>
      %add3A_1232 = arith.addf %add3A_1226, %mul3A_1231 : vector<16xf32>
      %broadcast_in_dim3A_1233 = arith.constant 13 : i32
      %broadcast_in_dim3A_1234 = vector.broadcast %broadcast_in_dim3A_1233 : i32 to vector<16xi32>
      %gather3A_1235 = tpu.vector_load_idx %arg9[%iota3A, %broadcast_in_dim3A_1234, %and3A_13] : memref<16x16x128xf32, #tpu.memory_space<vmem>>[vector<16xi32>, vector<16xi32>, vector<16xi32>], vector<16xf32>,
      %gather3A_1236 = tpu.vector_load_idx %arg10[%iota3A, %broadcast_in_dim3A_1234, %and3A_20] : memref<16x16x128xf32, #tpu.memory_space<vmem>>[vector<16xi32>, vector<16xi32>, vector<16xi32>], vector<16xf32>,
      %mul3A_1237 = arith.mulf %gather3A_1235, %gather3A_1236 : vector<16xf32>
      %add3A_1238 = arith.addf %add3A_1232, %mul3A_1237 : vector<16xf32>
      %broadcast_in_dim3A_1239 = arith.constant 14 : i32
      %broadcast_in_dim3A_1240 = vector.broadcast %broadcast_in_dim3A_1239 : i32 to vector<16xi32>
      %gather3A_1241 = tpu.vector_load_idx %arg9[%iota3A, %broadcast_in_dim3A_1240, %and3A_13] : memref<16x16x128xf32, #tpu.memory_space<vmem>>[vector<16xi32>, vector<16xi32>, vector<16xi32>], vector<16xf32>,
      %gather3A_1242 = tpu.vector_load_idx %arg10[%iota3A, %broadcast_in_dim3A_1240, %and3A_20] : memref<16x16x128xf32, #tpu.memory_space<vmem>>[vector<16xi32>, vector<16xi32>, vector<16xi32>], vector<16xf32>,
      %mul3A_1243 = arith.mulf %gather3A_1241, %gather3A_1242 : vector<16xf32>
      %add3A_1244 = arith.addf %add3A_1238, %mul3A_1243 : vector<16xf32>
      %broadcast_in_dim3A_1245 = arith.constant 15 : i32
      %broadcast_in_dim3A_1246 = vector.broadcast %broadcast_in_dim3A_1245 : i32 to vector<16xi32>
      %gather3A_1247 = tpu.vector_load_idx %arg9[%iota3A, %broadcast_in_dim3A_1246, %and3A_13] : memref<16x16x128xf32, #tpu.memory_space<vmem>>[vector<16xi32>, vector<16xi32>, vector<16xi32>], vector<16xf32>,
      %gather3A_1248 = tpu.vector_load_idx %arg10[%iota3A, %broadcast_in_dim3A_1246, %and3A_20] : memref<16x16x128xf32, #tpu.memory_space<vmem>>[vector<16xi32>, vector<16xi32>, vector<16xi32>], vector<16xf32>,
      %mul3A_1249 = arith.mulf %gather3A_1247, %gather3A_1248 : vector<16xf32>
      %add3A_1250 = arith.addf %add3A_1244, %mul3A_1249 : vector<16xf32>
      %dma_start3A_1251 = arith.constant 0 : i32
      %dma_start3A_1252 = arith.constant 0 : i32
      %dma_start3A_1253 = arith.constant 0 : i32
      %dma_start3A_1254 = tpu.memref_slice %arg9[%dma_start3A_1251, %dma_start3A_1252, %dma_start3A_1253] : memref<16x16x128xf32, #tpu.memory_space<vmem>> -> memref<1x16x128xf32, #tpu.memory_space<vmem>>
      %dma_start3A_1255 = tpu.memref_squeeze %dma_start3A_1254 : memref<1x16x128xf32, #tpu.memory_space<vmem>> -> memref<16x128xf32, #tpu.memory_space<vmem>>
      %dma_start3A_1256 = arith.constant 16 : i32
      %dma_start3A_1257 = tpu.memref_slice %arg4[%dma_start3A_1256, %multiple_of3A] : memref<32x1000000xf32, #tpu.memory_space<hbm>> -> memref<16x128xf32, #tpu.memory_space<hbm>>
      %dma_start3A_1258 = arith.constant 0 : i32
      %dma_start3A_1259 = arith.constant 0 : i32
      %dma_start3A_1260 = tpu.memref_slice %arg9[%dma_start3A_1251, %dma_start3A_1258, %dma_start3A_1259] : memref<16x16x128xf32, #tpu.memory_space<vmem>> -> memref<1x16x128xf32, #tpu.memory_space<vmem>>
      %dma_start3A_1261 = tpu.memref_squeeze %dma_start3A_1260 : memref<1x16x128xf32, #tpu.memory_space<vmem>> -> memref<16x128xf32, #tpu.memory_space<vmem>>
      %dma_start3A_1262 = arith.constant 16 : i32
      %dma_start3A_1263 = tpu.memref_slice %arg4[%dma_start3A_1262, %multiple_of3A] : memref<32x1000000xf32, #tpu.memory_space<hbm>> -> memref<16x128xf32, #tpu.memory_space<hbm>>
      tpu.enqueue_dma source(%dma_start3A_1263 : memref<16x128xf32, #tpu.memory_space<hbm>>) target(%dma_start3A_1261 : memref<16x128xf32, #tpu.memory_space<vmem>>) target_semaphore(%arg12 : memref<!tpu.dma_semaphore, #tpu.memory_space<semaphore_mem>>)
      %dma_start3A_1264 = arith.constant 0 : i32
      %dma_start3A_1265 = arith.constant 0 : i32
      %dma_start3A_1266 = arith.constant 0 : i32
      %dma_start3A_1267 = tpu.memref_slice %arg10[%dma_start3A_1264, %dma_start3A_1265, %dma_start3A_1266] : memref<16x16x128xf32, #tpu.memory_space<vmem>> -> memref<1x16x128xf32, #tpu.memory_space<vmem>>
      %dma_start3A_1268 = tpu.memref_squeeze %dma_start3A_1267 : memref<1x16x128xf32, #tpu.memory_space<vmem>> -> memref<16x128xf32, #tpu.memory_space<vmem>>
      %dma_start3A_1269 = arith.constant 16 : i32
      %dma_start3A_1270 = tpu.memref_slice %arg5[%dma_start3A_1269, %multiple_of3A_190] : memref<32x1000000xf32, #tpu.memory_space<hbm>> -> memref<16x128xf32, #tpu.memory_space<hbm>>
      %dma_start3A_1271 = arith.constant 0 : i32
      %dma_start3A_1272 = arith.constant 0 : i32
      %dma_start3A_1273 = tpu.memref_slice %arg10[%dma_start3A_1264, %dma_start3A_1271, %dma_start3A_1272] : memref<16x16x128xf32, #tpu.memory_space<vmem>> -> memref<1x16x128xf32, #tpu.memory_space<vmem>>
      %dma_start3A_1274 = tpu.memref_squeeze %dma_start3A_1273 : memref<1x16x128xf32, #tpu.memory_space<vmem>> -> memref<16x128xf32, #tpu.memory_space<vmem>>
      %dma_start3A_1275 = arith.constant 16 : i32
      %dma_start3A_1276 = tpu.memref_slice %arg5[%dma_start3A_1275, %multiple_of3A_190] : memref<32x1000000xf32, #tpu.memory_space<hbm>> -> memref<16x128xf32, #tpu.memory_space<hbm>>
      tpu.enqueue_dma source(%dma_start3A_1276 : memref<16x128xf32, #tpu.memory_space<hbm>>) target(%dma_start3A_1274 : memref<16x128xf32, #tpu.memory_space<vmem>>) target_semaphore(%arg12 : memref<!tpu.dma_semaphore, #tpu.memory_space<semaphore_mem>>)
      %dma_start3A_1277 = arith.constant 1 : i32
      %dma_start3A_1278 = arith.constant 0 : i32
      %dma_start3A_1279 = arith.constant 0 : i32
      %dma_start3A_1280 = tpu.memref_slice %arg9[%dma_start3A_1277, %dma_start3A_1278, %dma_start3A_1279] : memref<16x16x128xf32, #tpu.memory_space<vmem>> -> memref<1x16x128xf32, #tpu.memory_space<vmem>>
      %dma_start3A_1281 = tpu.memref_squeeze %dma_start3A_1280 : memref<1x16x128xf32, #tpu.memory_space<vmem>> -> memref<16x128xf32, #tpu.memory_space<vmem>>
      %dma_start3A_1282 = arith.constant 16 : i32
      %dma_start3A_1283 = tpu.memref_slice %arg4[%dma_start3A_1282, %multiple_of3A_55] : memref<32x1000000xf32, #tpu.memory_space<hbm>> -> memref<16x128xf32, #tpu.memory_space<hbm>>
      %dma_start3A_1284 = arith.constant 0 : i32
      %dma_start3A_1285 = arith.constant 0 : i32
      %dma_start3A_1286 = tpu.memref_slice %arg9[%dma_start3A_1277, %dma_start3A_1284, %dma_start3A_1285] : memref<16x16x128xf32, #tpu.memory_space<vmem>> -> memref<1x16x128xf32, #tpu.memory_space<vmem>>
      %dma_start3A_1287 = tpu.memref_squeeze %dma_start3A_1286 : memref<1x16x128xf32, #tpu.memory_space<vmem>> -> memref<16x128xf32, #tpu.memory_space<vmem>>
      %dma_start3A_1288 = arith.constant 16 : i32
      %dma_start3A_1289 = tpu.memref_slice %arg4[%dma_start3A_1288, %multiple_of3A_55] : memref<32x1000000xf32, #tpu.memory_space<hbm>> -> memref<16x128xf32, #tpu.memory_space<hbm>>
      tpu.enqueue_dma source(%dma_start3A_1289 : memref<16x128xf32, #tpu.memory_space<hbm>>) target(%dma_start3A_1287 : memref<16x128xf32, #tpu.memory_space<vmem>>) target_semaphore(%arg12 : memref<!tpu.dma_semaphore, #tpu.memory_space<semaphore_mem>>)
      %dma_start3A_1290 = arith.constant 1 : i32
      %dma_start3A_1291 = arith.constant 0 : i32
      %dma_start3A_1292 = arith.constant 0 : i32
      %dma_start3A_1293 = tpu.memref_slice %arg10[%dma_start3A_1290, %dma_start3A_1291, %dma_start3A_1292] : memref<16x16x128xf32, #tpu.memory_space<vmem>> -> memref<1x16x128xf32, #tpu.memory_space<vmem>>
      %dma_start3A_1294 = tpu.memref_squeeze %dma_start3A_1293 : memref<1x16x128xf32, #tpu.memory_space<vmem>> -> memref<16x128xf32, #tpu.memory_space<vmem>>
      %dma_start3A_1295 = arith.constant 16 : i32
      %dma_start3A_1296 = tpu.memref_slice %arg5[%dma_start3A_1295, %multiple_of3A_199] : memref<32x1000000xf32, #tpu.memory_space<hbm>> -> memref<16x128xf32, #tpu.memory_space<hbm>>
      %dma_start3A_1297 = arith.constant 0 : i32
      %dma_start3A_1298 = arith.constant 0 : i32
      %dma_start3A_1299 = tpu.memref_slice %arg10[%dma_start3A_1290, %dma_start3A_1297, %dma_start3A_1298] : memref<16x16x128xf32, #tpu.memory_space<vmem>> -> memref<1x16x128xf32, #tpu.memory_space<vmem>>
      %dma_start3A_1300 = tpu.memref_squeeze %dma_start3A_1299 : memref<1x16x128xf32, #tpu.memory_space<vmem>> -> memref<16x128xf32, #tpu.memory_space<vmem>>
      %dma_start3A_1301 = arith.constant 16 : i32
      %dma_start3A_1302 = tpu.memref_slice %arg5[%dma_start3A_1301, %multiple_of3A_199] : memref<32x1000000xf32, #tpu.memory_space<hbm>> -> memref<16x128xf32, #tpu.memory_space<hbm>>
      tpu.enqueue_dma source(%dma_start3A_1302 : memref<16x128xf32, #tpu.memory_space<hbm>>) target(%dma_start3A_1300 : memref<16x128xf32, #tpu.memory_space<vmem>>) target_semaphore(%arg12 : memref<!tpu.dma_semaphore, #tpu.memory_space<semaphore_mem>>)
      %dma_start3A_1303 = arith.constant 2 : i32
      %dma_start3A_1304 = arith.constant 0 : i32
      %dma_start3A_1305 = arith.constant 0 : i32
      %dma_start3A_1306 = tpu.memref_slice %arg9[%dma_start3A_1303, %dma_start3A_1304, %dma_start3A_1305] : memref<16x16x128xf32, #tpu.memory_space<vmem>> -> memref<1x16x128xf32, #tpu.memory_space<vmem>>
      %dma_start3A_1307 = tpu.memref_squeeze %dma_start3A_1306 : memref<1x16x128xf32, #tpu.memory_space<vmem>> -> memref<16x128xf32, #tpu.memory_space<vmem>>
      %dma_start3A_1308 = arith.constant 16 : i32
      %dma_start3A_1309 = tpu.memref_slice %arg4[%dma_start3A_1308, %multiple_of3A_64] : memref<32x1000000xf32, #tpu.memory_space<hbm>> -> memref<16x128xf32, #tpu.memory_space<hbm>>
      %dma_start3A_1310 = arith.constant 0 : i32
      %dma_start3A_1311 = arith.constant 0 : i32
      %dma_start3A_1312 = tpu.memref_slice %arg9[%dma_start3A_1303, %dma_start3A_1310, %dma_start3A_1311] : memref<16x16x128xf32, #tpu.memory_space<vmem>> -> memref<1x16x128xf32, #tpu.memory_space<vmem>>
      %dma_start3A_1313 = tpu.memref_squeeze %dma_start3A_1312 : memref<1x16x128xf32, #tpu.memory_space<vmem>> -> memref<16x128xf32, #tpu.memory_space<vmem>>
      %dma_start3A_1314 = arith.constant 16 : i32
      %dma_start3A_1315 = tpu.memref_slice %arg4[%dma_start3A_1314, %multiple_of3A_64] : memref<32x1000000xf32, #tpu.memory_space<hbm>> -> memref<16x128xf32, #tpu.memory_space<hbm>>
      tpu.enqueue_dma source(%dma_start3A_1315 : memref<16x128xf32, #tpu.memory_space<hbm>>) target(%dma_start3A_1313 : memref<16x128xf32, #tpu.memory_space<vmem>>) target_semaphore(%arg12 : memref<!tpu.dma_semaphore, #tpu.memory_space<semaphore_mem>>)
      %dma_start3A_1316 = arith.constant 2 : i32
      %dma_start3A_1317 = arith.constant 0 : i32
      %dma_start3A_1318 = arith.constant 0 : i32
      %dma_start3A_1319 = tpu.memref_slice %arg10[%dma_start3A_1316, %dma_start3A_1317, %dma_start3A_1318] : memref<16x16x128xf32, #tpu.memory_space<vmem>> -> memref<1x16x128xf32, #tpu.memory_space<vmem>>
      %dma_start3A_1320 = tpu.memref_squeeze %dma_start3A_1319 : memref<1x16x128xf32, #tpu.memory_space<vmem>> -> memref<16x128xf32, #tpu.memory_space<vmem>>
      %dma_start3A_1321 = arith.constant 16 : i32
      %dma_start3A_1322 = tpu.memref_slice %arg5[%dma_start3A_1321, %multiple_of3A_208] : memref<32x1000000xf32, #tpu.memory_space<hbm>> -> memref<16x128xf32, #tpu.memory_space<hbm>>
      %dma_start3A_1323 = arith.constant 0 : i32
      %dma_start3A_1324 = arith.constant 0 : i32
      %dma_start3A_1325 = tpu.memref_slice %arg10[%dma_start3A_1316, %dma_start3A_1323, %dma_start3A_1324] : memref<16x16x128xf32, #tpu.memory_space<vmem>> -> memref<1x16x128xf32, #tpu.memory_space<vmem>>
      %dma_start3A_1326 = tpu.memref_squeeze %dma_start3A_1325 : memref<1x16x128xf32, #tpu.memory_space<vmem>> -> memref<16x128xf32, #tpu.memory_space<vmem>>
      %dma_start3A_1327 = arith.constant 16 : i32
      %dma_start3A_1328 = tpu.memref_slice %arg5[%dma_start3A_1327, %multiple_of3A_208] : memref<32x1000000xf32, #tpu.memory_space<hbm>> -> memref<16x128xf32, #tpu.memory_space<hbm>>
      tpu.enqueue_dma source(%dma_start3A_1328 : memref<16x128xf32, #tpu.memory_space<hbm>>) target(%dma_start3A_1326 : memref<16x128xf32, #tpu.memory_space<vmem>>) target_semaphore(%arg12 : memref<!tpu.dma_semaphore, #tpu.memory_space<semaphore_mem>>)
      %dma_start3A_1329 = arith.constant 3 : i32
      %dma_start3A_1330 = arith.constant 0 : i32
      %dma_start3A_1331 = arith.constant 0 : i32
      %dma_start3A_1332 = tpu.memref_slice %arg9[%dma_start3A_1329, %dma_start3A_1330, %dma_start3A_1331] : memref<16x16x128xf32, #tpu.memory_space<vmem>> -> memref<1x16x128xf32, #tpu.memory_space<vmem>>
      %dma_start3A_1333 = tpu.memref_squeeze %dma_start3A_1332 : memref<1x16x128xf32, #tpu.memory_space<vmem>> -> memref<16x128xf32, #tpu.memory_space<vmem>>
      %dma_start3A_1334 = arith.constant 16 : i32
      %dma_start3A_1335 = tpu.memref_slice %arg4[%dma_start3A_1334, %multiple_of3A_73] : memref<32x1000000xf32, #tpu.memory_space<hbm>> -> memref<16x128xf32, #tpu.memory_space<hbm>>
      %dma_start3A_1336 = arith.constant 0 : i32
      %dma_start3A_1337 = arith.constant 0 : i32
      %dma_start3A_1338 = tpu.memref_slice %arg9[%dma_start3A_1329, %dma_start3A_1336, %dma_start3A_1337] : memref<16x16x128xf32, #tpu.memory_space<vmem>> -> memref<1x16x128xf32, #tpu.memory_space<vmem>>
      %dma_start3A_1339 = tpu.memref_squeeze %dma_start3A_1338 : memref<1x16x128xf32, #tpu.memory_space<vmem>> -> memref<16x128xf32, #tpu.memory_space<vmem>>
      %dma_start3A_1340 = arith.constant 16 : i32
      %dma_start3A_1341 = tpu.memref_slice %arg4[%dma_start3A_1340, %multiple_of3A_73] : memref<32x1000000xf32, #tpu.memory_space<hbm>> -> memref<16x128xf32, #tpu.memory_space<hbm>>
      tpu.enqueue_dma source(%dma_start3A_1341 : memref<16x128xf32, #tpu.memory_space<hbm>>) target(%dma_start3A_1339 : memref<16x128xf32, #tpu.memory_space<vmem>>) target_semaphore(%arg12 : memref<!tpu.dma_semaphore, #tpu.memory_space<semaphore_mem>>)
      %dma_start3A_1342 = arith.constant 3 : i32
      %dma_start3A_1343 = arith.constant 0 : i32
      %dma_start3A_1344 = arith.constant 0 : i32
      %dma_start3A_1345 = tpu.memref_slice %arg10[%dma_start3A_1342, %dma_start3A_1343, %dma_start3A_1344] : memref<16x16x128xf32, #tpu.memory_space<vmem>> -> memref<1x16x128xf32, #tpu.memory_space<vmem>>
      %dma_start3A_1346 = tpu.memref_squeeze %dma_start3A_1345 : memref<1x16x128xf32, #tpu.memory_space<vmem>> -> memref<16x128xf32, #tpu.memory_space<vmem>>
      %dma_start3A_1347 = arith.constant 16 : i32
      %dma_start3A_1348 = tpu.memref_slice %arg5[%dma_start3A_1347, %multiple_of3A_217] : memref<32x1000000xf32, #tpu.memory_space<hbm>> -> memref<16x128xf32, #tpu.memory_space<hbm>>
      %dma_start3A_1349 = arith.constant 0 : i32
      %dma_start3A_1350 = arith.constant 0 : i32
      %dma_start3A_1351 = tpu.memref_slice %arg10[%dma_start3A_1342, %dma_start3A_1349, %dma_start3A_1350] : memref<16x16x128xf32, #tpu.memory_space<vmem>> -> memref<1x16x128xf32, #tpu.memory_space<vmem>>
      %dma_start3A_1352 = tpu.memref_squeeze %dma_start3A_1351 : memref<1x16x128xf32, #tpu.memory_space<vmem>> -> memref<16x128xf32, #tpu.memory_space<vmem>>
      %dma_start3A_1353 = arith.constant 16 : i32
      %dma_start3A_1354 = tpu.memref_slice %arg5[%dma_start3A_1353, %multiple_of3A_217] : memref<32x1000000xf32, #tpu.memory_space<hbm>> -> memref<16x128xf32, #tpu.memory_space<hbm>>
      tpu.enqueue_dma source(%dma_start3A_1354 : memref<16x128xf32, #tpu.memory_space<hbm>>) target(%dma_start3A_1352 : memref<16x128xf32, #tpu.memory_space<vmem>>) target_semaphore(%arg12 : memref<!tpu.dma_semaphore, #tpu.memory_space<semaphore_mem>>)
      %dma_start3A_1355 = arith.constant 4 : i32
      %dma_start3A_1356 = arith.constant 0 : i32
      %dma_start3A_1357 = arith.constant 0 : i32
      %dma_start3A_1358 = tpu.memref_slice %arg9[%dma_start3A_1355, %dma_start3A_1356, %dma_start3A_1357] : memref<16x16x128xf32, #tpu.memory_space<vmem>> -> memref<1x16x128xf32, #tpu.memory_space<vmem>>
      %dma_start3A_1359 = tpu.memref_squeeze %dma_start3A_1358 : memref<1x16x128xf32, #tpu.memory_space<vmem>> -> memref<16x128xf32, #tpu.memory_space<vmem>>
      %dma_start3A_1360 = arith.constant 16 : i32
      %dma_start3A_1361 = tpu.memref_slice %arg4[%dma_start3A_1360, %multiple_of3A_82] : memref<32x1000000xf32, #tpu.memory_space<hbm>> -> memref<16x128xf32, #tpu.memory_space<hbm>>
      %dma_start3A_1362 = arith.constant 0 : i32
      %dma_start3A_1363 = arith.constant 0 : i32
      %dma_start3A_1364 = tpu.memref_slice %arg9[%dma_start3A_1355, %dma_start3A_1362, %dma_start3A_1363] : memref<16x16x128xf32, #tpu.memory_space<vmem>> -> memref<1x16x128xf32, #tpu.memory_space<vmem>>
      %dma_start3A_1365 = tpu.memref_squeeze %dma_start3A_1364 : memref<1x16x128xf32, #tpu.memory_space<vmem>> -> memref<16x128xf32, #tpu.memory_space<vmem>>
      %dma_start3A_1366 = arith.constant 16 : i32
      %dma_start3A_1367 = tpu.memref_slice %arg4[%dma_start3A_1366, %multiple_of3A_82] : memref<32x1000000xf32, #tpu.memory_space<hbm>> -> memref<16x128xf32, #tpu.memory_space<hbm>>
      tpu.enqueue_dma source(%dma_start3A_1367 : memref<16x128xf32, #tpu.memory_space<hbm>>) target(%dma_start3A_1365 : memref<16x128xf32, #tpu.memory_space<vmem>>) target_semaphore(%arg12 : memref<!tpu.dma_semaphore, #tpu.memory_space<semaphore_mem>>)
      %dma_start3A_1368 = arith.constant 4 : i32
      %dma_start3A_1369 = arith.constant 0 : i32
      %dma_start3A_1370 = arith.constant 0 : i32
      %dma_start3A_1371 = tpu.memref_slice %arg10[%dma_start3A_1368, %dma_start3A_1369, %dma_start3A_1370] : memref<16x16x128xf32, #tpu.memory_space<vmem>> -> memref<1x16x128xf32, #tpu.memory_space<vmem>>
      %dma_start3A_1372 = tpu.memref_squeeze %dma_start3A_1371 : memref<1x16x128xf32, #tpu.memory_space<vmem>> -> memref<16x128xf32, #tpu.memory_space<vmem>>
      %dma_start3A_1373 = arith.constant 16 : i32
      %dma_start3A_1374 = tpu.memref_slice %arg5[%dma_start3A_1373, %multiple_of3A_226] : memref<32x1000000xf32, #tpu.memory_space<hbm>> -> memref<16x128xf32, #tpu.memory_space<hbm>>
      %dma_start3A_1375 = arith.constant 0 : i32
      %dma_start3A_1376 = arith.constant 0 : i32
      %dma_start3A_1377 = tpu.memref_slice %arg10[%dma_start3A_1368, %dma_start3A_1375, %dma_start3A_1376] : memref<16x16x128xf32, #tpu.memory_space<vmem>> -> memref<1x16x128xf32, #tpu.memory_space<vmem>>
      %dma_start3A_1378 = tpu.memref_squeeze %dma_start3A_1377 : memref<1x16x128xf32, #tpu.memory_space<vmem>> -> memref<16x128xf32, #tpu.memory_space<vmem>>
      %dma_start3A_1379 = arith.constant 16 : i32
      %dma_start3A_1380 = tpu.memref_slice %arg5[%dma_start3A_1379, %multiple_of3A_226] : memref<32x1000000xf32, #tpu.memory_space<hbm>> -> memref<16x128xf32, #tpu.memory_space<hbm>>
      tpu.enqueue_dma source(%dma_start3A_1380 : memref<16x128xf32, #tpu.memory_space<hbm>>) target(%dma_start3A_1378 : memref<16x128xf32, #tpu.memory_space<vmem>>) target_semaphore(%arg12 : memref<!tpu.dma_semaphore, #tpu.memory_space<semaphore_mem>>)
      %dma_start3A_1381 = arith.constant 5 : i32
      %dma_start3A_1382 = arith.constant 0 : i32
      %dma_start3A_1383 = arith.constant 0 : i32
      %dma_start3A_1384 = tpu.memref_slice %arg9[%dma_start3A_1381, %dma_start3A_1382, %dma_start3A_1383] : memref<16x16x128xf32, #tpu.memory_space<vmem>> -> memref<1x16x128xf32, #tpu.memory_space<vmem>>
      %dma_start3A_1385 = tpu.memref_squeeze %dma_start3A_1384 : memref<1x16x128xf32, #tpu.memory_space<vmem>> -> memref<16x128xf32, #tpu.memory_space<vmem>>
      %dma_start3A_1386 = arith.constant 16 : i32
      %dma_start3A_1387 = tpu.memref_slice %arg4[%dma_start3A_1386, %multiple_of3A_91] : memref<32x1000000xf32, #tpu.memory_space<hbm>> -> memref<16x128xf32, #tpu.memory_space<hbm>>
      %dma_start3A_1388 = arith.constant 0 : i32
      %dma_start3A_1389 = arith.constant 0 : i32
      %dma_start3A_1390 = tpu.memref_slice %arg9[%dma_start3A_1381, %dma_start3A_1388, %dma_start3A_1389] : memref<16x16x128xf32, #tpu.memory_space<vmem>> -> memref<1x16x128xf32, #tpu.memory_space<vmem>>
      %dma_start3A_1391 = tpu.memref_squeeze %dma_start3A_1390 : memref<1x16x128xf32, #tpu.memory_space<vmem>> -> memref<16x128xf32, #tpu.memory_space<vmem>>
      %dma_start3A_1392 = arith.constant 16 : i32
      %dma_start3A_1393 = tpu.memref_slice %arg4[%dma_start3A_1392, %multiple_of3A_91] : memref<32x1000000xf32, #tpu.memory_space<hbm>> -> memref<16x128xf32, #tpu.memory_space<hbm>>
      tpu.enqueue_dma source(%dma_start3A_1393 : memref<16x128xf32, #tpu.memory_space<hbm>>) target(%dma_start3A_1391 : memref<16x128xf32, #tpu.memory_space<vmem>>) target_semaphore(%arg12 : memref<!tpu.dma_semaphore, #tpu.memory_space<semaphore_mem>>)
      %dma_start3A_1394 = arith.constant 5 : i32
      %dma_start3A_1395 = arith.constant 0 : i32
      %dma_start3A_1396 = arith.constant 0 : i32
      %dma_start3A_1397 = tpu.memref_slice %arg10[%dma_start3A_1394, %dma_start3A_1395, %dma_start3A_1396] : memref<16x16x128xf32, #tpu.memory_space<vmem>> -> memref<1x16x128xf32, #tpu.memory_space<vmem>>
      %dma_start3A_1398 = tpu.memref_squeeze %dma_start3A_1397 : memref<1x16x128xf32, #tpu.memory_space<vmem>> -> memref<16x128xf32, #tpu.memory_space<vmem>>
      %dma_start3A_1399 = arith.constant 16 : i32
      %dma_start3A_1400 = tpu.memref_slice %arg5[%dma_start3A_1399, %multiple_of3A_235] : memref<32x1000000xf32, #tpu.memory_space<hbm>> -> memref<16x128xf32, #tpu.memory_space<hbm>>
      %dma_start3A_1401 = arith.constant 0 : i32
      %dma_start3A_1402 = arith.constant 0 : i32
      %dma_start3A_1403 = tpu.memref_slice %arg10[%dma_start3A_1394, %dma_start3A_1401, %dma_start3A_1402] : memref<16x16x128xf32, #tpu.memory_space<vmem>> -> memref<1x16x128xf32, #tpu.memory_space<vmem>>
      %dma_start3A_1404 = tpu.memref_squeeze %dma_start3A_1403 : memref<1x16x128xf32, #tpu.memory_space<vmem>> -> memref<16x128xf32, #tpu.memory_space<vmem>>
      %dma_start3A_1405 = arith.constant 16 : i32
      %dma_start3A_1406 = tpu.memref_slice %arg5[%dma_start3A_1405, %multiple_of3A_235] : memref<32x1000000xf32, #tpu.memory_space<hbm>> -> memref<16x128xf32, #tpu.memory_space<hbm>>
      tpu.enqueue_dma source(%dma_start3A_1406 : memref<16x128xf32, #tpu.memory_space<hbm>>) target(%dma_start3A_1404 : memref<16x128xf32, #tpu.memory_space<vmem>>) target_semaphore(%arg12 : memref<!tpu.dma_semaphore, #tpu.memory_space<semaphore_mem>>)
      %dma_start3A_1407 = arith.constant 6 : i32
      %dma_start3A_1408 = arith.constant 0 : i32
      %dma_start3A_1409 = arith.constant 0 : i32
      %dma_start3A_1410 = tpu.memref_slice %arg9[%dma_start3A_1407, %dma_start3A_1408, %dma_start3A_1409] : memref<16x16x128xf32, #tpu.memory_space<vmem>> -> memref<1x16x128xf32, #tpu.memory_space<vmem>>
      %dma_start3A_1411 = tpu.memref_squeeze %dma_start3A_1410 : memref<1x16x128xf32, #tpu.memory_space<vmem>> -> memref<16x128xf32, #tpu.memory_space<vmem>>
      %dma_start3A_1412 = arith.constant 16 : i32
      %dma_start3A_1413 = tpu.memref_slice %arg4[%dma_start3A_1412, %multiple_of3A_100] : memref<32x1000000xf32, #tpu.memory_space<hbm>> -> memref<16x128xf32, #tpu.memory_space<hbm>>
      %dma_start3A_1414 = arith.constant 0 : i32
      %dma_start3A_1415 = arith.constant 0 : i32
      %dma_start3A_1416 = tpu.memref_slice %arg9[%dma_start3A_1407, %dma_start3A_1414, %dma_start3A_1415] : memref<16x16x128xf32, #tpu.memory_space<vmem>> -> memref<1x16x128xf32, #tpu.memory_space<vmem>>
      %dma_start3A_1417 = tpu.memref_squeeze %dma_start3A_1416 : memref<1x16x128xf32, #tpu.memory_space<vmem>> -> memref<16x128xf32, #tpu.memory_space<vmem>>
      %dma_start3A_1418 = arith.constant 16 : i32
      %dma_start3A_1419 = tpu.memref_slice %arg4[%dma_start3A_1418, %multiple_of3A_100] : memref<32x1000000xf32, #tpu.memory_space<hbm>> -> memref<16x128xf32, #tpu.memory_space<hbm>>
      tpu.enqueue_dma source(%dma_start3A_1419 : memref<16x128xf32, #tpu.memory_space<hbm>>) target(%dma_start3A_1417 : memref<16x128xf32, #tpu.memory_space<vmem>>) target_semaphore(%arg12 : memref<!tpu.dma_semaphore, #tpu.memory_space<semaphore_mem>>)
      %dma_start3A_1420 = arith.constant 6 : i32
      %dma_start3A_1421 = arith.constant 0 : i32
      %dma_start3A_1422 = arith.constant 0 : i32
      %dma_start3A_1423 = tpu.memref_slice %arg10[%dma_start3A_1420, %dma_start3A_1421, %dma_start3A_1422] : memref<16x16x128xf32, #tpu.memory_space<vmem>> -> memref<1x16x128xf32, #tpu.memory_space<vmem>>
      %dma_start3A_1424 = tpu.memref_squeeze %dma_start3A_1423 : memref<1x16x128xf32, #tpu.memory_space<vmem>> -> memref<16x128xf32, #tpu.memory_space<vmem>>
      %dma_start3A_1425 = arith.constant 16 : i32
      %dma_start3A_1426 = tpu.memref_slice %arg5[%dma_start3A_1425, %multiple_of3A_244] : memref<32x1000000xf32, #tpu.memory_space<hbm>> -> memref<16x128xf32, #tpu.memory_space<hbm>>
      %dma_start3A_1427 = arith.constant 0 : i32
      %dma_start3A_1428 = arith.constant 0 : i32
      %dma_start3A_1429 = tpu.memref_slice %arg10[%dma_start3A_1420, %dma_start3A_1427, %dma_start3A_1428] : memref<16x16x128xf32, #tpu.memory_space<vmem>> -> memref<1x16x128xf32, #tpu.memory_space<vmem>>
      %dma_start3A_1430 = tpu.memref_squeeze %dma_start3A_1429 : memref<1x16x128xf32, #tpu.memory_space<vmem>> -> memref<16x128xf32, #tpu.memory_space<vmem>>
      %dma_start3A_1431 = arith.constant 16 : i32
      %dma_start3A_1432 = tpu.memref_slice %arg5[%dma_start3A_1431, %multiple_of3A_244] : memref<32x1000000xf32, #tpu.memory_space<hbm>> -> memref<16x128xf32, #tpu.memory_space<hbm>>
      tpu.enqueue_dma source(%dma_start3A_1432 : memref<16x128xf32, #tpu.memory_space<hbm>>) target(%dma_start3A_1430 : memref<16x128xf32, #tpu.memory_space<vmem>>) target_semaphore(%arg12 : memref<!tpu.dma_semaphore, #tpu.memory_space<semaphore_mem>>)
      %dma_start3A_1433 = arith.constant 7 : i32
      %dma_start3A_1434 = arith.constant 0 : i32
      %dma_start3A_1435 = arith.constant 0 : i32
      %dma_start3A_1436 = tpu.memref_slice %arg9[%dma_start3A_1433, %dma_start3A_1434, %dma_start3A_1435] : memref<16x16x128xf32, #tpu.memory_space<vmem>> -> memref<1x16x128xf32, #tpu.memory_space<vmem>>
      %dma_start3A_1437 = tpu.memref_squeeze %dma_start3A_1436 : memref<1x16x128xf32, #tpu.memory_space<vmem>> -> memref<16x128xf32, #tpu.memory_space<vmem>>
      %dma_start3A_1438 = arith.constant 16 : i32
      %dma_start3A_1439 = tpu.memref_slice %arg4[%dma_start3A_1438, %multiple_of3A_109] : memref<32x1000000xf32, #tpu.memory_space<hbm>> -> memref<16x128xf32, #tpu.memory_space<hbm>>
      %dma_start3A_1440 = arith.constant 0 : i32
      %dma_start3A_1441 = arith.constant 0 : i32
      %dma_start3A_1442 = tpu.memref_slice %arg9[%dma_start3A_1433, %dma_start3A_1440, %dma_start3A_1441] : memref<16x16x128xf32, #tpu.memory_space<vmem>> -> memref<1x16x128xf32, #tpu.memory_space<vmem>>
      %dma_start3A_1443 = tpu.memref_squeeze %dma_start3A_1442 : memref<1x16x128xf32, #tpu.memory_space<vmem>> -> memref<16x128xf32, #tpu.memory_space<vmem>>
      %dma_start3A_1444 = arith.constant 16 : i32
      %dma_start3A_1445 = tpu.memref_slice %arg4[%dma_start3A_1444, %multiple_of3A_109] : memref<32x1000000xf32, #tpu.memory_space<hbm>> -> memref<16x128xf32, #tpu.memory_space<hbm>>
      tpu.enqueue_dma source(%dma_start3A_1445 : memref<16x128xf32, #tpu.memory_space<hbm>>) target(%dma_start3A_1443 : memref<16x128xf32, #tpu.memory_space<vmem>>) target_semaphore(%arg12 : memref<!tpu.dma_semaphore, #tpu.memory_space<semaphore_mem>>)
      %dma_start3A_1446 = arith.constant 7 : i32
      %dma_start3A_1447 = arith.constant 0 : i32
      %dma_start3A_1448 = arith.constant 0 : i32
      %dma_start3A_1449 = tpu.memref_slice %arg10[%dma_start3A_1446, %dma_start3A_1447, %dma_start3A_1448] : memref<16x16x128xf32, #tpu.memory_space<vmem>> -> memref<1x16x128xf32, #tpu.memory_space<vmem>>
      %dma_start3A_1450 = tpu.memref_squeeze %dma_start3A_1449 : memref<1x16x128xf32, #tpu.memory_space<vmem>> -> memref<16x128xf32, #tpu.memory_space<vmem>>
      %dma_start3A_1451 = arith.constant 16 : i32
      %dma_start3A_1452 = tpu.memref_slice %arg5[%dma_start3A_1451, %multiple_of3A_253] : memref<32x1000000xf32, #tpu.memory_space<hbm>> -> memref<16x128xf32, #tpu.memory_space<hbm>>
      %dma_start3A_1453 = arith.constant 0 : i32
      %dma_start3A_1454 = arith.constant 0 : i32
      %dma_start3A_1455 = tpu.memref_slice %arg10[%dma_start3A_1446, %dma_start3A_1453, %dma_start3A_1454] : memref<16x16x128xf32, #tpu.memory_space<vmem>> -> memref<1x16x128xf32, #tpu.memory_space<vmem>>
      %dma_start3A_1456 = tpu.memref_squeeze %dma_start3A_1455 : memref<1x16x128xf32, #tpu.memory_space<vmem>> -> memref<16x128xf32, #tpu.memory_space<vmem>>
      %dma_start3A_1457 = arith.constant 16 : i32
      %dma_start3A_1458 = tpu.memref_slice %arg5[%dma_start3A_1457, %multiple_of3A_253] : memref<32x1000000xf32, #tpu.memory_space<hbm>> -> memref<16x128xf32, #tpu.memory_space<hbm>>
      tpu.enqueue_dma source(%dma_start3A_1458 : memref<16x128xf32, #tpu.memory_space<hbm>>) target(%dma_start3A_1456 : memref<16x128xf32, #tpu.memory_space<vmem>>) target_semaphore(%arg12 : memref<!tpu.dma_semaphore, #tpu.memory_space<semaphore_mem>>)
      %dma_start3A_1459 = arith.constant 8 : i32
      %dma_start3A_1460 = arith.constant 0 : i32
      %dma_start3A_1461 = arith.constant 0 : i32
      %dma_start3A_1462 = tpu.memref_slice %arg9[%dma_start3A_1459, %dma_start3A_1460, %dma_start3A_1461] : memref<16x16x128xf32, #tpu.memory_space<vmem>> -> memref<1x16x128xf32, #tpu.memory_space<vmem>>
      %dma_start3A_1463 = tpu.memref_squeeze %dma_start3A_1462 : memref<1x16x128xf32, #tpu.memory_space<vmem>> -> memref<16x128xf32, #tpu.memory_space<vmem>>
      %dma_start3A_1464 = arith.constant 16 : i32
      %dma_start3A_1465 = tpu.memref_slice %arg4[%dma_start3A_1464, %multiple_of3A_118] : memref<32x1000000xf32, #tpu.memory_space<hbm>> -> memref<16x128xf32, #tpu.memory_space<hbm>>
      %dma_start3A_1466 = arith.constant 0 : i32
      %dma_start3A_1467 = arith.constant 0 : i32
      %dma_start3A_1468 = tpu.memref_slice %arg9[%dma_start3A_1459, %dma_start3A_1466, %dma_start3A_1467] : memref<16x16x128xf32, #tpu.memory_space<vmem>> -> memref<1x16x128xf32, #tpu.memory_space<vmem>>
      %dma_start3A_1469 = tpu.memref_squeeze %dma_start3A_1468 : memref<1x16x128xf32, #tpu.memory_space<vmem>> -> memref<16x128xf32, #tpu.memory_space<vmem>>
      %dma_start3A_1470 = arith.constant 16 : i32
      %dma_start3A_1471 = tpu.memref_slice %arg4[%dma_start3A_1470, %multiple_of3A_118] : memref<32x1000000xf32, #tpu.memory_space<hbm>> -> memref<16x128xf32, #tpu.memory_space<hbm>>
      tpu.enqueue_dma source(%dma_start3A_1471 : memref<16x128xf32, #tpu.memory_space<hbm>>) target(%dma_start3A_1469 : memref<16x128xf32, #tpu.memory_space<vmem>>) target_semaphore(%arg12 : memref<!tpu.dma_semaphore, #tpu.memory_space<semaphore_mem>>)
      %dma_start3A_1472 = arith.constant 8 : i32
      %dma_start3A_1473 = arith.constant 0 : i32
      %dma_start3A_1474 = arith.constant 0 : i32
      %dma_start3A_1475 = tpu.memref_slice %arg10[%dma_start3A_1472, %dma_start3A_1473, %dma_start3A_1474] : memref<16x16x128xf32, #tpu.memory_space<vmem>> -> memref<1x16x128xf32, #tpu.memory_space<vmem>>
      %dma_start3A_1476 = tpu.memref_squeeze %dma_start3A_1475 : memref<1x16x128xf32, #tpu.memory_space<vmem>> -> memref<16x128xf32, #tpu.memory_space<vmem>>
      %dma_start3A_1477 = arith.constant 16 : i32
      %dma_start3A_1478 = tpu.memref_slice %arg5[%dma_start3A_1477, %multiple_of3A_262] : memref<32x1000000xf32, #tpu.memory_space<hbm>> -> memref<16x128xf32, #tpu.memory_space<hbm>>
      %dma_start3A_1479 = arith.constant 0 : i32
      %dma_start3A_1480 = arith.constant 0 : i32
      %dma_start3A_1481 = tpu.memref_slice %arg10[%dma_start3A_1472, %dma_start3A_1479, %dma_start3A_1480] : memref<16x16x128xf32, #tpu.memory_space<vmem>> -> memref<1x16x128xf32, #tpu.memory_space<vmem>>
      %dma_start3A_1482 = tpu.memref_squeeze %dma_start3A_1481 : memref<1x16x128xf32, #tpu.memory_space<vmem>> -> memref<16x128xf32, #tpu.memory_space<vmem>>
      %dma_start3A_1483 = arith.constant 16 : i32
      %dma_start3A_1484 = tpu.memref_slice %arg5[%dma_start3A_1483, %multiple_of3A_262] : memref<32x1000000xf32, #tpu.memory_space<hbm>> -> memref<16x128xf32, #tpu.memory_space<hbm>>
      tpu.enqueue_dma source(%dma_start3A_1484 : memref<16x128xf32, #tpu.memory_space<hbm>>) target(%dma_start3A_1482 : memref<16x128xf32, #tpu.memory_space<vmem>>) target_semaphore(%arg12 : memref<!tpu.dma_semaphore, #tpu.memory_space<semaphore_mem>>)
      %dma_start3A_1485 = arith.constant 9 : i32
      %dma_start3A_1486 = arith.constant 0 : i32
      %dma_start3A_1487 = arith.constant 0 : i32
      %dma_start3A_1488 = tpu.memref_slice %arg9[%dma_start3A_1485, %dma_start3A_1486, %dma_start3A_1487] : memref<16x16x128xf32, #tpu.memory_space<vmem>> -> memref<1x16x128xf32, #tpu.memory_space<vmem>>
      %dma_start3A_1489 = tpu.memref_squeeze %dma_start3A_1488 : memref<1x16x128xf32, #tpu.memory_space<vmem>> -> memref<16x128xf32, #tpu.memory_space<vmem>>
      %dma_start3A_1490 = arith.constant 16 : i32
      %dma_start3A_1491 = tpu.memref_slice %arg4[%dma_start3A_1490, %multiple_of3A_127] : memref<32x1000000xf32, #tpu.memory_space<hbm>> -> memref<16x128xf32, #tpu.memory_space<hbm>>
      %dma_start3A_1492 = arith.constant 0 : i32
      %dma_start3A_1493 = arith.constant 0 : i32
      %dma_start3A_1494 = tpu.memref_slice %arg9[%dma_start3A_1485, %dma_start3A_1492, %dma_start3A_1493] : memref<16x16x128xf32, #tpu.memory_space<vmem>> -> memref<1x16x128xf32, #tpu.memory_space<vmem>>
      %dma_start3A_1495 = tpu.memref_squeeze %dma_start3A_1494 : memref<1x16x128xf32, #tpu.memory_space<vmem>> -> memref<16x128xf32, #tpu.memory_space<vmem>>
      %dma_start3A_1496 = arith.constant 16 : i32
      %dma_start3A_1497 = tpu.memref_slice %arg4[%dma_start3A_1496, %multiple_of3A_127] : memref<32x1000000xf32, #tpu.memory_space<hbm>> -> memref<16x128xf32, #tpu.memory_space<hbm>>
      tpu.enqueue_dma source(%dma_start3A_1497 : memref<16x128xf32, #tpu.memory_space<hbm>>) target(%dma_start3A_1495 : memref<16x128xf32, #tpu.memory_space<vmem>>) target_semaphore(%arg12 : memref<!tpu.dma_semaphore, #tpu.memory_space<semaphore_mem>>)
      %dma_start3A_1498 = arith.constant 9 : i32
      %dma_start3A_1499 = arith.constant 0 : i32
      %dma_start3A_1500 = arith.constant 0 : i32
      %dma_start3A_1501 = tpu.memref_slice %arg10[%dma_start3A_1498, %dma_start3A_1499, %dma_start3A_1500] : memref<16x16x128xf32, #tpu.memory_space<vmem>> -> memref<1x16x128xf32, #tpu.memory_space<vmem>>
      %dma_start3A_1502 = tpu.memref_squeeze %dma_start3A_1501 : memref<1x16x128xf32, #tpu.memory_space<vmem>> -> memref<16x128xf32, #tpu.memory_space<vmem>>
      %dma_start3A_1503 = arith.constant 16 : i32
      %dma_start3A_1504 = tpu.memref_slice %arg5[%dma_start3A_1503, %multiple_of3A_271] : memref<32x1000000xf32, #tpu.memory_space<hbm>> -> memref<16x128xf32, #tpu.memory_space<hbm>>
      %dma_start3A_1505 = arith.constant 0 : i32
      %dma_start3A_1506 = arith.constant 0 : i32
      %dma_start3A_1507 = tpu.memref_slice %arg10[%dma_start3A_1498, %dma_start3A_1505, %dma_start3A_1506] : memref<16x16x128xf32, #tpu.memory_space<vmem>> -> memref<1x16x128xf32, #tpu.memory_space<vmem>>
      %dma_start3A_1508 = tpu.memref_squeeze %dma_start3A_1507 : memref<1x16x128xf32, #tpu.memory_space<vmem>> -> memref<16x128xf32, #tpu.memory_space<vmem>>
      %dma_start3A_1509 = arith.constant 16 : i32
      %dma_start3A_1510 = tpu.memref_slice %arg5[%dma_start3A_1509, %multiple_of3A_271] : memref<32x1000000xf32, #tpu.memory_space<hbm>> -> memref<16x128xf32, #tpu.memory_space<hbm>>
      tpu.enqueue_dma source(%dma_start3A_1510 : memref<16x128xf32, #tpu.memory_space<hbm>>) target(%dma_start3A_1508 : memref<16x128xf32, #tpu.memory_space<vmem>>) target_semaphore(%arg12 : memref<!tpu.dma_semaphore, #tpu.memory_space<semaphore_mem>>)
      %dma_start3A_1511 = arith.constant 10 : i32
      %dma_start3A_1512 = arith.constant 0 : i32
      %dma_start3A_1513 = arith.constant 0 : i32
      %dma_start3A_1514 = tpu.memref_slice %arg9[%dma_start3A_1511, %dma_start3A_1512, %dma_start3A_1513] : memref<16x16x128xf32, #tpu.memory_space<vmem>> -> memref<1x16x128xf32, #tpu.memory_space<vmem>>
      %dma_start3A_1515 = tpu.memref_squeeze %dma_start3A_1514 : memref<1x16x128xf32, #tpu.memory_space<vmem>> -> memref<16x128xf32, #tpu.memory_space<vmem>>
      %dma_start3A_1516 = arith.constant 16 : i32
      %dma_start3A_1517 = tpu.memref_slice %arg4[%dma_start3A_1516, %multiple_of3A_136] : memref<32x1000000xf32, #tpu.memory_space<hbm>> -> memref<16x128xf32, #tpu.memory_space<hbm>>
      %dma_start3A_1518 = arith.constant 0 : i32
      %dma_start3A_1519 = arith.constant 0 : i32
      %dma_start3A_1520 = tpu.memref_slice %arg9[%dma_start3A_1511, %dma_start3A_1518, %dma_start3A_1519] : memref<16x16x128xf32, #tpu.memory_space<vmem>> -> memref<1x16x128xf32, #tpu.memory_space<vmem>>
      %dma_start3A_1521 = tpu.memref_squeeze %dma_start3A_1520 : memref<1x16x128xf32, #tpu.memory_space<vmem>> -> memref<16x128xf32, #tpu.memory_space<vmem>>
      %dma_start3A_1522 = arith.constant 16 : i32
      %dma_start3A_1523 = tpu.memref_slice %arg4[%dma_start3A_1522, %multiple_of3A_136] : memref<32x1000000xf32, #tpu.memory_space<hbm>> -> memref<16x128xf32, #tpu.memory_space<hbm>>
      tpu.enqueue_dma source(%dma_start3A_1523 : memref<16x128xf32, #tpu.memory_space<hbm>>) target(%dma_start3A_1521 : memref<16x128xf32, #tpu.memory_space<vmem>>) target_semaphore(%arg12 : memref<!tpu.dma_semaphore, #tpu.memory_space<semaphore_mem>>)
      %dma_start3A_1524 = arith.constant 10 : i32
      %dma_start3A_1525 = arith.constant 0 : i32
      %dma_start3A_1526 = arith.constant 0 : i32
      %dma_start3A_1527 = tpu.memref_slice %arg10[%dma_start3A_1524, %dma_start3A_1525, %dma_start3A_1526] : memref<16x16x128xf32, #tpu.memory_space<vmem>> -> memref<1x16x128xf32, #tpu.memory_space<vmem>>
      %dma_start3A_1528 = tpu.memref_squeeze %dma_start3A_1527 : memref<1x16x128xf32, #tpu.memory_space<vmem>> -> memref<16x128xf32, #tpu.memory_space<vmem>>
      %dma_start3A_1529 = arith.constant 16 : i32
      %dma_start3A_1530 = tpu.memref_slice %arg5[%dma_start3A_1529, %multiple_of3A_280] : memref<32x1000000xf32, #tpu.memory_space<hbm>> -> memref<16x128xf32, #tpu.memory_space<hbm>>
      %dma_start3A_1531 = arith.constant 0 : i32
      %dma_start3A_1532 = arith.constant 0 : i32
      %dma_start3A_1533 = tpu.memref_slice %arg10[%dma_start3A_1524, %dma_start3A_1531, %dma_start3A_1532] : memref<16x16x128xf32, #tpu.memory_space<vmem>> -> memref<1x16x128xf32, #tpu.memory_space<vmem>>
      %dma_start3A_1534 = tpu.memref_squeeze %dma_start3A_1533 : memref<1x16x128xf32, #tpu.memory_space<vmem>> -> memref<16x128xf32, #tpu.memory_space<vmem>>
      %dma_start3A_1535 = arith.constant 16 : i32
      %dma_start3A_1536 = tpu.memref_slice %arg5[%dma_start3A_1535, %multiple_of3A_280] : memref<32x1000000xf32, #tpu.memory_space<hbm>> -> memref<16x128xf32, #tpu.memory_space<hbm>>
      tpu.enqueue_dma source(%dma_start3A_1536 : memref<16x128xf32, #tpu.memory_space<hbm>>) target(%dma_start3A_1534 : memref<16x128xf32, #tpu.memory_space<vmem>>) target_semaphore(%arg12 : memref<!tpu.dma_semaphore, #tpu.memory_space<semaphore_mem>>)
      %dma_start3A_1537 = arith.constant 11 : i32
      %dma_start3A_1538 = arith.constant 0 : i32
      %dma_start3A_1539 = arith.constant 0 : i32
      %dma_start3A_1540 = tpu.memref_slice %arg9[%dma_start3A_1537, %dma_start3A_1538, %dma_start3A_1539] : memref<16x16x128xf32, #tpu.memory_space<vmem>> -> memref<1x16x128xf32, #tpu.memory_space<vmem>>
      %dma_start3A_1541 = tpu.memref_squeeze %dma_start3A_1540 : memref<1x16x128xf32, #tpu.memory_space<vmem>> -> memref<16x128xf32, #tpu.memory_space<vmem>>
      %dma_start3A_1542 = arith.constant 16 : i32
      %dma_start3A_1543 = tpu.memref_slice %arg4[%dma_start3A_1542, %multiple_of3A_145] : memref<32x1000000xf32, #tpu.memory_space<hbm>> -> memref<16x128xf32, #tpu.memory_space<hbm>>
      %dma_start3A_1544 = arith.constant 0 : i32
      %dma_start3A_1545 = arith.constant 0 : i32
      %dma_start3A_1546 = tpu.memref_slice %arg9[%dma_start3A_1537, %dma_start3A_1544, %dma_start3A_1545] : memref<16x16x128xf32, #tpu.memory_space<vmem>> -> memref<1x16x128xf32, #tpu.memory_space<vmem>>
      %dma_start3A_1547 = tpu.memref_squeeze %dma_start3A_1546 : memref<1x16x128xf32, #tpu.memory_space<vmem>> -> memref<16x128xf32, #tpu.memory_space<vmem>>
      %dma_start3A_1548 = arith.constant 16 : i32
      %dma_start3A_1549 = tpu.memref_slice %arg4[%dma_start3A_1548, %multiple_of3A_145] : memref<32x1000000xf32, #tpu.memory_space<hbm>> -> memref<16x128xf32, #tpu.memory_space<hbm>>
      tpu.enqueue_dma source(%dma_start3A_1549 : memref<16x128xf32, #tpu.memory_space<hbm>>) target(%dma_start3A_1547 : memref<16x128xf32, #tpu.memory_space<vmem>>) target_semaphore(%arg12 : memref<!tpu.dma_semaphore, #tpu.memory_space<semaphore_mem>>)
      %dma_start3A_1550 = arith.constant 11 : i32
      %dma_start3A_1551 = arith.constant 0 : i32
      %dma_start3A_1552 = arith.constant 0 : i32
      %dma_start3A_1553 = tpu.memref_slice %arg10[%dma_start3A_1550, %dma_start3A_1551, %dma_start3A_1552] : memref<16x16x128xf32, #tpu.memory_space<vmem>> -> memref<1x16x128xf32, #tpu.memory_space<vmem>>
      %dma_start3A_1554 = tpu.memref_squeeze %dma_start3A_1553 : memref<1x16x128xf32, #tpu.memory_space<vmem>> -> memref<16x128xf32, #tpu.memory_space<vmem>>
      %dma_start3A_1555 = arith.constant 16 : i32
      %dma_start3A_1556 = tpu.memref_slice %arg5[%dma_start3A_1555, %multiple_of3A_289] : memref<32x1000000xf32, #tpu.memory_space<hbm>> -> memref<16x128xf32, #tpu.memory_space<hbm>>
      %dma_start3A_1557 = arith.constant 0 : i32
      %dma_start3A_1558 = arith.constant 0 : i32
      %dma_start3A_1559 = tpu.memref_slice %arg10[%dma_start3A_1550, %dma_start3A_1557, %dma_start3A_1558] : memref<16x16x128xf32, #tpu.memory_space<vmem>> -> memref<1x16x128xf32, #tpu.memory_space<vmem>>
      %dma_start3A_1560 = tpu.memref_squeeze %dma_start3A_1559 : memref<1x16x128xf32, #tpu.memory_space<vmem>> -> memref<16x128xf32, #tpu.memory_space<vmem>>
      %dma_start3A_1561 = arith.constant 16 : i32
      %dma_start3A_1562 = tpu.memref_slice %arg5[%dma_start3A_1561, %multiple_of3A_289] : memref<32x1000000xf32, #tpu.memory_space<hbm>> -> memref<16x128xf32, #tpu.memory_space<hbm>>
      tpu.enqueue_dma source(%dma_start3A_1562 : memref<16x128xf32, #tpu.memory_space<hbm>>) target(%dma_start3A_1560 : memref<16x128xf32, #tpu.memory_space<vmem>>) target_semaphore(%arg12 : memref<!tpu.dma_semaphore, #tpu.memory_space<semaphore_mem>>)
      %dma_start3A_1563 = arith.constant 12 : i32
      %dma_start3A_1564 = arith.constant 0 : i32
      %dma_start3A_1565 = arith.constant 0 : i32
      %dma_start3A_1566 = tpu.memref_slice %arg9[%dma_start3A_1563, %dma_start3A_1564, %dma_start3A_1565] : memref<16x16x128xf32, #tpu.memory_space<vmem>> -> memref<1x16x128xf32, #tpu.memory_space<vmem>>
      %dma_start3A_1567 = tpu.memref_squeeze %dma_start3A_1566 : memref<1x16x128xf32, #tpu.memory_space<vmem>> -> memref<16x128xf32, #tpu.memory_space<vmem>>
      %dma_start3A_1568 = arith.constant 16 : i32
      %dma_start3A_1569 = tpu.memref_slice %arg4[%dma_start3A_1568, %multiple_of3A_154] : memref<32x1000000xf32, #tpu.memory_space<hbm>> -> memref<16x128xf32, #tpu.memory_space<hbm>>
      %dma_start3A_1570 = arith.constant 0 : i32
      %dma_start3A_1571 = arith.constant 0 : i32
      %dma_start3A_1572 = tpu.memref_slice %arg9[%dma_start3A_1563, %dma_start3A_1570, %dma_start3A_1571] : memref<16x16x128xf32, #tpu.memory_space<vmem>> -> memref<1x16x128xf32, #tpu.memory_space<vmem>>
      %dma_start3A_1573 = tpu.memref_squeeze %dma_start3A_1572 : memref<1x16x128xf32, #tpu.memory_space<vmem>> -> memref<16x128xf32, #tpu.memory_space<vmem>>
      %dma_start3A_1574 = arith.constant 16 : i32
      %dma_start3A_1575 = tpu.memref_slice %arg4[%dma_start3A_1574, %multiple_of3A_154] : memref<32x1000000xf32, #tpu.memory_space<hbm>> -> memref<16x128xf32, #tpu.memory_space<hbm>>
      tpu.enqueue_dma source(%dma_start3A_1575 : memref<16x128xf32, #tpu.memory_space<hbm>>) target(%dma_start3A_1573 : memref<16x128xf32, #tpu.memory_space<vmem>>) target_semaphore(%arg12 : memref<!tpu.dma_semaphore, #tpu.memory_space<semaphore_mem>>)
      %dma_start3A_1576 = arith.constant 12 : i32
      %dma_start3A_1577 = arith.constant 0 : i32
      %dma_start3A_1578 = arith.constant 0 : i32
      %dma_start3A_1579 = tpu.memref_slice %arg10[%dma_start3A_1576, %dma_start3A_1577, %dma_start3A_1578] : memref<16x16x128xf32, #tpu.memory_space<vmem>> -> memref<1x16x128xf32, #tpu.memory_space<vmem>>
      %dma_start3A_1580 = tpu.memref_squeeze %dma_start3A_1579 : memref<1x16x128xf32, #tpu.memory_space<vmem>> -> memref<16x128xf32, #tpu.memory_space<vmem>>
      %dma_start3A_1581 = arith.constant 16 : i32
      %dma_start3A_1582 = tpu.memref_slice %arg5[%dma_start3A_1581, %multiple_of3A_298] : memref<32x1000000xf32, #tpu.memory_space<hbm>> -> memref<16x128xf32, #tpu.memory_space<hbm>>
      %dma_start3A_1583 = arith.constant 0 : i32
      %dma_start3A_1584 = arith.constant 0 : i32
      %dma_start3A_1585 = tpu.memref_slice %arg10[%dma_start3A_1576, %dma_start3A_1583, %dma_start3A_1584] : memref<16x16x128xf32, #tpu.memory_space<vmem>> -> memref<1x16x128xf32, #tpu.memory_space<vmem>>
      %dma_start3A_1586 = tpu.memref_squeeze %dma_start3A_1585 : memref<1x16x128xf32, #tpu.memory_space<vmem>> -> memref<16x128xf32, #tpu.memory_space<vmem>>
      %dma_start3A_1587 = arith.constant 16 : i32
      %dma_start3A_1588 = tpu.memref_slice %arg5[%dma_start3A_1587, %multiple_of3A_298] : memref<32x1000000xf32, #tpu.memory_space<hbm>> -> memref<16x128xf32, #tpu.memory_space<hbm>>
      tpu.enqueue_dma source(%dma_start3A_1588 : memref<16x128xf32, #tpu.memory_space<hbm>>) target(%dma_start3A_1586 : memref<16x128xf32, #tpu.memory_space<vmem>>) target_semaphore(%arg12 : memref<!tpu.dma_semaphore, #tpu.memory_space<semaphore_mem>>)
      %dma_start3A_1589 = arith.constant 13 : i32
      %dma_start3A_1590 = arith.constant 0 : i32
      %dma_start3A_1591 = arith.constant 0 : i32
      %dma_start3A_1592 = tpu.memref_slice %arg9[%dma_start3A_1589, %dma_start3A_1590, %dma_start3A_1591] : memref<16x16x128xf32, #tpu.memory_space<vmem>> -> memref<1x16x128xf32, #tpu.memory_space<vmem>>
      %dma_start3A_1593 = tpu.memref_squeeze %dma_start3A_1592 : memref<1x16x128xf32, #tpu.memory_space<vmem>> -> memref<16x128xf32, #tpu.memory_space<vmem>>
      %dma_start3A_1594 = arith.constant 16 : i32
      %dma_start3A_1595 = tpu.memref_slice %arg4[%dma_start3A_1594, %multiple_of3A_163] : memref<32x1000000xf32, #tpu.memory_space<hbm>> -> memref<16x128xf32, #tpu.memory_space<hbm>>
      %dma_start3A_1596 = arith.constant 0 : i32
      %dma_start3A_1597 = arith.constant 0 : i32
      %dma_start3A_1598 = tpu.memref_slice %arg9[%dma_start3A_1589, %dma_start3A_1596, %dma_start3A_1597] : memref<16x16x128xf32, #tpu.memory_space<vmem>> -> memref<1x16x128xf32, #tpu.memory_space<vmem>>
      %dma_start3A_1599 = tpu.memref_squeeze %dma_start3A_1598 : memref<1x16x128xf32, #tpu.memory_space<vmem>> -> memref<16x128xf32, #tpu.memory_space<vmem>>
      %dma_start3A_1600 = arith.constant 16 : i32
      %dma_start3A_1601 = tpu.memref_slice %arg4[%dma_start3A_1600, %multiple_of3A_163] : memref<32x1000000xf32, #tpu.memory_space<hbm>> -> memref<16x128xf32, #tpu.memory_space<hbm>>
      tpu.enqueue_dma source(%dma_start3A_1601 : memref<16x128xf32, #tpu.memory_space<hbm>>) target(%dma_start3A_1599 : memref<16x128xf32, #tpu.memory_space<vmem>>) target_semaphore(%arg12 : memref<!tpu.dma_semaphore, #tpu.memory_space<semaphore_mem>>)
      %dma_start3A_1602 = arith.constant 13 : i32
      %dma_start3A_1603 = arith.constant 0 : i32
      %dma_start3A_1604 = arith.constant 0 : i32
      %dma_start3A_1605 = tpu.memref_slice %arg10[%dma_start3A_1602, %dma_start3A_1603, %dma_start3A_1604] : memref<16x16x128xf32, #tpu.memory_space<vmem>> -> memref<1x16x128xf32, #tpu.memory_space<vmem>>
      %dma_start3A_1606 = tpu.memref_squeeze %dma_start3A_1605 : memref<1x16x128xf32, #tpu.memory_space<vmem>> -> memref<16x128xf32, #tpu.memory_space<vmem>>
      %dma_start3A_1607 = arith.constant 16 : i32
      %dma_start3A_1608 = tpu.memref_slice %arg5[%dma_start3A_1607, %multiple_of3A_307] : memref<32x1000000xf32, #tpu.memory_space<hbm>> -> memref<16x128xf32, #tpu.memory_space<hbm>>
      %dma_start3A_1609 = arith.constant 0 : i32
      %dma_start3A_1610 = arith.constant 0 : i32
      %dma_start3A_1611 = tpu.memref_slice %arg10[%dma_start3A_1602, %dma_start3A_1609, %dma_start3A_1610] : memref<16x16x128xf32, #tpu.memory_space<vmem>> -> memref<1x16x128xf32, #tpu.memory_space<vmem>>
      %dma_start3A_1612 = tpu.memref_squeeze %dma_start3A_1611 : memref<1x16x128xf32, #tpu.memory_space<vmem>> -> memref<16x128xf32, #tpu.memory_space<vmem>>
      %dma_start3A_1613 = arith.constant 16 : i32
      %dma_start3A_1614 = tpu.memref_slice %arg5[%dma_start3A_1613, %multiple_of3A_307] : memref<32x1000000xf32, #tpu.memory_space<hbm>> -> memref<16x128xf32, #tpu.memory_space<hbm>>
      tpu.enqueue_dma source(%dma_start3A_1614 : memref<16x128xf32, #tpu.memory_space<hbm>>) target(%dma_start3A_1612 : memref<16x128xf32, #tpu.memory_space<vmem>>) target_semaphore(%arg12 : memref<!tpu.dma_semaphore, #tpu.memory_space<semaphore_mem>>)
      %dma_start3A_1615 = arith.constant 14 : i32
      %dma_start3A_1616 = arith.constant 0 : i32
      %dma_start3A_1617 = arith.constant 0 : i32
      %dma_start3A_1618 = tpu.memref_slice %arg9[%dma_start3A_1615, %dma_start3A_1616, %dma_start3A_1617] : memref<16x16x128xf32, #tpu.memory_space<vmem>> -> memref<1x16x128xf32, #tpu.memory_space<vmem>>
      %dma_start3A_1619 = tpu.memref_squeeze %dma_start3A_1618 : memref<1x16x128xf32, #tpu.memory_space<vmem>> -> memref<16x128xf32, #tpu.memory_space<vmem>>
      %dma_start3A_1620 = arith.constant 16 : i32
      %dma_start3A_1621 = tpu.memref_slice %arg4[%dma_start3A_1620, %multiple_of3A_172] : memref<32x1000000xf32, #tpu.memory_space<hbm>> -> memref<16x128xf32, #tpu.memory_space<hbm>>
      %dma_start3A_1622 = arith.constant 0 : i32
      %dma_start3A_1623 = arith.constant 0 : i32
      %dma_start3A_1624 = tpu.memref_slice %arg9[%dma_start3A_1615, %dma_start3A_1622, %dma_start3A_1623] : memref<16x16x128xf32, #tpu.memory_space<vmem>> -> memref<1x16x128xf32, #tpu.memory_space<vmem>>
      %dma_start3A_1625 = tpu.memref_squeeze %dma_start3A_1624 : memref<1x16x128xf32, #tpu.memory_space<vmem>> -> memref<16x128xf32, #tpu.memory_space<vmem>>
      %dma_start3A_1626 = arith.constant 16 : i32
      %dma_start3A_1627 = tpu.memref_slice %arg4[%dma_start3A_1626, %multiple_of3A_172] : memref<32x1000000xf32, #tpu.memory_space<hbm>> -> memref<16x128xf32, #tpu.memory_space<hbm>>
      tpu.enqueue_dma source(%dma_start3A_1627 : memref<16x128xf32, #tpu.memory_space<hbm>>) target(%dma_start3A_1625 : memref<16x128xf32, #tpu.memory_space<vmem>>) target_semaphore(%arg12 : memref<!tpu.dma_semaphore, #tpu.memory_space<semaphore_mem>>)
      %dma_start3A_1628 = arith.constant 14 : i32
      %dma_start3A_1629 = arith.constant 0 : i32
      %dma_start3A_1630 = arith.constant 0 : i32
      %dma_start3A_1631 = tpu.memref_slice %arg10[%dma_start3A_1628, %dma_start3A_1629, %dma_start3A_1630] : memref<16x16x128xf32, #tpu.memory_space<vmem>> -> memref<1x16x128xf32, #tpu.memory_space<vmem>>
      %dma_start3A_1632 = tpu.memref_squeeze %dma_start3A_1631 : memref<1x16x128xf32, #tpu.memory_space<vmem>> -> memref<16x128xf32, #tpu.memory_space<vmem>>
      %dma_start3A_1633 = arith.constant 16 : i32
      %dma_start3A_1634 = tpu.memref_slice %arg5[%dma_start3A_1633, %multiple_of3A_316] : memref<32x1000000xf32, #tpu.memory_space<hbm>> -> memref<16x128xf32, #tpu.memory_space<hbm>>
      %dma_start3A_1635 = arith.constant 0 : i32
      %dma_start3A_1636 = arith.constant 0 : i32
      %dma_start3A_1637 = tpu.memref_slice %arg10[%dma_start3A_1628, %dma_start3A_1635, %dma_start3A_1636] : memref<16x16x128xf32, #tpu.memory_space<vmem>> -> memref<1x16x128xf32, #tpu.memory_space<vmem>>
      %dma_start3A_1638 = tpu.memref_squeeze %dma_start3A_1637 : memref<1x16x128xf32, #tpu.memory_space<vmem>> -> memref<16x128xf32, #tpu.memory_space<vmem>>
      %dma_start3A_1639 = arith.constant 16 : i32
      %dma_start3A_1640 = tpu.memref_slice %arg5[%dma_start3A_1639, %multiple_of3A_316] : memref<32x1000000xf32, #tpu.memory_space<hbm>> -> memref<16x128xf32, #tpu.memory_space<hbm>>
      tpu.enqueue_dma source(%dma_start3A_1640 : memref<16x128xf32, #tpu.memory_space<hbm>>) target(%dma_start3A_1638 : memref<16x128xf32, #tpu.memory_space<vmem>>) target_semaphore(%arg12 : memref<!tpu.dma_semaphore, #tpu.memory_space<semaphore_mem>>)
      %dma_start3A_1641 = arith.constant 15 : i32
      %dma_start3A_1642 = arith.constant 0 : i32
      %dma_start3A_1643 = arith.constant 0 : i32
      %dma_start3A_1644 = tpu.memref_slice %arg9[%dma_start3A_1641, %dma_start3A_1642, %dma_start3A_1643] : memref<16x16x128xf32, #tpu.memory_space<vmem>> -> memref<1x16x128xf32, #tpu.memory_space<vmem>>
      %dma_start3A_1645 = tpu.memref_squeeze %dma_start3A_1644 : memref<1x16x128xf32, #tpu.memory_space<vmem>> -> memref<16x128xf32, #tpu.memory_space<vmem>>
      %dma_start3A_1646 = arith.constant 16 : i32
      %dma_start3A_1647 = tpu.memref_slice %arg4[%dma_start3A_1646, %multiple_of3A_181] : memref<32x1000000xf32, #tpu.memory_space<hbm>> -> memref<16x128xf32, #tpu.memory_space<hbm>>
      %dma_start3A_1648 = arith.constant 0 : i32
      %dma_start3A_1649 = arith.constant 0 : i32
      %dma_start3A_1650 = tpu.memref_slice %arg9[%dma_start3A_1641, %dma_start3A_1648, %dma_start3A_1649] : memref<16x16x128xf32, #tpu.memory_space<vmem>> -> memref<1x16x128xf32, #tpu.memory_space<vmem>>
      %dma_start3A_1651 = tpu.memref_squeeze %dma_start3A_1650 : memref<1x16x128xf32, #tpu.memory_space<vmem>> -> memref<16x128xf32, #tpu.memory_space<vmem>>
      %dma_start3A_1652 = arith.constant 16 : i32
      %dma_start3A_1653 = tpu.memref_slice %arg4[%dma_start3A_1652, %multiple_of3A_181] : memref<32x1000000xf32, #tpu.memory_space<hbm>> -> memref<16x128xf32, #tpu.memory_space<hbm>>
      tpu.enqueue_dma source(%dma_start3A_1653 : memref<16x128xf32, #tpu.memory_space<hbm>>) target(%dma_start3A_1651 : memref<16x128xf32, #tpu.memory_space<vmem>>) target_semaphore(%arg12 : memref<!tpu.dma_semaphore, #tpu.memory_space<semaphore_mem>>)
      %dma_start3A_1654 = arith.constant 15 : i32
      %dma_start3A_1655 = arith.constant 0 : i32
      %dma_start3A_1656 = arith.constant 0 : i32
      %dma_start3A_1657 = tpu.memref_slice %arg10[%dma_start3A_1654, %dma_start3A_1655, %dma_start3A_1656] : memref<16x16x128xf32, #tpu.memory_space<vmem>> -> memref<1x16x128xf32, #tpu.memory_space<vmem>>
      %dma_start3A_1658 = tpu.memref_squeeze %dma_start3A_1657 : memref<1x16x128xf32, #tpu.memory_space<vmem>> -> memref<16x128xf32, #tpu.memory_space<vmem>>
      %dma_start3A_1659 = arith.constant 16 : i32
      %dma_start3A_1660 = tpu.memref_slice %arg5[%dma_start3A_1659, %multiple_of3A_325] : memref<32x1000000xf32, #tpu.memory_space<hbm>> -> memref<16x128xf32, #tpu.memory_space<hbm>>
      %dma_start3A_1661 = arith.constant 0 : i32
      %dma_start3A_1662 = arith.constant 0 : i32
      %dma_start3A_1663 = tpu.memref_slice %arg10[%dma_start3A_1654, %dma_start3A_1661, %dma_start3A_1662] : memref<16x16x128xf32, #tpu.memory_space<vmem>> -> memref<1x16x128xf32, #tpu.memory_space<vmem>>
      %dma_start3A_1664 = tpu.memref_squeeze %dma_start3A_1663 : memref<1x16x128xf32, #tpu.memory_space<vmem>> -> memref<16x128xf32, #tpu.memory_space<vmem>>
      %dma_start3A_1665 = arith.constant 16 : i32
      %dma_start3A_1666 = tpu.memref_slice %arg5[%dma_start3A_1665, %multiple_of3A_325] : memref<32x1000000xf32, #tpu.memory_space<hbm>> -> memref<16x128xf32, #tpu.memory_space<hbm>>
      tpu.enqueue_dma source(%dma_start3A_1666 : memref<16x128xf32, #tpu.memory_space<hbm>>) target(%dma_start3A_1664 : memref<16x128xf32, #tpu.memory_space<vmem>>) target_semaphore(%arg12 : memref<!tpu.dma_semaphore, #tpu.memory_space<semaphore_mem>>)
      %dma_wait3A_1667 = arith.constant 0 : i32
      %dma_wait3A_1668 = arith.constant 0 : i32
      %dma_wait3A_1669 = arith.constant 0 : i32
      %dma_wait3A_1670 = tpu.memref_slice %arg9[%dma_wait3A_1667, %dma_wait3A_1668, %dma_wait3A_1669] : memref<16x16x128xf32, #tpu.memory_space<vmem>> -> memref<1x16x128xf32, #tpu.memory_space<vmem>>
      %dma_wait3A_1671 = tpu.memref_squeeze %dma_wait3A_1670 : memref<1x16x128xf32, #tpu.memory_space<vmem>> -> memref<16x128xf32, #tpu.memory_space<vmem>>
      %dma_wait3A_1672 = arith.constant 16 : i32
      %dma_wait3A_1673 = tpu.memref_slice %arg4[%dma_wait3A_1672, %multiple_of3A] : memref<32x1000000xf32, #tpu.memory_space<hbm>> -> memref<16x128xf32, #tpu.memory_space<hbm>>
      %dma_wait3A_1674 = arith.constant 0 : i32
      %dma_wait3A_1675 = arith.constant 0 : i32
      %dma_wait3A_1676 = tpu.memref_slice %arg9[%dma_wait3A_1667, %dma_wait3A_1674, %dma_wait3A_1675] : memref<16x16x128xf32, #tpu.memory_space<vmem>> -> memref<1x16x128xf32, #tpu.memory_space<vmem>>
      %dma_wait3A_1677 = tpu.memref_squeeze %dma_wait3A_1676 : memref<1x16x128xf32, #tpu.memory_space<vmem>> -> memref<16x128xf32, #tpu.memory_space<vmem>>
      %dma_wait3A_1678 = arith.constant 16 : i32
      %dma_wait3A_1679 = tpu.memref_slice %arg4[%dma_wait3A_1678, %multiple_of3A] : memref<32x1000000xf32, #tpu.memory_space<hbm>> -> memref<16x128xf32, #tpu.memory_space<hbm>>
      tpu.wait_dma2 semaphore(%arg12 : memref<!tpu.dma_semaphore, #tpu.memory_space<semaphore_mem>>) src(%dma_wait3A_1679 : memref<16x128xf32, #tpu.memory_space<hbm>>) dst(%dma_wait3A_1677 : memref<16x128xf32, #tpu.memory_space<vmem>>)
      %dma_wait3A_1680 = arith.constant 0 : i32
      %dma_wait3A_1681 = arith.constant 0 : i32
      %dma_wait3A_1682 = arith.constant 0 : i32
      %dma_wait3A_1683 = tpu.memref_slice %arg10[%dma_wait3A_1680, %dma_wait3A_1681, %dma_wait3A_1682] : memref<16x16x128xf32, #tpu.memory_space<vmem>> -> memref<1x16x128xf32, #tpu.memory_space<vmem>>
      %dma_wait3A_1684 = tpu.memref_squeeze %dma_wait3A_1683 : memref<1x16x128xf32, #tpu.memory_space<vmem>> -> memref<16x128xf32, #tpu.memory_space<vmem>>
      %dma_wait3A_1685 = arith.constant 16 : i32
      %dma_wait3A_1686 = tpu.memref_slice %arg5[%dma_wait3A_1685, %multiple_of3A_190] : memref<32x1000000xf32, #tpu.memory_space<hbm>> -> memref<16x128xf32, #tpu.memory_space<hbm>>
      %dma_wait3A_1687 = arith.constant 0 : i32
      %dma_wait3A_1688 = arith.constant 0 : i32
      %dma_wait3A_1689 = tpu.memref_slice %arg10[%dma_wait3A_1680, %dma_wait3A_1687, %dma_wait3A_1688] : memref<16x16x128xf32, #tpu.memory_space<vmem>> -> memref<1x16x128xf32, #tpu.memory_space<vmem>>
      %dma_wait3A_1690 = tpu.memref_squeeze %dma_wait3A_1689 : memref<1x16x128xf32, #tpu.memory_space<vmem>> -> memref<16x128xf32, #tpu.memory_space<vmem>>
      %dma_wait3A_1691 = arith.constant 16 : i32
      %dma_wait3A_1692 = tpu.memref_slice %arg5[%dma_wait3A_1691, %multiple_of3A_190] : memref<32x1000000xf32, #tpu.memory_space<hbm>> -> memref<16x128xf32, #tpu.memory_space<hbm>>
      tpu.wait_dma2 semaphore(%arg12 : memref<!tpu.dma_semaphore, #tpu.memory_space<semaphore_mem>>) src(%dma_wait3A_1692 : memref<16x128xf32, #tpu.memory_space<hbm>>) dst(%dma_wait3A_1690 : memref<16x128xf32, #tpu.memory_space<vmem>>)
      %dma_wait3A_1693 = arith.constant 1 : i32
      %dma_wait3A_1694 = arith.constant 0 : i32
      %dma_wait3A_1695 = arith.constant 0 : i32
      %dma_wait3A_1696 = tpu.memref_slice %arg9[%dma_wait3A_1693, %dma_wait3A_1694, %dma_wait3A_1695] : memref<16x16x128xf32, #tpu.memory_space<vmem>> -> memref<1x16x128xf32, #tpu.memory_space<vmem>>
      %dma_wait3A_1697 = tpu.memref_squeeze %dma_wait3A_1696 : memref<1x16x128xf32, #tpu.memory_space<vmem>> -> memref<16x128xf32, #tpu.memory_space<vmem>>
      %dma_wait3A_1698 = arith.constant 16 : i32
      %dma_wait3A_1699 = tpu.memref_slice %arg4[%dma_wait3A_1698, %multiple_of3A_55] : memref<32x1000000xf32, #tpu.memory_space<hbm>> -> memref<16x128xf32, #tpu.memory_space<hbm>>
      %dma_wait3A_1700 = arith.constant 0 : i32
      %dma_wait3A_1701 = arith.constant 0 : i32
      %dma_wait3A_1702 = tpu.memref_slice %arg9[%dma_wait3A_1693, %dma_wait3A_1700, %dma_wait3A_1701] : memref<16x16x128xf32, #tpu.memory_space<vmem>> -> memref<1x16x128xf32, #tpu.memory_space<vmem>>
      %dma_wait3A_1703 = tpu.memref_squeeze %dma_wait3A_1702 : memref<1x16x128xf32, #tpu.memory_space<vmem>> -> memref<16x128xf32, #tpu.memory_space<vmem>>
      %dma_wait3A_1704 = arith.constant 16 : i32
      %dma_wait3A_1705 = tpu.memref_slice %arg4[%dma_wait3A_1704, %multiple_of3A_55] : memref<32x1000000xf32, #tpu.memory_space<hbm>> -> memref<16x128xf32, #tpu.memory_space<hbm>>
      tpu.wait_dma2 semaphore(%arg12 : memref<!tpu.dma_semaphore, #tpu.memory_space<semaphore_mem>>) src(%dma_wait3A_1705 : memref<16x128xf32, #tpu.memory_space<hbm>>) dst(%dma_wait3A_1703 : memref<16x128xf32, #tpu.memory_space<vmem>>)
      %dma_wait3A_1706 = arith.constant 1 : i32
      %dma_wait3A_1707 = arith.constant 0 : i32
      %dma_wait3A_1708 = arith.constant 0 : i32
      %dma_wait3A_1709 = tpu.memref_slice %arg10[%dma_wait3A_1706, %dma_wait3A_1707, %dma_wait3A_1708] : memref<16x16x128xf32, #tpu.memory_space<vmem>> -> memref<1x16x128xf32, #tpu.memory_space<vmem>>
      %dma_wait3A_1710 = tpu.memref_squeeze %dma_wait3A_1709 : memref<1x16x128xf32, #tpu.memory_space<vmem>> -> memref<16x128xf32, #tpu.memory_space<vmem>>
      %dma_wait3A_1711 = arith.constant 16 : i32
      %dma_wait3A_1712 = tpu.memref_slice %arg5[%dma_wait3A_1711, %multiple_of3A_199] : memref<32x1000000xf32, #tpu.memory_space<hbm>> -> memref<16x128xf32, #tpu.memory_space<hbm>>
      %dma_wait3A_1713 = arith.constant 0 : i32
      %dma_wait3A_1714 = arith.constant 0 : i32
      %dma_wait3A_1715 = tpu.memref_slice %arg10[%dma_wait3A_1706, %dma_wait3A_1713, %dma_wait3A_1714] : memref<16x16x128xf32, #tpu.memory_space<vmem>> -> memref<1x16x128xf32, #tpu.memory_space<vmem>>
      %dma_wait3A_1716 = tpu.memref_squeeze %dma_wait3A_1715 : memref<1x16x128xf32, #tpu.memory_space<vmem>> -> memref<16x128xf32, #tpu.memory_space<vmem>>
      %dma_wait3A_1717 = arith.constant 16 : i32
      %dma_wait3A_1718 = tpu.memref_slice %arg5[%dma_wait3A_1717, %multiple_of3A_199] : memref<32x1000000xf32, #tpu.memory_space<hbm>> -> memref<16x128xf32, #tpu.memory_space<hbm>>
      tpu.wait_dma2 semaphore(%arg12 : memref<!tpu.dma_semaphore, #tpu.memory_space<semaphore_mem>>) src(%dma_wait3A_1718 : memref<16x128xf32, #tpu.memory_space<hbm>>) dst(%dma_wait3A_1716 : memref<16x128xf32, #tpu.memory_space<vmem>>)
      %dma_wait3A_1719 = arith.constant 2 : i32
      %dma_wait3A_1720 = arith.constant 0 : i32
      %dma_wait3A_1721 = arith.constant 0 : i32
      %dma_wait3A_1722 = tpu.memref_slice %arg9[%dma_wait3A_1719, %dma_wait3A_1720, %dma_wait3A_1721] : memref<16x16x128xf32, #tpu.memory_space<vmem>> -> memref<1x16x128xf32, #tpu.memory_space<vmem>>
      %dma_wait3A_1723 = tpu.memref_squeeze %dma_wait3A_1722 : memref<1x16x128xf32, #tpu.memory_space<vmem>> -> memref<16x128xf32, #tpu.memory_space<vmem>>
      %dma_wait3A_1724 = arith.constant 16 : i32
      %dma_wait3A_1725 = tpu.memref_slice %arg4[%dma_wait3A_1724, %multiple_of3A_64] : memref<32x1000000xf32, #tpu.memory_space<hbm>> -> memref<16x128xf32, #tpu.memory_space<hbm>>
      %dma_wait3A_1726 = arith.constant 0 : i32
      %dma_wait3A_1727 = arith.constant 0 : i32
      %dma_wait3A_1728 = tpu.memref_slice %arg9[%dma_wait3A_1719, %dma_wait3A_1726, %dma_wait3A_1727] : memref<16x16x128xf32, #tpu.memory_space<vmem>> -> memref<1x16x128xf32, #tpu.memory_space<vmem>>
      %dma_wait3A_1729 = tpu.memref_squeeze %dma_wait3A_1728 : memref<1x16x128xf32, #tpu.memory_space<vmem>> -> memref<16x128xf32, #tpu.memory_space<vmem>>
      %dma_wait3A_1730 = arith.constant 16 : i32
      %dma_wait3A_1731 = tpu.memref_slice %arg4[%dma_wait3A_1730, %multiple_of3A_64] : memref<32x1000000xf32, #tpu.memory_space<hbm>> -> memref<16x128xf32, #tpu.memory_space<hbm>>
      tpu.wait_dma2 semaphore(%arg12 : memref<!tpu.dma_semaphore, #tpu.memory_space<semaphore_mem>>) src(%dma_wait3A_1731 : memref<16x128xf32, #tpu.memory_space<hbm>>) dst(%dma_wait3A_1729 : memref<16x128xf32, #tpu.memory_space<vmem>>)
      %dma_wait3A_1732 = arith.constant 2 : i32
      %dma_wait3A_1733 = arith.constant 0 : i32
      %dma_wait3A_1734 = arith.constant 0 : i32
      %dma_wait3A_1735 = tpu.memref_slice %arg10[%dma_wait3A_1732, %dma_wait3A_1733, %dma_wait3A_1734] : memref<16x16x128xf32, #tpu.memory_space<vmem>> -> memref<1x16x128xf32, #tpu.memory_space<vmem>>
      %dma_wait3A_1736 = tpu.memref_squeeze %dma_wait3A_1735 : memref<1x16x128xf32, #tpu.memory_space<vmem>> -> memref<16x128xf32, #tpu.memory_space<vmem>>
      %dma_wait3A_1737 = arith.constant 16 : i32
      %dma_wait3A_1738 = tpu.memref_slice %arg5[%dma_wait3A_1737, %multiple_of3A_208] : memref<32x1000000xf32, #tpu.memory_space<hbm>> -> memref<16x128xf32, #tpu.memory_space<hbm>>
      %dma_wait3A_1739 = arith.constant 0 : i32
      %dma_wait3A_1740 = arith.constant 0 : i32
      %dma_wait3A_1741 = tpu.memref_slice %arg10[%dma_wait3A_1732, %dma_wait3A_1739, %dma_wait3A_1740] : memref<16x16x128xf32, #tpu.memory_space<vmem>> -> memref<1x16x128xf32, #tpu.memory_space<vmem>>
      %dma_wait3A_1742 = tpu.memref_squeeze %dma_wait3A_1741 : memref<1x16x128xf32, #tpu.memory_space<vmem>> -> memref<16x128xf32, #tpu.memory_space<vmem>>
      %dma_wait3A_1743 = arith.constant 16 : i32
      %dma_wait3A_1744 = tpu.memref_slice %arg5[%dma_wait3A_1743, %multiple_of3A_208] : memref<32x1000000xf32, #tpu.memory_space<hbm>> -> memref<16x128xf32, #tpu.memory_space<hbm>>
      tpu.wait_dma2 semaphore(%arg12 : memref<!tpu.dma_semaphore, #tpu.memory_space<semaphore_mem>>) src(%dma_wait3A_1744 : memref<16x128xf32, #tpu.memory_space<hbm>>) dst(%dma_wait3A_1742 : memref<16x128xf32, #tpu.memory_space<vmem>>)
      %dma_wait3A_1745 = arith.constant 3 : i32
      %dma_wait3A_1746 = arith.constant 0 : i32
      %dma_wait3A_1747 = arith.constant 0 : i32
      %dma_wait3A_1748 = tpu.memref_slice %arg9[%dma_wait3A_1745, %dma_wait3A_1746, %dma_wait3A_1747] : memref<16x16x128xf32, #tpu.memory_space<vmem>> -> memref<1x16x128xf32, #tpu.memory_space<vmem>>
      %dma_wait3A_1749 = tpu.memref_squeeze %dma_wait3A_1748 : memref<1x16x128xf32, #tpu.memory_space<vmem>> -> memref<16x128xf32, #tpu.memory_space<vmem>>
      %dma_wait3A_1750 = arith.constant 16 : i32
      %dma_wait3A_1751 = tpu.memref_slice %arg4[%dma_wait3A_1750, %multiple_of3A_73] : memref<32x1000000xf32, #tpu.memory_space<hbm>> -> memref<16x128xf32, #tpu.memory_space<hbm>>
      %dma_wait3A_1752 = arith.constant 0 : i32
      %dma_wait3A_1753 = arith.constant 0 : i32
      %dma_wait3A_1754 = tpu.memref_slice %arg9[%dma_wait3A_1745, %dma_wait3A_1752, %dma_wait3A_1753] : memref<16x16x128xf32, #tpu.memory_space<vmem>> -> memref<1x16x128xf32, #tpu.memory_space<vmem>>
      %dma_wait3A_1755 = tpu.memref_squeeze %dma_wait3A_1754 : memref<1x16x128xf32, #tpu.memory_space<vmem>> -> memref<16x128xf32, #tpu.memory_space<vmem>>
      %dma_wait3A_1756 = arith.constant 16 : i32
      %dma_wait3A_1757 = tpu.memref_slice %arg4[%dma_wait3A_1756, %multiple_of3A_73] : memref<32x1000000xf32, #tpu.memory_space<hbm>> -> memref<16x128xf32, #tpu.memory_space<hbm>>
      tpu.wait_dma2 semaphore(%arg12 : memref<!tpu.dma_semaphore, #tpu.memory_space<semaphore_mem>>) src(%dma_wait3A_1757 : memref<16x128xf32, #tpu.memory_space<hbm>>) dst(%dma_wait3A_1755 : memref<16x128xf32, #tpu.memory_space<vmem>>)
      %dma_wait3A_1758 = arith.constant 3 : i32
      %dma_wait3A_1759 = arith.constant 0 : i32
      %dma_wait3A_1760 = arith.constant 0 : i32
      %dma_wait3A_1761 = tpu.memref_slice %arg10[%dma_wait3A_1758, %dma_wait3A_1759, %dma_wait3A_1760] : memref<16x16x128xf32, #tpu.memory_space<vmem>> -> memref<1x16x128xf32, #tpu.memory_space<vmem>>
      %dma_wait3A_1762 = tpu.memref_squeeze %dma_wait3A_1761 : memref<1x16x128xf32, #tpu.memory_space<vmem>> -> memref<16x128xf32, #tpu.memory_space<vmem>>
      %dma_wait3A_1763 = arith.constant 16 : i32
      %dma_wait3A_1764 = tpu.memref_slice %arg5[%dma_wait3A_1763, %multiple_of3A_217] : memref<32x1000000xf32, #tpu.memory_space<hbm>> -> memref<16x128xf32, #tpu.memory_space<hbm>>
      %dma_wait3A_1765 = arith.constant 0 : i32
      %dma_wait3A_1766 = arith.constant 0 : i32
      %dma_wait3A_1767 = tpu.memref_slice %arg10[%dma_wait3A_1758, %dma_wait3A_1765, %dma_wait3A_1766] : memref<16x16x128xf32, #tpu.memory_space<vmem>> -> memref<1x16x128xf32, #tpu.memory_space<vmem>>
      %dma_wait3A_1768 = tpu.memref_squeeze %dma_wait3A_1767 : memref<1x16x128xf32, #tpu.memory_space<vmem>> -> memref<16x128xf32, #tpu.memory_space<vmem>>
      %dma_wait3A_1769 = arith.constant 16 : i32
      %dma_wait3A_1770 = tpu.memref_slice %arg5[%dma_wait3A_1769, %multiple_of3A_217] : memref<32x1000000xf32, #tpu.memory_space<hbm>> -> memref<16x128xf32, #tpu.memory_space<hbm>>
      tpu.wait_dma2 semaphore(%arg12 : memref<!tpu.dma_semaphore, #tpu.memory_space<semaphore_mem>>) src(%dma_wait3A_1770 : memref<16x128xf32, #tpu.memory_space<hbm>>) dst(%dma_wait3A_1768 : memref<16x128xf32, #tpu.memory_space<vmem>>)
      %dma_wait3A_1771 = arith.constant 4 : i32
      %dma_wait3A_1772 = arith.constant 0 : i32
      %dma_wait3A_1773 = arith.constant 0 : i32
      %dma_wait3A_1774 = tpu.memref_slice %arg9[%dma_wait3A_1771, %dma_wait3A_1772, %dma_wait3A_1773] : memref<16x16x128xf32, #tpu.memory_space<vmem>> -> memref<1x16x128xf32, #tpu.memory_space<vmem>>
      %dma_wait3A_1775 = tpu.memref_squeeze %dma_wait3A_1774 : memref<1x16x128xf32, #tpu.memory_space<vmem>> -> memref<16x128xf32, #tpu.memory_space<vmem>>
      %dma_wait3A_1776 = arith.constant 16 : i32
      %dma_wait3A_1777 = tpu.memref_slice %arg4[%dma_wait3A_1776, %multiple_of3A_82] : memref<32x1000000xf32, #tpu.memory_space<hbm>> -> memref<16x128xf32, #tpu.memory_space<hbm>>
      %dma_wait3A_1778 = arith.constant 0 : i32
      %dma_wait3A_1779 = arith.constant 0 : i32
      %dma_wait3A_1780 = tpu.memref_slice %arg9[%dma_wait3A_1771, %dma_wait3A_1778, %dma_wait3A_1779] : memref<16x16x128xf32, #tpu.memory_space<vmem>> -> memref<1x16x128xf32, #tpu.memory_space<vmem>>
      %dma_wait3A_1781 = tpu.memref_squeeze %dma_wait3A_1780 : memref<1x16x128xf32, #tpu.memory_space<vmem>> -> memref<16x128xf32, #tpu.memory_space<vmem>>
      %dma_wait3A_1782 = arith.constant 16 : i32
      %dma_wait3A_1783 = tpu.memref_slice %arg4[%dma_wait3A_1782, %multiple_of3A_82] : memref<32x1000000xf32, #tpu.memory_space<hbm>> -> memref<16x128xf32, #tpu.memory_space<hbm>>
      tpu.wait_dma2 semaphore(%arg12 : memref<!tpu.dma_semaphore, #tpu.memory_space<semaphore_mem>>) src(%dma_wait3A_1783 : memref<16x128xf32, #tpu.memory_space<hbm>>) dst(%dma_wait3A_1781 : memref<16x128xf32, #tpu.memory_space<vmem>>)
      %dma_wait3A_1784 = arith.constant 4 : i32
      %dma_wait3A_1785 = arith.constant 0 : i32
      %dma_wait3A_1786 = arith.constant 0 : i32
      %dma_wait3A_1787 = tpu.memref_slice %arg10[%dma_wait3A_1784, %dma_wait3A_1785, %dma_wait3A_1786] : memref<16x16x128xf32, #tpu.memory_space<vmem>> -> memref<1x16x128xf32, #tpu.memory_space<vmem>>
      %dma_wait3A_1788 = tpu.memref_squeeze %dma_wait3A_1787 : memref<1x16x128xf32, #tpu.memory_space<vmem>> -> memref<16x128xf32, #tpu.memory_space<vmem>>
      %dma_wait3A_1789 = arith.constant 16 : i32
      %dma_wait3A_1790 = tpu.memref_slice %arg5[%dma_wait3A_1789, %multiple_of3A_226] : memref<32x1000000xf32, #tpu.memory_space<hbm>> -> memref<16x128xf32, #tpu.memory_space<hbm>>
      %dma_wait3A_1791 = arith.constant 0 : i32
      %dma_wait3A_1792 = arith.constant 0 : i32
      %dma_wait3A_1793 = tpu.memref_slice %arg10[%dma_wait3A_1784, %dma_wait3A_1791, %dma_wait3A_1792] : memref<16x16x128xf32, #tpu.memory_space<vmem>> -> memref<1x16x128xf32, #tpu.memory_space<vmem>>
      %dma_wait3A_1794 = tpu.memref_squeeze %dma_wait3A_1793 : memref<1x16x128xf32, #tpu.memory_space<vmem>> -> memref<16x128xf32, #tpu.memory_space<vmem>>
      %dma_wait3A_1795 = arith.constant 16 : i32
      %dma_wait3A_1796 = tpu.memref_slice %arg5[%dma_wait3A_1795, %multiple_of3A_226] : memref<32x1000000xf32, #tpu.memory_space<hbm>> -> memref<16x128xf32, #tpu.memory_space<hbm>>
      tpu.wait_dma2 semaphore(%arg12 : memref<!tpu.dma_semaphore, #tpu.memory_space<semaphore_mem>>) src(%dma_wait3A_1796 : memref<16x128xf32, #tpu.memory_space<hbm>>) dst(%dma_wait3A_1794 : memref<16x128xf32, #tpu.memory_space<vmem>>)
      %dma_wait3A_1797 = arith.constant 5 : i32
      %dma_wait3A_1798 = arith.constant 0 : i32
      %dma_wait3A_1799 = arith.constant 0 : i32
      %dma_wait3A_1800 = tpu.memref_slice %arg9[%dma_wait3A_1797, %dma_wait3A_1798, %dma_wait3A_1799] : memref<16x16x128xf32, #tpu.memory_space<vmem>> -> memref<1x16x128xf32, #tpu.memory_space<vmem>>
      %dma_wait3A_1801 = tpu.memref_squeeze %dma_wait3A_1800 : memref<1x16x128xf32, #tpu.memory_space<vmem>> -> memref<16x128xf32, #tpu.memory_space<vmem>>
      %dma_wait3A_1802 = arith.constant 16 : i32
      %dma_wait3A_1803 = tpu.memref_slice %arg4[%dma_wait3A_1802, %multiple_of3A_91] : memref<32x1000000xf32, #tpu.memory_space<hbm>> -> memref<16x128xf32, #tpu.memory_space<hbm>>
      %dma_wait3A_1804 = arith.constant 0 : i32
      %dma_wait3A_1805 = arith.constant 0 : i32
      %dma_wait3A_1806 = tpu.memref_slice %arg9[%dma_wait3A_1797, %dma_wait3A_1804, %dma_wait3A_1805] : memref<16x16x128xf32, #tpu.memory_space<vmem>> -> memref<1x16x128xf32, #tpu.memory_space<vmem>>
      %dma_wait3A_1807 = tpu.memref_squeeze %dma_wait3A_1806 : memref<1x16x128xf32, #tpu.memory_space<vmem>> -> memref<16x128xf32, #tpu.memory_space<vmem>>
      %dma_wait3A_1808 = arith.constant 16 : i32
      %dma_wait3A_1809 = tpu.memref_slice %arg4[%dma_wait3A_1808, %multiple_of3A_91] : memref<32x1000000xf32, #tpu.memory_space<hbm>> -> memref<16x128xf32, #tpu.memory_space<hbm>>
      tpu.wait_dma2 semaphore(%arg12 : memref<!tpu.dma_semaphore, #tpu.memory_space<semaphore_mem>>) src(%dma_wait3A_1809 : memref<16x128xf32, #tpu.memory_space<hbm>>) dst(%dma_wait3A_1807 : memref<16x128xf32, #tpu.memory_space<vmem>>)
      %dma_wait3A_1810 = arith.constant 5 : i32
      %dma_wait3A_1811 = arith.constant 0 : i32
      %dma_wait3A_1812 = arith.constant 0 : i32
      %dma_wait3A_1813 = tpu.memref_slice %arg10[%dma_wait3A_1810, %dma_wait3A_1811, %dma_wait3A_1812] : memref<16x16x128xf32, #tpu.memory_space<vmem>> -> memref<1x16x128xf32, #tpu.memory_space<vmem>>
      %dma_wait3A_1814 = tpu.memref_squeeze %dma_wait3A_1813 : memref<1x16x128xf32, #tpu.memory_space<vmem>> -> memref<16x128xf32, #tpu.memory_space<vmem>>
      %dma_wait3A_1815 = arith.constant 16 : i32
      %dma_wait3A_1816 = tpu.memref_slice %arg5[%dma_wait3A_1815, %multiple_of3A_235] : memref<32x1000000xf32, #tpu.memory_space<hbm>> -> memref<16x128xf32, #tpu.memory_space<hbm>>
      %dma_wait3A_1817 = arith.constant 0 : i32
      %dma_wait3A_1818 = arith.constant 0 : i32
      %dma_wait3A_1819 = tpu.memref_slice %arg10[%dma_wait3A_1810, %dma_wait3A_1817, %dma_wait3A_1818] : memref<16x16x128xf32, #tpu.memory_space<vmem>> -> memref<1x16x128xf32, #tpu.memory_space<vmem>>
      %dma_wait3A_1820 = tpu.memref_squeeze %dma_wait3A_1819 : memref<1x16x128xf32, #tpu.memory_space<vmem>> -> memref<16x128xf32, #tpu.memory_space<vmem>>
      %dma_wait3A_1821 = arith.constant 16 : i32
      %dma_wait3A_1822 = tpu.memref_slice %arg5[%dma_wait3A_1821, %multiple_of3A_235] : memref<32x1000000xf32, #tpu.memory_space<hbm>> -> memref<16x128xf32, #tpu.memory_space<hbm>>
      tpu.wait_dma2 semaphore(%arg12 : memref<!tpu.dma_semaphore, #tpu.memory_space<semaphore_mem>>) src(%dma_wait3A_1822 : memref<16x128xf32, #tpu.memory_space<hbm>>) dst(%dma_wait3A_1820 : memref<16x128xf32, #tpu.memory_space<vmem>>)
      %dma_wait3A_1823 = arith.constant 6 : i32
      %dma_wait3A_1824 = arith.constant 0 : i32
      %dma_wait3A_1825 = arith.constant 0 : i32
      %dma_wait3A_1826 = tpu.memref_slice %arg9[%dma_wait3A_1823, %dma_wait3A_1824, %dma_wait3A_1825] : memref<16x16x128xf32, #tpu.memory_space<vmem>> -> memref<1x16x128xf32, #tpu.memory_space<vmem>>
      %dma_wait3A_1827 = tpu.memref_squeeze %dma_wait3A_1826 : memref<1x16x128xf32, #tpu.memory_space<vmem>> -> memref<16x128xf32, #tpu.memory_space<vmem>>
      %dma_wait3A_1828 = arith.constant 16 : i32
      %dma_wait3A_1829 = tpu.memref_slice %arg4[%dma_wait3A_1828, %multiple_of3A_100] : memref<32x1000000xf32, #tpu.memory_space<hbm>> -> memref<16x128xf32, #tpu.memory_space<hbm>>
      %dma_wait3A_1830 = arith.constant 0 : i32
      %dma_wait3A_1831 = arith.constant 0 : i32
      %dma_wait3A_1832 = tpu.memref_slice %arg9[%dma_wait3A_1823, %dma_wait3A_1830, %dma_wait3A_1831] : memref<16x16x128xf32, #tpu.memory_space<vmem>> -> memref<1x16x128xf32, #tpu.memory_space<vmem>>
      %dma_wait3A_1833 = tpu.memref_squeeze %dma_wait3A_1832 : memref<1x16x128xf32, #tpu.memory_space<vmem>> -> memref<16x128xf32, #tpu.memory_space<vmem>>
      %dma_wait3A_1834 = arith.constant 16 : i32
      %dma_wait3A_1835 = tpu.memref_slice %arg4[%dma_wait3A_1834, %multiple_of3A_100] : memref<32x1000000xf32, #tpu.memory_space<hbm>> -> memref<16x128xf32, #tpu.memory_space<hbm>>
      tpu.wait_dma2 semaphore(%arg12 : memref<!tpu.dma_semaphore, #tpu.memory_space<semaphore_mem>>) src(%dma_wait3A_1835 : memref<16x128xf32, #tpu.memory_space<hbm>>) dst(%dma_wait3A_1833 : memref<16x128xf32, #tpu.memory_space<vmem>>)
      %dma_wait3A_1836 = arith.constant 6 : i32
      %dma_wait3A_1837 = arith.constant 0 : i32
      %dma_wait3A_1838 = arith.constant 0 : i32
      %dma_wait3A_1839 = tpu.memref_slice %arg10[%dma_wait3A_1836, %dma_wait3A_1837, %dma_wait3A_1838] : memref<16x16x128xf32, #tpu.memory_space<vmem>> -> memref<1x16x128xf32, #tpu.memory_space<vmem>>
      %dma_wait3A_1840 = tpu.memref_squeeze %dma_wait3A_1839 : memref<1x16x128xf32, #tpu.memory_space<vmem>> -> memref<16x128xf32, #tpu.memory_space<vmem>>
      %dma_wait3A_1841 = arith.constant 16 : i32
      %dma_wait3A_1842 = tpu.memref_slice %arg5[%dma_wait3A_1841, %multiple_of3A_244] : memref<32x1000000xf32, #tpu.memory_space<hbm>> -> memref<16x128xf32, #tpu.memory_space<hbm>>
      %dma_wait3A_1843 = arith.constant 0 : i32
      %dma_wait3A_1844 = arith.constant 0 : i32
      %dma_wait3A_1845 = tpu.memref_slice %arg10[%dma_wait3A_1836, %dma_wait3A_1843, %dma_wait3A_1844] : memref<16x16x128xf32, #tpu.memory_space<vmem>> -> memref<1x16x128xf32, #tpu.memory_space<vmem>>
      %dma_wait3A_1846 = tpu.memref_squeeze %dma_wait3A_1845 : memref<1x16x128xf32, #tpu.memory_space<vmem>> -> memref<16x128xf32, #tpu.memory_space<vmem>>
      %dma_wait3A_1847 = arith.constant 16 : i32
      %dma_wait3A_1848 = tpu.memref_slice %arg5[%dma_wait3A_1847, %multiple_of3A_244] : memref<32x1000000xf32, #tpu.memory_space<hbm>> -> memref<16x128xf32, #tpu.memory_space<hbm>>
      tpu.wait_dma2 semaphore(%arg12 : memref<!tpu.dma_semaphore, #tpu.memory_space<semaphore_mem>>) src(%dma_wait3A_1848 : memref<16x128xf32, #tpu.memory_space<hbm>>) dst(%dma_wait3A_1846 : memref<16x128xf32, #tpu.memory_space<vmem>>)
      %dma_wait3A_1849 = arith.constant 7 : i32
      %dma_wait3A_1850 = arith.constant 0 : i32
      %dma_wait3A_1851 = arith.constant 0 : i32
      %dma_wait3A_1852 = tpu.memref_slice %arg9[%dma_wait3A_1849, %dma_wait3A_1850, %dma_wait3A_1851] : memref<16x16x128xf32, #tpu.memory_space<vmem>> -> memref<1x16x128xf32, #tpu.memory_space<vmem>>
      %dma_wait3A_1853 = tpu.memref_squeeze %dma_wait3A_1852 : memref<1x16x128xf32, #tpu.memory_space<vmem>> -> memref<16x128xf32, #tpu.memory_space<vmem>>
      %dma_wait3A_1854 = arith.constant 16 : i32
      %dma_wait3A_1855 = tpu.memref_slice %arg4[%dma_wait3A_1854, %multiple_of3A_109] : memref<32x1000000xf32, #tpu.memory_space<hbm>> -> memref<16x128xf32, #tpu.memory_space<hbm>>
      %dma_wait3A_1856 = arith.constant 0 : i32
      %dma_wait3A_1857 = arith.constant 0 : i32
      %dma_wait3A_1858 = tpu.memref_slice %arg9[%dma_wait3A_1849, %dma_wait3A_1856, %dma_wait3A_1857] : memref<16x16x128xf32, #tpu.memory_space<vmem>> -> memref<1x16x128xf32, #tpu.memory_space<vmem>>
      %dma_wait3A_1859 = tpu.memref_squeeze %dma_wait3A_1858 : memref<1x16x128xf32, #tpu.memory_space<vmem>> -> memref<16x128xf32, #tpu.memory_space<vmem>>
      %dma_wait3A_1860 = arith.constant 16 : i32
      %dma_wait3A_1861 = tpu.memref_slice %arg4[%dma_wait3A_1860, %multiple_of3A_109] : memref<32x1000000xf32, #tpu.memory_space<hbm>> -> memref<16x128xf32, #tpu.memory_space<hbm>>
      tpu.wait_dma2 semaphore(%arg12 : memref<!tpu.dma_semaphore, #tpu.memory_space<semaphore_mem>>) src(%dma_wait3A_1861 : memref<16x128xf32, #tpu.memory_space<hbm>>) dst(%dma_wait3A_1859 : memref<16x128xf32, #tpu.memory_space<vmem>>)
      %dma_wait3A_1862 = arith.constant 7 : i32
      %dma_wait3A_1863 = arith.constant 0 : i32
      %dma_wait3A_1864 = arith.constant 0 : i32
      %dma_wait3A_1865 = tpu.memref_slice %arg10[%dma_wait3A_1862, %dma_wait3A_1863, %dma_wait3A_1864] : memref<16x16x128xf32, #tpu.memory_space<vmem>> -> memref<1x16x128xf32, #tpu.memory_space<vmem>>
      %dma_wait3A_1866 = tpu.memref_squeeze %dma_wait3A_1865 : memref<1x16x128xf32, #tpu.memory_space<vmem>> -> memref<16x128xf32, #tpu.memory_space<vmem>>
      %dma_wait3A_1867 = arith.constant 16 : i32
      %dma_wait3A_1868 = tpu.memref_slice %arg5[%dma_wait3A_1867, %multiple_of3A_253] : memref<32x1000000xf32, #tpu.memory_space<hbm>> -> memref<16x128xf32, #tpu.memory_space<hbm>>
      %dma_wait3A_1869 = arith.constant 0 : i32
      %dma_wait3A_1870 = arith.constant 0 : i32
      %dma_wait3A_1871 = tpu.memref_slice %arg10[%dma_wait3A_1862, %dma_wait3A_1869, %dma_wait3A_1870] : memref<16x16x128xf32, #tpu.memory_space<vmem>> -> memref<1x16x128xf32, #tpu.memory_space<vmem>>
      %dma_wait3A_1872 = tpu.memref_squeeze %dma_wait3A_1871 : memref<1x16x128xf32, #tpu.memory_space<vmem>> -> memref<16x128xf32, #tpu.memory_space<vmem>>
      %dma_wait3A_1873 = arith.constant 16 : i32
      %dma_wait3A_1874 = tpu.memref_slice %arg5[%dma_wait3A_1873, %multiple_of3A_253] : memref<32x1000000xf32, #tpu.memory_space<hbm>> -> memref<16x128xf32, #tpu.memory_space<hbm>>
      tpu.wait_dma2 semaphore(%arg12 : memref<!tpu.dma_semaphore, #tpu.memory_space<semaphore_mem>>) src(%dma_wait3A_1874 : memref<16x128xf32, #tpu.memory_space<hbm>>) dst(%dma_wait3A_1872 : memref<16x128xf32, #tpu.memory_space<vmem>>)
      %dma_wait3A_1875 = arith.constant 8 : i32
      %dma_wait3A_1876 = arith.constant 0 : i32
      %dma_wait3A_1877 = arith.constant 0 : i32
      %dma_wait3A_1878 = tpu.memref_slice %arg9[%dma_wait3A_1875, %dma_wait3A_1876, %dma_wait3A_1877] : memref<16x16x128xf32, #tpu.memory_space<vmem>> -> memref<1x16x128xf32, #tpu.memory_space<vmem>>
      %dma_wait3A_1879 = tpu.memref_squeeze %dma_wait3A_1878 : memref<1x16x128xf32, #tpu.memory_space<vmem>> -> memref<16x128xf32, #tpu.memory_space<vmem>>
      %dma_wait3A_1880 = arith.constant 16 : i32
      %dma_wait3A_1881 = tpu.memref_slice %arg4[%dma_wait3A_1880, %multiple_of3A_118] : memref<32x1000000xf32, #tpu.memory_space<hbm>> -> memref<16x128xf32, #tpu.memory_space<hbm>>
      %dma_wait3A_1882 = arith.constant 0 : i32
      %dma_wait3A_1883 = arith.constant 0 : i32
      %dma_wait3A_1884 = tpu.memref_slice %arg9[%dma_wait3A_1875, %dma_wait3A_1882, %dma_wait3A_1883] : memref<16x16x128xf32, #tpu.memory_space<vmem>> -> memref<1x16x128xf32, #tpu.memory_space<vmem>>
      %dma_wait3A_1885 = tpu.memref_squeeze %dma_wait3A_1884 : memref<1x16x128xf32, #tpu.memory_space<vmem>> -> memref<16x128xf32, #tpu.memory_space<vmem>>
      %dma_wait3A_1886 = arith.constant 16 : i32
      %dma_wait3A_1887 = tpu.memref_slice %arg4[%dma_wait3A_1886, %multiple_of3A_118] : memref<32x1000000xf32, #tpu.memory_space<hbm>> -> memref<16x128xf32, #tpu.memory_space<hbm>>
      tpu.wait_dma2 semaphore(%arg12 : memref<!tpu.dma_semaphore, #tpu.memory_space<semaphore_mem>>) src(%dma_wait3A_1887 : memref<16x128xf32, #tpu.memory_space<hbm>>) dst(%dma_wait3A_1885 : memref<16x128xf32, #tpu.memory_space<vmem>>)
      %dma_wait3A_1888 = arith.constant 8 : i32
      %dma_wait3A_1889 = arith.constant 0 : i32
      %dma_wait3A_1890 = arith.constant 0 : i32
      %dma_wait3A_1891 = tpu.memref_slice %arg10[%dma_wait3A_1888, %dma_wait3A_1889, %dma_wait3A_1890] : memref<16x16x128xf32, #tpu.memory_space<vmem>> -> memref<1x16x128xf32, #tpu.memory_space<vmem>>
      %dma_wait3A_1892 = tpu.memref_squeeze %dma_wait3A_1891 : memref<1x16x128xf32, #tpu.memory_space<vmem>> -> memref<16x128xf32, #tpu.memory_space<vmem>>
      %dma_wait3A_1893 = arith.constant 16 : i32
      %dma_wait3A_1894 = tpu.memref_slice %arg5[%dma_wait3A_1893, %multiple_of3A_262] : memref<32x1000000xf32, #tpu.memory_space<hbm>> -> memref<16x128xf32, #tpu.memory_space<hbm>>
      %dma_wait3A_1895 = arith.constant 0 : i32
      %dma_wait3A_1896 = arith.constant 0 : i32
      %dma_wait3A_1897 = tpu.memref_slice %arg10[%dma_wait3A_1888, %dma_wait3A_1895, %dma_wait3A_1896] : memref<16x16x128xf32, #tpu.memory_space<vmem>> -> memref<1x16x128xf32, #tpu.memory_space<vmem>>
      %dma_wait3A_1898 = tpu.memref_squeeze %dma_wait3A_1897 : memref<1x16x128xf32, #tpu.memory_space<vmem>> -> memref<16x128xf32, #tpu.memory_space<vmem>>
      %dma_wait3A_1899 = arith.constant 16 : i32
      %dma_wait3A_1900 = tpu.memref_slice %arg5[%dma_wait3A_1899, %multiple_of3A_262] : memref<32x1000000xf32, #tpu.memory_space<hbm>> -> memref<16x128xf32, #tpu.memory_space<hbm>>
      tpu.wait_dma2 semaphore(%arg12 : memref<!tpu.dma_semaphore, #tpu.memory_space<semaphore_mem>>) src(%dma_wait3A_1900 : memref<16x128xf32, #tpu.memory_space<hbm>>) dst(%dma_wait3A_1898 : memref<16x128xf32, #tpu.memory_space<vmem>>)
      %dma_wait3A_1901 = arith.constant 9 : i32
      %dma_wait3A_1902 = arith.constant 0 : i32
      %dma_wait3A_1903 = arith.constant 0 : i32
      %dma_wait3A_1904 = tpu.memref_slice %arg9[%dma_wait3A_1901, %dma_wait3A_1902, %dma_wait3A_1903] : memref<16x16x128xf32, #tpu.memory_space<vmem>> -> memref<1x16x128xf32, #tpu.memory_space<vmem>>
      %dma_wait3A_1905 = tpu.memref_squeeze %dma_wait3A_1904 : memref<1x16x128xf32, #tpu.memory_space<vmem>> -> memref<16x128xf32, #tpu.memory_space<vmem>>
      %dma_wait3A_1906 = arith.constant 16 : i32
      %dma_wait3A_1907 = tpu.memref_slice %arg4[%dma_wait3A_1906, %multiple_of3A_127] : memref<32x1000000xf32, #tpu.memory_space<hbm>> -> memref<16x128xf32, #tpu.memory_space<hbm>>
      %dma_wait3A_1908 = arith.constant 0 : i32
      %dma_wait3A_1909 = arith.constant 0 : i32
      %dma_wait3A_1910 = tpu.memref_slice %arg9[%dma_wait3A_1901, %dma_wait3A_1908, %dma_wait3A_1909] : memref<16x16x128xf32, #tpu.memory_space<vmem>> -> memref<1x16x128xf32, #tpu.memory_space<vmem>>
      %dma_wait3A_1911 = tpu.memref_squeeze %dma_wait3A_1910 : memref<1x16x128xf32, #tpu.memory_space<vmem>> -> memref<16x128xf32, #tpu.memory_space<vmem>>
      %dma_wait3A_1912 = arith.constant 16 : i32
      %dma_wait3A_1913 = tpu.memref_slice %arg4[%dma_wait3A_1912, %multiple_of3A_127] : memref<32x1000000xf32, #tpu.memory_space<hbm>> -> memref<16x128xf32, #tpu.memory_space<hbm>>
      tpu.wait_dma2 semaphore(%arg12 : memref<!tpu.dma_semaphore, #tpu.memory_space<semaphore_mem>>) src(%dma_wait3A_1913 : memref<16x128xf32, #tpu.memory_space<hbm>>) dst(%dma_wait3A_1911 : memref<16x128xf32, #tpu.memory_space<vmem>>)
      %dma_wait3A_1914 = arith.constant 9 : i32
      %dma_wait3A_1915 = arith.constant 0 : i32
      %dma_wait3A_1916 = arith.constant 0 : i32
      %dma_wait3A_1917 = tpu.memref_slice %arg10[%dma_wait3A_1914, %dma_wait3A_1915, %dma_wait3A_1916] : memref<16x16x128xf32, #tpu.memory_space<vmem>> -> memref<1x16x128xf32, #tpu.memory_space<vmem>>
      %dma_wait3A_1918 = tpu.memref_squeeze %dma_wait3A_1917 : memref<1x16x128xf32, #tpu.memory_space<vmem>> -> memref<16x128xf32, #tpu.memory_space<vmem>>
      %dma_wait3A_1919 = arith.constant 16 : i32
      %dma_wait3A_1920 = tpu.memref_slice %arg5[%dma_wait3A_1919, %multiple_of3A_271] : memref<32x1000000xf32, #tpu.memory_space<hbm>> -> memref<16x128xf32, #tpu.memory_space<hbm>>
      %dma_wait3A_1921 = arith.constant 0 : i32
      %dma_wait3A_1922 = arith.constant 0 : i32
      %dma_wait3A_1923 = tpu.memref_slice %arg10[%dma_wait3A_1914, %dma_wait3A_1921, %dma_wait3A_1922] : memref<16x16x128xf32, #tpu.memory_space<vmem>> -> memref<1x16x128xf32, #tpu.memory_space<vmem>>
      %dma_wait3A_1924 = tpu.memref_squeeze %dma_wait3A_1923 : memref<1x16x128xf32, #tpu.memory_space<vmem>> -> memref<16x128xf32, #tpu.memory_space<vmem>>
      %dma_wait3A_1925 = arith.constant 16 : i32
      %dma_wait3A_1926 = tpu.memref_slice %arg5[%dma_wait3A_1925, %multiple_of3A_271] : memref<32x1000000xf32, #tpu.memory_space<hbm>> -> memref<16x128xf32, #tpu.memory_space<hbm>>
      tpu.wait_dma2 semaphore(%arg12 : memref<!tpu.dma_semaphore, #tpu.memory_space<semaphore_mem>>) src(%dma_wait3A_1926 : memref<16x128xf32, #tpu.memory_space<hbm>>) dst(%dma_wait3A_1924 : memref<16x128xf32, #tpu.memory_space<vmem>>)
      %dma_wait3A_1927 = arith.constant 10 : i32
      %dma_wait3A_1928 = arith.constant 0 : i32
      %dma_wait3A_1929 = arith.constant 0 : i32
      %dma_wait3A_1930 = tpu.memref_slice %arg9[%dma_wait3A_1927, %dma_wait3A_1928, %dma_wait3A_1929] : memref<16x16x128xf32, #tpu.memory_space<vmem>> -> memref<1x16x128xf32, #tpu.memory_space<vmem>>
      %dma_wait3A_1931 = tpu.memref_squeeze %dma_wait3A_1930 : memref<1x16x128xf32, #tpu.memory_space<vmem>> -> memref<16x128xf32, #tpu.memory_space<vmem>>
      %dma_wait3A_1932 = arith.constant 16 : i32
      %dma_wait3A_1933 = tpu.memref_slice %arg4[%dma_wait3A_1932, %multiple_of3A_136] : memref<32x1000000xf32, #tpu.memory_space<hbm>> -> memref<16x128xf32, #tpu.memory_space<hbm>>
      %dma_wait3A_1934 = arith.constant 0 : i32
      %dma_wait3A_1935 = arith.constant 0 : i32
      %dma_wait3A_1936 = tpu.memref_slice %arg9[%dma_wait3A_1927, %dma_wait3A_1934, %dma_wait3A_1935] : memref<16x16x128xf32, #tpu.memory_space<vmem>> -> memref<1x16x128xf32, #tpu.memory_space<vmem>>
      %dma_wait3A_1937 = tpu.memref_squeeze %dma_wait3A_1936 : memref<1x16x128xf32, #tpu.memory_space<vmem>> -> memref<16x128xf32, #tpu.memory_space<vmem>>
      %dma_wait3A_1938 = arith.constant 16 : i32
      %dma_wait3A_1939 = tpu.memref_slice %arg4[%dma_wait3A_1938, %multiple_of3A_136] : memref<32x1000000xf32, #tpu.memory_space<hbm>> -> memref<16x128xf32, #tpu.memory_space<hbm>>
      tpu.wait_dma2 semaphore(%arg12 : memref<!tpu.dma_semaphore, #tpu.memory_space<semaphore_mem>>) src(%dma_wait3A_1939 : memref<16x128xf32, #tpu.memory_space<hbm>>) dst(%dma_wait3A_1937 : memref<16x128xf32, #tpu.memory_space<vmem>>)
      %dma_wait3A_1940 = arith.constant 10 : i32
      %dma_wait3A_1941 = arith.constant 0 : i32
      %dma_wait3A_1942 = arith.constant 0 : i32
      %dma_wait3A_1943 = tpu.memref_slice %arg10[%dma_wait3A_1940, %dma_wait3A_1941, %dma_wait3A_1942] : memref<16x16x128xf32, #tpu.memory_space<vmem>> -> memref<1x16x128xf32, #tpu.memory_space<vmem>>
      %dma_wait3A_1944 = tpu.memref_squeeze %dma_wait3A_1943 : memref<1x16x128xf32, #tpu.memory_space<vmem>> -> memref<16x128xf32, #tpu.memory_space<vmem>>
      %dma_wait3A_1945 = arith.constant 16 : i32
      %dma_wait3A_1946 = tpu.memref_slice %arg5[%dma_wait3A_1945, %multiple_of3A_280] : memref<32x1000000xf32, #tpu.memory_space<hbm>> -> memref<16x128xf32, #tpu.memory_space<hbm>>
      %dma_wait3A_1947 = arith.constant 0 : i32
      %dma_wait3A_1948 = arith.constant 0 : i32
      %dma_wait3A_1949 = tpu.memref_slice %arg10[%dma_wait3A_1940, %dma_wait3A_1947, %dma_wait3A_1948] : memref<16x16x128xf32, #tpu.memory_space<vmem>> -> memref<1x16x128xf32, #tpu.memory_space<vmem>>
      %dma_wait3A_1950 = tpu.memref_squeeze %dma_wait3A_1949 : memref<1x16x128xf32, #tpu.memory_space<vmem>> -> memref<16x128xf32, #tpu.memory_space<vmem>>
      %dma_wait3A_1951 = arith.constant 16 : i32
      %dma_wait3A_1952 = tpu.memref_slice %arg5[%dma_wait3A_1951, %multiple_of3A_280] : memref<32x1000000xf32, #tpu.memory_space<hbm>> -> memref<16x128xf32, #tpu.memory_space<hbm>>
      tpu.wait_dma2 semaphore(%arg12 : memref<!tpu.dma_semaphore, #tpu.memory_space<semaphore_mem>>) src(%dma_wait3A_1952 : memref<16x128xf32, #tpu.memory_space<hbm>>) dst(%dma_wait3A_1950 : memref<16x128xf32, #tpu.memory_space<vmem>>)
      %dma_wait3A_1953 = arith.constant 11 : i32
      %dma_wait3A_1954 = arith.constant 0 : i32
      %dma_wait3A_1955 = arith.constant 0 : i32
      %dma_wait3A_1956 = tpu.memref_slice %arg9[%dma_wait3A_1953, %dma_wait3A_1954, %dma_wait3A_1955] : memref<16x16x128xf32, #tpu.memory_space<vmem>> -> memref<1x16x128xf32, #tpu.memory_space<vmem>>
      %dma_wait3A_1957 = tpu.memref_squeeze %dma_wait3A_1956 : memref<1x16x128xf32, #tpu.memory_space<vmem>> -> memref<16x128xf32, #tpu.memory_space<vmem>>
      %dma_wait3A_1958 = arith.constant 16 : i32
      %dma_wait3A_1959 = tpu.memref_slice %arg4[%dma_wait3A_1958, %multiple_of3A_145] : memref<32x1000000xf32, #tpu.memory_space<hbm>> -> memref<16x128xf32, #tpu.memory_space<hbm>>
      %dma_wait3A_1960 = arith.constant 0 : i32
      %dma_wait3A_1961 = arith.constant 0 : i32
      %dma_wait3A_1962 = tpu.memref_slice %arg9[%dma_wait3A_1953, %dma_wait3A_1960, %dma_wait3A_1961] : memref<16x16x128xf32, #tpu.memory_space<vmem>> -> memref<1x16x128xf32, #tpu.memory_space<vmem>>
      %dma_wait3A_1963 = tpu.memref_squeeze %dma_wait3A_1962 : memref<1x16x128xf32, #tpu.memory_space<vmem>> -> memref<16x128xf32, #tpu.memory_space<vmem>>
      %dma_wait3A_1964 = arith.constant 16 : i32
      %dma_wait3A_1965 = tpu.memref_slice %arg4[%dma_wait3A_1964, %multiple_of3A_145] : memref<32x1000000xf32, #tpu.memory_space<hbm>> -> memref<16x128xf32, #tpu.memory_space<hbm>>
      tpu.wait_dma2 semaphore(%arg12 : memref<!tpu.dma_semaphore, #tpu.memory_space<semaphore_mem>>) src(%dma_wait3A_1965 : memref<16x128xf32, #tpu.memory_space<hbm>>) dst(%dma_wait3A_1963 : memref<16x128xf32, #tpu.memory_space<vmem>>)
      %dma_wait3A_1966 = arith.constant 11 : i32
      %dma_wait3A_1967 = arith.constant 0 : i32
      %dma_wait3A_1968 = arith.constant 0 : i32
      %dma_wait3A_1969 = tpu.memref_slice %arg10[%dma_wait3A_1966, %dma_wait3A_1967, %dma_wait3A_1968] : memref<16x16x128xf32, #tpu.memory_space<vmem>> -> memref<1x16x128xf32, #tpu.memory_space<vmem>>
      %dma_wait3A_1970 = tpu.memref_squeeze %dma_wait3A_1969 : memref<1x16x128xf32, #tpu.memory_space<vmem>> -> memref<16x128xf32, #tpu.memory_space<vmem>>
      %dma_wait3A_1971 = arith.constant 16 : i32
      %dma_wait3A_1972 = tpu.memref_slice %arg5[%dma_wait3A_1971, %multiple_of3A_289] : memref<32x1000000xf32, #tpu.memory_space<hbm>> -> memref<16x128xf32, #tpu.memory_space<hbm>>
      %dma_wait3A_1973 = arith.constant 0 : i32
      %dma_wait3A_1974 = arith.constant 0 : i32
      %dma_wait3A_1975 = tpu.memref_slice %arg10[%dma_wait3A_1966, %dma_wait3A_1973, %dma_wait3A_1974] : memref<16x16x128xf32, #tpu.memory_space<vmem>> -> memref<1x16x128xf32, #tpu.memory_space<vmem>>
      %dma_wait3A_1976 = tpu.memref_squeeze %dma_wait3A_1975 : memref<1x16x128xf32, #tpu.memory_space<vmem>> -> memref<16x128xf32, #tpu.memory_space<vmem>>
      %dma_wait3A_1977 = arith.constant 16 : i32
      %dma_wait3A_1978 = tpu.memref_slice %arg5[%dma_wait3A_1977, %multiple_of3A_289] : memref<32x1000000xf32, #tpu.memory_space<hbm>> -> memref<16x128xf32, #tpu.memory_space<hbm>>
      tpu.wait_dma2 semaphore(%arg12 : memref<!tpu.dma_semaphore, #tpu.memory_space<semaphore_mem>>) src(%dma_wait3A_1978 : memref<16x128xf32, #tpu.memory_space<hbm>>) dst(%dma_wait3A_1976 : memref<16x128xf32, #tpu.memory_space<vmem>>)
      %dma_wait3A_1979 = arith.constant 12 : i32
      %dma_wait3A_1980 = arith.constant 0 : i32
      %dma_wait3A_1981 = arith.constant 0 : i32
      %dma_wait3A_1982 = tpu.memref_slice %arg9[%dma_wait3A_1979, %dma_wait3A_1980, %dma_wait3A_1981] : memref<16x16x128xf32, #tpu.memory_space<vmem>> -> memref<1x16x128xf32, #tpu.memory_space<vmem>>
      %dma_wait3A_1983 = tpu.memref_squeeze %dma_wait3A_1982 : memref<1x16x128xf32, #tpu.memory_space<vmem>> -> memref<16x128xf32, #tpu.memory_space<vmem>>
      %dma_wait3A_1984 = arith.constant 16 : i32
      %dma_wait3A_1985 = tpu.memref_slice %arg4[%dma_wait3A_1984, %multiple_of3A_154] : memref<32x1000000xf32, #tpu.memory_space<hbm>> -> memref<16x128xf32, #tpu.memory_space<hbm>>
      %dma_wait3A_1986 = arith.constant 0 : i32
      %dma_wait3A_1987 = arith.constant 0 : i32
      %dma_wait3A_1988 = tpu.memref_slice %arg9[%dma_wait3A_1979, %dma_wait3A_1986, %dma_wait3A_1987] : memref<16x16x128xf32, #tpu.memory_space<vmem>> -> memref<1x16x128xf32, #tpu.memory_space<vmem>>
      %dma_wait3A_1989 = tpu.memref_squeeze %dma_wait3A_1988 : memref<1x16x128xf32, #tpu.memory_space<vmem>> -> memref<16x128xf32, #tpu.memory_space<vmem>>
      %dma_wait3A_1990 = arith.constant 16 : i32
      %dma_wait3A_1991 = tpu.memref_slice %arg4[%dma_wait3A_1990, %multiple_of3A_154] : memref<32x1000000xf32, #tpu.memory_space<hbm>> -> memref<16x128xf32, #tpu.memory_space<hbm>>
      tpu.wait_dma2 semaphore(%arg12 : memref<!tpu.dma_semaphore, #tpu.memory_space<semaphore_mem>>) src(%dma_wait3A_1991 : memref<16x128xf32, #tpu.memory_space<hbm>>) dst(%dma_wait3A_1989 : memref<16x128xf32, #tpu.memory_space<vmem>>)
      %dma_wait3A_1992 = arith.constant 12 : i32
      %dma_wait3A_1993 = arith.constant 0 : i32
      %dma_wait3A_1994 = arith.constant 0 : i32
      %dma_wait3A_1995 = tpu.memref_slice %arg10[%dma_wait3A_1992, %dma_wait3A_1993, %dma_wait3A_1994] : memref<16x16x128xf32, #tpu.memory_space<vmem>> -> memref<1x16x128xf32, #tpu.memory_space<vmem>>
      %dma_wait3A_1996 = tpu.memref_squeeze %dma_wait3A_1995 : memref<1x16x128xf32, #tpu.memory_space<vmem>> -> memref<16x128xf32, #tpu.memory_space<vmem>>
      %dma_wait3A_1997 = arith.constant 16 : i32
      %dma_wait3A_1998 = tpu.memref_slice %arg5[%dma_wait3A_1997, %multiple_of3A_298] : memref<32x1000000xf32, #tpu.memory_space<hbm>> -> memref<16x128xf32, #tpu.memory_space<hbm>>
      %dma_wait3A_1999 = arith.constant 0 : i32
      %dma_wait3A_2000 = arith.constant 0 : i32
      %dma_wait3A_2001 = tpu.memref_slice %arg10[%dma_wait3A_1992, %dma_wait3A_1999, %dma_wait3A_2000] : memref<16x16x128xf32, #tpu.memory_space<vmem>> -> memref<1x16x128xf32, #tpu.memory_space<vmem>>
      %dma_wait3A_2002 = tpu.memref_squeeze %dma_wait3A_2001 : memref<1x16x128xf32, #tpu.memory_space<vmem>> -> memref<16x128xf32, #tpu.memory_space<vmem>>
      %dma_wait3A_2003 = arith.constant 16 : i32
      %dma_wait3A_2004 = tpu.memref_slice %arg5[%dma_wait3A_2003, %multiple_of3A_298] : memref<32x1000000xf32, #tpu.memory_space<hbm>> -> memref<16x128xf32, #tpu.memory_space<hbm>>
      tpu.wait_dma2 semaphore(%arg12 : memref<!tpu.dma_semaphore, #tpu.memory_space<semaphore_mem>>) src(%dma_wait3A_2004 : memref<16x128xf32, #tpu.memory_space<hbm>>) dst(%dma_wait3A_2002 : memref<16x128xf32, #tpu.memory_space<vmem>>)
      %dma_wait3A_2005 = arith.constant 13 : i32
      %dma_wait3A_2006 = arith.constant 0 : i32
      %dma_wait3A_2007 = arith.constant 0 : i32
      %dma_wait3A_2008 = tpu.memref_slice %arg9[%dma_wait3A_2005, %dma_wait3A_2006, %dma_wait3A_2007] : memref<16x16x128xf32, #tpu.memory_space<vmem>> -> memref<1x16x128xf32, #tpu.memory_space<vmem>>
      %dma_wait3A_2009 = tpu.memref_squeeze %dma_wait3A_2008 : memref<1x16x128xf32, #tpu.memory_space<vmem>> -> memref<16x128xf32, #tpu.memory_space<vmem>>
      %dma_wait3A_2010 = arith.constant 16 : i32
      %dma_wait3A_2011 = tpu.memref_slice %arg4[%dma_wait3A_2010, %multiple_of3A_163] : memref<32x1000000xf32, #tpu.memory_space<hbm>> -> memref<16x128xf32, #tpu.memory_space<hbm>>
      %dma_wait3A_2012 = arith.constant 0 : i32
      %dma_wait3A_2013 = arith.constant 0 : i32
      %dma_wait3A_2014 = tpu.memref_slice %arg9[%dma_wait3A_2005, %dma_wait3A_2012, %dma_wait3A_2013] : memref<16x16x128xf32, #tpu.memory_space<vmem>> -> memref<1x16x128xf32, #tpu.memory_space<vmem>>
      %dma_wait3A_2015 = tpu.memref_squeeze %dma_wait3A_2014 : memref<1x16x128xf32, #tpu.memory_space<vmem>> -> memref<16x128xf32, #tpu.memory_space<vmem>>
      %dma_wait3A_2016 = arith.constant 16 : i32
      %dma_wait3A_2017 = tpu.memref_slice %arg4[%dma_wait3A_2016, %multiple_of3A_163] : memref<32x1000000xf32, #tpu.memory_space<hbm>> -> memref<16x128xf32, #tpu.memory_space<hbm>>
      tpu.wait_dma2 semaphore(%arg12 : memref<!tpu.dma_semaphore, #tpu.memory_space<semaphore_mem>>) src(%dma_wait3A_2017 : memref<16x128xf32, #tpu.memory_space<hbm>>) dst(%dma_wait3A_2015 : memref<16x128xf32, #tpu.memory_space<vmem>>)
      %dma_wait3A_2018 = arith.constant 13 : i32
      %dma_wait3A_2019 = arith.constant 0 : i32
      %dma_wait3A_2020 = arith.constant 0 : i32
      %dma_wait3A_2021 = tpu.memref_slice %arg10[%dma_wait3A_2018, %dma_wait3A_2019, %dma_wait3A_2020] : memref<16x16x128xf32, #tpu.memory_space<vmem>> -> memref<1x16x128xf32, #tpu.memory_space<vmem>>
      %dma_wait3A_2022 = tpu.memref_squeeze %dma_wait3A_2021 : memref<1x16x128xf32, #tpu.memory_space<vmem>> -> memref<16x128xf32, #tpu.memory_space<vmem>>
      %dma_wait3A_2023 = arith.constant 16 : i32
      %dma_wait3A_2024 = tpu.memref_slice %arg5[%dma_wait3A_2023, %multiple_of3A_307] : memref<32x1000000xf32, #tpu.memory_space<hbm>> -> memref<16x128xf32, #tpu.memory_space<hbm>>
      %dma_wait3A_2025 = arith.constant 0 : i32
      %dma_wait3A_2026 = arith.constant 0 : i32
      %dma_wait3A_2027 = tpu.memref_slice %arg10[%dma_wait3A_2018, %dma_wait3A_2025, %dma_wait3A_2026] : memref<16x16x128xf32, #tpu.memory_space<vmem>> -> memref<1x16x128xf32, #tpu.memory_space<vmem>>
      %dma_wait3A_2028 = tpu.memref_squeeze %dma_wait3A_2027 : memref<1x16x128xf32, #tpu.memory_space<vmem>> -> memref<16x128xf32, #tpu.memory_space<vmem>>
      %dma_wait3A_2029 = arith.constant 16 : i32
      %dma_wait3A_2030 = tpu.memref_slice %arg5[%dma_wait3A_2029, %multiple_of3A_307] : memref<32x1000000xf32, #tpu.memory_space<hbm>> -> memref<16x128xf32, #tpu.memory_space<hbm>>
      tpu.wait_dma2 semaphore(%arg12 : memref<!tpu.dma_semaphore, #tpu.memory_space<semaphore_mem>>) src(%dma_wait3A_2030 : memref<16x128xf32, #tpu.memory_space<hbm>>) dst(%dma_wait3A_2028 : memref<16x128xf32, #tpu.memory_space<vmem>>)
      %dma_wait3A_2031 = arith.constant 14 : i32
      %dma_wait3A_2032 = arith.constant 0 : i32
      %dma_wait3A_2033 = arith.constant 0 : i32
      %dma_wait3A_2034 = tpu.memref_slice %arg9[%dma_wait3A_2031, %dma_wait3A_2032, %dma_wait3A_2033] : memref<16x16x128xf32, #tpu.memory_space<vmem>> -> memref<1x16x128xf32, #tpu.memory_space<vmem>>
      %dma_wait3A_2035 = tpu.memref_squeeze %dma_wait3A_2034 : memref<1x16x128xf32, #tpu.memory_space<vmem>> -> memref<16x128xf32, #tpu.memory_space<vmem>>
      %dma_wait3A_2036 = arith.constant 16 : i32
      %dma_wait3A_2037 = tpu.memref_slice %arg4[%dma_wait3A_2036, %multiple_of3A_172] : memref<32x1000000xf32, #tpu.memory_space<hbm>> -> memref<16x128xf32, #tpu.memory_space<hbm>>
      %dma_wait3A_2038 = arith.constant 0 : i32
      %dma_wait3A_2039 = arith.constant 0 : i32
      %dma_wait3A_2040 = tpu.memref_slice %arg9[%dma_wait3A_2031, %dma_wait3A_2038, %dma_wait3A_2039] : memref<16x16x128xf32, #tpu.memory_space<vmem>> -> memref<1x16x128xf32, #tpu.memory_space<vmem>>
      %dma_wait3A_2041 = tpu.memref_squeeze %dma_wait3A_2040 : memref<1x16x128xf32, #tpu.memory_space<vmem>> -> memref<16x128xf32, #tpu.memory_space<vmem>>
      %dma_wait3A_2042 = arith.constant 16 : i32
      %dma_wait3A_2043 = tpu.memref_slice %arg4[%dma_wait3A_2042, %multiple_of3A_172] : memref<32x1000000xf32, #tpu.memory_space<hbm>> -> memref<16x128xf32, #tpu.memory_space<hbm>>
      tpu.wait_dma2 semaphore(%arg12 : memref<!tpu.dma_semaphore, #tpu.memory_space<semaphore_mem>>) src(%dma_wait3A_2043 : memref<16x128xf32, #tpu.memory_space<hbm>>) dst(%dma_wait3A_2041 : memref<16x128xf32, #tpu.memory_space<vmem>>)
      %dma_wait3A_2044 = arith.constant 14 : i32
      %dma_wait3A_2045 = arith.constant 0 : i32
      %dma_wait3A_2046 = arith.constant 0 : i32
      %dma_wait3A_2047 = tpu.memref_slice %arg10[%dma_wait3A_2044, %dma_wait3A_2045, %dma_wait3A_2046] : memref<16x16x128xf32, #tpu.memory_space<vmem>> -> memref<1x16x128xf32, #tpu.memory_space<vmem>>
      %dma_wait3A_2048 = tpu.memref_squeeze %dma_wait3A_2047 : memref<1x16x128xf32, #tpu.memory_space<vmem>> -> memref<16x128xf32, #tpu.memory_space<vmem>>
      %dma_wait3A_2049 = arith.constant 16 : i32
      %dma_wait3A_2050 = tpu.memref_slice %arg5[%dma_wait3A_2049, %multiple_of3A_316] : memref<32x1000000xf32, #tpu.memory_space<hbm>> -> memref<16x128xf32, #tpu.memory_space<hbm>>
      %dma_wait3A_2051 = arith.constant 0 : i32
      %dma_wait3A_2052 = arith.constant 0 : i32
      %dma_wait3A_2053 = tpu.memref_slice %arg10[%dma_wait3A_2044, %dma_wait3A_2051, %dma_wait3A_2052] : memref<16x16x128xf32, #tpu.memory_space<vmem>> -> memref<1x16x128xf32, #tpu.memory_space<vmem>>
      %dma_wait3A_2054 = tpu.memref_squeeze %dma_wait3A_2053 : memref<1x16x128xf32, #tpu.memory_space<vmem>> -> memref<16x128xf32, #tpu.memory_space<vmem>>
      %dma_wait3A_2055 = arith.constant 16 : i32
      %dma_wait3A_2056 = tpu.memref_slice %arg5[%dma_wait3A_2055, %multiple_of3A_316] : memref<32x1000000xf32, #tpu.memory_space<hbm>> -> memref<16x128xf32, #tpu.memory_space<hbm>>
      tpu.wait_dma2 semaphore(%arg12 : memref<!tpu.dma_semaphore, #tpu.memory_space<semaphore_mem>>) src(%dma_wait3A_2056 : memref<16x128xf32, #tpu.memory_space<hbm>>) dst(%dma_wait3A_2054 : memref<16x128xf32, #tpu.memory_space<vmem>>)
      %dma_wait3A_2057 = arith.constant 15 : i32
      %dma_wait3A_2058 = arith.constant 0 : i32
      %dma_wait3A_2059 = arith.constant 0 : i32
      %dma_wait3A_2060 = tpu.memref_slice %arg9[%dma_wait3A_2057, %dma_wait3A_2058, %dma_wait3A_2059] : memref<16x16x128xf32, #tpu.memory_space<vmem>> -> memref<1x16x128xf32, #tpu.memory_space<vmem>>
      %dma_wait3A_2061 = tpu.memref_squeeze %dma_wait3A_2060 : memref<1x16x128xf32, #tpu.memory_space<vmem>> -> memref<16x128xf32, #tpu.memory_space<vmem>>
      %dma_wait3A_2062 = arith.constant 16 : i32
      %dma_wait3A_2063 = tpu.memref_slice %arg4[%dma_wait3A_2062, %multiple_of3A_181] : memref<32x1000000xf32, #tpu.memory_space<hbm>> -> memref<16x128xf32, #tpu.memory_space<hbm>>
      %dma_wait3A_2064 = arith.constant 0 : i32
      %dma_wait3A_2065 = arith.constant 0 : i32
      %dma_wait3A_2066 = tpu.memref_slice %arg9[%dma_wait3A_2057, %dma_wait3A_2064, %dma_wait3A_2065] : memref<16x16x128xf32, #tpu.memory_space<vmem>> -> memref<1x16x128xf32, #tpu.memory_space<vmem>>
      %dma_wait3A_2067 = tpu.memref_squeeze %dma_wait3A_2066 : memref<1x16x128xf32, #tpu.memory_space<vmem>> -> memref<16x128xf32, #tpu.memory_space<vmem>>
      %dma_wait3A_2068 = arith.constant 16 : i32
      %dma_wait3A_2069 = tpu.memref_slice %arg4[%dma_wait3A_2068, %multiple_of3A_181] : memref<32x1000000xf32, #tpu.memory_space<hbm>> -> memref<16x128xf32, #tpu.memory_space<hbm>>
      tpu.wait_dma2 semaphore(%arg12 : memref<!tpu.dma_semaphore, #tpu.memory_space<semaphore_mem>>) src(%dma_wait3A_2069 : memref<16x128xf32, #tpu.memory_space<hbm>>) dst(%dma_wait3A_2067 : memref<16x128xf32, #tpu.memory_space<vmem>>)
      %dma_wait3A_2070 = arith.constant 15 : i32
      %dma_wait3A_2071 = arith.constant 0 : i32
      %dma_wait3A_2072 = arith.constant 0 : i32
      %dma_wait3A_2073 = tpu.memref_slice %arg10[%dma_wait3A_2070, %dma_wait3A_2071, %dma_wait3A_2072] : memref<16x16x128xf32, #tpu.memory_space<vmem>> -> memref<1x16x128xf32, #tpu.memory_space<vmem>>
      %dma_wait3A_2074 = tpu.memref_squeeze %dma_wait3A_2073 : memref<1x16x128xf32, #tpu.memory_space<vmem>> -> memref<16x128xf32, #tpu.memory_space<vmem>>
      %dma_wait3A_2075 = arith.constant 16 : i32
      %dma_wait3A_2076 = tpu.memref_slice %arg5[%dma_wait3A_2075, %multiple_of3A_325] : memref<32x1000000xf32, #tpu.memory_space<hbm>> -> memref<16x128xf32, #tpu.memory_space<hbm>>
      %dma_wait3A_2077 = arith.constant 0 : i32
      %dma_wait3A_2078 = arith.constant 0 : i32
      %dma_wait3A_2079 = tpu.memref_slice %arg10[%dma_wait3A_2070, %dma_wait3A_2077, %dma_wait3A_2078] : memref<16x16x128xf32, #tpu.memory_space<vmem>> -> memref<1x16x128xf32, #tpu.memory_space<vmem>>
      %dma_wait3A_2080 = tpu.memref_squeeze %dma_wait3A_2079 : memref<1x16x128xf32, #tpu.memory_space<vmem>> -> memref<16x128xf32, #tpu.memory_space<vmem>>
      %dma_wait3A_2081 = arith.constant 16 : i32
      %dma_wait3A_2082 = tpu.memref_slice %arg5[%dma_wait3A_2081, %multiple_of3A_325] : memref<32x1000000xf32, #tpu.memory_space<hbm>> -> memref<16x128xf32, #tpu.memory_space<hbm>>
      tpu.wait_dma2 semaphore(%arg12 : memref<!tpu.dma_semaphore, #tpu.memory_space<semaphore_mem>>) src(%dma_wait3A_2082 : memref<16x128xf32, #tpu.memory_space<hbm>>) dst(%dma_wait3A_2080 : memref<16x128xf32, #tpu.memory_space<vmem>>)
      %broadcast_in_dim3A_2083 = arith.constant 0 : i32
      %broadcast_in_dim3A_2084 = vector.broadcast %broadcast_in_dim3A_2083 : i32 to vector<16xi32>
      %gather3A_2085 = tpu.vector_load_idx %arg9[%iota3A, %broadcast_in_dim3A_2084, %and3A_13] : memref<16x16x128xf32, #tpu.memory_space<vmem>>[vector<16xi32>, vector<16xi32>, vector<16xi32>], vector<16xf32>,
      %gather3A_2086 = tpu.vector_load_idx %arg10[%iota3A, %broadcast_in_dim3A_2084, %and3A_20] : memref<16x16x128xf32, #tpu.memory_space<vmem>>[vector<16xi32>, vector<16xi32>, vector<16xi32>], vector<16xf32>,
      %mul3A_2087 = arith.mulf %gather3A_2085, %gather3A_2086 : vector<16xf32>
      %add3A_2088 = arith.addf %add3A_1250, %mul3A_2087 : vector<16xf32>
      %broadcast_in_dim3A_2089 = arith.constant 1 : i32
      %broadcast_in_dim3A_2090 = vector.broadcast %broadcast_in_dim3A_2089 : i32 to vector<16xi32>
      %gather3A_2091 = tpu.vector_load_idx %arg9[%iota3A, %broadcast_in_dim3A_2090, %and3A_13] : memref<16x16x128xf32, #tpu.memory_space<vmem>>[vector<16xi32>, vector<16xi32>, vector<16xi32>], vector<16xf32>,
      %gather3A_2092 = tpu.vector_load_idx %arg10[%iota3A, %broadcast_in_dim3A_2090, %and3A_20] : memref<16x16x128xf32, #tpu.memory_space<vmem>>[vector<16xi32>, vector<16xi32>, vector<16xi32>], vector<16xf32>,
      %mul3A_2093 = arith.mulf %gather3A_2091, %gather3A_2092 : vector<16xf32>
      %add3A_2094 = arith.addf %add3A_2088, %mul3A_2093 : vector<16xf32>
      %broadcast_in_dim3A_2095 = arith.constant 2 : i32
      %broadcast_in_dim3A_2096 = vector.broadcast %broadcast_in_dim3A_2095 : i32 to vector<16xi32>
      %gather3A_2097 = tpu.vector_load_idx %arg9[%iota3A, %broadcast_in_dim3A_2096, %and3A_13] : memref<16x16x128xf32, #tpu.memory_space<vmem>>[vector<16xi32>, vector<16xi32>, vector<16xi32>], vector<16xf32>,
      %gather3A_2098 = tpu.vector_load_idx %arg10[%iota3A, %broadcast_in_dim3A_2096, %and3A_20] : memref<16x16x128xf32, #tpu.memory_space<vmem>>[vector<16xi32>, vector<16xi32>, vector<16xi32>], vector<16xf32>,
      %mul3A_2099 = arith.mulf %gather3A_2097, %gather3A_2098 : vector<16xf32>
      %add3A_2100 = arith.addf %add3A_2094, %mul3A_2099 : vector<16xf32>
      %broadcast_in_dim3A_2101 = arith.constant 3 : i32
      %broadcast_in_dim3A_2102 = vector.broadcast %broadcast_in_dim3A_2101 : i32 to vector<16xi32>
      %gather3A_2103 = tpu.vector_load_idx %arg9[%iota3A, %broadcast_in_dim3A_2102, %and3A_13] : memref<16x16x128xf32, #tpu.memory_space<vmem>>[vector<16xi32>, vector<16xi32>, vector<16xi32>], vector<16xf32>,
      %gather3A_2104 = tpu.vector_load_idx %arg10[%iota3A, %broadcast_in_dim3A_2102, %and3A_20] : memref<16x16x128xf32, #tpu.memory_space<vmem>>[vector<16xi32>, vector<16xi32>, vector<16xi32>], vector<16xf32>,
      %mul3A_2105 = arith.mulf %gather3A_2103, %gather3A_2104 : vector<16xf32>
      %add3A_2106 = arith.addf %add3A_2100, %mul3A_2105 : vector<16xf32>
      %broadcast_in_dim3A_2107 = arith.constant 4 : i32
      %broadcast_in_dim3A_2108 = vector.broadcast %broadcast_in_dim3A_2107 : i32 to vector<16xi32>
      %gather3A_2109 = tpu.vector_load_idx %arg9[%iota3A, %broadcast_in_dim3A_2108, %and3A_13] : memref<16x16x128xf32, #tpu.memory_space<vmem>>[vector<16xi32>, vector<16xi32>, vector<16xi32>], vector<16xf32>,
      %gather3A_2110 = tpu.vector_load_idx %arg10[%iota3A, %broadcast_in_dim3A_2108, %and3A_20] : memref<16x16x128xf32, #tpu.memory_space<vmem>>[vector<16xi32>, vector<16xi32>, vector<16xi32>], vector<16xf32>,
      %mul3A_2111 = arith.mulf %gather3A_2109, %gather3A_2110 : vector<16xf32>
      %add3A_2112 = arith.addf %add3A_2106, %mul3A_2111 : vector<16xf32>
      %broadcast_in_dim3A_2113 = arith.constant 5 : i32
      %broadcast_in_dim3A_2114 = vector.broadcast %broadcast_in_dim3A_2113 : i32 to vector<16xi32>
      %gather3A_2115 = tpu.vector_load_idx %arg9[%iota3A, %broadcast_in_dim3A_2114, %and3A_13] : memref<16x16x128xf32, #tpu.memory_space<vmem>>[vector<16xi32>, vector<16xi32>, vector<16xi32>], vector<16xf32>,
      %gather3A_2116 = tpu.vector_load_idx %arg10[%iota3A, %broadcast_in_dim3A_2114, %and3A_20] : memref<16x16x128xf32, #tpu.memory_space<vmem>>[vector<16xi32>, vector<16xi32>, vector<16xi32>], vector<16xf32>,
      %mul3A_2117 = arith.mulf %gather3A_2115, %gather3A_2116 : vector<16xf32>
      %add3A_2118 = arith.addf %add3A_2112, %mul3A_2117 : vector<16xf32>
      %broadcast_in_dim3A_2119 = arith.constant 6 : i32
      %broadcast_in_dim3A_2120 = vector.broadcast %broadcast_in_dim3A_2119 : i32 to vector<16xi32>
      %gather3A_2121 = tpu.vector_load_idx %arg9[%iota3A, %broadcast_in_dim3A_2120, %and3A_13] : memref<16x16x128xf32, #tpu.memory_space<vmem>>[vector<16xi32>, vector<16xi32>, vector<16xi32>], vector<16xf32>,
      %gather3A_2122 = tpu.vector_load_idx %arg10[%iota3A, %broadcast_in_dim3A_2120, %and3A_20] : memref<16x16x128xf32, #tpu.memory_space<vmem>>[vector<16xi32>, vector<16xi32>, vector<16xi32>], vector<16xf32>,
      %mul3A_2123 = arith.mulf %gather3A_2121, %gather3A_2122 : vector<16xf32>
      %add3A_2124 = arith.addf %add3A_2118, %mul3A_2123 : vector<16xf32>
      %broadcast_in_dim3A_2125 = arith.constant 7 : i32
      %broadcast_in_dim3A_2126 = vector.broadcast %broadcast_in_dim3A_2125 : i32 to vector<16xi32>
      %gather3A_2127 = tpu.vector_load_idx %arg9[%iota3A, %broadcast_in_dim3A_2126, %and3A_13] : memref<16x16x128xf32, #tpu.memory_space<vmem>>[vector<16xi32>, vector<16xi32>, vector<16xi32>], vector<16xf32>,
      %gather3A_2128 = tpu.vector_load_idx %arg10[%iota3A, %broadcast_in_dim3A_2126, %and3A_20] : memref<16x16x128xf32, #tpu.memory_space<vmem>>[vector<16xi32>, vector<16xi32>, vector<16xi32>], vector<16xf32>,
      %mul3A_2129 = arith.mulf %gather3A_2127, %gather3A_2128 : vector<16xf32>
      %add3A_2130 = arith.addf %add3A_2124, %mul3A_2129 : vector<16xf32>
      %broadcast_in_dim3A_2131 = arith.constant 8 : i32
      %broadcast_in_dim3A_2132 = vector.broadcast %broadcast_in_dim3A_2131 : i32 to vector<16xi32>
      %gather3A_2133 = tpu.vector_load_idx %arg9[%iota3A, %broadcast_in_dim3A_2132, %and3A_13] : memref<16x16x128xf32, #tpu.memory_space<vmem>>[vector<16xi32>, vector<16xi32>, vector<16xi32>], vector<16xf32>,
      %gather3A_2134 = tpu.vector_load_idx %arg10[%iota3A, %broadcast_in_dim3A_2132, %and3A_20] : memref<16x16x128xf32, #tpu.memory_space<vmem>>[vector<16xi32>, vector<16xi32>, vector<16xi32>], vector<16xf32>,
      %mul3A_2135 = arith.mulf %gather3A_2133, %gather3A_2134 : vector<16xf32>
      %add3A_2136 = arith.addf %add3A_2130, %mul3A_2135 : vector<16xf32>
      %broadcast_in_dim3A_2137 = arith.constant 9 : i32
      %broadcast_in_dim3A_2138 = vector.broadcast %broadcast_in_dim3A_2137 : i32 to vector<16xi32>
      %gather3A_2139 = tpu.vector_load_idx %arg9[%iota3A, %broadcast_in_dim3A_2138, %and3A_13] : memref<16x16x128xf32, #tpu.memory_space<vmem>>[vector<16xi32>, vector<16xi32>, vector<16xi32>], vector<16xf32>,
      %gather3A_2140 = tpu.vector_load_idx %arg10[%iota3A, %broadcast_in_dim3A_2138, %and3A_20] : memref<16x16x128xf32, #tpu.memory_space<vmem>>[vector<16xi32>, vector<16xi32>, vector<16xi32>], vector<16xf32>,
      %mul3A_2141 = arith.mulf %gather3A_2139, %gather3A_2140 : vector<16xf32>
      %add3A_2142 = arith.addf %add3A_2136, %mul3A_2141 : vector<16xf32>
      %broadcast_in_dim3A_2143 = arith.constant 10 : i32
      %broadcast_in_dim3A_2144 = vector.broadcast %broadcast_in_dim3A_2143 : i32 to vector<16xi32>
      %gather3A_2145 = tpu.vector_load_idx %arg9[%iota3A, %broadcast_in_dim3A_2144, %and3A_13] : memref<16x16x128xf32, #tpu.memory_space<vmem>>[vector<16xi32>, vector<16xi32>, vector<16xi32>], vector<16xf32>,
      %gather3A_2146 = tpu.vector_load_idx %arg10[%iota3A, %broadcast_in_dim3A_2144, %and3A_20] : memref<16x16x128xf32, #tpu.memory_space<vmem>>[vector<16xi32>, vector<16xi32>, vector<16xi32>], vector<16xf32>,
      %mul3A_2147 = arith.mulf %gather3A_2145, %gather3A_2146 : vector<16xf32>
      %add3A_2148 = arith.addf %add3A_2142, %mul3A_2147 : vector<16xf32>
      %broadcast_in_dim3A_2149 = arith.constant 11 : i32
      %broadcast_in_dim3A_2150 = vector.broadcast %broadcast_in_dim3A_2149 : i32 to vector<16xi32>
      %gather3A_2151 = tpu.vector_load_idx %arg9[%iota3A, %broadcast_in_dim3A_2150, %and3A_13] : memref<16x16x128xf32, #tpu.memory_space<vmem>>[vector<16xi32>, vector<16xi32>, vector<16xi32>], vector<16xf32>,
      %gather3A_2152 = tpu.vector_load_idx %arg10[%iota3A, %broadcast_in_dim3A_2150, %and3A_20] : memref<16x16x128xf32, #tpu.memory_space<vmem>>[vector<16xi32>, vector<16xi32>, vector<16xi32>], vector<16xf32>,
      %mul3A_2153 = arith.mulf %gather3A_2151, %gather3A_2152 : vector<16xf32>
      %add3A_2154 = arith.addf %add3A_2148, %mul3A_2153 : vector<16xf32>
      %broadcast_in_dim3A_2155 = arith.constant 12 : i32
      %broadcast_in_dim3A_2156 = vector.broadcast %broadcast_in_dim3A_2155 : i32 to vector<16xi32>
      %gather3A_2157 = tpu.vector_load_idx %arg9[%iota3A, %broadcast_in_dim3A_2156, %and3A_13] : memref<16x16x128xf32, #tpu.memory_space<vmem>>[vector<16xi32>, vector<16xi32>, vector<16xi32>], vector<16xf32>,
      %gather3A_2158 = tpu.vector_load_idx %arg10[%iota3A, %broadcast_in_dim3A_2156, %and3A_20] : memref<16x16x128xf32, #tpu.memory_space<vmem>>[vector<16xi32>, vector<16xi32>, vector<16xi32>], vector<16xf32>,
      %mul3A_2159 = arith.mulf %gather3A_2157, %gather3A_2158 : vector<16xf32>
      %add3A_2160 = arith.addf %add3A_2154, %mul3A_2159 : vector<16xf32>
      %broadcast_in_dim3A_2161 = arith.constant 13 : i32
      %broadcast_in_dim3A_2162 = vector.broadcast %broadcast_in_dim3A_2161 : i32 to vector<16xi32>
      %gather3A_2163 = tpu.vector_load_idx %arg9[%iota3A, %broadcast_in_dim3A_2162, %and3A_13] : memref<16x16x128xf32, #tpu.memory_space<vmem>>[vector<16xi32>, vector<16xi32>, vector<16xi32>], vector<16xf32>,
      %gather3A_2164 = tpu.vector_load_idx %arg10[%iota3A, %broadcast_in_dim3A_2162, %and3A_20] : memref<16x16x128xf32, #tpu.memory_space<vmem>>[vector<16xi32>, vector<16xi32>, vector<16xi32>], vector<16xf32>,
      %mul3A_2165 = arith.mulf %gather3A_2163, %gather3A_2164 : vector<16xf32>
      %add3A_2166 = arith.addf %add3A_2160, %mul3A_2165 : vector<16xf32>
      %broadcast_in_dim3A_2167 = arith.constant 14 : i32
      %broadcast_in_dim3A_2168 = vector.broadcast %broadcast_in_dim3A_2167 : i32 to vector<16xi32>
      %gather3A_2169 = tpu.vector_load_idx %arg9[%iota3A, %broadcast_in_dim3A_2168, %and3A_13] : memref<16x16x128xf32, #tpu.memory_space<vmem>>[vector<16xi32>, vector<16xi32>, vector<16xi32>], vector<16xf32>,
      %gather3A_2170 = tpu.vector_load_idx %arg10[%iota3A, %broadcast_in_dim3A_2168, %and3A_20] : memref<16x16x128xf32, #tpu.memory_space<vmem>>[vector<16xi32>, vector<16xi32>, vector<16xi32>], vector<16xf32>,
      %mul3A_2171 = arith.mulf %gather3A_2169, %gather3A_2170 : vector<16xf32>
      %add3A_2172 = arith.addf %add3A_2166, %mul3A_2171 : vector<16xf32>
      %broadcast_in_dim3A_2173 = arith.constant 15 : i32
      %broadcast_in_dim3A_2174 = vector.broadcast %broadcast_in_dim3A_2173 : i32 to vector<16xi32>
      %gather3A_2175 = tpu.vector_load_idx %arg9[%iota3A, %broadcast_in_dim3A_2174, %and3A_13] : memref<16x16x128xf32, #tpu.memory_space<vmem>>[vector<16xi32>, vector<16xi32>, vector<16xi32>], vector<16xf32>,
      %gather3A_2176 = tpu.vector_load_idx %arg10[%iota3A, %broadcast_in_dim3A_2174, %and3A_20] : memref<16x16x128xf32, #tpu.memory_space<vmem>>[vector<16xi32>, vector<16xi32>, vector<16xi32>], vector<16xf32>,
      %mul3A_2177 = arith.mulf %gather3A_2175, %gather3A_2176 : vector<16xf32>
      %add3A_2178 = arith.addf %add3A_2172, %mul3A_2177 : vector<16xf32>
      %mul3A_2179 = arith.constant 16 : i32
      %mul3A_2180 = arith.muli %scan3A_8, %mul3A_2179 : i32
      %swap3A = arith.index_cast %mul3A_2180 : i32 to index
      %swap3A_2181 = tpu.vector_load %arg11[%swap3A] {strides = array<i32>} : memref<512xf32, #tpu.memory_space<vmem>>, vector<16xf32>,
      tpu.vector_store %arg11[%swap3A], %add3A_2178 {strides = array<i32>} : memref<512xf32, #tpu.memory_space<vmem>>, vector<16xf32>,
    }
    %scan3A_7 = arith.constant 32 : i32
    "tpu.region"() ({
      %run_scoped3A = tpu.sem_alloc : memref<!tpu.dma_semaphore, #tpu.memory_space<semaphore_mem>>
      %dma_start3A = tpu.memref_slice %arg6[%mul3A_2] : memref<16384xf32, #tpu.memory_space<hbm>> -> memref<512xf32, #tpu.memory_space<hbm>>
      %dma_start3A_8 = tpu.memref_slice %arg6[%mul3A_2] : memref<16384xf32, #tpu.memory_space<hbm>> -> memref<512xf32, #tpu.memory_space<hbm>>
      tpu.enqueue_dma source(%arg11 : memref<512xf32, #tpu.memory_space<vmem>>) target(%dma_start3A_8 : memref<512xf32, #tpu.memory_space<hbm>>) target_semaphore(%run_scoped3A : memref<!tpu.dma_semaphore, #tpu.memory_space<semaphore_mem>>)
      %dma_wait3A = tpu.memref_slice %arg6[%mul3A_2] : memref<16384xf32, #tpu.memory_space<hbm>> -> memref<512xf32, #tpu.memory_space<hbm>>
      %dma_wait3A_9 = tpu.memref_slice %arg6[%mul3A_2] : memref<16384xf32, #tpu.memory_space<hbm>> -> memref<512xf32, #tpu.memory_space<hbm>>
      tpu.wait_dma2 semaphore(%run_scoped3A : memref<!tpu.dma_semaphore, #tpu.memory_space<semaphore_mem>>) src(%arg11 : memref<512xf32, #tpu.memory_space<vmem>>) dst(%dma_wait3A_9 : memref<512xf32, #tpu.memory_space<hbm>>)
      tpu.yield
    }) : () -> ()
    return
  }
}

</mosaic_0001>

<sc_bundles>
// kernel: kernel.3.cloned.1.call-start
scs
__scs_entry_jumppad:
0x0: {  	(pc) =	sbr.rel $0x88, $3  }
0x1: {  	(tag) =	ssettag $0x0;
	lr =	simm.s32 $0x1  }
0x2: {  	[smem:$0x3F9D] =	sst lr;
	_ =	strace $0xD0000000  }
0x3: {  	_ = 	snop  }
0x4: {  	_ = 	snop  }
0x5: {  	_ = 	snop  }
0x6: {  	_ = 	snop  }
0x7: {  	_ = 	snop  }
__scs_overlays_trampoline_lowered:
0x8: {  	[smem:$0x3FAC] =	sst s0  }
0x9: {  	[smem:$0x3FAD] =	sst s1  }
0xa: {  	[smem:$0x3FAE] =	sst s2  }
0xb: {  	[smem:$0x3FAF] =	sst s3  }
0xc: {  	[smem:$0x3FB0] =	sst s4  }
0xd: {  	[smem:$0x3FB1] =	sst s5  }
0xe: {  	[smem:$0x3FB2] =	sst s6  }
0xf: {  	[smem:$0x3FB3] =	sst s7  }
0x10: {  	[smem:$0x3FB4] =	sst s8  }
0x11: {  	[smem:$0x3FB5] =	sst s9;
	s0 =	simm.s32 @!p0 $0x0  }
0x12: {  	s1 =	sld [smem:$0x3F9B];
	s0 =	simm.s32 @p0 $0x1  }
0x13: {  	[smem:$0x3FB6] =	sst s0;
	s0 =	simm.s32 @!p1 $0x0  }
0x14: {  	s2 =	sld [smem:$0x3F9A];
	s0 =	simm.s32 @p1 $0x1  }
0x15: {  	[smem:$0x3FB7] =	sst s0;
	s0 =	simm.s32 @!p2 $0x0  }
0x16: {  	s3 =	sld [smem:$0x3FDB];
	s0 =	simm.s32 @p2 $0x1  }
0x17: {  	s4 =	simm.s32 $0x1BF5;
	[smem:$0x3FB9] =	sst s0  }
0x18: {  	s0 =	sld [smem:$0x3F9C];
	_ =	swait.ge [sflag:s4], $0x0  }
0x19: {  	s7 =	sld [smem:$0x3F9D]  }
0x1a: {  	s8 =	sadd.s32 $0xFFFFE003, lr  }
0x1b: {  	s9 =	sadd.s32 $0xFFFFFEF7, lr;
	s5 =	simm.s32 $0xFFFFFFFF;
	p2 =	slt.u32 s8, $0xFFFFF086  }
0x1c: {  	p1 =	slt.u32 s9, $0xF7A;
	s5 =	simm.s32 @!p2 $0x0  }
0x1d: {  	s5 =	simm.s32 @p1 $0x1;
	p0 =	seq.s32 s7, s2  }
0x1e: {  	s7 =	smul.u32 @!p0 $0xF7A, s2;
	p2 =	seq.s32 @!p0 s5, $0x0  }
0x1f: {  	s9 =	smul.u32 $0xF7A, s1;
	s8 =	simm.s32 @!p0 $0x1BF5;
	p2 =	por !p2, p0  }
0x20: {  	[sflag:s8] =	ssyncset.s32 @!p0 $0xFFFFF086;
	s6 =	sadd.s32 @!p0 s3, s7;
	s7 =	simm.s32 @!p0 $0x108  }
0x21: {  	s3 =	sadd.s32 s3, s9;
	s6 =	sadd.s32 @!p0 $0x88, s6;
	s7 =	simm.s32 @p2 $0x1082  }
0x22: {  	[simem:s7], [sflag:s8] =	dma.local @!p0 [hbm:s6], $0xF7A  }
0x23: {  	s9 =	sor.u32 $0xD0000000, s2;
	s6 =	simm.s32 $0x108;
	_ =	swait.ge @!p0 [sflag:s8], $0x0  }
0x24: {  	s3 =	sadd.s32 $0x88, s3;
	s6 =	simm.s32 @!p1 $0x1082;
	[sflag:s4] =	ssyncset.s32 $0xFFFFF086  }
0x25: {  	[simem:s6], [sflag:s4] =	dma.local [hbm:s3], $0xF7A  }
0x26: {  	[smem:$0x3F9D] =	sst s1;
	(tag) =	ssettag s2;
	_ =	strace s9  }
0x27: {  	s1 =	sld [smem:$0x3FAD]  }
0x28: {  	s2 =	sld [smem:$0x3FAE]  }
0x29: {  	s4 =	sld [smem:$0x3FB0]  }
0x2a: {  	p0 =	seq.s32 s5, $0x0;
	s5 =	sld [smem:$0x3FB1]  }
0x2b: {  	s6 =	sld [smem:$0x3FB2]  }
0x2c: {  	s7 =	sld [smem:$0x3FB3]  }
0x2d: {  	s3 =	simm.s32 $0x108;
	s8 =	sld [smem:$0x3FB4]  }
0x2e: {  	s3 =	simm.s32 @!p0 $0x1082;
	s9 =	sld [smem:$0x3FB5]  }
0x2f: {  	lr =	sadd.s32 s0, s3;
	s0 =	sld [smem:$0x3FAC]  }
0x30: {  	s3 =	sld [smem:$0x3FAF]  }
0x31: {  	[smem:$0x3FB8] =	sst s10  }
0x32: {  	s10 =	sld [smem:$0x3FB6];
	_ =	sdelay $0x3  }
0x33: {  	p0 =	seq.s32 s10, $0x1;
	s10 =	sld [smem:$0x3FB8];
	_ =	sdelay $0x3  }
0x34: {  	[smem:$0x3FB8] =	sst s10  }
0x35: {  	s10 =	sld [smem:$0x3FB7];
	_ =	sdelay $0x3  }
0x36: {  	p1 =	seq.s32 s10, $0x1;
	s10 =	sld [smem:$0x3FB8];
	_ =	sdelay $0x3  }
0x37: {  	[smem:$0x3FB8] =	sst s10  }
0x38: {  	s10 =	sld [smem:$0x3FB9]  }
0x39: {  	_ = 	snop;
	(pc) =	sbr.ind lr, $3  }
0x3a: {  	_ = 	snop  }
0x3b: {  	_ = 	snop  }
0x3c: {  	p2 =	seq.s32 s10, $0x1;
	s10 =	sld [smem:$0x3FB8]  }
0x3d: {  	_ =	shalt  }
0x3e: {  	_ =	shalt  }
0x3f: {  	_ =	shalt  }
0x40: {  	_ =	shalt  }
0x41: {  	_ =	shalt  }
0x42: {  	_ =	shalt  }
0x43: {  	_ =	shalt  }
0x44: {  	_ =	shalt  }
0x45: {  	_ =	shalt  }
0x46: {  	_ =	shalt  }
0x47: {  	_ =	shalt  }
0x48: {  	_ =	shalt  }
0x49: {  	_ =	shalt  }
0x4a: {  	_ =	shalt  }
0x4b: {  	_ =	shalt  }
0x4c: {  	_ =	shalt  }
0x4d: {  	_ =	shalt  }
0x4e: {  	_ =	shalt  }
0x4f: {  	_ =	shalt  }
0x50: {  	_ =	shalt  }
0x51: {  	_ =	shalt  }
0x52: {  	_ =	shalt  }
0x53: {  	_ =	shalt  }
0x54: {  	_ =	shalt  }
0x55: {  	_ =	shalt  }
0x56: {  	_ =	shalt  }
0x57: {  	_ =	shalt  }
0x58: {  	_ =	shalt  }
0x59: {  	_ =	shalt  }
0x5a: {  	_ =	shalt  }
0x5b: {  	_ =	shalt  }
0x5c: {  	_ =	shalt  }
0x5d: {  	_ =	shalt  }
0x5e: {  	_ =	shalt  }
0x5f: {  	_ =	shalt  }
0x60: {  	_ =	shalt  }
0x61: {  	_ =	shalt  }
0x62: {  	_ =	shalt  }
0x63: {  	_ =	shalt  }
0x64: {  	_ =	shalt  }
0x65: {  	_ =	shalt  }
0x66: {  	_ =	shalt  }
0x67: {  	_ =	shalt  }
0x68: {  	_ =	shalt  }
0x69: {  	_ =	shalt  }
0x6a: {  	_ =	shalt  }
0x6b: {  	_ =	shalt  }
0x6c: {  	_ =	shalt  }
0x6d: {  	_ =	shalt  }
0x6e: {  	_ =	shalt  }
0x6f: {  	_ =	shalt  }
0x70: {  	_ =	shalt  }
0x71: {  	_ =	shalt  }
0x72: {  	_ =	shalt  }
0x73: {  	_ =	shalt  }
0x74: {  	_ =	shalt  }
0x75: {  	_ =	shalt  }
0x76: {  	_ =	shalt  }
0x77: {  	_ =	shalt  }
0x78: {  	_ =	shalt  }
0x79: {  	_ =	shalt  }
0x7a: {  	_ =	shalt  }
0x7b: {  	_ =	shalt  }
0x7c: {  	_ =	shalt  }
0x7d: {  	_ =	shalt  }
0x7e: {  	_ =	shalt  }
0x7f: {  	_ =	shalt  }
0x80: {  	_ =	shalt  }
0x81: {  	_ =	shalt  }
0x82: {  	_ =	shalt  }
0x83: {  	_ =	shalt  }
0x84: {  	_ =	shalt  }
0x85: {  	_ =	shalt  }
0x86: {  	_ =	shalt  }
0x87: {  	_ =	shalt  }
.Lfunc_end0:
.L_simem_size_0:
called_computation_lowered:
.L_overlay_start_0:
0x88: {  	s2 =	sld [smem:$0x3FD9]  }
0x89: {  	s3 =	sld [smem:$0x3FFE];
	_ =	sdelay $0x1  }
0x8a: {  	s1 =	srdreg.scid  }
0x8b: {  	s0 =	sand.u32 $0x1, s1  }
0x8c: {  	s18 =	sshll.u32 s0, $0xA;
	s2 =	sadd.s32 s3, s2  }
0x8d: {  	s2 =	sadd.s32 s2, s18  }
0x8e: {  	[smem:$0x3FC4] =	sst s2  }
0x8f: {  	_ = 	snop  }
0x90: {  	s2 =	sld [smem:$0x3FC9]  }
0x91: {  	s19 =	sld [smem:$0x3FC8]  }
0x92: {  	s4 =	sld [smem:$0x3FC7]  }
0x93: {  	s5 =	sld [smem:$0x3FC6]  }
0x94: {  	s6 =	sld [smem:$0x3FD0];
	(tm) =	ssettm $0x1  }
0x95: {  	s7 =	sld [smem:$0x3FFB];
	_ =	sdelay $0x3  }
0x96: {  	_ =	strace s7  }
0x97: {  	s7 =	sld [smem:$0x3FFC];
	_ =	sdelay $0x3  }
0x98: {  	_ =	strace s7  }
0x99: {  	s7 =	sld [smem:$0x3FFD];
	_ =	sdelay $0x3  }
0x9a: {  	_ =	strace s7  }
0x9b: {  	_ =	strace $0x8FFFFFFF  }
0x9c: {  	s20 =	sld [smem:$0x3FDB];
	_ =	sdelay $0x1  }
0x9d: {  	s8 =	simm.s32 $_scs_section_size  }
0x9e: {  	s9 =	simm.s32 $_size__tile_overlayer_lowered;
	s10 =	simm.s32 $_tile_overlayer_lowered  }
0x9f: {  	s23 =	simm.s32 $0x1BFF;
	s22 =	sshll.u32 s10, $0x1;
	s7 =	sadd.s32 s8, s20  }
0xa0: {  	s11 =	simm.s32 $0x0;
	s21 =	sshll.u32 s9, $0x1;
	s9 =	sadd.s32 s22, s7  }
0xa1: {  	[timem:s11], [sflag:s23] =	dma.local [hbm:s9], s21  }
0xa2: {  	_ =	swait.ge [sflag:s23], s21  }
0xa3: {  	s8 =	ssub.s32 $0x0, s21;
	[sflag:s23] =	ssyncset.done $0x0  }
0xa4: {  	[sflag:s23] =	ssyncadd.s32 s8;
	_ =	sdelay $0x1  }
0xa5: {  	s24 =	simm.s32 $0x1B8B  }
0xa6: {  	_ =	swait.ge [sflag:s24], $0x1  }
0xa7: {  	[sflag:s24] =	ssyncset.done $0x0  }
0xa8: {  	s25 =	simm.s32 $0x1B8E;
	[sflag:s24] =	ssyncadd.s32 $0xFFFFFFFF  }
0xa9: {  	s26 =	simm.s32 $execute0_lowered;
	[smem:$0x3FD2] =	sst s25  }
0xaa: {  	s8 =	sshll.u32 s26, $0x1;
	_ =	strace $0x80000046;
	[dreg:$0x1] =	wrdreg $0xFFFFFFFF  }
0xab: {  	s28 =	simm.s32 $_size_execute0_lowered;
	s7 =	sadd.s32 s7, s8;
	[dreg:$0x0] =	wrdreg $0x0  }
0xac: {  	s8 =	sshll.u32 s28, $0x1;
	[dreg:$0x2] =	wrdreg s7  }
0xad: {  	[dreg:$0x3] =	wrdreg s8  }
0xae: {  	[dreg:$0x4] =	wrdreg $0xC0  }
0xaf: {  	_ =	task [dreg:s11], $0x5FFFF  }
0xb0: {  	[dreg:$0x1] =	wrdreg $0xFFFFFFFF  }
0xb1: {  	[dreg:$0x0] =	wrdreg $0x60  }
0xb2: {  	[dreg:$0x2] =	wrdreg s2  }
0xb3: {  	[dreg:$0x3] =	wrdreg s19  }
0xb4: {  	[dreg:$0x4] =	wrdreg s4  }
0xb5: {  	[dreg:$0x5] =	wrdreg s5  }
0xb6: {  	[dreg:$0x6] =	wrdreg s6  }
0xb7: {  	[dreg:$0x7] =	wrdreg $0x9  }
0xb8: {  	_ =	task.clear_ibuf [dreg:s11], $0x8FFFF;
	_ =	strace $0x90000046  }
0xb9: {  	s29 =	simm.s32 $0x9;
	_ =	strace $0x80000048  }
0xba: {  	_ =	swait.ge [sflag:s29], $0x1  }
0xbb: {  	[sflag:s29] =	ssyncadd.s32 $0xFFFFFFFF  }
0xbc: {  	_ =	strace $0x90000048  }
0xbd: {  	_ =	sfence  }
0xbe: {  	s30 =	sld [smem:$0x0];
	_ =	sdelay $0x2  }
0xbf: {  	s31 =	sshll.u32 s1, $0xD;
	s1 =	sshrl.u32 s1, $0x2  }
0xc0: {  	s3 =	sand.u32 $0x4000, s31;
	s1 =	sadd.s32 s1, s30  }
0xc1: {  	s0 =	sor.u32 s3, s0;
	s1 =	sshll.u32 s1, $0x11  }
0xc2: {  	s0 =	sor.u32 s1, s0  }
0xc3: {  	s0 =	sadd.s32 $0x8F2B, s0  }
0xc4: {  	[sflag:s0] =	ssyncadd.remote.s32 $0x1  }
0xc5: {  	_ =	sfence.sel $0xFFFF  }
0xc6: {  	[dreg:$0x0] =	wrdreg $0xFFFFFFFF;
	(pc) =	sbr.abs _section_cstart, $3  }
0xc7: {  	[dreg:$0x1] =	wrdreg $0xFFFFFFFF  }
0xc8: {  	_ =	task.clear_ibuf [dreg:s11], $0x2FFFF;
	_ =	strace $0x9FFFFFFF  }
0xc9: {  	(tm) =	ssettm $0x7FFFFFFF  }
tec
execute0_lowered:
.L_overlay_start_1:
0x0: {  	(tag) =	ssettag $0x1  }
0x1: {  	s0 =	rddreg [dreg:$0x0]  }
0x2: {  	s1 =	rddreg [dreg:$0x1];
	v0 =	vlaneseq.u32  }
0x3: {  	s19 =	rddreg [dreg:$0x2];
	s7 =	simm.s32 $0x0;
	vm0 =	vmmov $0x1;
	v4 =	vmul.u32 $0x800, v0  }
0x4: {  	vm1 =	vcmask $0x308;
	vm2 =	vcmask $0x70C;
	vm3 =	vcmask $0xB10;
	[smem:$0x7FF] =	sst s7  }
0x5: {  	s2 =	rddreg [dreg:$0x4];
	s3 =	srdreg.scid;
	vm4 =	vcmask $0xF14;
	vm5 =	vcmask $0x1318;
	_ =	strace $0x80000047;
	v5 =	vor.u32 $0x80, v4;
	[tilespmem:$0x1FF70] =	vst v4  }
0x6: {  	s6 =	stileid.u32;
	vm6 =	vcmask $0x171C;
	vm7 =	vcmask $0x1B20;
	s3 =	sand.u32 $0x1, s3;
	v6 =	vor.u32 $0x100, v4;
	[tilespmem:$0x1FF80] =	vst v5  }
0x7: {  	vm8 =	vcmask $0x1F24;
	vm9 =	vcmask $0x2328;
	s6 =	sshll.u32 s6, $0x7;
	s4 =	ssub.s32 $0x2, s3;
	s3 =	sshll.u32 s3, $0x6;
	v7 =	vor.u32 $0x180, v4;
	[tilespmem:$0x1FF90] =	vst v6  }
0x8: {  	s11 =	simm.s32 $0x7A1400;
	vm10 =	vcmask $0x272C;
	vm11 =	vcmask $0x2B30;
	s3 =	sor.u32 s3, s6;
	v27 =	vor.u32 $0x500, v4;
	[tilespmem:$0x1FFA0] =	vst v7  }
0x9: {  	s12 =	simm.s32 $0x400;
	s9 =	simm.s32 $0x8400;
	vm12 =	vcmask $0x2F34;
	vm13 =	vcmask $0x3338;
	v28 =	vor.u32 $0x580, v4;
	s0 =	sadd.s32 s0, s3;
	[tilespmem:$0x1FFB0] =	vst v27  }
0xa: {  	vm14 =	vcmask $0x373C;
	vm15 =	vmmov $0x7fff;
	s5 =	sshrl.u32 s4, $0x1;
	v29 =	vor.u32 $0x600, v4;
	s29 =	sadd.s32 s1, s3;
	[tilespmem:$0x1FFC0] =	vst v28;
	[dreg:$0x6] =	wrdreg s0  }
0xb: {  	v8 =	vor.u32 $0x200, v4;
	v9 =	vor.u32 $0x280, v4;
	v30 =	vor.u32 $0x680, v4;
	s4 =	ssub.s32 s4, s5;
	s30 =	sadd.s32 s2, s3;
	[tilespmem:$0x1FFD0] =	vst v29;
	[dreg:$0x7] =	wrdreg s29  }
0xc: {  	s18 =	simm.s32 $0x1;
	v10 =	vor.u32 $0x300, v4;
	v11 =	vor.u32 $0x380, v4;
	v31 =	vor.u32 $0x700, v4;
	[tilespmem:$0x1FFE0] =	vst v30;
	[dreg:$0x8] =	wrdreg s30;
	s31 =	smax.u32 s4, $0x1  }
0xd: {  	v12 =	vor.u32 $0x400, v4;
	v13 =	vor.u32 $0x480, v4;
	v47 =	vor.u32 $0x780, v4;
	s1 =	simm.s32 $0x2;
	s2 =	simm.s32 $0x0;
	[tilespmem:$0x1FFF0] =	vst v31;
	[dreg:$0x9] =	wrdreg s31  }
.LBB2_1:
0xe: {  	[dreg:$0xa] =	wrdreg s2  }
0xf: {  	s0 =	rddreg [dreg:$0x6]  }
0x10: {  	[tilespmem:s7], [sflag:$0x2] =	stream.linear.gather [hbm4b:s0+s7], $0x200, $0x38;
	[tilespmem:$0x10600] =	vst v63  }
0x11: {  	_ =	swait.ge [sflag:s1], $0x200  }
0x12: {  	[sflag:s1] =	ssyncset.done $0x0  }
0x13: {  	s31 =	simm.s32 $0x200;
	s30 =	rddreg [dreg:$0x7];
	[sflag:s1] =	ssyncadd.s32 $0xFFFFFE00  }
0x14: {  	[tilespmem:s31], [sflag:$0x2] =	stream.linear.gather [hbm4b:s30+s7], $0x200, $0x38;
	[tilespmem:$0x10600] =	vst v63  }
0x15: {  	_ =	swait.ge [sflag:s1], $0x200  }
0x16: {  	[sflag:s1] =	ssyncset.done $0x0  }
0x17: {  	[sflag:s1] =	ssyncadd.s32 $0xFFFFFE00;
	s1 =	simm.s32 $0x0  }
.LBB2_2:
0x18: {  	s0 =	sshra.s32 s1, $0x2  }
0x19: {  	v16 =	vld [tilespmem:s0+$0x0];
	_ =	sdelay $0x4  }
0x1a: {  	v0 =	vand.u32 $0xFFFFFF80, v16  }
0x1b: {  	v1 =	vnsel vm0, $0x0, v0  }
0x1c: {  	v20 =	vsel vm1, $0x0, v0;
	(xrf0) =	vadd.scan.msk.s32 $0xffff, v1  }
0x1d: {  	v21 =	vsel vm2, $0x0, v0;
	(xrf0) =	vadd.scan.msk.s32 $0xffff, v20  }
0x1e: {  	v22 =	vsel vm3, $0x0, v0;
	(xrf0) =	vadd.scan.msk.s32 $0xffff, v21  }
0x1f: {  	v23 =	vsel vm4, $0x0, v0;
	(xrf0) =	vadd.scan.msk.s32 $0xffff, v22  }
0x20: {  	v32 =	vsel vm5, $0x0, v0;
	(xrf0) =	vadd.scan.msk.s32 $0xffff, v23  }
0x21: {  	v33 =	vsel vm6, $0x0, v0;
	(xrf0) =	vadd.scan.msk.s32 $0xffff, v32  }
0x22: {  	v34 =	vsel vm7, $0x0, v0;
	v2, _, _ =	vpop (xrf0);
	(xrf0) =	vadd.scan.msk.s32 $0xffff, v33  }
0x23: {  	v36 =	vsel vm8, $0x0, v0;
	(v2sf) =	vpush v2, $0xF;
	v35, _, _ =	vpop (xrf0);
	(xrf0) =	vadd.scan.msk.s32 $0xffff, v34  }
0x24: {  	v38 =	vsel vm9, $0x0, v0;
	(v2sf) =	vpush v35, $0xF;
	v37, _, _ =	vpop (xrf0);
	(xrf0) =	vadd.scan.msk.s32 $0xffff, v36  }
0x25: {  	v17 =	vld [tilespmem:s0+$0x200];
	v40 =	vsel vm10, $0x0, v0;
	(v2sf) =	vpush v37, $0xF;
	v39, _, _ =	vpop (xrf0);
	(xrf0) =	vadd.scan.msk.s32 $0xffff, v38  }
0x26: {  	v42 =	vsel vm11, $0x0, v0;
	(v2sf) =	vpush v39, $0xF;
	v41, _, _ =	vpop (xrf0);
	(xrf0) =	vadd.scan.msk.s32 $0xffff, v40  }
0x27: {  	v44 =	vsel vm12, $0x0, v0;
	(v2sf) =	vpush v41, $0xF;
	v43, _, _ =	vpop (xrf0);
	(xrf0) =	vadd.scan.msk.s32 $0xffff, v42  }
0x28: {  	v46 =	vsel vm13, $0x0, v0;
	(v2sf) =	vpush v43, $0xF;
	v45, _, _ =	vpop (xrf0);
	(xrf0) =	vadd.scan.msk.s32 $0xffff, v44  }
0x29: {  	v49 =	vsel vm14, $0x0, v0;
	(v2sf) =	vpush v45, $0xF;
	v48, _, _ =	vpop (xrf0);
	(xrf0) =	vadd.scan.msk.s32 $0xffff, v46  }
0x2a: {  	v3 =	vand.u32 $0xFFFFFF80, v17;
	v0 =	vsel vm15, $0x0, v0;
	(v2sf) =	vpush v48, $0xF;
	v50, _, _ =	vpop (xrf0);
	(xrf0) =	vadd.scan.msk.s32 $0xffff, v49  }
0x2b: {  	v52 =	vsel vm1, $0x0, v3;
	(v2sf) =	vpush v50, $0xF;
	v51, _, _ =	vpop (xrf0);
	(xrf0) =	vadd.scan.msk.s32 $0xffff, v0  }
0x2c: {  	v54 =	vsel vm2, $0x0, v3;
	(v2sf) =	vpush v51, $0xF;
	v53, _, _ =	vpop (xrf0);
	(xrf0) =	vadd.scan.msk.s32 $0xffff, v52  }
0x2d: {  	v56 =	vsel vm3, $0x0, v3;
	(v2sf) =	vpush v53, $0xF;
	v55, _, _ =	vpop (xrf0);
	(xrf0) =	vadd.scan.msk.s32 $0xffff, v54  }
0x2e: {  	v58 =	vsel vm4, $0x0, v3;
	(v2sf) =	vpush v55, $0xF;
	v57, _, _ =	vpop (xrf0);
	(xrf0) =	vadd.scan.msk.s32 $0xffff, v56  }
0x2f: {  	v60 =	vsel vm5, $0x0, v3;
	(v2sf) =	vpush v57, $0xF;
	v59, _, _ =	vpop (xrf0);
	(xrf0) =	vadd.scan.msk.s32 $0xffff, v58  }
0x30: {  	v62 =	vsel vm6, $0x0, v3;
	(v2sf) =	vpush v59, $0xF;
	v61, _, _ =	vpop (xrf0);
	(xrf0) =	vadd.scan.msk.s32 $0xffff, v60  }
0x31: {  	v18 =	vsel vm7, $0x0, v3;
	(v2sf) =	vpush v61, $0xF;
	v63, _, _ =	vpop (xrf0);
	(xrf0) =	vadd.scan.msk.s32 $0xffff, v62  }
0x32: {  	v20 =	vsel vm8, $0x0, v3;
	s16 =	spop (v2sf);
	(v2sf) =	vpush v63, $0xF;
	v19, _, _ =	vpop (xrf0);
	(xrf0) =	vadd.scan.msk.s32 $0xffff, v18  }
0x33: {  	v22 =	vsel vm9, $0x0, v3;
	s14 =	spop (v2sf);
	(v2sf) =	vpush v19, $0xF;
	v21, _, _ =	vpop (xrf0);
	(xrf0) =	vadd.scan.msk.s32 $0xffff, v20  }
0x34: {  	s10 =	spop (v2sf);
	(v2sf) =	vpush v21, $0xF;
	v23, _, _ =	vpop (xrf0);
	(xrf0) =	vadd.scan.msk.s32 $0xffff, v22  }
0x35: {  	v33 =	vsel vm10, $0x0, v3;
	s8 =	spop (v2sf);
	v32, _, _ =	vpop (xrf0)  }
0x36: {  	v35 =	vsel vm11, $0x0, v3;
	(v2sf) =	vpush v23, $0xF;
	(xrf0) =	vadd.scan.msk.s32 $0xffff, v33;
	s7 =	spop (v2sf);
	v34, _, _ =	vpop (xrf0)  }
0x37: {  	v37 =	vsel vm12, $0x0, v3;
	(v2sf) =	vpush v32, $0xF;
	(xrf0) =	vadd.scan.msk.s32 $0xffff, v35;
	s3 =	spop (v2sf);
	v36, _, _ =	vpop (xrf0)  }
0x38: {  	v39 =	vsel vm13, $0x0, v3;
	(v2sf) =	vpush v34, $0xF;
	(xrf0) =	vadd.scan.msk.s32 $0xffff, v37;
	s5 =	spop (v2sf);
	v38, _, _ =	vpop (xrf0)  }
0x39: {  	v41 =	vsel vm14, $0x0, v3;
	(v2sf) =	vpush v36, $0xF;
	(xrf0) =	vadd.scan.msk.s32 $0xffff, v39;
	s6 =	spop (v2sf);
	v40, _, _ =	vpop (xrf0)  }
0x3a: {  	v43 =	vsel vm15, $0x0, v3;
	(v2sf) =	vpush v38, $0xF;
	s4 =	spop (v2sf);
	v42, _, _ =	vpop (xrf0);
	(xrf0) =	vadd.scan.msk.s32 $0xffff, v41  }
0x3b: {  	v44 =	vnsel vm0, $0x0, v3;
	(v2sf) =	vpush v40, $0xF;
	s22 =	spop (v2sf);
	(xrf0) =	vadd.scan.msk.s32 $0xffff, v43  }
0x3c: {  	[dreg:$0xb] =	wrdreg s1;
	(v2sf) =	vpush v42, $0xF;
	v45, _, _ =	vpop (xrf0);
	s1 =	spop (v2sf);
	(xrf0) =	vadd.scan.msk.s32 $0xffff, v44  }
0x3d: {  	v46, _, _ =	vpop (xrf0);
	(v2sf) =	vpush v45, $0xF;
	s2 =	spop (v2sf)  }
0x3e: {  	v48, _, _ =	vpop (xrf0);
	(v2sf) =	vpush v46, $0xF;
	s13 =	spop (v2sf)  }
0x3f: {  	v49, _, _ =	vpop (xrf0);
	(v2sf) =	vpush v48, $0xF;
	s15 =	spop (v2sf)  }
0x40: {  	(v2sf) =	vpush v49, $0xF;
	v50, _, _ =	vpop (xrf0);
	s17 =	spop (v2sf)  }
0x41: {  	v51, _, _ =	vpop (xrf0);
	s20 =	spop (v2sf);
	(v2sf) =	vpush v50, $0xF  }
0x42: {  	s16 =	sand.u32 $0xFFFFF80, s16;
	s21 =	spop (v2sf);
	(v2sf) =	vpush v51, $0xF;
	v52, _, _ =	vpop (xrf0)  }
0x43: {  	[dreg:$0x18] =	wrdreg s13;
	s13 =	sadd.s32 s19, s16;
	s29 =	spop (v2sf);
	(v2sf) =	vpush v52, $0xF  }
0x44: {  	[tilespmem:s12], [sflag:$0x1] =	stream.strided.gather [hbm4b:s13+s12], $0x800, s11, s12, $0x38;
	[tilespmem:$0x10600] =	vst v63  }
0x45: {  	s30 =	spop (v2sf)  }
0x46: {  	s31 =	spop (v2sf)  }
0x47: {  	s28 =	spop (v2sf)  }
0x48: {  	[dreg:$0xc] =	wrdreg s0;
	s0 =	spop (v2sf)  }
0x49: {  	[dreg:$0x1a] =	wrdreg s1;
	s1 =	spop (v2sf)  }
0x4a: {  	[dreg:$0x19] =	wrdreg s2;
	s2 =	spop (v2sf)  }
0x4b: {  	[dreg:$0x16] =	wrdreg s17;
	s17 =	spop (v2sf)  }
0x4c: {  	s16 =	spop (v2sf)  }
0x4d: {  	s14 =	sand.u32 $0xFFFFF80, s14;
	[dreg:$0x15] =	wrdreg s20;
	s20 =	spop (v2sf)  }
0x4e: {  	s10 =	sand.u32 $0xFFFFF80, s10;
	s8 =	sand.u32 $0xFFFFF80, s8;
	s26 =	spop (v2sf)  }
0x4f: {  	[dreg:$0xd] =	wrdreg s13;
	s13 =	smov.u32 s19;
	s19 =	spop (v2sf)  }
0x50: {  	s7 =	sand.u32 $0xFFFFF80, s7;
	s3 =	sand.u32 $0xFFFFF80, s3;
	s23 =	spop (v2sf)  }
0x51: {  	s5 =	sand.u32 $0xFFFFF80, s5;
	[dreg:$0x17] =	wrdreg s15;
	s25 =	spop (v2sf)  }
0x52: {  	s15 =	rddreg [dreg:$0x3];
	s21 =	sand.u32 $0xFFFFF80, s21;
	s24 =	spop (v2sf)  }
0x53: {  	s21 =	sadd.s32 s15, s21;
	s29 =	sand.u32 $0xFFFFF80, s29;
	s24 =	sand.u32 $0xFFFFF80, s24  }
0x54: {  	[dreg:$0x10] =	wrdreg s21;
	s31 =	sand.u32 $0xFFFFF80, s31;
	s24 =	sadd.s32 s15, s24  }
0x55: {  	[tilespmem:s9], [sflag:$0x1] =	stream.strided.gather [hbm4b:s24+s12], $0x800, s11, s12, $0x38;
	[tilespmem:$0x10600] =	vst v63  }
0x56: {  	[dreg:$0xe] =	wrdreg s24;
	s24 =	sadd.s32 s13, s14;
	s14 =	simm.s32 $0xC00  }
0x57: {  	[tilespmem:s14], [sflag:$0x1] =	stream.strided.gather [hbm4b:s24+s12], $0x800, s11, s12, $0x38;
	[tilespmem:$0x10600] =	vst v63  }
0x58: {  	s31 =	sadd.s32 s15, s31;
	[dreg:$0xf] =	wrdreg s24;
	s24 =	simm.s32 $0x8C00  }
0x59: {  	[tilespmem:s24], [sflag:$0x1] =	stream.strided.gather [hbm4b:s21+s12], $0x800, s11, s12, $0x38;
	[tilespmem:$0x10600] =	vst v63  }
0x5a: {  	s0 =	sand.u32 $0xFFFFF80, s0;
	s21 =	sadd.s32 s13, s10;
	s24 =	simm.s32 $0x1400  }
0x5b: {  	[tilespmem:s24], [sflag:$0x1] =	stream.strided.gather [hbm4b:s21+s12], $0x800, s11, s12, $0x38;
	[tilespmem:$0x10600] =	vst v63  }
0x5c: {  	s10 =	sadd.s32 s15, s29;
	[dreg:$0x11] =	wrdreg s21;
	s21 =	simm.s32 $0x9400  }
0x5d: {  	[tilespmem:s21], [sflag:$0x1] =	stream.strided.gather [hbm4b:s10+s12], $0x800, s11, s12, $0x38;
	[tilespmem:$0x10600] =	vst v63  }
0x5e: {  	s14 =	sand.u32 $0xFFFFF80, s30;
	s29 =	simm.s32 $0x1C00;
	s24 =	sadd.s32 s13, s8  }
0x5f: {  	[tilespmem:s29], [sflag:$0x1] =	stream.strided.gather [hbm4b:s24+s12], $0x800, s11, s12, $0x38;
	[tilespmem:$0x10600] =	vst v63  }
0x60: {  	s16 =	sand.u32 $0xFFFFF80, s16;
	s21 =	simm.s32 $0x9C00;
	s29 =	sadd.s32 s15, s14  }
0x61: {  	[tilespmem:s21], [sflag:$0x1] =	stream.strided.gather [hbm4b:s29+s12], $0x800, s11, s12, $0x38;
	[tilespmem:$0x10600] =	vst v63  }
0x62: {  	s30 =	simm.s32 $0x2400;
	[dreg:$0x13] =	wrdreg s24;
	s24 =	sadd.s32 s13, s7  }
0x63: {  	[tilespmem:s30], [sflag:$0x1] =	stream.strided.gather [hbm4b:s24+s12], $0x800, s11, s12, $0x38;
	[tilespmem:$0x10600] =	vst v63  }
0x64: {  	s16 =	sadd.s32 s15, s16;
	[dreg:$0x12] =	wrdreg s10;
	s8 =	simm.s32 $0xA400  }
0x65: {  	[tilespmem:s8], [sflag:$0x1] =	stream.strided.gather [hbm4b:s31+s12], $0x800, s11, s12, $0x38;
	[tilespmem:$0x10600] =	vst v63  }
0x66: {  	s10 =	simm.s32 $0x2C00;
	s14 =	sand.u32 $0xFFFFF80, s28;
	s21 =	sadd.s32 s13, s3  }
0x67: {  	[tilespmem:s10], [sflag:$0x1] =	stream.strided.gather [hbm4b:s21+s12], $0x800, s11, s12, $0x38;
	[tilespmem:$0x10600] =	vst v63  }
0x68: {  	[dreg:$0x14] =	wrdreg s24;
	s3 =	sadd.s32 s15, s14;
	s24 =	simm.s32 $0xAC00  }
0x69: {  	[tilespmem:s24], [sflag:$0x1] =	stream.strided.gather [hbm4b:s3+s12], $0x800, s11, s12, $0x38;
	[tilespmem:$0x10600] =	vst v63  }
0x6a: {  	s28 =	simm.s32 $0x3400;
	s7 =	sand.u32 $0xFFFFF80, s6;
	s10 =	sadd.s32 s13, s5  }
0x6b: {  	[tilespmem:s28], [sflag:$0x1] =	stream.strided.gather [hbm4b:s10+s12], $0x800, s11, s12, $0x38;
	[tilespmem:$0x10600] =	vst v63  }
0x6c: {  	s6 =	simm.s32 $0xC400;
	s30 =	simm.s32 $0xB400;
	s5 =	sadd.s32 s15, s0  }
0x6d: {  	[tilespmem:s30], [sflag:$0x1] =	stream.strided.gather [hbm4b:s5+s12], $0x800, s11, s12, $0x38;
	[tilespmem:$0x10600] =	vst v63  }
0x6e: {  	s14 =	sand.u32 $0xFFFFF80, s1;
	s8 =	simm.s32 $0x3C00;
	s30 =	sadd.s32 s13, s7  }
0x6f: {  	[tilespmem:s8], [sflag:$0x1] =	stream.strided.gather [hbm4b:s30+s12], $0x800, s11, s12, $0x38;
	[tilespmem:$0x10600] =	vst v63  }
0x70: {  	s24 =	simm.s32 $0xBC00;
	s28 =	sand.u32 $0xFFFFF80, s4;
	s7 =	sadd.s32 s15, s14  }
0x71: {  	[tilespmem:s24], [sflag:$0x1] =	stream.strided.gather [hbm4b:s7+s12], $0x800, s11, s12, $0x38;
	[tilespmem:$0x10600] =	vst v63  }
0x72: {  	s1 =	simm.s32 $0x4400;
	s4 =	sand.u32 $0xFFFFF80, s2;
	s8 =	sadd.s32 s13, s28  }
0x73: {  	[tilespmem:s1], [sflag:$0x1] =	stream.strided.gather [hbm4b:s8+s12], $0x800, s11, s12, $0x38;
	[tilespmem:$0x10600] =	vst v63  }
0x74: {  	s4 =	sadd.s32 s15, s4;
	s14 =	sand.u32 $0xFFFFF80, s22;
	s22 =	simm.s32 $0x4C00  }
0x75: {  	[tilespmem:s6], [sflag:$0x1] =	stream.strided.gather [hbm4b:s4+s12], $0x800, s11, s12, $0x38;
	[tilespmem:$0x10600] =	vst v63  }
0x76: {  	s24 =	sand.u32 $0xFFFFF80, s17;
	s1 =	rddreg [dreg:$0x1a];
	s6 =	sadd.s32 s13, s14  }
0x77: {  	[tilespmem:s22], [sflag:$0x1] =	stream.strided.gather [hbm4b:s6+s12], $0x800, s11, s12, $0x38;
	[tilespmem:$0x10600] =	vst v63  }
0x78: {  	s28 =	simm.s32 $0xCC00;
	s0 =	sand.u32 $0xFFFFF80, s1;
	s14 =	sadd.s32 s15, s24  }
0x79: {  	[tilespmem:s28], [sflag:$0x1] =	stream.strided.gather [hbm4b:s14+s12], $0x800, s11, s12, $0x38;
	[tilespmem:$0x10600] =	vst v63  }
0x7a: {  	s2 =	simm.s32 $0x5400;
	s22 =	rddreg [dreg:$0x19];
	s28 =	sadd.s32 s13, s0  }
0x7b: {  	[tilespmem:s2], [sflag:$0x1] =	stream.strided.gather [hbm4b:s28+s12], $0x800, s11, s12, $0x38;
	[tilespmem:$0x10600] =	vst v63  }
0x7c: {  	s17 =	simm.s32 $0xD400;
	s1 =	sand.u32 $0xFFFFF80, s20;
	s0 =	sand.u32 $0xFFFFF80, s22  }
0x7d: {  	[tilespmem:s17], [sflag:$0x1] =	stream.strided.gather [hbm4b:s16+s12], $0x800, s11, s12, $0x38;
	[tilespmem:$0x10600] =	vst v63  }
0x7e: {  	s20 =	rddreg [dreg:$0x18];
	s24 =	simm.s32 $0x5C00;
	s17 =	sadd.s32 s13, s0  }
0x7f: {  	[tilespmem:s24], [sflag:$0x1] =	stream.strided.gather [hbm4b:s17+s12], $0x800, s11, s12, $0x38;
	[tilespmem:$0x10600] =	vst v63  }
0x80: {  	s1 =	sadd.s32 s15, s1;
	s2 =	simm.s32 $0xDC00;
	s0 =	sand.u32 $0xFFFFF80, s20  }
0x81: {  	[tilespmem:s2], [sflag:$0x1] =	stream.strided.gather [hbm4b:s1+s12], $0x800, s11, s12, $0x38;
	[tilespmem:$0x10600] =	vst v63  }
0x82: {  	s22 =	simm.s32 $0x6400;
	s20 =	sadd.s32 s13, s0  }
0x83: {  	[tilespmem:s22], [sflag:$0x1] =	stream.strided.gather [hbm4b:s20+s12], $0x800, s11, s12, $0x38;
	[tilespmem:$0x10600] =	vst v63  }
0x84: {  	s24 =	sand.u32 $0xFFFFF80, s26;
	s22 =	rddreg [dreg:$0x17]  }
0x85: {  	s26 =	simm.s32 $0xE400;
	s2 =	sadd.s32 s15, s24;
	s0 =	sand.u32 $0xFFFFF80, s22  }
0x86: {  	[tilespmem:s26], [sflag:$0x1] =	stream.strided.gather [hbm4b:s2+s12], $0x800, s11, s12, $0x38;
	[tilespmem:$0x10600] =	vst v63  }
0x87: {  	s24 =	simm.s32 $0x6C00;
	s0 =	sadd.s32 s13, s0  }
0x88: {  	[tilespmem:s24], [sflag:$0x1] =	stream.strided.gather [hbm4b:s0+s12], $0x800, s11, s12, $0x38;
	[tilespmem:$0x10600] =	vst v63  }
0x89: {  	s19 =	sand.u32 $0xFFFFF80, s19;
	s24 =	rddreg [dreg:$0x16]  }
0x8a: {  	s19 =	sadd.s32 s15, s19;
	s26 =	simm.s32 $0xEC00;
	s22 =	sand.u32 $0xFFFFF80, s24  }
0x8b: {  	[tilespmem:s26], [sflag:$0x1] =	stream.strided.gather [hbm4b:s19+s12], $0x800, s11, s12, $0x38;
	[tilespmem:$0x10600] =	vst v63  }
0x8c: {  	s23 =	sand.u32 $0xFFFFF80, s23;
	s22 =	sadd.s32 s13, s22;
	s26 =	simm.s32 $0x7400  }
0x8d: {  	[tilespmem:s26], [sflag:$0x1] =	stream.strided.gather [hbm4b:s22+s12], $0x800, s11, s12, $0x38;
	[tilespmem:$0x10600] =	vst v63  }
0x8e: {  	s23 =	sadd.s32 s15, s23;
	s26 =	simm.s32 $0xF400  }
0x8f: {  	[tilespmem:s26], [sflag:$0x1] =	stream.strided.gather [hbm4b:s23+s12], $0x800, s11, s12, $0x38;
	[tilespmem:$0x10600] =	vst v63  }
0x90: {  	s26 =	rddreg [dreg:$0x15]  }
0x91: {  	s24 =	sand.u32 $0xFFFFF80, s26  }
0x92: {  	s25 =	sand.u32 $0xFFFFF80, s25;
	s26 =	simm.s32 $0x7C00;
	s24 =	sadd.s32 s13, s24  }
0x93: {  	[tilespmem:s26], [sflag:$0x1] =	stream.strided.gather [hbm4b:s24+s12], $0x800, s11, s12, $0x38;
	[tilespmem:$0x10600] =	vst v63  }
0x94: {  	s25 =	sadd.s32 s15, s25;
	s15 =	simm.s32 $0xFC00  }
0x95: {  	[tilespmem:s15], [sflag:$0x1] =	stream.strided.gather [hbm4b:s25+s12], $0x800, s11, s12, $0x38;
	[tilespmem:$0x10600] =	vst v63  }
0x96: {  	_ =	swait.ge [sflag:s18], $0x800  }
0x97: {  	[sflag:s18] =	ssyncset.done $0x0  }
0x98: {  	[sflag:s18] =	ssyncadd.s32 $0xFFFFF800  }
0x99: {  	_ =	swait.ge [sflag:s18], $0x800  }
0x9a: {  	[sflag:s18] =	ssyncset.done $0x0  }
0x9b: {  	[sflag:s18] =	ssyncadd.s32 $0xFFFFF800  }
0x9c: {  	_ =	swait.ge [sflag:s18], $0x800  }
0x9d: {  	[sflag:s18] =	ssyncset.done $0x0  }
0x9e: {  	[sflag:s18] =	ssyncadd.s32 $0xFFFFF800  }
0x9f: {  	_ =	swait.ge [sflag:s18], $0x800  }
0xa0: {  	[sflag:s18] =	ssyncset.done $0x0  }
0xa1: {  	[sflag:s18] =	ssyncadd.s32 $0xFFFFF800  }
0xa2: {  	_ =	swait.ge [sflag:s18], $0x800  }
0xa3: {  	[sflag:s18] =	ssyncset.done $0x0  }
0xa4: {  	[sflag:s18] =	ssyncadd.s32 $0xFFFFF800  }
0xa5: {  	_ =	swait.ge [sflag:s18], $0x800  }
0xa6: {  	[sflag:s18] =	ssyncset.done $0x0  }
0xa7: {  	[sflag:s18] =	ssyncadd.s32 $0xFFFFF800  }
0xa8: {  	_ =	swait.ge [sflag:s18], $0x800  }
0xa9: {  	[sflag:s18] =	ssyncset.done $0x0  }
0xaa: {  	[sflag:s18] =	ssyncadd.s32 $0xFFFFF800  }
0xab: {  	_ =	swait.ge [sflag:s18], $0x800  }
0xac: {  	[sflag:s18] =	ssyncset.done $0x0  }
0xad: {  	[sflag:s18] =	ssyncadd.s32 $0xFFFFF800  }
0xae: {  	_ =	swait.ge [sflag:s18], $0x800  }
0xaf: {  	[sflag:s18] =	ssyncset.done $0x0  }
0xb0: {  	[sflag:s18] =	ssyncadd.s32 $0xFFFFF800  }
0xb1: {  	_ =	swait.ge [sflag:s18], $0x800  }
0xb2: {  	[sflag:s18] =	ssyncset.done $0x0  }
0xb3: {  	[sflag:s18] =	ssyncadd.s32 $0xFFFFF800  }
0xb4: {  	_ =	swait.ge [sflag:s18], $0x800  }
0xb5: {  	[sflag:s18] =	ssyncset.done $0x0  }
0xb6: {  	[sflag:s18] =	ssyncadd.s32 $0xFFFFF800  }
0xb7: {  	_ =	swait.ge [sflag:s18], $0x800  }
0xb8: {  	[sflag:s18] =	ssyncset.done $0x0  }
0xb9: {  	[sflag:s18] =	ssyncadd.s32 $0xFFFFF800  }
0xba: {  	_ =	swait.ge [sflag:s18], $0x800  }
0xbb: {  	[sflag:s18] =	ssyncset.done $0x0  }
0xbc: {  	[sflag:s18] =	ssyncadd.s32 $0xFFFFF800  }
0xbd: {  	_ =	swait.ge [sflag:s18], $0x800  }
0xbe: {  	[sflag:s18] =	ssyncset.done $0x0  }
0xbf: {  	[sflag:s18] =	ssyncadd.s32 $0xFFFFF800  }
0xc0: {  	_ =	swait.ge [sflag:s18], $0x800  }
0xc1: {  	[sflag:s18] =	ssyncset.done $0x0  }
0xc2: {  	[sflag:s18] =	ssyncadd.s32 $0xFFFFF800  }
0xc3: {  	_ =	swait.ge [sflag:s18], $0x800  }
0xc4: {  	[sflag:s18] =	ssyncset.done $0x0  }
0xc5: {  	[sflag:s18] =	ssyncadd.s32 $0xFFFFF800  }
0xc6: {  	_ =	swait.ge [sflag:s18], $0x800  }
0xc7: {  	[sflag:s18] =	ssyncset.done $0x0  }
0xc8: {  	[sflag:s18] =	ssyncadd.s32 $0xFFFFF800  }
0xc9: {  	_ =	swait.ge [sflag:s18], $0x800  }
0xca: {  	[sflag:s18] =	ssyncset.done $0x0  }
0xcb: {  	[sflag:s18] =	ssyncadd.s32 $0xFFFFF800  }
0xcc: {  	_ =	swait.ge [sflag:s18], $0x800  }
0xcd: {  	[sflag:s18] =	ssyncset.done $0x0  }
0xce: {  	[sflag:s18] =	ssyncadd.s32 $0xFFFFF800  }
0xcf: {  	_ =	swait.ge [sflag:s18], $0x800  }
0xd0: {  	[sflag:s18] =	ssyncset.done $0x0  }
0xd1: {  	[sflag:s18] =	ssyncadd.s32 $0xFFFFF800  }
0xd2: {  	_ =	swait.ge [sflag:s18], $0x800  }
0xd3: {  	[sflag:s18] =	ssyncset.done $0x0  }
0xd4: {  	[sflag:s18] =	ssyncadd.s32 $0xFFFFF800  }
0xd5: {  	_ =	swait.ge [sflag:s18], $0x800  }
0xd6: {  	[sflag:s18] =	ssyncset.done $0x0  }
0xd7: {  	[sflag:s18] =	ssyncadd.s32 $0xFFFFF800  }
0xd8: {  	_ =	swait.ge [sflag:s18], $0x800  }
0xd9: {  	[sflag:s18] =	ssyncset.done $0x0  }
0xda: {  	[sflag:s18] =	ssyncadd.s32 $0xFFFFF800  }
0xdb: {  	_ =	swait.ge [sflag:s18], $0x800  }
0xdc: {  	[sflag:s18] =	ssyncset.done $0x0  }
0xdd: {  	[sflag:s18] =	ssyncadd.s32 $0xFFFFF800  }
0xde: {  	_ =	swait.ge [sflag:s18], $0x800  }
0xdf: {  	[sflag:s18] =	ssyncset.done $0x0  }
0xe0: {  	[sflag:s18] =	ssyncadd.s32 $0xFFFFF800  }
0xe1: {  	_ =	swait.ge [sflag:s18], $0x800  }
0xe2: {  	[sflag:s18] =	ssyncset.done $0x0  }
0xe3: {  	[sflag:s18] =	ssyncadd.s32 $0xFFFFF800  }
0xe4: {  	_ =	swait.ge [sflag:s18], $0x800  }
0xe5: {  	[sflag:s18] =	ssyncset.done $0x0  }
0xe6: {  	[sflag:s18] =	ssyncadd.s32 $0xFFFFF800  }
0xe7: {  	_ =	swait.ge [sflag:s18], $0x800  }
0xe8: {  	[sflag:s18] =	ssyncset.done $0x0  }
0xe9: {  	[sflag:s18] =	ssyncadd.s32 $0xFFFFF800  }
0xea: {  	_ =	swait.ge [sflag:s18], $0x800  }
0xeb: {  	[sflag:s18] =	ssyncset.done $0x0  }
0xec: {  	[sflag:s18] =	ssyncadd.s32 $0xFFFFF800  }
0xed: {  	_ =	swait.ge [sflag:s18], $0x800  }
0xee: {  	[sflag:s18] =	ssyncset.done $0x0  }
0xef: {  	[sflag:s18] =	ssyncadd.s32 $0xFFFFF800  }
0xf0: {  	v0 =	vand.u32 $0x7F, v16;
	_ =	swait.ge [sflag:s18], $0x800  }
0xf1: {  	v14 =	vand.u32 $0x7F, v17;
	v16 =	vor.u32 v4, v0;
	[sflag:s18] =	ssyncset.done $0x0  }
0xf2: {  	v32 =	vor.u32 v4, v14;
	[sflag:s18] =	ssyncadd.s32 $0xFFFFF800  }
0xf3: {  	v17 =	vor.u32 v5, v0;
	_ =	swait.ge [sflag:s18], $0x800  }
0xf4: {  	v33 =	vor.u32 v5, v14;
	[sflag:s18] =	ssyncset.done $0x0  }
0xf5: {  	v18 =	vor.u32 v6, v0;
	[sflag:s18] =	ssyncadd.s32 $0xFFFFF800  }
0xf6: {  	v19 =	vor.u32 v7, v0;
	v53 =	vld.idx.msk [tilespmem:v16+s12+$0x0], $0xffff  }
0xf7: {  	v20 =	vor.u32 v8, v0;
	v2 =	vld.idx.msk [tilespmem:v32+s9+$0x0], $0xffff  }
0xf8: {  	v21 =	vor.u32 v9, v0;
	v1 =	vld.idx.msk [tilespmem:v17+s12+$0x0], $0xffff  }
0xf9: {  	v37 =	vor.u32 v9, v14;
	v15 =	vld.idx.msk [tilespmem:v33+s9+$0x0], $0xffff  }
0xfa: {  	v22 =	vor.u32 v10, v0;
	v3 =	vld.idx.msk [tilespmem:v18+s12+$0x0], $0xffff  }
0xfb: {  	v38 =	vor.u32 v10, v14;
	v4 =	vld.idx.msk [tilespmem:v19+s12+$0x0], $0xffff  }
0xfc: {  	v23 =	vor.u32 v11, v0;
	v5 =	vld.idx.msk [tilespmem:v20+s12+$0x0], $0xffff  }
0xfd: {  	v24 =	vor.u32 v12, v0;
	v25 =	vor.u32 v13, v0;
	v39 =	vor.u32 v11, v14;
	v55 =	vld.idx.msk [tilespmem:v21+s12+$0x0], $0xffff  }
0xfe: {  	v26 =	vor.u32 v27, v0;
	v35 =	vor.u32 v7, v14;
	v34 =	vor.u32 v6, v14;
	v6 =	vld.idx.msk [tilespmem:v37+s9+$0x0], $0xffff  }
0xff: {  	v40 =	vor.u32 v12, v14;
	v42 =	vor.u32 v27, v14;
	v27 =	vor.u32 v28, v0;
	v56 =	vld.idx.msk [tilespmem:v22+s12+$0x0], $0xffff  }
0x100: {  	v43 =	vor.u32 v28, v14;
	v28 =	vor.u32 v29, v0;
	v44 =	vor.u32 v29, v14;
	v7 =	vld.idx.msk [tilespmem:v38+s9+$0x0], $0xffff  }
0x101: {  	v29 =	vor.u32 v30, v0;
	v45 =	vor.u32 v30, v14;
	v30 =	vor.u32 v31, v0;
	v57 =	vld.idx.msk [tilespmem:v23+s12+$0x0], $0xffff  }
0x102: {  	v41 =	vor.u32 v13, v14;
	v48 =	vld.idx.msk [tilespmem:v39+s9+$0x0], $0xffff  }
0x103: {  	v58 =	vld.idx.msk [tilespmem:v24+s12+$0x0], $0xffff  }
0x104: {  	v49 =	vld.idx.msk [tilespmem:v40+s9+$0x0], $0xffff  }
0x105: {  	v59 =	vld.idx.msk [tilespmem:v25+s12+$0x0], $0xffff  }
0x106: {  	v46 =	vor.u32 v31, v14;
	v54 =	vld.idx.msk [tilespmem:v30+s12+$0x0], $0xffff  }
0x107: {  	v50 =	vld.idx.msk [tilespmem:v41+s9+$0x0], $0xffff  }
0x108: {  	v60 =	vld.idx.msk [tilespmem:v26+s12+$0x0], $0xffff  }
0x109: {  	v51 =	vld.idx.msk [tilespmem:v42+s9+$0x0], $0xffff  }
0x10a: {  	v61 =	vld.idx.msk [tilespmem:v27+s12+$0x0], $0xffff  }
0x10b: {  	v31 =	vor.u32 v47, v0;
	[tilespmem:$0x1FF30] =	vst v54;
	v54 =	vld.idx.msk [tilespmem:v46+s9+$0x0], $0xffff  }
0x10c: {  	v52 =	vld.idx.msk [tilespmem:v43+s9+$0x0], $0xffff  }
0x10d: {  	v62 =	vld.idx.msk [tilespmem:v28+s12+$0x0], $0xffff  }
0x10e: {  	v36 =	vor.u32 v8, v14;
	v63 =	vld.idx.msk [tilespmem:v29+s12+$0x0], $0xffff  }
0x10f: {  	v0 =	vld.idx.msk [tilespmem:v45+s9+$0x0], $0xffff  }
0x110: {  	v14 =	vor.u32 v47, v14;
	[tilespmem:$0x1FF40] =	vst v54;
	v54 =	vld.idx.msk [tilespmem:v31+s12+$0x0], $0xffff  }
0x111: {  	[tilespmem:$0x1FF00] =	vst v3;
	v3 =	vld.idx.msk [tilespmem:v34+s9+$0x0], $0xffff  }
0x112: {  	[tilespmem:$0x1FF10] =	vst v4;
	v4 =	vld.idx.msk [tilespmem:v35+s9+$0x0], $0xffff  }
0x113: {  	s26 =	rddreg [dreg:$0xd];
	[tilespmem:$0x1FF20] =	vst v5;
	v5 =	vld.idx.msk [tilespmem:v36+s9+$0x0], $0xffff  }
0x114: {  	s15 =	sadd.s32 $0x1E8500, s26;
	s26 =	rddreg [dreg:$0xe];
	[tilespmem:$0x1FEF0] =	vst v53;
	v53 =	vld.idx.msk [tilespmem:v44+s9+$0x0], $0xffff  }
0x115: {  	[tilespmem:$0x1FF50] =	vst v54;
	v54 =	vld.idx.msk [tilespmem:v14+s9+$0x0], $0xffff;
	[tilespmem:s12], [sflag:$0x1] =	stream.strided.gather [hbm4b:s15+s12], $0x800, s11, s12, $0x38  }
0x116: {  	s15 =	sadd.s32 $0x1E8500, s26;
	s26 =	rddreg [dreg:$0xf]  }
0x117: {  	[tilespmem:s9], [sflag:$0x1] =	stream.strided.gather [hbm4b:s15+s12], $0x800, s11, s12, $0x38;
	[tilespmem:$0x10600] =	vst v63  }
0x118: {  	s26 =	sadd.s32 $0x1E8500, s26;
	s15 =	simm.s32 $0xC00  }
0x119: {  	[tilespmem:s15], [sflag:$0x1] =	stream.strided.gather [hbm4b:s26+s12], $0x800, s11, s12, $0x38;
	[tilespmem:$0x10600] =	vst v63  }
0x11a: {  	s26 =	rddreg [dreg:$0x10]  }
0x11b: {  	s15 =	simm.s32 $0x8C00;
	s26 =	sadd.s32 $0x1E8500, s26  }
0x11c: {  	[tilespmem:s15], [sflag:$0x1] =	stream.strided.gather [hbm4b:s26+s12], $0x800, s11, s12, $0x38;
	[tilespmem:$0x10600] =	vst v63  }
0x11d: {  	s26 =	rddreg [dreg:$0x11]  }
0x11e: {  	s15 =	simm.s32 $0x1400;
	s26 =	sadd.s32 $0x1E8500, s26  }
0x11f: {  	[tilespmem:s15], [sflag:$0x1] =	stream.strided.gather [hbm4b:s26+s12], $0x800, s11, s12, $0x38;
	[tilespmem:$0x10600] =	vst v63  }
0x120: {  	s26 =	rddreg [dreg:$0x12]  }
0x121: {  	s15 =	simm.s32 $0x9400;
	s26 =	sadd.s32 $0x1E8500, s26  }
0x122: {  	[tilespmem:s15], [sflag:$0x1] =	stream.strided.gather [hbm4b:s26+s12], $0x800, s11, s12, $0x38;
	[tilespmem:$0x10600] =	vst v63  }
0x123: {  	s26 =	rddreg [dreg:$0x13]  }
0x124: {  	s15 =	simm.s32 $0x1C00;
	s26 =	sadd.s32 $0x1E8500, s26  }
0x125: {  	[tilespmem:s15], [sflag:$0x1] =	stream.strided.gather [hbm4b:s26+s12], $0x800, s11, s12, $0x38;
	[tilespmem:$0x10600] =	vst v63  }
0x126: {  	s26 =	sadd.s32 $0x1E8500, s29;
	s15 =	simm.s32 $0x9C00  }
0x127: {  	[tilespmem:s15], [sflag:$0x1] =	stream.strided.gather [hbm4b:s26+s12], $0x800, s11, s12, $0x38;
	[tilespmem:$0x10600] =	vst v63  }
0x128: {  	s26 =	rddreg [dreg:$0x14]  }
0x129: {  	s29 =	simm.s32 $0x2400;
	s15 =	sadd.s32 $0x1E8500, s26  }
0x12a: {  	[tilespmem:s29], [sflag:$0x1] =	stream.strided.gather [hbm4b:s15+s12], $0x800, s11, s12, $0x38;
	[tilespmem:$0x10600] =	vst v63  }
0x12b: {  	s15 =	sadd.s32 $0x1E8500, s31;
	s31 =	simm.s32 $0xA400  }
0x12c: {  	[tilespmem:s31], [sflag:$0x1] =	stream.strided.gather [hbm4b:s15+s12], $0x800, s11, s12, $0x38;
	[tilespmem:$0x10600] =	vst v63  }
0x12d: {  	s21 =	sadd.s32 $0x1E8500, s21;
	s15 =	simm.s32 $0x2C00  }
0x12e: {  	[tilespmem:s15], [sflag:$0x1] =	stream.strided.gather [hbm4b:s21+s12], $0x800, s11, s12, $0x38;
	[tilespmem:$0x10600] =	vst v63  }
0x12f: {  	s3 =	sadd.s32 $0x1E8500, s3;
	s26 =	simm.s32 $0xAC00  }
0x130: {  	[tilespmem:s26], [sflag:$0x1] =	stream.strided.gather [hbm4b:s3+s12], $0x800, s11, s12, $0x38;
	[tilespmem:$0x10600] =	vst v63  }
0x131: {  	s29 =	sadd.s32 $0x1E8500, s10;
	s31 =	simm.s32 $0x3400  }
0x132: {  	[tilespmem:s31], [sflag:$0x1] =	stream.strided.gather [hbm4b:s29+s12], $0x800, s11, s12, $0x38;
	[tilespmem:$0x10600] =	vst v63  }
0x133: {  	s5 =	sadd.s32 $0x1E8500, s5;
	s10 =	simm.s32 $0xB400  }
0x134: {  	[tilespmem:s10], [sflag:$0x1] =	stream.strided.gather [hbm4b:s5+s12], $0x800, s11, s12, $0x38;
	[tilespmem:$0x10600] =	vst v63  }
0x135: {  	s15 =	simm.s32 $0x3C00;
	s21 =	sadd.s32 $0x1E8500, s30  }
0x136: {  	[tilespmem:s15], [sflag:$0x1] =	stream.strided.gather [hbm4b:s21+s12], $0x800, s11, s12, $0x38;
	[tilespmem:$0x10600] =	vst v63  }
0x137: {  	s26 =	simm.s32 $0xBC00;
	s29 =	sadd.s32 $0x1E8500, s7  }
0x138: {  	[tilespmem:s26], [sflag:$0x1] =	stream.strided.gather [hbm4b:s29+s12], $0x800, s11, s12, $0x38;
	[tilespmem:$0x10600] =	vst v63  }
0x139: {  	s30 =	simm.s32 $0x4400;
	s31 =	sadd.s32 $0x1E8500, s8  }
0x13a: {  	[tilespmem:s30], [sflag:$0x1] =	stream.strided.gather [hbm4b:s31+s12], $0x800, s11, s12, $0x38;
	[tilespmem:$0x10600] =	vst v63  }
0x13b: {  	s4 =	sadd.s32 $0x1E8500, s4;
	s5 =	simm.s32 $0xC400  }
0x13c: {  	[tilespmem:s5], [sflag:$0x1] =	stream.strided.gather [hbm4b:s4+s12], $0x800, s11, s12, $0x38;
	[tilespmem:$0x10600] =	vst v63  }
0x13d: {  	s7 =	simm.s32 $0x4C00;
	s8 =	sadd.s32 $0x1E8500, s6  }
0x13e: {  	[tilespmem:s7], [sflag:$0x1] =	stream.strided.gather [hbm4b:s8+s12], $0x800, s11, s12, $0x38;
	[tilespmem:$0x10600] =	vst v63  }
0x13f: {  	s10 =	simm.s32 $0xCC00;
	s15 =	sadd.s32 $0x1E8500, s14  }
0x140: {  	[tilespmem:s10], [sflag:$0x1] =	stream.strided.gather [hbm4b:s15+s12], $0x800, s11, s12, $0x38;
	[tilespmem:$0x10600] =	vst v63  }
0x141: {  	s21 =	simm.s32 $0x5400;
	s26 =	sadd.s32 $0x1E8500, s28  }
0x142: {  	[tilespmem:s21], [sflag:$0x1] =	stream.strided.gather [hbm4b:s26+s12], $0x800, s11, s12, $0x38;
	[tilespmem:$0x10600] =	vst v63  }
0x143: {  	s28 =	simm.s32 $0xD400;
	s29 =	sadd.s32 $0x1E8500, s16  }
0x144: {  	[tilespmem:s28], [sflag:$0x1] =	stream.strided.gather [hbm4b:s29+s12], $0x800, s11, s12, $0x38;
	[tilespmem:$0x10600] =	vst v63  }
0x145: {  	s30 =	sadd.s32 $0x1E8500, s17;
	s31 =	simm.s32 $0x5C00  }
0x146: {  	[tilespmem:s31], [sflag:$0x1] =	stream.strided.gather [hbm4b:s30+s12], $0x800, s11, s12, $0x38;
	[tilespmem:$0x10600] =	vst v63  }
0x147: {  	s1 =	sadd.s32 $0x1E8500, s1;
	s4 =	simm.s32 $0xDC00  }
0x148: {  	[tilespmem:s4], [sflag:$0x1] =	stream.strided.gather [hbm4b:s1+s12], $0x800, s11, s12, $0x38;
	[tilespmem:$0x10600] =	vst v63  }
0x149: {  	s6 =	sadd.s32 $0x1E8500, s20;
	s5 =	simm.s32 $0x6400  }
0x14a: {  	[tilespmem:s5], [sflag:$0x1] =	stream.strided.gather [hbm4b:s6+s12], $0x800, s11, s12, $0x38;
	[tilespmem:$0x10600] =	vst v63  }
0x14b: {  	s7 =	simm.s32 $0xE400;
	s8 =	sadd.s32 $0x1E8500, s2  }
0x14c: {  	[tilespmem:s7], [sflag:$0x1] =	stream.strided.gather [hbm4b:s8+s12], $0x800, s11, s12, $0x38;
	[tilespmem:$0x10600] =	vst v63  }
0x14d: {  	s0 =	sadd.s32 $0x1E8500, s0;
	s15 =	simm.s32 $0x6C00  }
0x14e: {  	[tilespmem:s15], [sflag:$0x1] =	stream.strided.gather [hbm4b:s0+s12], $0x800, s11, s12, $0x38;
	[tilespmem:$0x10600] =	vst v63  }
0x14f: {  	s14 =	simm.s32 $0xEC00;
	s16 =	sadd.s32 $0x1E8500, s19  }
0x150: {  	[tilespmem:s14], [sflag:$0x1] =	stream.strided.gather [hbm4b:s16+s12], $0x800, s11, s12, $0x38;
	[tilespmem:$0x10600] =	vst v63  }
0x151: {  	s17 =	sadd.s32 $0x1E8500, s22;
	s10 =	simm.s32 $0x7400  }
0x152: {  	[tilespmem:s10], [sflag:$0x1] =	stream.strided.gather [hbm4b:s17+s12], $0x800, s11, s12, $0x38;
	[tilespmem:$0x10600] =	vst v63  }
0x153: {  	s22 =	simm.s32 $0xF400;
	s26 =	sadd.s32 $0x1E8500, s23  }
0x154: {  	[tilespmem:s22], [sflag:$0x1] =	stream.strided.gather [hbm4b:s26+s12], $0x800, s11, s12, $0x38;
	[tilespmem:$0x10600] =	vst v63  }
0x155: {  	s21 =	simm.s32 $0x7C00;
	s29 =	sadd.s32 $0x1E8500, s24  }
0x156: {  	[tilespmem:s21], [sflag:$0x1] =	stream.strided.gather [hbm4b:s29+s12], $0x800, s11, s12, $0x38;
	[tilespmem:$0x10600] =	vst v63  }
0x157: {  	[tilespmem:$0x1FF60] =	vst v54;
	s20 =	simm.s32 $0xFC00;
	s30 =	sadd.s32 $0x1E8500, s25  }
0x158: {  	[tilespmem:s20], [sflag:$0x1] =	stream.strided.gather [hbm4b:s30+s12], $0x800, s11, s12, $0x38;
	[tilespmem:$0x10600] =	vst v63  }
0x159: {  	s28 =	rddreg [dreg:$0xb];
	_ =	swait.ge [sflag:s18], $0x800  }
0x15a: {  	[sflag:s18] =	ssyncset.done $0x0  }
0x15b: {  	[sflag:s18] =	ssyncadd.s32 $0xFFFFF800  }
0x15c: {  	_ =	swait.ge [sflag:s18], $0x800  }
0x15d: {  	[sflag:s18] =	ssyncset.done $0x0  }
0x15e: {  	[sflag:s18] =	ssyncadd.s32 $0xFFFFF800  }
0x15f: {  	_ =	swait.ge [sflag:s18], $0x800  }
0x160: {  	[sflag:s18] =	ssyncset.done $0x0  }
0x161: {  	[sflag:s18] =	ssyncadd.s32 $0xFFFFF800  }
0x162: {  	_ =	swait.ge [sflag:s18], $0x800  }
0x163: {  	[sflag:s18] =	ssyncset.done $0x0  }
0x164: {  	[sflag:s18] =	ssyncadd.s32 $0xFFFFF800  }
0x165: {  	_ =	swait.ge [sflag:s18], $0x800  }
0x166: {  	[sflag:s18] =	ssyncset.done $0x0  }
0x167: {  	[sflag:s18] =	ssyncadd.s32 $0xFFFFF800  }
0x168: {  	_ =	swait.ge [sflag:s18], $0x800  }
0x169: {  	[sflag:s18] =	ssyncset.done $0x0  }
0x16a: {  	[sflag:s18] =	ssyncadd.s32 $0xFFFFF800  }
0x16b: {  	_ =	swait.ge [sflag:s18], $0x800  }
0x16c: {  	[sflag:s18] =	ssyncset.done $0x0  }
0x16d: {  	[sflag:s18] =	ssyncadd.s32 $0xFFFFF800  }
0x16e: {  	_ =	swait.ge [sflag:s18], $0x800  }
0x16f: {  	[sflag:s18] =	ssyncset.done $0x0  }
0x170: {  	[sflag:s18] =	ssyncadd.s32 $0xFFFFF800  }
0x171: {  	_ =	swait.ge [sflag:s18], $0x800  }
0x172: {  	[sflag:s18] =	ssyncset.done $0x0  }
0x173: {  	[sflag:s18] =	ssyncadd.s32 $0xFFFFF800  }
0x174: {  	_ =	swait.ge [sflag:s18], $0x800  }
0x175: {  	[sflag:s18] =	ssyncset.done $0x0  }
0x176: {  	[sflag:s18] =	ssyncadd.s32 $0xFFFFF800  }
0x177: {  	_ =	swait.ge [sflag:s18], $0x800  }
0x178: {  	[sflag:s18] =	ssyncset.done $0x0  }
0x179: {  	[sflag:s18] =	ssyncadd.s32 $0xFFFFF800  }
0x17a: {  	_ =	swait.ge [sflag:s18], $0x800  }
0x17b: {  	[sflag:s18] =	ssyncset.done $0x0  }
0x17c: {  	[sflag:s18] =	ssyncadd.s32 $0xFFFFF800  }
0x17d: {  	_ =	swait.ge [sflag:s18], $0x800  }
0x17e: {  	[sflag:s18] =	ssyncset.done $0x0  }
0x17f: {  	[sflag:s18] =	ssyncadd.s32 $0xFFFFF800  }
0x180: {  	_ =	swait.ge [sflag:s18], $0x800  }
0x181: {  	[sflag:s18] =	ssyncset.done $0x0  }
0x182: {  	[sflag:s18] =	ssyncadd.s32 $0xFFFFF800  }
0x183: {  	_ =	swait.ge [sflag:s18], $0x800  }
0x184: {  	[sflag:s18] =	ssyncset.done $0x0  }
0x185: {  	[sflag:s18] =	ssyncadd.s32 $0xFFFFF800  }
0x186: {  	_ =	swait.ge [sflag:s18], $0x800  }
0x187: {  	[sflag:s18] =	ssyncset.done $0x0  }
0x188: {  	[sflag:s18] =	ssyncadd.s32 $0xFFFFF800  }
0x189: {  	_ =	swait.ge [sflag:s18], $0x800  }
0x18a: {  	[sflag:s18] =	ssyncset.done $0x0  }
0x18b: {  	[sflag:s18] =	ssyncadd.s32 $0xFFFFF800  }
0x18c: {  	_ =	swait.ge [sflag:s18], $0x800  }
0x18d: {  	[sflag:s18] =	ssyncset.done $0x0  }
0x18e: {  	[sflag:s18] =	ssyncadd.s32 $0xFFFFF800  }
0x18f: {  	_ =	swait.ge [sflag:s18], $0x800  }
0x190: {  	[sflag:s18] =	ssyncset.done $0x0  }
0x191: {  	[sflag:s18] =	ssyncadd.s32 $0xFFFFF800  }
0x192: {  	_ =	swait.ge [sflag:s18], $0x800  }
0x193: {  	[sflag:s18] =	ssyncset.done $0x0  }
0x194: {  	[sflag:s18] =	ssyncadd.s32 $0xFFFFF800  }
0x195: {  	_ =	swait.ge [sflag:s18], $0x800  }
0x196: {  	[sflag:s18] =	ssyncset.done $0x0  }
0x197: {  	[sflag:s18] =	ssyncadd.s32 $0xFFFFF800  }
0x198: {  	_ =	swait.ge [sflag:s18], $0x800  }
0x199: {  	[sflag:s18] =	ssyncset.done $0x0  }
0x19a: {  	[sflag:s18] =	ssyncadd.s32 $0xFFFFF800  }
0x19b: {  	_ =	swait.ge [sflag:s18], $0x800  }
0x19c: {  	[sflag:s18] =	ssyncset.done $0x0  }
0x19d: {  	[sflag:s18] =	ssyncadd.s32 $0xFFFFF800  }
0x19e: {  	_ =	swait.ge [sflag:s18], $0x800  }
0x19f: {  	v54 =	vld [tilespmem:$0x1FEF0];
	_ =	sdelay $0x1  }
0x1a0: {  	[sflag:s18] =	ssyncset.done $0x0  }
0x1a1: {  	[sflag:s18] =	ssyncadd.s32 $0xFFFFF800  }
0x1a2: {  	_ =	swait.ge [sflag:s18], $0x800  }
0x1a3: {  	v2 =	vmul.f32 v2, v54;
	v54 =	vld [tilespmem:$0x1FF00];
	_ =	sdelay $0x1  }
0x1a4: {  	[sflag:s18] =	ssyncset.done $0x0  }
0x1a5: {  	v1 =	vmul.f32 v15, v1;
	[sflag:s18] =	ssyncadd.s32 $0xFFFFF800;
	v2 =	vadd.f32 $0.0e+00, v2  }
0x1a6: {  	_ =	swait.ge [sflag:s18], $0x800  }
0x1a7: {  	v1 =	vadd.f32 v1, v2;
	v2 =	vmul.f32 v3, v54;
	v54 =	vld [tilespmem:$0x1FF10];
	_ =	sdelay $0x3  }
0x1a8: {  	[sflag:s18] =	ssyncset.done $0x0  }
0x1a9: {  	[sflag:s18] =	ssyncadd.s32 $0xFFFFF800;
	v1 =	vadd.f32 v2, v1;
	v2 =	vmul.f32 v4, v54;
	v54 =	vld [tilespmem:$0x1FF20]  }
0x1aa: {  	_ =	swait.ge [sflag:s18], $0x800  }
0x1ab: {  	[sflag:s18] =	ssyncset.done $0x0  }
0x1ac: {  	[sflag:s18] =	ssyncadd.s32 $0xFFFFF800  }
0x1ad: {  	_ =	swait.ge [sflag:s18], $0x800  }
0x1ae: {  	v1 =	vadd.f32 v2, v1;
	[sflag:s18] =	ssyncset.done $0x0;
	v2 =	vmul.f32 v5, v54  }
0x1af: {  	[sflag:s18] =	ssyncadd.s32 $0xFFFFF800  }
0x1b0: {  	v54 =	vmul.f32 v6, v55;
	_ =	swait.ge [sflag:s18], $0x800;
	v1 =	vadd.f32 v2, v1  }
0x1b1: {  	[sflag:s18] =	ssyncset.done $0x0  }
0x1b2: {  	v55 =	vmul.f32 v7, v56;
	[sflag:s18] =	ssyncadd.s32 $0xFFFFF800;
	v1 =	vadd.f32 v54, v1  }
0x1b3: {  	_ =	swait.ge [sflag:s18], $0x800  }
0x1b4: {  	v56 =	vmul.f32 v48, v57;
	[sflag:s18] =	ssyncset.done $0x0;
	v1 =	vadd.f32 v55, v1  }
0x1b5: {  	[sflag:s18] =	ssyncadd.s32 $0xFFFFF800  }
0x1b6: {  	v57 =	vmul.f32 v49, v58;
	_ =	swait.ge [sflag:s18], $0x800;
	v1 =	vadd.f32 v56, v1  }
0x1b7: {  	[sflag:s18] =	ssyncset.done $0x0  }
0x1b8: {  	v58 =	vmul.f32 v50, v59;
	[sflag:s18] =	ssyncadd.s32 $0xFFFFF800;
	v1 =	vadd.f32 v57, v1  }
0x1b9: {  	v59 =	vmul.f32 v51, v60;
	v60 =	vmul.f32 v52, v61;
	_ =	swait.ge [sflag:s18], $0x800  }
0x1ba: {  	v61 =	vmul.f32 v53, v62;
	v62 =	vmul.f32 v0, v63;
	[sflag:s18] =	ssyncset.done $0x0;
	v63 =	vld [tilespmem:$0x1FF30];
	v1 =	vadd.f32 v58, v1  }
0x1bb: {  	v6 =	vld [tilespmem:$0x1FF60];
	[sflag:s18] =	ssyncadd.s32 $0xFFFFF800  }
0x1bc: {  	v3 =	vld.idx.msk [tilespmem:v16+s12+$0x0], $0xffff;
	v1 =	vadd.f32 v59, v1  }
0x1bd: {  	v16 =	vld [tilespmem:$0x1FF40]  }
0x1be: {  	v4 =	vld.idx.msk [tilespmem:v32+s9+$0x0], $0xffff;
	v1 =	vadd.f32 v60, v1  }
0x1bf: {  	v32 =	vld [tilespmem:$0x1FF50]  }
0x1c0: {  	v1 =	vadd.f32 v61, v1;
	_ =	sdelay $0x1  }
0x1c1: {  	v17 =	vld.idx.msk [tilespmem:v17+s12+$0x0], $0xffff;
	v0 =	vmul.f32 v16, v63;
	v1 =	vadd.f32 v62, v1  }
0x1c2: {  	v5 =	vld.idx.msk [tilespmem:v33+s9+$0x0], $0xffff  }
0x1c3: {  	v7 =	vld.idx.msk [tilespmem:v34+s9+$0x0], $0xffff;
	v0 =	vadd.f32 v0, v1;
	v1 =	vmul.f32 v6, v32  }
0x1c4: {  	v6 =	vld.idx.msk [tilespmem:v18+s12+$0x0], $0xffff  }
0x1c5: {  	v33 =	vmul.f32 v4, v3;
	v3 =	vld.idx.msk [tilespmem:v19+s12+$0x0], $0xffff;
	v0 =	vadd.f32 v1, v0  }
0x1c6: {  	v4 =	vld.idx.msk [tilespmem:v35+s9+$0x0], $0xffff  }
0x1c7: {  	v34 =	vmul.f32 v5, v17;
	v35 =	vld.idx.msk [tilespmem:v20+s12+$0x0], $0xffff;
	v0 =	vadd.f32 v33, v0  }
0x1c8: {  	v5 =	vld.idx.msk [tilespmem:v36+s9+$0x0], $0xffff  }
0x1c9: {  	v36 =	vmul.f32 v7, v6;
	v6 =	vld.idx.msk [tilespmem:v21+s12+$0x0], $0xffff;
	v0 =	vadd.f32 v34, v0  }
0x1ca: {  	v7 =	vld.idx.msk [tilespmem:v37+s9+$0x0], $0xffff  }
0x1cb: {  	v48 =	vmul.f32 v4, v3;
	v3 =	vld.idx.msk [tilespmem:v22+s12+$0x0], $0xffff;
	v0 =	vadd.f32 v36, v0  }
0x1cc: {  	v4 =	vld.idx.msk [tilespmem:v38+s9+$0x0], $0xffff  }
0x1cd: {  	v50 =	vld.idx.msk [tilespmem:v23+s12+$0x0], $0xffff;
	v49 =	vmul.f32 v5, v35;
	v0 =	vadd.f32 v48, v0  }
0x1ce: {  	v5 =	vld.idx.msk [tilespmem:v39+s9+$0x0], $0xffff  }
0x1cf: {  	v51 =	vmul.f32 v7, v6;
	v6 =	vld.idx.msk [tilespmem:v24+s12+$0x0], $0xffff;
	v0 =	vadd.f32 v49, v0  }
0x1d0: {  	v7 =	vld.idx.msk [tilespmem:v40+s9+$0x0], $0xffff  }
0x1d1: {  	v52 =	vmul.f32 v4, v3;
	v3 =	vld.idx.msk [tilespmem:v25+s12+$0x0], $0xffff;
	v0 =	vadd.f32 v51, v0  }
0x1d2: {  	v4 =	vld.idx.msk [tilespmem:v41+s9+$0x0], $0xffff  }
0x1d3: {  	v54 =	vld.idx.msk [tilespmem:v26+s12+$0x0], $0xffff;
	v53 =	vmul.f32 v5, v50;
	v0 =	vadd.f32 v52, v0  }
0x1d4: {  	v5 =	vld.idx.msk [tilespmem:v42+s9+$0x0], $0xffff  }
0x1d5: {  	v55 =	vmul.f32 v7, v6;
	v6 =	vld.idx.msk [tilespmem:v27+s12+$0x0], $0xffff;
	v0 =	vadd.f32 v53, v0  }
0x1d6: {  	v7 =	vld.idx.msk [tilespmem:v43+s9+$0x0], $0xffff  }
0x1d7: {  	v56 =	vmul.f32 v4, v3;
	v3 =	vld.idx.msk [tilespmem:v28+s12+$0x0], $0xffff;
	v0 =	vadd.f32 v55, v0  }
0x1d8: {  	v4 =	vld.idx.msk [tilespmem:v44+s9+$0x0], $0xffff  }
0x1d9: {  	v58 =	vld.idx.msk [tilespmem:v29+s12+$0x0], $0xffff;
	v57 =	vmul.f32 v5, v54;
	v0 =	vadd.f32 v56, v0  }
0x1da: {  	v5 =	vld.idx.msk [tilespmem:v45+s9+$0x0], $0xffff  }
0x1db: {  	v59 =	vmul.f32 v7, v6;
	v6 =	vld.idx.msk [tilespmem:v30+s12+$0x0], $0xffff;
	v0 =	vadd.f32 v57, v0  }
0x1dc: {  	v7 =	vld.idx.msk [tilespmem:v46+s9+$0x0], $0xffff  }
0x1dd: {  	v60 =	vmul.f32 v4, v3;
	v3 =	vld.idx.msk [tilespmem:v31+s12+$0x0], $0xffff;
	v0 =	vadd.f32 v59, v0  }
0x1de: {  	v4 =	vld.idx.msk [tilespmem:v14+s9+$0x0], $0xffff  }
0x1df: {  	v29 =	vld [tilespmem:$0x1FFD0];
	v61 =	vmul.f32 v5, v58;
	v0 =	vadd.f32 v60, v0  }
0x1e0: {  	v28 =	vld [tilespmem:$0x1FFC0]  }
0x1e1: {  	v27 =	vld [tilespmem:$0x1FFB0];
	v62 =	vmul.f32 v7, v6;
	v0 =	vadd.f32 v61, v0  }
0x1e2: {  	p0 =	sne.s32 s28, $0x7C0;
	v31 =	vld [tilespmem:$0x1FFF0]  }
.Ltmp0:
0x1e3: {  	v5 =	vld [tilespmem:$0x1FF80];
	v63 =	vmul.f32 v4, v3;
	v0 =	vadd.f32 v62, v0;
	(pc) =	sbr.rel @p0 .LBB2_2-.Ltmp0, $4  }
0x1e4: {  	v30 =	vld [tilespmem:$0x1FFE0]  }
0x1e5: {  	v4 =	vld [tilespmem:$0x1FF70];
	v0 =	vadd.f32 v63, v0  }
0x1e6: {  	s31 =	rddreg [dreg:$0xc];
	v7 =	vld [tilespmem:$0x1FFA0]  }
0x1e7: {  	s19 =	smov.u32 s13;
	s1 =	sadd.s32 $0x40, s28;
	v6 =	vld [tilespmem:$0x1FF90];
	[tilespmem:s31+$0x10400] =	vst v0  }
0x1e8: {  	s7 =	simm.s32 $0x0;
	s0 =	rddreg [dreg:$0x8];
	s1 =	simm.s32 $0x10400  }
0x1e9: {  	[hbm4b:s0+s7] =	stream.linear.scatter [tilespmem:s1], [sflag:$0x2], $0x200, $0x38;
	[tilespmem:$0x10600] =	vst v63  }
0x1ea: {  	s1 =	simm.s32 $0x2  }
0x1eb: {  	_ =	swait.ge [sflag:s1], $0x200  }
0x1ec: {  	s2 =	rddreg [dreg:$0xa]  }
0x1ed: {  	s31 =	rddreg [dreg:$0x9];
	s2 =	sadd.s32 $0x1, s2  }
0x1ee: {  	p0 =	sne.s32 s2, s31  }
.Ltmp1:
0x1ef: {  	_ = 	snop;
	(pc) =	sbr.rel @p0 .LBB2_1-.Ltmp1, $3  }
0x1f0: {  	_ =	sdelay $0x1  }
0x1f1: {  	[sflag:s1] =	ssyncset.done $0x0  }
0x1f2: {  	[sflag:s1] =	ssyncadd.s32 $0xFFFFFE00  }
0x1f3: {  	_ =	sfence.sel $0x180000  }
0x1f4: {  	[bflag:$0x0] =	sbarrier.arrive $0xFFFF  }
0x1f5: {  	_ =	strace $0x90000047  }
0x1f6: {  	s0 =	stileid.u32;
	[bflag:$0x2] =	sbarrier.arrive $0xFFFF  }
0x1f7: {  	p0 =	sne.s32 s0, $0x0;
	s0 =	rddreg [dreg:$0x5]  }
0x1f8: {  	s0 =	sadd.s32 @!p0 $0x100000, s0  }
0x1f9: {  	[sflag:s0] =	ssyncadd.tile.s32 @!p0 $0x1;
	_ =	shalt  }
.Lfunc_end2:
_tile_overlayer_lowered:
.L_overlay_start_2:
0x1fa: {  	(tag) =	ssettag $0x2  }
0x1fb: {  	s0 =	rddreg [dreg:$0x0];
	s2 =	stileid.u32  }
0x1fc: {  	s1 =	rddreg [dreg:$0x1];
	p0 =	sne.s32 s2, $0x0  }
0x1fd: {  	s3 =	rddreg [dreg:$0x2];
	[bflag:$0x3] =	sbarrier.arrive $0xFFFF;
	s2 =	simm.s32 @!p0 $0x1C02  }
0x1fe: {  	[timem:s3], [sflag:s2] =	dma.local @!p0 [hbm:s0], s1  }
0x1ff: {  	s0 =	simm.s32 @!p0 $0x2  }
0x200: {  	_ =	swait.ge @!p0 [sflag:s0], s1  }
0x201: {  	s1 =	ssub.s32 @!p0 $0x0, s1;
	[sflag:s0] =	ssyncset.done @!p0 $0x0  }
0x202: {  	[sflag:s0] =	ssyncadd.s32 @!p0 s1  }
0x203: {  	[bflag:$0x3] =	sbarrier.arrive $0xFFFF  }
0x204: {  	_ =	shalt  }

</sc_bundles>
